<compile_context>
chip_gen: v7x
topology: tpu7x:2x2x1
jax: 0.10.2.dev20260603
libtpu: 0.0.44.dev20260713+nightly
codegen_flags: <defaults>
</compile_context>

<pallas_src>
import jax
import jax.numpy as jnp
from jax import lax
from jax.experimental import pallas as pl
from jax.experimental.pallas import tpu as pltpu
from jax.experimental.pallas import tpu_sc as plsc

VOCAB = 1000000
EMBED_DIM = 32
BATCH = 4096
SEQ_LEN = 50
L_TOT = 3 * SEQ_LEN
BT = BATCH // 128
NJOBS = L_TOT * BT

NUM_CORES = 2
NUM_SUBCORES = 16
NUM_WORKERS = NUM_CORES * NUM_SUBCORES
JOBS_PER_W = NJOBS // NUM_WORKERS
IDX_PER_W = JOBS_PER_W * 128


def _body(idx_ref, table_ref, out_ref,
          idx_v, rows_a, rows_b, tb_a, tb_b,
          gsem_a, gsem_b, osem_a, osem_b):
    wid = lax.axis_index("s") * NUM_CORES + lax.axis_index("c")
    job0 = wid * JOBS_PER_W

    pltpu.sync_copy(idx_ref.at[pl.ds(job0 * 128, IDX_PER_W)], idx_v)

    iota_lo = lax.iota(jnp.int32, 16)
    iota_hi = iota_lo + 16

    def issue_gather(jloc, rows, sem):
        pltpu.async_copy(table_ref.at[idx_v.at[pl.ds(jloc * 128, 128)]],
                         rows, sem)

    def wait_gather(jloc, rows, sem):
        pltpu.make_async_copy(table_ref.at[idx_v.at[pl.ds(jloc * 128, 128)]],
                              rows, sem).wait()

    def transpose(rows, tb):
        for r in range(128):
            rv = jnp.full((16,), r, dtype=jnp.int32)
            plsc.store_scatter(tb, [iota_lo, rv], rows[r, 0:16])
            plsc.store_scatter(tb, [iota_hi, rv], rows[r, 16:32])

    def issue_out(jloc, tb, sem):
        job = job0 + jloc
        lt = (job // BT) * 128 + (job % BT)
        for a in range(4):
            pltpu.async_copy(tb.at[pl.ds(8 * a, 8), pl.ds(0, 128)],
                             out_ref.at[pl.ds((lt + 32 * a) * 8, 8)], sem)

    def wait_out(jloc, tb, sem):
        job = job0 + jloc
        lt = (job // BT) * 128 + (job % BT)
        for a in range(4):
            pltpu.make_async_copy(tb.at[pl.ds(8 * a, 8), pl.ds(0, 128)],
                                  out_ref.at[pl.ds((lt + 32 * a) * 8, 8)],
                                  sem).wait()

    issue_gather(0, rows_a, gsem_a)

    half = JOBS_PER_W // 2

    def step(i, _):
        ja = 2 * i
        jb = 2 * i + 1
        issue_gather(jb, rows_b, gsem_b)
        wait_gather(ja, rows_a, gsem_a)

        @pl.when(i >= 1)
        def _():
            wait_out(ja - 2, tb_a, osem_a)
        transpose(rows_a, tb_a)
        issue_out(ja, tb_a, osem_a)
        @pl.when(i <= half - 2)
        def _():
            issue_gather(jb + 1, rows_a, gsem_a)
        wait_gather(jb, rows_b, gsem_b)

        @pl.when(i >= 1)
        def _():
            wait_out(jb - 2, tb_b, osem_b)
        transpose(rows_b, tb_b)
        issue_out(jb, tb_b, osem_b)
        return 0

    lax.fori_loop(0, half, step, 0)
    wait_out(JOBS_PER_W - 2, tb_a, osem_a)
    wait_out(JOBS_PER_W - 1, tb_b, osem_b)


_NSUP = (VOCAB + 2047) // 2048
_VPAD = _NSUP * 2048


def _tc_linearize(table):
    def body(in_ref, out_ref):
        for q in range(32):
            out_ref[512 * (q // 4):512 * (q // 4 + 1), 32 * (q % 4):32 * (q % 4 + 1)] = in_ref[:, 512 * q:512 * (q + 1)].T

    y = pl.pallas_call(
        body,
        grid=((_VPAD + 16383) // 16384,),
        in_specs=[pl.BlockSpec((EMBED_DIM, 16384), lambda i: (0, i))],
        out_specs=pl.BlockSpec((4096, 128), lambda i: (i, 0)),
        out_shape=jax.ShapeDtypeStruct((_VPAD // 4, 128), jnp.float32),
    )(table.T)
    return y.reshape(_VPAD, EMBED_DIM)


@jax.jit
def kernel(c1_idx, c2_idx, c3_idx, table):
    v = jnp.concatenate(
        [c1_idx.T.astype(jnp.int32), c2_idx.T.astype(jnp.int32),
         c3_idx.T.astype(jnp.int32)], axis=0).reshape(NJOBS * 128)
    idx_flat = ((v >> 11) << 11) | ((v & 511) << 2) | ((v >> 9) & 3)

    mesh = plsc.VectorSubcoreMesh(
        core_axis_name="c", subcore_axis_name="s",
        num_cores=NUM_CORES, num_subcores=NUM_SUBCORES)
    out2 = pl.kernel(
        _body,
        out_type=jax.ShapeDtypeStruct((NJOBS * 32, 128), jnp.float32),
        mesh=mesh,
        scratch_types=[
            pltpu.VMEM((IDX_PER_W,), jnp.int32),
            pltpu.VMEM((128, EMBED_DIM), jnp.float32),
            pltpu.VMEM((128, EMBED_DIM), jnp.float32),
            pltpu.VMEM((EMBED_DIM, 129), jnp.float32),
            pltpu.VMEM((EMBED_DIM, 129), jnp.float32),
            pltpu.SemaphoreType.DMA,
            pltpu.SemaphoreType.DMA,
            pltpu.SemaphoreType.DMA,
            pltpu.SemaphoreType.DMA,
        ],
        compiler_params=pltpu.CompilerParams(use_tc_tiling_on_sc=False,
                                             needs_layout_passes=False),
    )(idx_flat, _tc_linearize(table))

    return (out2.reshape(L_TOT, 4, BT, 8, 128)
            .transpose(2, 4, 1, 3, 0)
            .reshape(BATCH, EMBED_DIM, L_TOT))

# --- scband reference (transcript-rebuilt; emitter-appended) ---
"""Pipeline reference for scband-relation-classifier-14980845929026 (READ-ONLY COPY).

The authoritative reference and input builder live on the scoring server;
editing this copy changes nothing except your own understanding.
"""

import jax, jax.numpy as jnp
import numpy as np

VOCAB = 1000000
EMBED_DIM = 32
BATCH = 4096
SEQ_LEN = 50


def setup_inputs(seed: int = 0) -> dict:
    key = jax.random.key(seed)
    k1, k2, k3, k4, k5 = jax.random.split(key, 5)
    c1_idx = jax.random.randint(k1, (BATCH, SEQ_LEN), 0, VOCAB, dtype=jnp.int64) if jax.config.jax_enable_x64 else jax.random.randint(k1, (BATCH, SEQ_LEN), 0, VOCAB)
    c2_idx = jax.random.randint(k2, (BATCH, SEQ_LEN), 0, VOCAB)
    c3_idx = jax.random.randint(k3, (BATCH, SEQ_LEN), 0, VOCAB)
    # learned params: GloVe-style embedding table + an 'unk' vector (unk is folded
    # into the table in this index-based formulation, but we keep it as a param
    # to mirror the original module; index VOCAB-1 plays the role of <unk>).
    table = jax.random.normal(k4, (VOCAB, EMBED_DIM), dtype=jnp.float32) * 0.02
    return {"c1_idx": c1_idx, "c2_idx": c2_idx, "c3_idx": c3_idx, "table": table}


def reference(c1_idx, c2_idx, c3_idx, table):
    # _assemble_vec_seq: vocab.get(word) -> gather rows of the embedding table.
    # pad_sequence(batch_first=True) -> already dense [B, L, D] since segments
    # are padded to a common length; .transpose(1, 2) -> [B, D, L].
    C1 = jnp.take(table, c1_idx, axis=0).transpose(0, 2, 1)
    C2 = jnp.take(table, c2_idx, axis=0).transpose(0, 2, 1)
    C3 = jnp.take(table, c3_idx, axis=0).transpose(0, 2, 1)
    # assemble S = [C1] + [C2] + [C3] along the sequence axis
    return jnp.concatenate([C1, C2, C3], axis=2)

if __name__ == "__main__":
    import jax
    _d = setup_inputs()
    print(jax.jit(kernel)(*tuple(_d.values())))

</pallas_src>

<mosaic_0001>
#map = affine_map<(d0, d1) -> (0)>
#map1 = affine_map<(d0, d1) -> (0, 0)>
module attributes {stable_mosaic.version = 14 : i64} {
  func.func @_body(%arg0: i32, %arg1: i32, %arg2: memref<614400xi32, #tpu.memory_space<hbm>>, %arg3: memref<1001472x32xf32, #tpu.memory_space<hbm>>, %arg4: memref<153600x128xf32, #tpu.memory_space<hbm>>, %arg5: memref<19200xi32, #tpu.memory_space<vmem>>, %arg6: memref<128x32xf32, #tpu.memory_space<vmem>>, %arg7: memref<128x32xf32, #tpu.memory_space<vmem>>, %arg8: memref<32x129xf32, #tpu.memory_space<vmem>>, %arg9: memref<32x129xf32, #tpu.memory_space<vmem>>, %arg10: memref<!tpu.dma_semaphore, #tpu.memory_space<semaphore_mem>>, %arg11: memref<!tpu.dma_semaphore, #tpu.memory_space<semaphore_mem>>, %arg12: memref<!tpu.dma_semaphore, #tpu.memory_space<semaphore_mem>>, %arg13: memref<!tpu.dma_semaphore, #tpu.memory_space<semaphore_mem>>) attributes {dimension_semantics = [#tpu.dimension_semantics<core_parallel>, #tpu.dimension_semantics<subcore_parallel>], iteration_bounds = array<i64: 2, 16>, scalar_prefetch = 0 : i64, scratch_operands = 9 : i64, tpu.core_type = #tpu.core_type<sc_vector_subcore>, window_params = [{transform_indices = #map}, {transform_indices = #map1}, {transform_indices = #map1}]} {
    %mul3A = arith.constant 2 : i32
    %mul3A_0 = arith.muli %arg1, %mul3A : i32
    %add3A = arith.addi %mul3A_0, %arg0 : i32
    %mul3A_1 = arith.constant 150 : i32
    %mul3A_2 = arith.muli %add3A, %mul3A_1 : i32
    %mul3A_3 = arith.constant 128 : i32
    %mul3A_4 = arith.muli %mul3A_2, %mul3A_3 : i32
    "tpu.region"() ({
      %run_scoped3A = tpu.sem_alloc : memref<!tpu.dma_semaphore, #tpu.memory_space<semaphore_mem>>
      %dma_start3A_209 = tpu.memref_slice %arg2[%mul3A_4] : memref<614400xi32, #tpu.memory_space<hbm>> -> memref<19200xi32, #tpu.memory_space<hbm>>
      %dma_start3A_210 = tpu.memref_slice %arg2[%mul3A_4] : memref<614400xi32, #tpu.memory_space<hbm>> -> memref<19200xi32, #tpu.memory_space<hbm>>
      tpu.enqueue_dma source(%dma_start3A_210 : memref<19200xi32, #tpu.memory_space<hbm>>) target(%arg5 : memref<19200xi32, #tpu.memory_space<vmem>>) target_semaphore(%run_scoped3A : memref<!tpu.dma_semaphore, #tpu.memory_space<semaphore_mem>>)
      %dma_wait3A_211 = tpu.memref_slice %arg2[%mul3A_4] : memref<614400xi32, #tpu.memory_space<hbm>> -> memref<19200xi32, #tpu.memory_space<hbm>>
      %dma_wait3A_212 = tpu.memref_slice %arg2[%mul3A_4] : memref<614400xi32, #tpu.memory_space<hbm>> -> memref<19200xi32, #tpu.memory_space<hbm>>
      tpu.wait_dma2 semaphore(%run_scoped3A : memref<!tpu.dma_semaphore, #tpu.memory_space<semaphore_mem>>) src(%dma_wait3A_212 : memref<19200xi32, #tpu.memory_space<hbm>>) dst(%arg5 : memref<19200xi32, #tpu.memory_space<vmem>>)
      tpu.yield
    }) : () -> ()
    %iota3A = tpu.iota {dimensions = array<i32: 0>} : vector<16xi32>
    %add3A_5 = arith.constant 16 : i32
    %add3A_6 = vector.broadcast %add3A_5 : i32 to vector<16xi32>
    %add3A_7 = arith.addi %iota3A, %add3A_6 : vector<16xi32>
    %dma_start3A = arith.constant 0 : i32
    %dma_start3A_8 = tpu.memref_slice %arg5[%dma_start3A] : memref<19200xi32, #tpu.memory_space<vmem>> -> memref<128xi32, #tpu.memory_space<vmem>>
    %dma_start3A_9 = arith.constant 0 : i32
    %dma_start3A_10 = arith.constant 0 : i32
    %dma_start3A_11 = tpu.memref_slice %arg3[%dma_start3A_9, %dma_start3A_10] : memref<1001472x32xf32, #tpu.memory_space<hbm>> -> memref<1001472x32xf32, #tpu.memory_space<hbm>>
    tpu.enqueue_indirect_dma source(%dma_start3A_11 : memref<1001472x32xf32, #tpu.memory_space<hbm>>) target(%arg6 : memref<128x32xf32, #tpu.memory_space<vmem>>) offsets(%dma_start3A_8 : memref<128xi32, #tpu.memory_space<vmem>>) semaphore(%arg10 : memref<!tpu.dma_semaphore, #tpu.memory_space<semaphore_mem>>)
    %scan3A = arith.constant 0 : i32
    %scan3A_12 = arith.constant 0 : i32
    %scan3A_13 = arith.constant 75 : i32
    %scan3A_14 = arith.addi %scan3A_12, %scan3A_13 : i32
    %scan3A_15 = arith.constant 1 : i32
    %scan3A_16 = scf.for %scan3A_209 = %scan3A_12 to %scan3A_14 step %scan3A_15 iter_args(%scan3A_210 = %scan3A) -> (i32)  : i32 {
      %mul3A_211 = arith.constant 2 : i32
      %mul3A_212 = arith.muli %mul3A_211, %scan3A_209 : i32
      %mul3A_213 = arith.constant 2 : i32
      %mul3A_214 = arith.muli %mul3A_213, %scan3A_209 : i32
      %add3A_215 = arith.constant 1 : i32
      %add3A_216 = arith.addi %mul3A_214, %add3A_215 : i32
      %mul3A_217 = arith.constant 128 : i32
      %mul3A_218 = arith.muli %add3A_216, %mul3A_217 : i32
      %dma_start3A_219 = tpu.memref_slice %arg5[%mul3A_218] : memref<19200xi32, #tpu.memory_space<vmem>> -> memref<128xi32, #tpu.memory_space<vmem>>
      %dma_start3A_220 = arith.constant 0 : i32
      %dma_start3A_221 = arith.constant 0 : i32
      %dma_start3A_222 = tpu.memref_slice %arg3[%dma_start3A_220, %dma_start3A_221] : memref<1001472x32xf32, #tpu.memory_space<hbm>> -> memref<1001472x32xf32, #tpu.memory_space<hbm>>
      tpu.enqueue_indirect_dma source(%dma_start3A_222 : memref<1001472x32xf32, #tpu.memory_space<hbm>>) target(%arg7 : memref<128x32xf32, #tpu.memory_space<vmem>>) offsets(%dma_start3A_219 : memref<128xi32, #tpu.memory_space<vmem>>) semaphore(%arg11 : memref<!tpu.dma_semaphore, #tpu.memory_space<semaphore_mem>>)
      %mul3A_223 = arith.constant 128 : i32
      %mul3A_224 = arith.muli %mul3A_212, %mul3A_223 : i32
      %dma_wait3A_225 = tpu.memref_slice %arg5[%mul3A_224] : memref<19200xi32, #tpu.memory_space<vmem>> -> memref<128xi32, #tpu.memory_space<vmem>>
      %dma_wait3A_226 = arith.constant 0 : i32
      %dma_wait3A_227 = arith.constant 0 : i32
      %dma_wait3A_228 = tpu.memref_slice %arg3[%dma_wait3A_226, %dma_wait3A_227] : memref<1001472x32xf32, #tpu.memory_space<hbm>> -> memref<1001472x32xf32, #tpu.memory_space<hbm>>
      tpu.wait_indirect_dma semaphore(%arg10 : memref<!tpu.dma_semaphore, #tpu.memory_space<semaphore_mem>>) src(%dma_wait3A_228 : memref<1001472x32xf32, #tpu.memory_space<hbm>>) dst(%arg6 : memref<128x32xf32, #tpu.memory_space<vmem>>)
      %ge3A = arith.constant 1 : i32
      %ge3A_229 = arith.cmpi sge, %scan3A_209, %ge3A : i32
      %convert_element_type3A = arith.extui %ge3A_229 : i1 to i32
      %cond3A = arith.constant 0 : i32
      %cond3A_230 = arith.cmpi ne, %convert_element_type3A, %cond3A : i32
      scf.if %cond3A_230 {
        %sub3A_3005 = arith.constant 2 : i32
        %sub3A_3006 = arith.subi %mul3A_212, %sub3A_3005 : i32
        %add3A_3007 = arith.addi %mul3A_2, %sub3A_3006 : i32
        %jit3A_3008 = arith.constant 32 : i32
        %div3A_3009 = arith.divsi %add3A_3007, %jit3A_3008 : i32
        %sign3A_3010 = arith.constant 0 : i32
        %sign3A_3011 = arith.cmpi sgt, %add3A_3007, %sign3A_3010 : i32
        %sign3A_3012 = arith.extui %sign3A_3011 : i1 to i32
        %sign3A_3013 = arith.constant 0 : i32
        %sign3A_3014 = arith.cmpi slt, %add3A_3007, %sign3A_3013 : i32
        %sign3A_3015 = arith.extui %sign3A_3014 : i1 to i32
        %sign3A_3016 = arith.subi %sign3A_3012, %sign3A_3015 : i32
        %sign3A_3017 = arith.constant 0 : i32
        %sign3A_3018 = arith.cmpi sgt, %jit3A_3008, %sign3A_3017 : i32
        %sign3A_3019 = arith.extui %sign3A_3018 : i1 to i32
        %sign3A_3020 = arith.constant 0 : i32
        %sign3A_3021 = arith.cmpi slt, %jit3A_3008, %sign3A_3020 : i32
        %sign3A_3022 = arith.extui %sign3A_3021 : i1 to i32
        %sign3A_3023 = arith.subi %sign3A_3019, %sign3A_3022 : i32
        %ne3A_3024 = arith.cmpi ne, %sign3A_3016, %sign3A_3023 : i32
        %rem3A_3025 = arith.remsi %add3A_3007, %jit3A_3008 : i32
        %ne3A_3026 = arith.constant 0 : i32
        %ne3A_3027 = arith.cmpi ne, %rem3A_3025, %ne3A_3026 : i32
        %and3A_3028 = arith.andi %ne3A_3024, %ne3A_3027 : i1
        %sub3A_3029 = arith.constant 1 : i32
        %sub3A_3030 = arith.subi %div3A_3009, %sub3A_3029 : i32
        %select_n3A_3031 = arith.select %and3A_3028, %sub3A_3030, %div3A_3009 : i32
        %mul3A_3032 = arith.constant 128 : i32
        %mul3A_3033 = arith.muli %select_n3A_3031, %mul3A_3032 : i32
        %jit3A_3034 = arith.constant 32 : i32
        %eq3A_3035 = arith.constant 0 : i32
        %eq3A_3036 = arith.cmpi eq, %jit3A_3034, %eq3A_3035 : i32
        %jit3A_3037 = arith.constant 1 : i32
        %select_n3A_3038 = arith.select %eq3A_3036, %jit3A_3037, %jit3A_3034 : i32
        %rem3A_3039 = arith.remsi %add3A_3007, %select_n3A_3038 : i32
        %ne3A_3040 = arith.constant 0 : i32
        %ne3A_3041 = arith.cmpi ne, %rem3A_3039, %ne3A_3040 : i32
        %lt3A_3042 = arith.constant 0 : i32
        %lt3A_3043 = arith.cmpi slt, %rem3A_3039, %lt3A_3042 : i32
        %lt3A_3044 = arith.constant 0 : i32
        %lt3A_3045 = arith.cmpi slt, %select_n3A_3038, %lt3A_3044 : i32
        %ne3A_3046 = arith.xori %lt3A_3043, %lt3A_3045 : i1
        %and3A_3047 = arith.andi %ne3A_3046, %ne3A_3041 : i1
        %add3A_3048 = arith.addi %rem3A_3039, %select_n3A_3038 : i32
        %select_n3A_3049 = arith.select %and3A_3047, %add3A_3048, %rem3A_3039 : i32
        %add3A_3050 = arith.addi %mul3A_3033, %select_n3A_3049 : i32
        %add3A_3051 = arith.constant 0 : i32
        %add3A_3052 = arith.addi %add3A_3050, %add3A_3051 : i32
        %mul3A_3053 = arith.constant 8 : i32
        %mul3A_3054 = arith.muli %add3A_3052, %mul3A_3053 : i32
        %dma_wait3A_3055 = arith.constant 0 : i32
        %dma_wait3A_3056 = arith.constant 0 : i32
        %dma_wait3A_3057 = tpu.memref_slice %arg8[%dma_wait3A_3055, %dma_wait3A_3056] : memref<32x129xf32, #tpu.memory_space<vmem>> -> memref<8x128xf32, #tpu.memory_space<vmem>>
        %dma_wait3A_3058 = arith.constant 0 : i32
        %dma_wait3A_3059 = tpu.memref_slice %arg4[%mul3A_3054, %dma_wait3A_3058] : memref<153600x128xf32, #tpu.memory_space<hbm>> -> memref<8x128xf32, #tpu.memory_space<hbm>>
        %dma_wait3A_3060 = arith.constant 0 : i32
        %dma_wait3A_3061 = tpu.memref_slice %arg4[%mul3A_3054, %dma_wait3A_3060] : memref<153600x128xf32, #tpu.memory_space<hbm>> -> memref<8x128xf32, #tpu.memory_space<hbm>>
        %dma_wait3A_3062 = arith.constant 0 : i32
        %dma_wait3A_3063 = arith.constant 0 : i32
        %dma_wait3A_3064 = tpu.memref_slice %arg8[%dma_wait3A_3062, %dma_wait3A_3063] : memref<32x129xf32, #tpu.memory_space<vmem>> -> memref<8x128xf32, #tpu.memory_space<vmem>>
        tpu.wait_dma2 semaphore(%arg12 : memref<!tpu.dma_semaphore, #tpu.memory_space<semaphore_mem>>) src(%dma_wait3A_3064 : memref<8x128xf32, #tpu.memory_space<vmem>>) dst(%dma_wait3A_3061 : memref<8x128xf32, #tpu.memory_space<hbm>>)
        %add3A_3065 = arith.constant 32 : i32
        %add3A_3066 = arith.addi %add3A_3050, %add3A_3065 : i32
        %mul3A_3067 = arith.constant 8 : i32
        %mul3A_3068 = arith.muli %add3A_3066, %mul3A_3067 : i32
        %dma_wait3A_3069 = arith.constant 8 : i32
        %dma_wait3A_3070 = arith.constant 0 : i32
        %dma_wait3A_3071 = tpu.memref_slice %arg8[%dma_wait3A_3069, %dma_wait3A_3070] : memref<32x129xf32, #tpu.memory_space<vmem>> -> memref<8x128xf32, #tpu.memory_space<vmem>>
        %dma_wait3A_3072 = arith.constant 0 : i32
        %dma_wait3A_3073 = tpu.memref_slice %arg4[%mul3A_3068, %dma_wait3A_3072] : memref<153600x128xf32, #tpu.memory_space<hbm>> -> memref<8x128xf32, #tpu.memory_space<hbm>>
        %dma_wait3A_3074 = arith.constant 0 : i32
        %dma_wait3A_3075 = tpu.memref_slice %arg4[%mul3A_3068, %dma_wait3A_3074] : memref<153600x128xf32, #tpu.memory_space<hbm>> -> memref<8x128xf32, #tpu.memory_space<hbm>>
        %dma_wait3A_3076 = arith.constant 8 : i32
        %dma_wait3A_3077 = arith.constant 0 : i32
        %dma_wait3A_3078 = tpu.memref_slice %arg8[%dma_wait3A_3076, %dma_wait3A_3077] : memref<32x129xf32, #tpu.memory_space<vmem>> -> memref<8x128xf32, #tpu.memory_space<vmem>>
        tpu.wait_dma2 semaphore(%arg12 : memref<!tpu.dma_semaphore, #tpu.memory_space<semaphore_mem>>) src(%dma_wait3A_3078 : memref<8x128xf32, #tpu.memory_space<vmem>>) dst(%dma_wait3A_3075 : memref<8x128xf32, #tpu.memory_space<hbm>>)
        %add3A_3079 = arith.constant 64 : i32
        %add3A_3080 = arith.addi %add3A_3050, %add3A_3079 : i32
        %mul3A_3081 = arith.constant 8 : i32
        %mul3A_3082 = arith.muli %add3A_3080, %mul3A_3081 : i32
        %dma_wait3A_3083 = arith.constant 16 : i32
        %dma_wait3A_3084 = arith.constant 0 : i32
        %dma_wait3A_3085 = tpu.memref_slice %arg8[%dma_wait3A_3083, %dma_wait3A_3084] : memref<32x129xf32, #tpu.memory_space<vmem>> -> memref<8x128xf32, #tpu.memory_space<vmem>>
        %dma_wait3A_3086 = arith.constant 0 : i32
        %dma_wait3A_3087 = tpu.memref_slice %arg4[%mul3A_3082, %dma_wait3A_3086] : memref<153600x128xf32, #tpu.memory_space<hbm>> -> memref<8x128xf32, #tpu.memory_space<hbm>>
        %dma_wait3A_3088 = arith.constant 0 : i32
        %dma_wait3A_3089 = tpu.memref_slice %arg4[%mul3A_3082, %dma_wait3A_3088] : memref<153600x128xf32, #tpu.memory_space<hbm>> -> memref<8x128xf32, #tpu.memory_space<hbm>>
        %dma_wait3A_3090 = arith.constant 16 : i32
        %dma_wait3A_3091 = arith.constant 0 : i32
        %dma_wait3A_3092 = tpu.memref_slice %arg8[%dma_wait3A_3090, %dma_wait3A_3091] : memref<32x129xf32, #tpu.memory_space<vmem>> -> memref<8x128xf32, #tpu.memory_space<vmem>>
        tpu.wait_dma2 semaphore(%arg12 : memref<!tpu.dma_semaphore, #tpu.memory_space<semaphore_mem>>) src(%dma_wait3A_3092 : memref<8x128xf32, #tpu.memory_space<vmem>>) dst(%dma_wait3A_3089 : memref<8x128xf32, #tpu.memory_space<hbm>>)
        %add3A_3093 = arith.constant 96 : i32
        %add3A_3094 = arith.addi %add3A_3050, %add3A_3093 : i32
        %mul3A_3095 = arith.constant 8 : i32
        %mul3A_3096 = arith.muli %add3A_3094, %mul3A_3095 : i32
        %dma_wait3A_3097 = arith.constant 24 : i32
        %dma_wait3A_3098 = arith.constant 0 : i32
        %dma_wait3A_3099 = tpu.memref_slice %arg8[%dma_wait3A_3097, %dma_wait3A_3098] : memref<32x129xf32, #tpu.memory_space<vmem>> -> memref<8x128xf32, #tpu.memory_space<vmem>>
        %dma_wait3A_3100 = arith.constant 0 : i32
        %dma_wait3A_3101 = tpu.memref_slice %arg4[%mul3A_3096, %dma_wait3A_3100] : memref<153600x128xf32, #tpu.memory_space<hbm>> -> memref<8x128xf32, #tpu.memory_space<hbm>>
        %dma_wait3A_3102 = arith.constant 0 : i32
        %dma_wait3A_3103 = tpu.memref_slice %arg4[%mul3A_3096, %dma_wait3A_3102] : memref<153600x128xf32, #tpu.memory_space<hbm>> -> memref<8x128xf32, #tpu.memory_space<hbm>>
        %dma_wait3A_3104 = arith.constant 24 : i32
        %dma_wait3A_3105 = arith.constant 0 : i32
        %dma_wait3A_3106 = tpu.memref_slice %arg8[%dma_wait3A_3104, %dma_wait3A_3105] : memref<32x129xf32, #tpu.memory_space<vmem>> -> memref<8x128xf32, #tpu.memory_space<vmem>>
        tpu.wait_dma2 semaphore(%arg12 : memref<!tpu.dma_semaphore, #tpu.memory_space<semaphore_mem>>) src(%dma_wait3A_3106 : memref<8x128xf32, #tpu.memory_space<vmem>>) dst(%dma_wait3A_3103 : memref<8x128xf32, #tpu.memory_space<hbm>>)
      } else {
      }
      %broadcast_in_dim3A = arith.constant 0 : i32
      %broadcast_in_dim3A_231 = vector.broadcast %broadcast_in_dim3A : i32 to vector<16xi32>
      %get3A = arith.constant 0 : i32
      %get3A_232 = arith.index_cast %get3A : i32 to index
      %get3A_233 = arith.constant 0 : index
      %get3A_234 = tpu.vector_load %arg6[%get3A_232, %get3A_233] {strides = array<i32>} : memref<128x32xf32, #tpu.memory_space<vmem>>, vector<16xf32>,
      tpu.vector_store_idx %arg8[%iota3A, %broadcast_in_dim3A_231], %get3A_234 : memref<32x129xf32, #tpu.memory_space<vmem>>[vector<16xi32>, vector<16xi32>], vector<16xf32>,
      %get3A_235 = arith.constant 0 : i32
      %get3A_236 = arith.index_cast %get3A_235 : i32 to index
      %get3A_237 = arith.constant 16 : index
      %get3A_238 = tpu.vector_load %arg6[%get3A_236, %get3A_237] {strides = array<i32>} : memref<128x32xf32, #tpu.memory_space<vmem>>, vector<16xf32>,
      tpu.vector_store_idx %arg8[%add3A_7, %broadcast_in_dim3A_231], %get3A_238 : memref<32x129xf32, #tpu.memory_space<vmem>>[vector<16xi32>, vector<16xi32>], vector<16xf32>,
      %broadcast_in_dim3A_239 = arith.constant 1 : i32
      %broadcast_in_dim3A_240 = vector.broadcast %broadcast_in_dim3A_239 : i32 to vector<16xi32>
      %get3A_241 = arith.constant 1 : i32
      %get3A_242 = arith.index_cast %get3A_241 : i32 to index
      %get3A_243 = arith.constant 0 : index
      %get3A_244 = tpu.vector_load %arg6[%get3A_242, %get3A_243] {strides = array<i32>} : memref<128x32xf32, #tpu.memory_space<vmem>>, vector<16xf32>,
      tpu.vector_store_idx %arg8[%iota3A, %broadcast_in_dim3A_240], %get3A_244 : memref<32x129xf32, #tpu.memory_space<vmem>>[vector<16xi32>, vector<16xi32>], vector<16xf32>,
      %get3A_245 = arith.constant 1 : i32
      %get3A_246 = arith.index_cast %get3A_245 : i32 to index
      %get3A_247 = arith.constant 16 : index
      %get3A_248 = tpu.vector_load %arg6[%get3A_246, %get3A_247] {strides = array<i32>} : memref<128x32xf32, #tpu.memory_space<vmem>>, vector<16xf32>,
      tpu.vector_store_idx %arg8[%add3A_7, %broadcast_in_dim3A_240], %get3A_248 : memref<32x129xf32, #tpu.memory_space<vmem>>[vector<16xi32>, vector<16xi32>], vector<16xf32>,
      %broadcast_in_dim3A_249 = arith.constant 2 : i32
      %broadcast_in_dim3A_250 = vector.broadcast %broadcast_in_dim3A_249 : i32 to vector<16xi32>
      %get3A_251 = arith.constant 2 : i32
      %get3A_252 = arith.index_cast %get3A_251 : i32 to index
      %get3A_253 = arith.constant 0 : index
      %get3A_254 = tpu.vector_load %arg6[%get3A_252, %get3A_253] {strides = array<i32>} : memref<128x32xf32, #tpu.memory_space<vmem>>, vector<16xf32>,
      tpu.vector_store_idx %arg8[%iota3A, %broadcast_in_dim3A_250], %get3A_254 : memref<32x129xf32, #tpu.memory_space<vmem>>[vector<16xi32>, vector<16xi32>], vector<16xf32>,
      %get3A_255 = arith.constant 2 : i32
      %get3A_256 = arith.index_cast %get3A_255 : i32 to index
      %get3A_257 = arith.constant 16 : index
      %get3A_258 = tpu.vector_load %arg6[%get3A_256, %get3A_257] {strides = array<i32>} : memref<128x32xf32, #tpu.memory_space<vmem>>, vector<16xf32>,
      tpu.vector_store_idx %arg8[%add3A_7, %broadcast_in_dim3A_250], %get3A_258 : memref<32x129xf32, #tpu.memory_space<vmem>>[vector<16xi32>, vector<16xi32>], vector<16xf32>,
      %broadcast_in_dim3A_259 = arith.constant 3 : i32
      %broadcast_in_dim3A_260 = vector.broadcast %broadcast_in_dim3A_259 : i32 to vector<16xi32>
      %get3A_261 = arith.constant 3 : i32
      %get3A_262 = arith.index_cast %get3A_261 : i32 to index
      %get3A_263 = arith.constant 0 : index
      %get3A_264 = tpu.vector_load %arg6[%get3A_262, %get3A_263] {strides = array<i32>} : memref<128x32xf32, #tpu.memory_space<vmem>>, vector<16xf32>,
      tpu.vector_store_idx %arg8[%iota3A, %broadcast_in_dim3A_260], %get3A_264 : memref<32x129xf32, #tpu.memory_space<vmem>>[vector<16xi32>, vector<16xi32>], vector<16xf32>,
      %get3A_265 = arith.constant 3 : i32
      %get3A_266 = arith.index_cast %get3A_265 : i32 to index
      %get3A_267 = arith.constant 16 : index
      %get3A_268 = tpu.vector_load %arg6[%get3A_266, %get3A_267] {strides = array<i32>} : memref<128x32xf32, #tpu.memory_space<vmem>>, vector<16xf32>,
      tpu.vector_store_idx %arg8[%add3A_7, %broadcast_in_dim3A_260], %get3A_268 : memref<32x129xf32, #tpu.memory_space<vmem>>[vector<16xi32>, vector<16xi32>], vector<16xf32>,
      %broadcast_in_dim3A_269 = arith.constant 4 : i32
      %broadcast_in_dim3A_270 = vector.broadcast %broadcast_in_dim3A_269 : i32 to vector<16xi32>
      %get3A_271 = arith.constant 4 : i32
      %get3A_272 = arith.index_cast %get3A_271 : i32 to index
      %get3A_273 = arith.constant 0 : index
      %get3A_274 = tpu.vector_load %arg6[%get3A_272, %get3A_273] {strides = array<i32>} : memref<128x32xf32, #tpu.memory_space<vmem>>, vector<16xf32>,
      tpu.vector_store_idx %arg8[%iota3A, %broadcast_in_dim3A_270], %get3A_274 : memref<32x129xf32, #tpu.memory_space<vmem>>[vector<16xi32>, vector<16xi32>], vector<16xf32>,
      %get3A_275 = arith.constant 4 : i32
      %get3A_276 = arith.index_cast %get3A_275 : i32 to index
      %get3A_277 = arith.constant 16 : index
      %get3A_278 = tpu.vector_load %arg6[%get3A_276, %get3A_277] {strides = array<i32>} : memref<128x32xf32, #tpu.memory_space<vmem>>, vector<16xf32>,
      tpu.vector_store_idx %arg8[%add3A_7, %broadcast_in_dim3A_270], %get3A_278 : memref<32x129xf32, #tpu.memory_space<vmem>>[vector<16xi32>, vector<16xi32>], vector<16xf32>,
      %broadcast_in_dim3A_279 = arith.constant 5 : i32
      %broadcast_in_dim3A_280 = vector.broadcast %broadcast_in_dim3A_279 : i32 to vector<16xi32>
      %get3A_281 = arith.constant 5 : i32
      %get3A_282 = arith.index_cast %get3A_281 : i32 to index
      %get3A_283 = arith.constant 0 : index
      %get3A_284 = tpu.vector_load %arg6[%get3A_282, %get3A_283] {strides = array<i32>} : memref<128x32xf32, #tpu.memory_space<vmem>>, vector<16xf32>,
      tpu.vector_store_idx %arg8[%iota3A, %broadcast_in_dim3A_280], %get3A_284 : memref<32x129xf32, #tpu.memory_space<vmem>>[vector<16xi32>, vector<16xi32>], vector<16xf32>,
      %get3A_285 = arith.constant 5 : i32
      %get3A_286 = arith.index_cast %get3A_285 : i32 to index
      %get3A_287 = arith.constant 16 : index
      %get3A_288 = tpu.vector_load %arg6[%get3A_286, %get3A_287] {strides = array<i32>} : memref<128x32xf32, #tpu.memory_space<vmem>>, vector<16xf32>,
      tpu.vector_store_idx %arg8[%add3A_7, %broadcast_in_dim3A_280], %get3A_288 : memref<32x129xf32, #tpu.memory_space<vmem>>[vector<16xi32>, vector<16xi32>], vector<16xf32>,
      %broadcast_in_dim3A_289 = arith.constant 6 : i32
      %broadcast_in_dim3A_290 = vector.broadcast %broadcast_in_dim3A_289 : i32 to vector<16xi32>
      %get3A_291 = arith.constant 6 : i32
      %get3A_292 = arith.index_cast %get3A_291 : i32 to index
      %get3A_293 = arith.constant 0 : index
      %get3A_294 = tpu.vector_load %arg6[%get3A_292, %get3A_293] {strides = array<i32>} : memref<128x32xf32, #tpu.memory_space<vmem>>, vector<16xf32>,
      tpu.vector_store_idx %arg8[%iota3A, %broadcast_in_dim3A_290], %get3A_294 : memref<32x129xf32, #tpu.memory_space<vmem>>[vector<16xi32>, vector<16xi32>], vector<16xf32>,
      %get3A_295 = arith.constant 6 : i32
      %get3A_296 = arith.index_cast %get3A_295 : i32 to index
      %get3A_297 = arith.constant 16 : index
      %get3A_298 = tpu.vector_load %arg6[%get3A_296, %get3A_297] {strides = array<i32>} : memref<128x32xf32, #tpu.memory_space<vmem>>, vector<16xf32>,
      tpu.vector_store_idx %arg8[%add3A_7, %broadcast_in_dim3A_290], %get3A_298 : memref<32x129xf32, #tpu.memory_space<vmem>>[vector<16xi32>, vector<16xi32>], vector<16xf32>,
      %broadcast_in_dim3A_299 = arith.constant 7 : i32
      %broadcast_in_dim3A_300 = vector.broadcast %broadcast_in_dim3A_299 : i32 to vector<16xi32>
      %get3A_301 = arith.constant 7 : i32
      %get3A_302 = arith.index_cast %get3A_301 : i32 to index
      %get3A_303 = arith.constant 0 : index
      %get3A_304 = tpu.vector_load %arg6[%get3A_302, %get3A_303] {strides = array<i32>} : memref<128x32xf32, #tpu.memory_space<vmem>>, vector<16xf32>,
      tpu.vector_store_idx %arg8[%iota3A, %broadcast_in_dim3A_300], %get3A_304 : memref<32x129xf32, #tpu.memory_space<vmem>>[vector<16xi32>, vector<16xi32>], vector<16xf32>,
      %get3A_305 = arith.constant 7 : i32
      %get3A_306 = arith.index_cast %get3A_305 : i32 to index
      %get3A_307 = arith.constant 16 : index
      %get3A_308 = tpu.vector_load %arg6[%get3A_306, %get3A_307] {strides = array<i32>} : memref<128x32xf32, #tpu.memory_space<vmem>>, vector<16xf32>,
      tpu.vector_store_idx %arg8[%add3A_7, %broadcast_in_dim3A_300], %get3A_308 : memref<32x129xf32, #tpu.memory_space<vmem>>[vector<16xi32>, vector<16xi32>], vector<16xf32>,
      %broadcast_in_dim3A_309 = arith.constant 8 : i32
      %broadcast_in_dim3A_310 = vector.broadcast %broadcast_in_dim3A_309 : i32 to vector<16xi32>
      %get3A_311 = arith.constant 8 : i32
      %get3A_312 = arith.index_cast %get3A_311 : i32 to index
      %get3A_313 = arith.constant 0 : index
      %get3A_314 = tpu.vector_load %arg6[%get3A_312, %get3A_313] {strides = array<i32>} : memref<128x32xf32, #tpu.memory_space<vmem>>, vector<16xf32>,
      tpu.vector_store_idx %arg8[%iota3A, %broadcast_in_dim3A_310], %get3A_314 : memref<32x129xf32, #tpu.memory_space<vmem>>[vector<16xi32>, vector<16xi32>], vector<16xf32>,
      %get3A_315 = arith.constant 8 : i32
      %get3A_316 = arith.index_cast %get3A_315 : i32 to index
      %get3A_317 = arith.constant 16 : index
      %get3A_318 = tpu.vector_load %arg6[%get3A_316, %get3A_317] {strides = array<i32>} : memref<128x32xf32, #tpu.memory_space<vmem>>, vector<16xf32>,
      tpu.vector_store_idx %arg8[%add3A_7, %broadcast_in_dim3A_310], %get3A_318 : memref<32x129xf32, #tpu.memory_space<vmem>>[vector<16xi32>, vector<16xi32>], vector<16xf32>,
      %broadcast_in_dim3A_319 = arith.constant 9 : i32
      %broadcast_in_dim3A_320 = vector.broadcast %broadcast_in_dim3A_319 : i32 to vector<16xi32>
      %get3A_321 = arith.constant 9 : i32
      %get3A_322 = arith.index_cast %get3A_321 : i32 to index
      %get3A_323 = arith.constant 0 : index
      %get3A_324 = tpu.vector_load %arg6[%get3A_322, %get3A_323] {strides = array<i32>} : memref<128x32xf32, #tpu.memory_space<vmem>>, vector<16xf32>,
      tpu.vector_store_idx %arg8[%iota3A, %broadcast_in_dim3A_320], %get3A_324 : memref<32x129xf32, #tpu.memory_space<vmem>>[vector<16xi32>, vector<16xi32>], vector<16xf32>,
      %get3A_325 = arith.constant 9 : i32
      %get3A_326 = arith.index_cast %get3A_325 : i32 to index
      %get3A_327 = arith.constant 16 : index
      %get3A_328 = tpu.vector_load %arg6[%get3A_326, %get3A_327] {strides = array<i32>} : memref<128x32xf32, #tpu.memory_space<vmem>>, vector<16xf32>,
      tpu.vector_store_idx %arg8[%add3A_7, %broadcast_in_dim3A_320], %get3A_328 : memref<32x129xf32, #tpu.memory_space<vmem>>[vector<16xi32>, vector<16xi32>], vector<16xf32>,
      %broadcast_in_dim3A_329 = arith.constant 10 : i32
      %broadcast_in_dim3A_330 = vector.broadcast %broadcast_in_dim3A_329 : i32 to vector<16xi32>
      %get3A_331 = arith.constant 10 : i32
      %get3A_332 = arith.index_cast %get3A_331 : i32 to index
      %get3A_333 = arith.constant 0 : index
      %get3A_334 = tpu.vector_load %arg6[%get3A_332, %get3A_333] {strides = array<i32>} : memref<128x32xf32, #tpu.memory_space<vmem>>, vector<16xf32>,
      tpu.vector_store_idx %arg8[%iota3A, %broadcast_in_dim3A_330], %get3A_334 : memref<32x129xf32, #tpu.memory_space<vmem>>[vector<16xi32>, vector<16xi32>], vector<16xf32>,
      %get3A_335 = arith.constant 10 : i32
      %get3A_336 = arith.index_cast %get3A_335 : i32 to index
      %get3A_337 = arith.constant 16 : index
      %get3A_338 = tpu.vector_load %arg6[%get3A_336, %get3A_337] {strides = array<i32>} : memref<128x32xf32, #tpu.memory_space<vmem>>, vector<16xf32>,
      tpu.vector_store_idx %arg8[%add3A_7, %broadcast_in_dim3A_330], %get3A_338 : memref<32x129xf32, #tpu.memory_space<vmem>>[vector<16xi32>, vector<16xi32>], vector<16xf32>,
      %broadcast_in_dim3A_339 = arith.constant 11 : i32
      %broadcast_in_dim3A_340 = vector.broadcast %broadcast_in_dim3A_339 : i32 to vector<16xi32>
      %get3A_341 = arith.constant 11 : i32
      %get3A_342 = arith.index_cast %get3A_341 : i32 to index
      %get3A_343 = arith.constant 0 : index
      %get3A_344 = tpu.vector_load %arg6[%get3A_342, %get3A_343] {strides = array<i32>} : memref<128x32xf32, #tpu.memory_space<vmem>>, vector<16xf32>,
      tpu.vector_store_idx %arg8[%iota3A, %broadcast_in_dim3A_340], %get3A_344 : memref<32x129xf32, #tpu.memory_space<vmem>>[vector<16xi32>, vector<16xi32>], vector<16xf32>,
      %get3A_345 = arith.constant 11 : i32
      %get3A_346 = arith.index_cast %get3A_345 : i32 to index
      %get3A_347 = arith.constant 16 : index
      %get3A_348 = tpu.vector_load %arg6[%get3A_346, %get3A_347] {strides = array<i32>} : memref<128x32xf32, #tpu.memory_space<vmem>>, vector<16xf32>,
      tpu.vector_store_idx %arg8[%add3A_7, %broadcast_in_dim3A_340], %get3A_348 : memref<32x129xf32, #tpu.memory_space<vmem>>[vector<16xi32>, vector<16xi32>], vector<16xf32>,
      %broadcast_in_dim3A_349 = arith.constant 12 : i32
      %broadcast_in_dim3A_350 = vector.broadcast %broadcast_in_dim3A_349 : i32 to vector<16xi32>
      %get3A_351 = arith.constant 12 : i32
      %get3A_352 = arith.index_cast %get3A_351 : i32 to index
      %get3A_353 = arith.constant 0 : index
      %get3A_354 = tpu.vector_load %arg6[%get3A_352, %get3A_353] {strides = array<i32>} : memref<128x32xf32, #tpu.memory_space<vmem>>, vector<16xf32>,
      tpu.vector_store_idx %arg8[%iota3A, %broadcast_in_dim3A_350], %get3A_354 : memref<32x129xf32, #tpu.memory_space<vmem>>[vector<16xi32>, vector<16xi32>], vector<16xf32>,
      %get3A_355 = arith.constant 12 : i32
      %get3A_356 = arith.index_cast %get3A_355 : i32 to index
      %get3A_357 = arith.constant 16 : index
      %get3A_358 = tpu.vector_load %arg6[%get3A_356, %get3A_357] {strides = array<i32>} : memref<128x32xf32, #tpu.memory_space<vmem>>, vector<16xf32>,
      tpu.vector_store_idx %arg8[%add3A_7, %broadcast_in_dim3A_350], %get3A_358 : memref<32x129xf32, #tpu.memory_space<vmem>>[vector<16xi32>, vector<16xi32>], vector<16xf32>,
      %broadcast_in_dim3A_359 = arith.constant 13 : i32
      %broadcast_in_dim3A_360 = vector.broadcast %broadcast_in_dim3A_359 : i32 to vector<16xi32>
      %get3A_361 = arith.constant 13 : i32
      %get3A_362 = arith.index_cast %get3A_361 : i32 to index
      %get3A_363 = arith.constant 0 : index
      %get3A_364 = tpu.vector_load %arg6[%get3A_362, %get3A_363] {strides = array<i32>} : memref<128x32xf32, #tpu.memory_space<vmem>>, vector<16xf32>,
      tpu.vector_store_idx %arg8[%iota3A, %broadcast_in_dim3A_360], %get3A_364 : memref<32x129xf32, #tpu.memory_space<vmem>>[vector<16xi32>, vector<16xi32>], vector<16xf32>,
      %get3A_365 = arith.constant 13 : i32
      %get3A_366 = arith.index_cast %get3A_365 : i32 to index
      %get3A_367 = arith.constant 16 : index
      %get3A_368 = tpu.vector_load %arg6[%get3A_366, %get3A_367] {strides = array<i32>} : memref<128x32xf32, #tpu.memory_space<vmem>>, vector<16xf32>,
      tpu.vector_store_idx %arg8[%add3A_7, %broadcast_in_dim3A_360], %get3A_368 : memref<32x129xf32, #tpu.memory_space<vmem>>[vector<16xi32>, vector<16xi32>], vector<16xf32>,
      %broadcast_in_dim3A_369 = arith.constant 14 : i32
      %broadcast_in_dim3A_370 = vector.broadcast %broadcast_in_dim3A_369 : i32 to vector<16xi32>
      %get3A_371 = arith.constant 14 : i32
      %get3A_372 = arith.index_cast %get3A_371 : i32 to index
      %get3A_373 = arith.constant 0 : index
      %get3A_374 = tpu.vector_load %arg6[%get3A_372, %get3A_373] {strides = array<i32>} : memref<128x32xf32, #tpu.memory_space<vmem>>, vector<16xf32>,
      tpu.vector_store_idx %arg8[%iota3A, %broadcast_in_dim3A_370], %get3A_374 : memref<32x129xf32, #tpu.memory_space<vmem>>[vector<16xi32>, vector<16xi32>], vector<16xf32>,
      %get3A_375 = arith.constant 14 : i32
      %get3A_376 = arith.index_cast %get3A_375 : i32 to index
      %get3A_377 = arith.constant 16 : index
      %get3A_378 = tpu.vector_load %arg6[%get3A_376, %get3A_377] {strides = array<i32>} : memref<128x32xf32, #tpu.memory_space<vmem>>, vector<16xf32>,
      tpu.vector_store_idx %arg8[%add3A_7, %broadcast_in_dim3A_370], %get3A_378 : memref<32x129xf32, #tpu.memory_space<vmem>>[vector<16xi32>, vector<16xi32>], vector<16xf32>,
      %broadcast_in_dim3A_379 = arith.constant 15 : i32
      %broadcast_in_dim3A_380 = vector.broadcast %broadcast_in_dim3A_379 : i32 to vector<16xi32>
      %get3A_381 = arith.constant 15 : i32
      %get3A_382 = arith.index_cast %get3A_381 : i32 to index
      %get3A_383 = arith.constant 0 : index
      %get3A_384 = tpu.vector_load %arg6[%get3A_382, %get3A_383] {strides = array<i32>} : memref<128x32xf32, #tpu.memory_space<vmem>>, vector<16xf32>,
      tpu.vector_store_idx %arg8[%iota3A, %broadcast_in_dim3A_380], %get3A_384 : memref<32x129xf32, #tpu.memory_space<vmem>>[vector<16xi32>, vector<16xi32>], vector<16xf32>,
      %get3A_385 = arith.constant 15 : i32
      %get3A_386 = arith.index_cast %get3A_385 : i32 to index
      %get3A_387 = arith.constant 16 : index
      %get3A_388 = tpu.vector_load %arg6[%get3A_386, %get3A_387] {strides = array<i32>} : memref<128x32xf32, #tpu.memory_space<vmem>>, vector<16xf32>,
      tpu.vector_store_idx %arg8[%add3A_7, %broadcast_in_dim3A_380], %get3A_388 : memref<32x129xf32, #tpu.memory_space<vmem>>[vector<16xi32>, vector<16xi32>], vector<16xf32>,
      %broadcast_in_dim3A_389 = arith.constant 16 : i32
      %broadcast_in_dim3A_390 = vector.broadcast %broadcast_in_dim3A_389 : i32 to vector<16xi32>
      %get3A_391 = arith.constant 16 : i32
      %get3A_392 = arith.index_cast %get3A_391 : i32 to index
      %get3A_393 = arith.constant 0 : index
      %get3A_394 = tpu.vector_load %arg6[%get3A_392, %get3A_393] {strides = array<i32>} : memref<128x32xf32, #tpu.memory_space<vmem>>, vector<16xf32>,
      tpu.vector_store_idx %arg8[%iota3A, %broadcast_in_dim3A_390], %get3A_394 : memref<32x129xf32, #tpu.memory_space<vmem>>[vector<16xi32>, vector<16xi32>], vector<16xf32>,
      %get3A_395 = arith.constant 16 : i32
      %get3A_396 = arith.index_cast %get3A_395 : i32 to index
      %get3A_397 = arith.constant 16 : index
      %get3A_398 = tpu.vector_load %arg6[%get3A_396, %get3A_397] {strides = array<i32>} : memref<128x32xf32, #tpu.memory_space<vmem>>, vector<16xf32>,
      tpu.vector_store_idx %arg8[%add3A_7, %broadcast_in_dim3A_390], %get3A_398 : memref<32x129xf32, #tpu.memory_space<vmem>>[vector<16xi32>, vector<16xi32>], vector<16xf32>,
      %broadcast_in_dim3A_399 = arith.constant 17 : i32
      %broadcast_in_dim3A_400 = vector.broadcast %broadcast_in_dim3A_399 : i32 to vector<16xi32>
      %get3A_401 = arith.constant 17 : i32
      %get3A_402 = arith.index_cast %get3A_401 : i32 to index
      %get3A_403 = arith.constant 0 : index
      %get3A_404 = tpu.vector_load %arg6[%get3A_402, %get3A_403] {strides = array<i32>} : memref<128x32xf32, #tpu.memory_space<vmem>>, vector<16xf32>,
      tpu.vector_store_idx %arg8[%iota3A, %broadcast_in_dim3A_400], %get3A_404 : memref<32x129xf32, #tpu.memory_space<vmem>>[vector<16xi32>, vector<16xi32>], vector<16xf32>,
      %get3A_405 = arith.constant 17 : i32
      %get3A_406 = arith.index_cast %get3A_405 : i32 to index
      %get3A_407 = arith.constant 16 : index
      %get3A_408 = tpu.vector_load %arg6[%get3A_406, %get3A_407] {strides = array<i32>} : memref<128x32xf32, #tpu.memory_space<vmem>>, vector<16xf32>,
      tpu.vector_store_idx %arg8[%add3A_7, %broadcast_in_dim3A_400], %get3A_408 : memref<32x129xf32, #tpu.memory_space<vmem>>[vector<16xi32>, vector<16xi32>], vector<16xf32>,
      %broadcast_in_dim3A_409 = arith.constant 18 : i32
      %broadcast_in_dim3A_410 = vector.broadcast %broadcast_in_dim3A_409 : i32 to vector<16xi32>
      %get3A_411 = arith.constant 18 : i32
      %get3A_412 = arith.index_cast %get3A_411 : i32 to index
      %get3A_413 = arith.constant 0 : index
      %get3A_414 = tpu.vector_load %arg6[%get3A_412, %get3A_413] {strides = array<i32>} : memref<128x32xf32, #tpu.memory_space<vmem>>, vector<16xf32>,
      tpu.vector_store_idx %arg8[%iota3A, %broadcast_in_dim3A_410], %get3A_414 : memref<32x129xf32, #tpu.memory_space<vmem>>[vector<16xi32>, vector<16xi32>], vector<16xf32>,
      %get3A_415 = arith.constant 18 : i32
      %get3A_416 = arith.index_cast %get3A_415 : i32 to index
      %get3A_417 = arith.constant 16 : index
      %get3A_418 = tpu.vector_load %arg6[%get3A_416, %get3A_417] {strides = array<i32>} : memref<128x32xf32, #tpu.memory_space<vmem>>, vector<16xf32>,
      tpu.vector_store_idx %arg8[%add3A_7, %broadcast_in_dim3A_410], %get3A_418 : memref<32x129xf32, #tpu.memory_space<vmem>>[vector<16xi32>, vector<16xi32>], vector<16xf32>,
      %broadcast_in_dim3A_419 = arith.constant 19 : i32
      %broadcast_in_dim3A_420 = vector.broadcast %broadcast_in_dim3A_419 : i32 to vector<16xi32>
      %get3A_421 = arith.constant 19 : i32
      %get3A_422 = arith.index_cast %get3A_421 : i32 to index
      %get3A_423 = arith.constant 0 : index
      %get3A_424 = tpu.vector_load %arg6[%get3A_422, %get3A_423] {strides = array<i32>} : memref<128x32xf32, #tpu.memory_space<vmem>>, vector<16xf32>,
      tpu.vector_store_idx %arg8[%iota3A, %broadcast_in_dim3A_420], %get3A_424 : memref<32x129xf32, #tpu.memory_space<vmem>>[vector<16xi32>, vector<16xi32>], vector<16xf32>,
      %get3A_425 = arith.constant 19 : i32
      %get3A_426 = arith.index_cast %get3A_425 : i32 to index
      %get3A_427 = arith.constant 16 : index
      %get3A_428 = tpu.vector_load %arg6[%get3A_426, %get3A_427] {strides = array<i32>} : memref<128x32xf32, #tpu.memory_space<vmem>>, vector<16xf32>,
      tpu.vector_store_idx %arg8[%add3A_7, %broadcast_in_dim3A_420], %get3A_428 : memref<32x129xf32, #tpu.memory_space<vmem>>[vector<16xi32>, vector<16xi32>], vector<16xf32>,
      %broadcast_in_dim3A_429 = arith.constant 20 : i32
      %broadcast_in_dim3A_430 = vector.broadcast %broadcast_in_dim3A_429 : i32 to vector<16xi32>
      %get3A_431 = arith.constant 20 : i32
      %get3A_432 = arith.index_cast %get3A_431 : i32 to index
      %get3A_433 = arith.constant 0 : index
      %get3A_434 = tpu.vector_load %arg6[%get3A_432, %get3A_433] {strides = array<i32>} : memref<128x32xf32, #tpu.memory_space<vmem>>, vector<16xf32>,
      tpu.vector_store_idx %arg8[%iota3A, %broadcast_in_dim3A_430], %get3A_434 : memref<32x129xf32, #tpu.memory_space<vmem>>[vector<16xi32>, vector<16xi32>], vector<16xf32>,
      %get3A_435 = arith.constant 20 : i32
      %get3A_436 = arith.index_cast %get3A_435 : i32 to index
      %get3A_437 = arith.constant 16 : index
      %get3A_438 = tpu.vector_load %arg6[%get3A_436, %get3A_437] {strides = array<i32>} : memref<128x32xf32, #tpu.memory_space<vmem>>, vector<16xf32>,
      tpu.vector_store_idx %arg8[%add3A_7, %broadcast_in_dim3A_430], %get3A_438 : memref<32x129xf32, #tpu.memory_space<vmem>>[vector<16xi32>, vector<16xi32>], vector<16xf32>,
      %broadcast_in_dim3A_439 = arith.constant 21 : i32
      %broadcast_in_dim3A_440 = vector.broadcast %broadcast_in_dim3A_439 : i32 to vector<16xi32>
      %get3A_441 = arith.constant 21 : i32
      %get3A_442 = arith.index_cast %get3A_441 : i32 to index
      %get3A_443 = arith.constant 0 : index
      %get3A_444 = tpu.vector_load %arg6[%get3A_442, %get3A_443] {strides = array<i32>} : memref<128x32xf32, #tpu.memory_space<vmem>>, vector<16xf32>,
      tpu.vector_store_idx %arg8[%iota3A, %broadcast_in_dim3A_440], %get3A_444 : memref<32x129xf32, #tpu.memory_space<vmem>>[vector<16xi32>, vector<16xi32>], vector<16xf32>,
      %get3A_445 = arith.constant 21 : i32
      %get3A_446 = arith.index_cast %get3A_445 : i32 to index
      %get3A_447 = arith.constant 16 : index
      %get3A_448 = tpu.vector_load %arg6[%get3A_446, %get3A_447] {strides = array<i32>} : memref<128x32xf32, #tpu.memory_space<vmem>>, vector<16xf32>,
      tpu.vector_store_idx %arg8[%add3A_7, %broadcast_in_dim3A_440], %get3A_448 : memref<32x129xf32, #tpu.memory_space<vmem>>[vector<16xi32>, vector<16xi32>], vector<16xf32>,
      %broadcast_in_dim3A_449 = arith.constant 22 : i32
      %broadcast_in_dim3A_450 = vector.broadcast %broadcast_in_dim3A_449 : i32 to vector<16xi32>
      %get3A_451 = arith.constant 22 : i32
      %get3A_452 = arith.index_cast %get3A_451 : i32 to index
      %get3A_453 = arith.constant 0 : index
      %get3A_454 = tpu.vector_load %arg6[%get3A_452, %get3A_453] {strides = array<i32>} : memref<128x32xf32, #tpu.memory_space<vmem>>, vector<16xf32>,
      tpu.vector_store_idx %arg8[%iota3A, %broadcast_in_dim3A_450], %get3A_454 : memref<32x129xf32, #tpu.memory_space<vmem>>[vector<16xi32>, vector<16xi32>], vector<16xf32>,
      %get3A_455 = arith.constant 22 : i32
      %get3A_456 = arith.index_cast %get3A_455 : i32 to index
      %get3A_457 = arith.constant 16 : index
      %get3A_458 = tpu.vector_load %arg6[%get3A_456, %get3A_457] {strides = array<i32>} : memref<128x32xf32, #tpu.memory_space<vmem>>, vector<16xf32>,
      tpu.vector_store_idx %arg8[%add3A_7, %broadcast_in_dim3A_450], %get3A_458 : memref<32x129xf32, #tpu.memory_space<vmem>>[vector<16xi32>, vector<16xi32>], vector<16xf32>,
      %broadcast_in_dim3A_459 = arith.constant 23 : i32
      %broadcast_in_dim3A_460 = vector.broadcast %broadcast_in_dim3A_459 : i32 to vector<16xi32>
      %get3A_461 = arith.constant 23 : i32
      %get3A_462 = arith.index_cast %get3A_461 : i32 to index
      %get3A_463 = arith.constant 0 : index
      %get3A_464 = tpu.vector_load %arg6[%get3A_462, %get3A_463] {strides = array<i32>} : memref<128x32xf32, #tpu.memory_space<vmem>>, vector<16xf32>,
      tpu.vector_store_idx %arg8[%iota3A, %broadcast_in_dim3A_460], %get3A_464 : memref<32x129xf32, #tpu.memory_space<vmem>>[vector<16xi32>, vector<16xi32>], vector<16xf32>,
      %get3A_465 = arith.constant 23 : i32
      %get3A_466 = arith.index_cast %get3A_465 : i32 to index
      %get3A_467 = arith.constant 16 : index
      %get3A_468 = tpu.vector_load %arg6[%get3A_466, %get3A_467] {strides = array<i32>} : memref<128x32xf32, #tpu.memory_space<vmem>>, vector<16xf32>,
      tpu.vector_store_idx %arg8[%add3A_7, %broadcast_in_dim3A_460], %get3A_468 : memref<32x129xf32, #tpu.memory_space<vmem>>[vector<16xi32>, vector<16xi32>], vector<16xf32>,
      %broadcast_in_dim3A_469 = arith.constant 24 : i32
      %broadcast_in_dim3A_470 = vector.broadcast %broadcast_in_dim3A_469 : i32 to vector<16xi32>
      %get3A_471 = arith.constant 24 : i32
      %get3A_472 = arith.index_cast %get3A_471 : i32 to index
      %get3A_473 = arith.constant 0 : index
      %get3A_474 = tpu.vector_load %arg6[%get3A_472, %get3A_473] {strides = array<i32>} : memref<128x32xf32, #tpu.memory_space<vmem>>, vector<16xf32>,
      tpu.vector_store_idx %arg8[%iota3A, %broadcast_in_dim3A_470], %get3A_474 : memref<32x129xf32, #tpu.memory_space<vmem>>[vector<16xi32>, vector<16xi32>], vector<16xf32>,
      %get3A_475 = arith.constant 24 : i32
      %get3A_476 = arith.index_cast %get3A_475 : i32 to index
      %get3A_477 = arith.constant 16 : index
      %get3A_478 = tpu.vector_load %arg6[%get3A_476, %get3A_477] {strides = array<i32>} : memref<128x32xf32, #tpu.memory_space<vmem>>, vector<16xf32>,
      tpu.vector_store_idx %arg8[%add3A_7, %broadcast_in_dim3A_470], %get3A_478 : memref<32x129xf32, #tpu.memory_space<vmem>>[vector<16xi32>, vector<16xi32>], vector<16xf32>,
      %broadcast_in_dim3A_479 = arith.constant 25 : i32
      %broadcast_in_dim3A_480 = vector.broadcast %broadcast_in_dim3A_479 : i32 to vector<16xi32>
      %get3A_481 = arith.constant 25 : i32
      %get3A_482 = arith.index_cast %get3A_481 : i32 to index
      %get3A_483 = arith.constant 0 : index
      %get3A_484 = tpu.vector_load %arg6[%get3A_482, %get3A_483] {strides = array<i32>} : memref<128x32xf32, #tpu.memory_space<vmem>>, vector<16xf32>,
      tpu.vector_store_idx %arg8[%iota3A, %broadcast_in_dim3A_480], %get3A_484 : memref<32x129xf32, #tpu.memory_space<vmem>>[vector<16xi32>, vector<16xi32>], vector<16xf32>,
      %get3A_485 = arith.constant 25 : i32
      %get3A_486 = arith.index_cast %get3A_485 : i32 to index
      %get3A_487 = arith.constant 16 : index
      %get3A_488 = tpu.vector_load %arg6[%get3A_486, %get3A_487] {strides = array<i32>} : memref<128x32xf32, #tpu.memory_space<vmem>>, vector<16xf32>,
      tpu.vector_store_idx %arg8[%add3A_7, %broadcast_in_dim3A_480], %get3A_488 : memref<32x129xf32, #tpu.memory_space<vmem>>[vector<16xi32>, vector<16xi32>], vector<16xf32>,
      %broadcast_in_dim3A_489 = arith.constant 26 : i32
      %broadcast_in_dim3A_490 = vector.broadcast %broadcast_in_dim3A_489 : i32 to vector<16xi32>
      %get3A_491 = arith.constant 26 : i32
      %get3A_492 = arith.index_cast %get3A_491 : i32 to index
      %get3A_493 = arith.constant 0 : index
      %get3A_494 = tpu.vector_load %arg6[%get3A_492, %get3A_493] {strides = array<i32>} : memref<128x32xf32, #tpu.memory_space<vmem>>, vector<16xf32>,
      tpu.vector_store_idx %arg8[%iota3A, %broadcast_in_dim3A_490], %get3A_494 : memref<32x129xf32, #tpu.memory_space<vmem>>[vector<16xi32>, vector<16xi32>], vector<16xf32>,
      %get3A_495 = arith.constant 26 : i32
      %get3A_496 = arith.index_cast %get3A_495 : i32 to index
      %get3A_497 = arith.constant 16 : index
      %get3A_498 = tpu.vector_load %arg6[%get3A_496, %get3A_497] {strides = array<i32>} : memref<128x32xf32, #tpu.memory_space<vmem>>, vector<16xf32>,
      tpu.vector_store_idx %arg8[%add3A_7, %broadcast_in_dim3A_490], %get3A_498 : memref<32x129xf32, #tpu.memory_space<vmem>>[vector<16xi32>, vector<16xi32>], vector<16xf32>,
      %broadcast_in_dim3A_499 = arith.constant 27 : i32
      %broadcast_in_dim3A_500 = vector.broadcast %broadcast_in_dim3A_499 : i32 to vector<16xi32>
      %get3A_501 = arith.constant 27 : i32
      %get3A_502 = arith.index_cast %get3A_501 : i32 to index
      %get3A_503 = arith.constant 0 : index
      %get3A_504 = tpu.vector_load %arg6[%get3A_502, %get3A_503] {strides = array<i32>} : memref<128x32xf32, #tpu.memory_space<vmem>>, vector<16xf32>,
      tpu.vector_store_idx %arg8[%iota3A, %broadcast_in_dim3A_500], %get3A_504 : memref<32x129xf32, #tpu.memory_space<vmem>>[vector<16xi32>, vector<16xi32>], vector<16xf32>,
      %get3A_505 = arith.constant 27 : i32
      %get3A_506 = arith.index_cast %get3A_505 : i32 to index
      %get3A_507 = arith.constant 16 : index
      %get3A_508 = tpu.vector_load %arg6[%get3A_506, %get3A_507] {strides = array<i32>} : memref<128x32xf32, #tpu.memory_space<vmem>>, vector<16xf32>,
      tpu.vector_store_idx %arg8[%add3A_7, %broadcast_in_dim3A_500], %get3A_508 : memref<32x129xf32, #tpu.memory_space<vmem>>[vector<16xi32>, vector<16xi32>], vector<16xf32>,
      %broadcast_in_dim3A_509 = arith.constant 28 : i32
      %broadcast_in_dim3A_510 = vector.broadcast %broadcast_in_dim3A_509 : i32 to vector<16xi32>
      %get3A_511 = arith.constant 28 : i32
      %get3A_512 = arith.index_cast %get3A_511 : i32 to index
      %get3A_513 = arith.constant 0 : index
      %get3A_514 = tpu.vector_load %arg6[%get3A_512, %get3A_513] {strides = array<i32>} : memref<128x32xf32, #tpu.memory_space<vmem>>, vector<16xf32>,
      tpu.vector_store_idx %arg8[%iota3A, %broadcast_in_dim3A_510], %get3A_514 : memref<32x129xf32, #tpu.memory_space<vmem>>[vector<16xi32>, vector<16xi32>], vector<16xf32>,
      %get3A_515 = arith.constant 28 : i32
      %get3A_516 = arith.index_cast %get3A_515 : i32 to index
      %get3A_517 = arith.constant 16 : index
      %get3A_518 = tpu.vector_load %arg6[%get3A_516, %get3A_517] {strides = array<i32>} : memref<128x32xf32, #tpu.memory_space<vmem>>, vector<16xf32>,
      tpu.vector_store_idx %arg8[%add3A_7, %broadcast_in_dim3A_510], %get3A_518 : memref<32x129xf32, #tpu.memory_space<vmem>>[vector<16xi32>, vector<16xi32>], vector<16xf32>,
      %broadcast_in_dim3A_519 = arith.constant 29 : i32
      %broadcast_in_dim3A_520 = vector.broadcast %broadcast_in_dim3A_519 : i32 to vector<16xi32>
      %get3A_521 = arith.constant 29 : i32
      %get3A_522 = arith.index_cast %get3A_521 : i32 to index
      %get3A_523 = arith.constant 0 : index
      %get3A_524 = tpu.vector_load %arg6[%get3A_522, %get3A_523] {strides = array<i32>} : memref<128x32xf32, #tpu.memory_space<vmem>>, vector<16xf32>,
      tpu.vector_store_idx %arg8[%iota3A, %broadcast_in_dim3A_520], %get3A_524 : memref<32x129xf32, #tpu.memory_space<vmem>>[vector<16xi32>, vector<16xi32>], vector<16xf32>,
      %get3A_525 = arith.constant 29 : i32
      %get3A_526 = arith.index_cast %get3A_525 : i32 to index
      %get3A_527 = arith.constant 16 : index
      %get3A_528 = tpu.vector_load %arg6[%get3A_526, %get3A_527] {strides = array<i32>} : memref<128x32xf32, #tpu.memory_space<vmem>>, vector<16xf32>,
      tpu.vector_store_idx %arg8[%add3A_7, %broadcast_in_dim3A_520], %get3A_528 : memref<32x129xf32, #tpu.memory_space<vmem>>[vector<16xi32>, vector<16xi32>], vector<16xf32>,
      %broadcast_in_dim3A_529 = arith.constant 30 : i32
      %broadcast_in_dim3A_530 = vector.broadcast %broadcast_in_dim3A_529 : i32 to vector<16xi32>
      %get3A_531 = arith.constant 30 : i32
      %get3A_532 = arith.index_cast %get3A_531 : i32 to index
      %get3A_533 = arith.constant 0 : index
      %get3A_534 = tpu.vector_load %arg6[%get3A_532, %get3A_533] {strides = array<i32>} : memref<128x32xf32, #tpu.memory_space<vmem>>, vector<16xf32>,
      tpu.vector_store_idx %arg8[%iota3A, %broadcast_in_dim3A_530], %get3A_534 : memref<32x129xf32, #tpu.memory_space<vmem>>[vector<16xi32>, vector<16xi32>], vector<16xf32>,
      %get3A_535 = arith.constant 30 : i32
      %get3A_536 = arith.index_cast %get3A_535 : i32 to index
      %get3A_537 = arith.constant 16 : index
      %get3A_538 = tpu.vector_load %arg6[%get3A_536, %get3A_537] {strides = array<i32>} : memref<128x32xf32, #tpu.memory_space<vmem>>, vector<16xf32>,
      tpu.vector_store_idx %arg8[%add3A_7, %broadcast_in_dim3A_530], %get3A_538 : memref<32x129xf32, #tpu.memory_space<vmem>>[vector<16xi32>, vector<16xi32>], vector<16xf32>,
      %broadcast_in_dim3A_539 = arith.constant 31 : i32
      %broadcast_in_dim3A_540 = vector.broadcast %broadcast_in_dim3A_539 : i32 to vector<16xi32>
      %get3A_541 = arith.constant 31 : i32
      %get3A_542 = arith.index_cast %get3A_541 : i32 to index
      %get3A_543 = arith.constant 0 : index
      %get3A_544 = tpu.vector_load %arg6[%get3A_542, %get3A_543] {strides = array<i32>} : memref<128x32xf32, #tpu.memory_space<vmem>>, vector<16xf32>,
      tpu.vector_store_idx %arg8[%iota3A, %broadcast_in_dim3A_540], %get3A_544 : memref<32x129xf32, #tpu.memory_space<vmem>>[vector<16xi32>, vector<16xi32>], vector<16xf32>,
      %get3A_545 = arith.constant 31 : i32
      %get3A_546 = arith.index_cast %get3A_545 : i32 to index
      %get3A_547 = arith.constant 16 : index
      %get3A_548 = tpu.vector_load %arg6[%get3A_546, %get3A_547] {strides = array<i32>} : memref<128x32xf32, #tpu.memory_space<vmem>>, vector<16xf32>,
      tpu.vector_store_idx %arg8[%add3A_7, %broadcast_in_dim3A_540], %get3A_548 : memref<32x129xf32, #tpu.memory_space<vmem>>[vector<16xi32>, vector<16xi32>], vector<16xf32>,
      %broadcast_in_dim3A_549 = arith.constant 32 : i32
      %broadcast_in_dim3A_550 = vector.broadcast %broadcast_in_dim3A_549 : i32 to vector<16xi32>
      %get3A_551 = arith.constant 32 : i32
      %get3A_552 = arith.index_cast %get3A_551 : i32 to index
      %get3A_553 = arith.constant 0 : index
      %get3A_554 = tpu.vector_load %arg6[%get3A_552, %get3A_553] {strides = array<i32>} : memref<128x32xf32, #tpu.memory_space<vmem>>, vector<16xf32>,
      tpu.vector_store_idx %arg8[%iota3A, %broadcast_in_dim3A_550], %get3A_554 : memref<32x129xf32, #tpu.memory_space<vmem>>[vector<16xi32>, vector<16xi32>], vector<16xf32>,
      %get3A_555 = arith.constant 32 : i32
      %get3A_556 = arith.index_cast %get3A_555 : i32 to index
      %get3A_557 = arith.constant 16 : index
      %get3A_558 = tpu.vector_load %arg6[%get3A_556, %get3A_557] {strides = array<i32>} : memref<128x32xf32, #tpu.memory_space<vmem>>, vector<16xf32>,
      tpu.vector_store_idx %arg8[%add3A_7, %broadcast_in_dim3A_550], %get3A_558 : memref<32x129xf32, #tpu.memory_space<vmem>>[vector<16xi32>, vector<16xi32>], vector<16xf32>,
      %broadcast_in_dim3A_559 = arith.constant 33 : i32
      %broadcast_in_dim3A_560 = vector.broadcast %broadcast_in_dim3A_559 : i32 to vector<16xi32>
      %get3A_561 = arith.constant 33 : i32
      %get3A_562 = arith.index_cast %get3A_561 : i32 to index
      %get3A_563 = arith.constant 0 : index
      %get3A_564 = tpu.vector_load %arg6[%get3A_562, %get3A_563] {strides = array<i32>} : memref<128x32xf32, #tpu.memory_space<vmem>>, vector<16xf32>,
      tpu.vector_store_idx %arg8[%iota3A, %broadcast_in_dim3A_560], %get3A_564 : memref<32x129xf32, #tpu.memory_space<vmem>>[vector<16xi32>, vector<16xi32>], vector<16xf32>,
      %get3A_565 = arith.constant 33 : i32
      %get3A_566 = arith.index_cast %get3A_565 : i32 to index
      %get3A_567 = arith.constant 16 : index
      %get3A_568 = tpu.vector_load %arg6[%get3A_566, %get3A_567] {strides = array<i32>} : memref<128x32xf32, #tpu.memory_space<vmem>>, vector<16xf32>,
      tpu.vector_store_idx %arg8[%add3A_7, %broadcast_in_dim3A_560], %get3A_568 : memref<32x129xf32, #tpu.memory_space<vmem>>[vector<16xi32>, vector<16xi32>], vector<16xf32>,
      %broadcast_in_dim3A_569 = arith.constant 34 : i32
      %broadcast_in_dim3A_570 = vector.broadcast %broadcast_in_dim3A_569 : i32 to vector<16xi32>
      %get3A_571 = arith.constant 34 : i32
      %get3A_572 = arith.index_cast %get3A_571 : i32 to index
      %get3A_573 = arith.constant 0 : index
      %get3A_574 = tpu.vector_load %arg6[%get3A_572, %get3A_573] {strides = array<i32>} : memref<128x32xf32, #tpu.memory_space<vmem>>, vector<16xf32>,
      tpu.vector_store_idx %arg8[%iota3A, %broadcast_in_dim3A_570], %get3A_574 : memref<32x129xf32, #tpu.memory_space<vmem>>[vector<16xi32>, vector<16xi32>], vector<16xf32>,
      %get3A_575 = arith.constant 34 : i32
      %get3A_576 = arith.index_cast %get3A_575 : i32 to index
      %get3A_577 = arith.constant 16 : index
      %get3A_578 = tpu.vector_load %arg6[%get3A_576, %get3A_577] {strides = array<i32>} : memref<128x32xf32, #tpu.memory_space<vmem>>, vector<16xf32>,
      tpu.vector_store_idx %arg8[%add3A_7, %broadcast_in_dim3A_570], %get3A_578 : memref<32x129xf32, #tpu.memory_space<vmem>>[vector<16xi32>, vector<16xi32>], vector<16xf32>,
      %broadcast_in_dim3A_579 = arith.constant 35 : i32
      %broadcast_in_dim3A_580 = vector.broadcast %broadcast_in_dim3A_579 : i32 to vector<16xi32>
      %get3A_581 = arith.constant 35 : i32
      %get3A_582 = arith.index_cast %get3A_581 : i32 to index
      %get3A_583 = arith.constant 0 : index
      %get3A_584 = tpu.vector_load %arg6[%get3A_582, %get3A_583] {strides = array<i32>} : memref<128x32xf32, #tpu.memory_space<vmem>>, vector<16xf32>,
      tpu.vector_store_idx %arg8[%iota3A, %broadcast_in_dim3A_580], %get3A_584 : memref<32x129xf32, #tpu.memory_space<vmem>>[vector<16xi32>, vector<16xi32>], vector<16xf32>,
      %get3A_585 = arith.constant 35 : i32
      %get3A_586 = arith.index_cast %get3A_585 : i32 to index
      %get3A_587 = arith.constant 16 : index
      %get3A_588 = tpu.vector_load %arg6[%get3A_586, %get3A_587] {strides = array<i32>} : memref<128x32xf32, #tpu.memory_space<vmem>>, vector<16xf32>,
      tpu.vector_store_idx %arg8[%add3A_7, %broadcast_in_dim3A_580], %get3A_588 : memref<32x129xf32, #tpu.memory_space<vmem>>[vector<16xi32>, vector<16xi32>], vector<16xf32>,
      %broadcast_in_dim3A_589 = arith.constant 36 : i32
      %broadcast_in_dim3A_590 = vector.broadcast %broadcast_in_dim3A_589 : i32 to vector<16xi32>
      %get3A_591 = arith.constant 36 : i32
      %get3A_592 = arith.index_cast %get3A_591 : i32 to index
      %get3A_593 = arith.constant 0 : index
      %get3A_594 = tpu.vector_load %arg6[%get3A_592, %get3A_593] {strides = array<i32>} : memref<128x32xf32, #tpu.memory_space<vmem>>, vector<16xf32>,
      tpu.vector_store_idx %arg8[%iota3A, %broadcast_in_dim3A_590], %get3A_594 : memref<32x129xf32, #tpu.memory_space<vmem>>[vector<16xi32>, vector<16xi32>], vector<16xf32>,
      %get3A_595 = arith.constant 36 : i32
      %get3A_596 = arith.index_cast %get3A_595 : i32 to index
      %get3A_597 = arith.constant 16 : index
      %get3A_598 = tpu.vector_load %arg6[%get3A_596, %get3A_597] {strides = array<i32>} : memref<128x32xf32, #tpu.memory_space<vmem>>, vector<16xf32>,
      tpu.vector_store_idx %arg8[%add3A_7, %broadcast_in_dim3A_590], %get3A_598 : memref<32x129xf32, #tpu.memory_space<vmem>>[vector<16xi32>, vector<16xi32>], vector<16xf32>,
      %broadcast_in_dim3A_599 = arith.constant 37 : i32
      %broadcast_in_dim3A_600 = vector.broadcast %broadcast_in_dim3A_599 : i32 to vector<16xi32>
      %get3A_601 = arith.constant 37 : i32
      %get3A_602 = arith.index_cast %get3A_601 : i32 to index
      %get3A_603 = arith.constant 0 : index
      %get3A_604 = tpu.vector_load %arg6[%get3A_602, %get3A_603] {strides = array<i32>} : memref<128x32xf32, #tpu.memory_space<vmem>>, vector<16xf32>,
      tpu.vector_store_idx %arg8[%iota3A, %broadcast_in_dim3A_600], %get3A_604 : memref<32x129xf32, #tpu.memory_space<vmem>>[vector<16xi32>, vector<16xi32>], vector<16xf32>,
      %get3A_605 = arith.constant 37 : i32
      %get3A_606 = arith.index_cast %get3A_605 : i32 to index
      %get3A_607 = arith.constant 16 : index
      %get3A_608 = tpu.vector_load %arg6[%get3A_606, %get3A_607] {strides = array<i32>} : memref<128x32xf32, #tpu.memory_space<vmem>>, vector<16xf32>,
      tpu.vector_store_idx %arg8[%add3A_7, %broadcast_in_dim3A_600], %get3A_608 : memref<32x129xf32, #tpu.memory_space<vmem>>[vector<16xi32>, vector<16xi32>], vector<16xf32>,
      %broadcast_in_dim3A_609 = arith.constant 38 : i32
      %broadcast_in_dim3A_610 = vector.broadcast %broadcast_in_dim3A_609 : i32 to vector<16xi32>
      %get3A_611 = arith.constant 38 : i32
      %get3A_612 = arith.index_cast %get3A_611 : i32 to index
      %get3A_613 = arith.constant 0 : index
      %get3A_614 = tpu.vector_load %arg6[%get3A_612, %get3A_613] {strides = array<i32>} : memref<128x32xf32, #tpu.memory_space<vmem>>, vector<16xf32>,
      tpu.vector_store_idx %arg8[%iota3A, %broadcast_in_dim3A_610], %get3A_614 : memref<32x129xf32, #tpu.memory_space<vmem>>[vector<16xi32>, vector<16xi32>], vector<16xf32>,
      %get3A_615 = arith.constant 38 : i32
      %get3A_616 = arith.index_cast %get3A_615 : i32 to index
      %get3A_617 = arith.constant 16 : index
      %get3A_618 = tpu.vector_load %arg6[%get3A_616, %get3A_617] {strides = array<i32>} : memref<128x32xf32, #tpu.memory_space<vmem>>, vector<16xf32>,
      tpu.vector_store_idx %arg8[%add3A_7, %broadcast_in_dim3A_610], %get3A_618 : memref<32x129xf32, #tpu.memory_space<vmem>>[vector<16xi32>, vector<16xi32>], vector<16xf32>,
      %broadcast_in_dim3A_619 = arith.constant 39 : i32
      %broadcast_in_dim3A_620 = vector.broadcast %broadcast_in_dim3A_619 : i32 to vector<16xi32>
      %get3A_621 = arith.constant 39 : i32
      %get3A_622 = arith.index_cast %get3A_621 : i32 to index
      %get3A_623 = arith.constant 0 : index
      %get3A_624 = tpu.vector_load %arg6[%get3A_622, %get3A_623] {strides = array<i32>} : memref<128x32xf32, #tpu.memory_space<vmem>>, vector<16xf32>,
      tpu.vector_store_idx %arg8[%iota3A, %broadcast_in_dim3A_620], %get3A_624 : memref<32x129xf32, #tpu.memory_space<vmem>>[vector<16xi32>, vector<16xi32>], vector<16xf32>,
      %get3A_625 = arith.constant 39 : i32
      %get3A_626 = arith.index_cast %get3A_625 : i32 to index
      %get3A_627 = arith.constant 16 : index
      %get3A_628 = tpu.vector_load %arg6[%get3A_626, %get3A_627] {strides = array<i32>} : memref<128x32xf32, #tpu.memory_space<vmem>>, vector<16xf32>,
      tpu.vector_store_idx %arg8[%add3A_7, %broadcast_in_dim3A_620], %get3A_628 : memref<32x129xf32, #tpu.memory_space<vmem>>[vector<16xi32>, vector<16xi32>], vector<16xf32>,
      %broadcast_in_dim3A_629 = arith.constant 40 : i32
      %broadcast_in_dim3A_630 = vector.broadcast %broadcast_in_dim3A_629 : i32 to vector<16xi32>
      %get3A_631 = arith.constant 40 : i32
      %get3A_632 = arith.index_cast %get3A_631 : i32 to index
      %get3A_633 = arith.constant 0 : index
      %get3A_634 = tpu.vector_load %arg6[%get3A_632, %get3A_633] {strides = array<i32>} : memref<128x32xf32, #tpu.memory_space<vmem>>, vector<16xf32>,
      tpu.vector_store_idx %arg8[%iota3A, %broadcast_in_dim3A_630], %get3A_634 : memref<32x129xf32, #tpu.memory_space<vmem>>[vector<16xi32>, vector<16xi32>], vector<16xf32>,
      %get3A_635 = arith.constant 40 : i32
      %get3A_636 = arith.index_cast %get3A_635 : i32 to index
      %get3A_637 = arith.constant 16 : index
      %get3A_638 = tpu.vector_load %arg6[%get3A_636, %get3A_637] {strides = array<i32>} : memref<128x32xf32, #tpu.memory_space<vmem>>, vector<16xf32>,
      tpu.vector_store_idx %arg8[%add3A_7, %broadcast_in_dim3A_630], %get3A_638 : memref<32x129xf32, #tpu.memory_space<vmem>>[vector<16xi32>, vector<16xi32>], vector<16xf32>,
      %broadcast_in_dim3A_639 = arith.constant 41 : i32
      %broadcast_in_dim3A_640 = vector.broadcast %broadcast_in_dim3A_639 : i32 to vector<16xi32>
      %get3A_641 = arith.constant 41 : i32
      %get3A_642 = arith.index_cast %get3A_641 : i32 to index
      %get3A_643 = arith.constant 0 : index
      %get3A_644 = tpu.vector_load %arg6[%get3A_642, %get3A_643] {strides = array<i32>} : memref<128x32xf32, #tpu.memory_space<vmem>>, vector<16xf32>,
      tpu.vector_store_idx %arg8[%iota3A, %broadcast_in_dim3A_640], %get3A_644 : memref<32x129xf32, #tpu.memory_space<vmem>>[vector<16xi32>, vector<16xi32>], vector<16xf32>,
      %get3A_645 = arith.constant 41 : i32
      %get3A_646 = arith.index_cast %get3A_645 : i32 to index
      %get3A_647 = arith.constant 16 : index
      %get3A_648 = tpu.vector_load %arg6[%get3A_646, %get3A_647] {strides = array<i32>} : memref<128x32xf32, #tpu.memory_space<vmem>>, vector<16xf32>,
      tpu.vector_store_idx %arg8[%add3A_7, %broadcast_in_dim3A_640], %get3A_648 : memref<32x129xf32, #tpu.memory_space<vmem>>[vector<16xi32>, vector<16xi32>], vector<16xf32>,
      %broadcast_in_dim3A_649 = arith.constant 42 : i32
      %broadcast_in_dim3A_650 = vector.broadcast %broadcast_in_dim3A_649 : i32 to vector<16xi32>
      %get3A_651 = arith.constant 42 : i32
      %get3A_652 = arith.index_cast %get3A_651 : i32 to index
      %get3A_653 = arith.constant 0 : index
      %get3A_654 = tpu.vector_load %arg6[%get3A_652, %get3A_653] {strides = array<i32>} : memref<128x32xf32, #tpu.memory_space<vmem>>, vector<16xf32>,
      tpu.vector_store_idx %arg8[%iota3A, %broadcast_in_dim3A_650], %get3A_654 : memref<32x129xf32, #tpu.memory_space<vmem>>[vector<16xi32>, vector<16xi32>], vector<16xf32>,
      %get3A_655 = arith.constant 42 : i32
      %get3A_656 = arith.index_cast %get3A_655 : i32 to index
      %get3A_657 = arith.constant 16 : index
      %get3A_658 = tpu.vector_load %arg6[%get3A_656, %get3A_657] {strides = array<i32>} : memref<128x32xf32, #tpu.memory_space<vmem>>, vector<16xf32>,
      tpu.vector_store_idx %arg8[%add3A_7, %broadcast_in_dim3A_650], %get3A_658 : memref<32x129xf32, #tpu.memory_space<vmem>>[vector<16xi32>, vector<16xi32>], vector<16xf32>,
      %broadcast_in_dim3A_659 = arith.constant 43 : i32
      %broadcast_in_dim3A_660 = vector.broadcast %broadcast_in_dim3A_659 : i32 to vector<16xi32>
      %get3A_661 = arith.constant 43 : i32
      %get3A_662 = arith.index_cast %get3A_661 : i32 to index
      %get3A_663 = arith.constant 0 : index
      %get3A_664 = tpu.vector_load %arg6[%get3A_662, %get3A_663] {strides = array<i32>} : memref<128x32xf32, #tpu.memory_space<vmem>>, vector<16xf32>,
      tpu.vector_store_idx %arg8[%iota3A, %broadcast_in_dim3A_660], %get3A_664 : memref<32x129xf32, #tpu.memory_space<vmem>>[vector<16xi32>, vector<16xi32>], vector<16xf32>,
      %get3A_665 = arith.constant 43 : i32
      %get3A_666 = arith.index_cast %get3A_665 : i32 to index
      %get3A_667 = arith.constant 16 : index
      %get3A_668 = tpu.vector_load %arg6[%get3A_666, %get3A_667] {strides = array<i32>} : memref<128x32xf32, #tpu.memory_space<vmem>>, vector<16xf32>,
      tpu.vector_store_idx %arg8[%add3A_7, %broadcast_in_dim3A_660], %get3A_668 : memref<32x129xf32, #tpu.memory_space<vmem>>[vector<16xi32>, vector<16xi32>], vector<16xf32>,
      %broadcast_in_dim3A_669 = arith.constant 44 : i32
      %broadcast_in_dim3A_670 = vector.broadcast %broadcast_in_dim3A_669 : i32 to vector<16xi32>
      %get3A_671 = arith.constant 44 : i32
      %get3A_672 = arith.index_cast %get3A_671 : i32 to index
      %get3A_673 = arith.constant 0 : index
      %get3A_674 = tpu.vector_load %arg6[%get3A_672, %get3A_673] {strides = array<i32>} : memref<128x32xf32, #tpu.memory_space<vmem>>, vector<16xf32>,
      tpu.vector_store_idx %arg8[%iota3A, %broadcast_in_dim3A_670], %get3A_674 : memref<32x129xf32, #tpu.memory_space<vmem>>[vector<16xi32>, vector<16xi32>], vector<16xf32>,
      %get3A_675 = arith.constant 44 : i32
      %get3A_676 = arith.index_cast %get3A_675 : i32 to index
      %get3A_677 = arith.constant 16 : index
      %get3A_678 = tpu.vector_load %arg6[%get3A_676, %get3A_677] {strides = array<i32>} : memref<128x32xf32, #tpu.memory_space<vmem>>, vector<16xf32>,
      tpu.vector_store_idx %arg8[%add3A_7, %broadcast_in_dim3A_670], %get3A_678 : memref<32x129xf32, #tpu.memory_space<vmem>>[vector<16xi32>, vector<16xi32>], vector<16xf32>,
      %broadcast_in_dim3A_679 = arith.constant 45 : i32
      %broadcast_in_dim3A_680 = vector.broadcast %broadcast_in_dim3A_679 : i32 to vector<16xi32>
      %get3A_681 = arith.constant 45 : i32
      %get3A_682 = arith.index_cast %get3A_681 : i32 to index
      %get3A_683 = arith.constant 0 : index
      %get3A_684 = tpu.vector_load %arg6[%get3A_682, %get3A_683] {strides = array<i32>} : memref<128x32xf32, #tpu.memory_space<vmem>>, vector<16xf32>,
      tpu.vector_store_idx %arg8[%iota3A, %broadcast_in_dim3A_680], %get3A_684 : memref<32x129xf32, #tpu.memory_space<vmem>>[vector<16xi32>, vector<16xi32>], vector<16xf32>,
      %get3A_685 = arith.constant 45 : i32
      %get3A_686 = arith.index_cast %get3A_685 : i32 to index
      %get3A_687 = arith.constant 16 : index
      %get3A_688 = tpu.vector_load %arg6[%get3A_686, %get3A_687] {strides = array<i32>} : memref<128x32xf32, #tpu.memory_space<vmem>>, vector<16xf32>,
      tpu.vector_store_idx %arg8[%add3A_7, %broadcast_in_dim3A_680], %get3A_688 : memref<32x129xf32, #tpu.memory_space<vmem>>[vector<16xi32>, vector<16xi32>], vector<16xf32>,
      %broadcast_in_dim3A_689 = arith.constant 46 : i32
      %broadcast_in_dim3A_690 = vector.broadcast %broadcast_in_dim3A_689 : i32 to vector<16xi32>
      %get3A_691 = arith.constant 46 : i32
      %get3A_692 = arith.index_cast %get3A_691 : i32 to index
      %get3A_693 = arith.constant 0 : index
      %get3A_694 = tpu.vector_load %arg6[%get3A_692, %get3A_693] {strides = array<i32>} : memref<128x32xf32, #tpu.memory_space<vmem>>, vector<16xf32>,
      tpu.vector_store_idx %arg8[%iota3A, %broadcast_in_dim3A_690], %get3A_694 : memref<32x129xf32, #tpu.memory_space<vmem>>[vector<16xi32>, vector<16xi32>], vector<16xf32>,
      %get3A_695 = arith.constant 46 : i32
      %get3A_696 = arith.index_cast %get3A_695 : i32 to index
      %get3A_697 = arith.constant 16 : index
      %get3A_698 = tpu.vector_load %arg6[%get3A_696, %get3A_697] {strides = array<i32>} : memref<128x32xf32, #tpu.memory_space<vmem>>, vector<16xf32>,
      tpu.vector_store_idx %arg8[%add3A_7, %broadcast_in_dim3A_690], %get3A_698 : memref<32x129xf32, #tpu.memory_space<vmem>>[vector<16xi32>, vector<16xi32>], vector<16xf32>,
      %broadcast_in_dim3A_699 = arith.constant 47 : i32
      %broadcast_in_dim3A_700 = vector.broadcast %broadcast_in_dim3A_699 : i32 to vector<16xi32>
      %get3A_701 = arith.constant 47 : i32
      %get3A_702 = arith.index_cast %get3A_701 : i32 to index
      %get3A_703 = arith.constant 0 : index
      %get3A_704 = tpu.vector_load %arg6[%get3A_702, %get3A_703] {strides = array<i32>} : memref<128x32xf32, #tpu.memory_space<vmem>>, vector<16xf32>,
      tpu.vector_store_idx %arg8[%iota3A, %broadcast_in_dim3A_700], %get3A_704 : memref<32x129xf32, #tpu.memory_space<vmem>>[vector<16xi32>, vector<16xi32>], vector<16xf32>,
      %get3A_705 = arith.constant 47 : i32
      %get3A_706 = arith.index_cast %get3A_705 : i32 to index
      %get3A_707 = arith.constant 16 : index
      %get3A_708 = tpu.vector_load %arg6[%get3A_706, %get3A_707] {strides = array<i32>} : memref<128x32xf32, #tpu.memory_space<vmem>>, vector<16xf32>,
      tpu.vector_store_idx %arg8[%add3A_7, %broadcast_in_dim3A_700], %get3A_708 : memref<32x129xf32, #tpu.memory_space<vmem>>[vector<16xi32>, vector<16xi32>], vector<16xf32>,
      %broadcast_in_dim3A_709 = arith.constant 48 : i32
      %broadcast_in_dim3A_710 = vector.broadcast %broadcast_in_dim3A_709 : i32 to vector<16xi32>
      %get3A_711 = arith.constant 48 : i32
      %get3A_712 = arith.index_cast %get3A_711 : i32 to index
      %get3A_713 = arith.constant 0 : index
      %get3A_714 = tpu.vector_load %arg6[%get3A_712, %get3A_713] {strides = array<i32>} : memref<128x32xf32, #tpu.memory_space<vmem>>, vector<16xf32>,
      tpu.vector_store_idx %arg8[%iota3A, %broadcast_in_dim3A_710], %get3A_714 : memref<32x129xf32, #tpu.memory_space<vmem>>[vector<16xi32>, vector<16xi32>], vector<16xf32>,
      %get3A_715 = arith.constant 48 : i32
      %get3A_716 = arith.index_cast %get3A_715 : i32 to index
      %get3A_717 = arith.constant 16 : index
      %get3A_718 = tpu.vector_load %arg6[%get3A_716, %get3A_717] {strides = array<i32>} : memref<128x32xf32, #tpu.memory_space<vmem>>, vector<16xf32>,
      tpu.vector_store_idx %arg8[%add3A_7, %broadcast_in_dim3A_710], %get3A_718 : memref<32x129xf32, #tpu.memory_space<vmem>>[vector<16xi32>, vector<16xi32>], vector<16xf32>,
      %broadcast_in_dim3A_719 = arith.constant 49 : i32
      %broadcast_in_dim3A_720 = vector.broadcast %broadcast_in_dim3A_719 : i32 to vector<16xi32>
      %get3A_721 = arith.constant 49 : i32
      %get3A_722 = arith.index_cast %get3A_721 : i32 to index
      %get3A_723 = arith.constant 0 : index
      %get3A_724 = tpu.vector_load %arg6[%get3A_722, %get3A_723] {strides = array<i32>} : memref<128x32xf32, #tpu.memory_space<vmem>>, vector<16xf32>,
      tpu.vector_store_idx %arg8[%iota3A, %broadcast_in_dim3A_720], %get3A_724 : memref<32x129xf32, #tpu.memory_space<vmem>>[vector<16xi32>, vector<16xi32>], vector<16xf32>,
      %get3A_725 = arith.constant 49 : i32
      %get3A_726 = arith.index_cast %get3A_725 : i32 to index
      %get3A_727 = arith.constant 16 : index
      %get3A_728 = tpu.vector_load %arg6[%get3A_726, %get3A_727] {strides = array<i32>} : memref<128x32xf32, #tpu.memory_space<vmem>>, vector<16xf32>,
      tpu.vector_store_idx %arg8[%add3A_7, %broadcast_in_dim3A_720], %get3A_728 : memref<32x129xf32, #tpu.memory_space<vmem>>[vector<16xi32>, vector<16xi32>], vector<16xf32>,
      %broadcast_in_dim3A_729 = arith.constant 50 : i32
      %broadcast_in_dim3A_730 = vector.broadcast %broadcast_in_dim3A_729 : i32 to vector<16xi32>
      %get3A_731 = arith.constant 50 : i32
      %get3A_732 = arith.index_cast %get3A_731 : i32 to index
      %get3A_733 = arith.constant 0 : index
      %get3A_734 = tpu.vector_load %arg6[%get3A_732, %get3A_733] {strides = array<i32>} : memref<128x32xf32, #tpu.memory_space<vmem>>, vector<16xf32>,
      tpu.vector_store_idx %arg8[%iota3A, %broadcast_in_dim3A_730], %get3A_734 : memref<32x129xf32, #tpu.memory_space<vmem>>[vector<16xi32>, vector<16xi32>], vector<16xf32>,
      %get3A_735 = arith.constant 50 : i32
      %get3A_736 = arith.index_cast %get3A_735 : i32 to index
      %get3A_737 = arith.constant 16 : index
      %get3A_738 = tpu.vector_load %arg6[%get3A_736, %get3A_737] {strides = array<i32>} : memref<128x32xf32, #tpu.memory_space<vmem>>, vector<16xf32>,
      tpu.vector_store_idx %arg8[%add3A_7, %broadcast_in_dim3A_730], %get3A_738 : memref<32x129xf32, #tpu.memory_space<vmem>>[vector<16xi32>, vector<16xi32>], vector<16xf32>,
      %broadcast_in_dim3A_739 = arith.constant 51 : i32
      %broadcast_in_dim3A_740 = vector.broadcast %broadcast_in_dim3A_739 : i32 to vector<16xi32>
      %get3A_741 = arith.constant 51 : i32
      %get3A_742 = arith.index_cast %get3A_741 : i32 to index
      %get3A_743 = arith.constant 0 : index
      %get3A_744 = tpu.vector_load %arg6[%get3A_742, %get3A_743] {strides = array<i32>} : memref<128x32xf32, #tpu.memory_space<vmem>>, vector<16xf32>,
      tpu.vector_store_idx %arg8[%iota3A, %broadcast_in_dim3A_740], %get3A_744 : memref<32x129xf32, #tpu.memory_space<vmem>>[vector<16xi32>, vector<16xi32>], vector<16xf32>,
      %get3A_745 = arith.constant 51 : i32
      %get3A_746 = arith.index_cast %get3A_745 : i32 to index
      %get3A_747 = arith.constant 16 : index
      %get3A_748 = tpu.vector_load %arg6[%get3A_746, %get3A_747] {strides = array<i32>} : memref<128x32xf32, #tpu.memory_space<vmem>>, vector<16xf32>,
      tpu.vector_store_idx %arg8[%add3A_7, %broadcast_in_dim3A_740], %get3A_748 : memref<32x129xf32, #tpu.memory_space<vmem>>[vector<16xi32>, vector<16xi32>], vector<16xf32>,
      %broadcast_in_dim3A_749 = arith.constant 52 : i32
      %broadcast_in_dim3A_750 = vector.broadcast %broadcast_in_dim3A_749 : i32 to vector<16xi32>
      %get3A_751 = arith.constant 52 : i32
      %get3A_752 = arith.index_cast %get3A_751 : i32 to index
      %get3A_753 = arith.constant 0 : index
      %get3A_754 = tpu.vector_load %arg6[%get3A_752, %get3A_753] {strides = array<i32>} : memref<128x32xf32, #tpu.memory_space<vmem>>, vector<16xf32>,
      tpu.vector_store_idx %arg8[%iota3A, %broadcast_in_dim3A_750], %get3A_754 : memref<32x129xf32, #tpu.memory_space<vmem>>[vector<16xi32>, vector<16xi32>], vector<16xf32>,
      %get3A_755 = arith.constant 52 : i32
      %get3A_756 = arith.index_cast %get3A_755 : i32 to index
      %get3A_757 = arith.constant 16 : index
      %get3A_758 = tpu.vector_load %arg6[%get3A_756, %get3A_757] {strides = array<i32>} : memref<128x32xf32, #tpu.memory_space<vmem>>, vector<16xf32>,
      tpu.vector_store_idx %arg8[%add3A_7, %broadcast_in_dim3A_750], %get3A_758 : memref<32x129xf32, #tpu.memory_space<vmem>>[vector<16xi32>, vector<16xi32>], vector<16xf32>,
      %broadcast_in_dim3A_759 = arith.constant 53 : i32
      %broadcast_in_dim3A_760 = vector.broadcast %broadcast_in_dim3A_759 : i32 to vector<16xi32>
      %get3A_761 = arith.constant 53 : i32
      %get3A_762 = arith.index_cast %get3A_761 : i32 to index
      %get3A_763 = arith.constant 0 : index
      %get3A_764 = tpu.vector_load %arg6[%get3A_762, %get3A_763] {strides = array<i32>} : memref<128x32xf32, #tpu.memory_space<vmem>>, vector<16xf32>,
      tpu.vector_store_idx %arg8[%iota3A, %broadcast_in_dim3A_760], %get3A_764 : memref<32x129xf32, #tpu.memory_space<vmem>>[vector<16xi32>, vector<16xi32>], vector<16xf32>,
      %get3A_765 = arith.constant 53 : i32
      %get3A_766 = arith.index_cast %get3A_765 : i32 to index
      %get3A_767 = arith.constant 16 : index
      %get3A_768 = tpu.vector_load %arg6[%get3A_766, %get3A_767] {strides = array<i32>} : memref<128x32xf32, #tpu.memory_space<vmem>>, vector<16xf32>,
      tpu.vector_store_idx %arg8[%add3A_7, %broadcast_in_dim3A_760], %get3A_768 : memref<32x129xf32, #tpu.memory_space<vmem>>[vector<16xi32>, vector<16xi32>], vector<16xf32>,
      %broadcast_in_dim3A_769 = arith.constant 54 : i32
      %broadcast_in_dim3A_770 = vector.broadcast %broadcast_in_dim3A_769 : i32 to vector<16xi32>
      %get3A_771 = arith.constant 54 : i32
      %get3A_772 = arith.index_cast %get3A_771 : i32 to index
      %get3A_773 = arith.constant 0 : index
      %get3A_774 = tpu.vector_load %arg6[%get3A_772, %get3A_773] {strides = array<i32>} : memref<128x32xf32, #tpu.memory_space<vmem>>, vector<16xf32>,
      tpu.vector_store_idx %arg8[%iota3A, %broadcast_in_dim3A_770], %get3A_774 : memref<32x129xf32, #tpu.memory_space<vmem>>[vector<16xi32>, vector<16xi32>], vector<16xf32>,
      %get3A_775 = arith.constant 54 : i32
      %get3A_776 = arith.index_cast %get3A_775 : i32 to index
      %get3A_777 = arith.constant 16 : index
      %get3A_778 = tpu.vector_load %arg6[%get3A_776, %get3A_777] {strides = array<i32>} : memref<128x32xf32, #tpu.memory_space<vmem>>, vector<16xf32>,
      tpu.vector_store_idx %arg8[%add3A_7, %broadcast_in_dim3A_770], %get3A_778 : memref<32x129xf32, #tpu.memory_space<vmem>>[vector<16xi32>, vector<16xi32>], vector<16xf32>,
      %broadcast_in_dim3A_779 = arith.constant 55 : i32
      %broadcast_in_dim3A_780 = vector.broadcast %broadcast_in_dim3A_779 : i32 to vector<16xi32>
      %get3A_781 = arith.constant 55 : i32
      %get3A_782 = arith.index_cast %get3A_781 : i32 to index
      %get3A_783 = arith.constant 0 : index
      %get3A_784 = tpu.vector_load %arg6[%get3A_782, %get3A_783] {strides = array<i32>} : memref<128x32xf32, #tpu.memory_space<vmem>>, vector<16xf32>,
      tpu.vector_store_idx %arg8[%iota3A, %broadcast_in_dim3A_780], %get3A_784 : memref<32x129xf32, #tpu.memory_space<vmem>>[vector<16xi32>, vector<16xi32>], vector<16xf32>,
      %get3A_785 = arith.constant 55 : i32
      %get3A_786 = arith.index_cast %get3A_785 : i32 to index
      %get3A_787 = arith.constant 16 : index
      %get3A_788 = tpu.vector_load %arg6[%get3A_786, %get3A_787] {strides = array<i32>} : memref<128x32xf32, #tpu.memory_space<vmem>>, vector<16xf32>,
      tpu.vector_store_idx %arg8[%add3A_7, %broadcast_in_dim3A_780], %get3A_788 : memref<32x129xf32, #tpu.memory_space<vmem>>[vector<16xi32>, vector<16xi32>], vector<16xf32>,
      %broadcast_in_dim3A_789 = arith.constant 56 : i32
      %broadcast_in_dim3A_790 = vector.broadcast %broadcast_in_dim3A_789 : i32 to vector<16xi32>
      %get3A_791 = arith.constant 56 : i32
      %get3A_792 = arith.index_cast %get3A_791 : i32 to index
      %get3A_793 = arith.constant 0 : index
      %get3A_794 = tpu.vector_load %arg6[%get3A_792, %get3A_793] {strides = array<i32>} : memref<128x32xf32, #tpu.memory_space<vmem>>, vector<16xf32>,
      tpu.vector_store_idx %arg8[%iota3A, %broadcast_in_dim3A_790], %get3A_794 : memref<32x129xf32, #tpu.memory_space<vmem>>[vector<16xi32>, vector<16xi32>], vector<16xf32>,
      %get3A_795 = arith.constant 56 : i32
      %get3A_796 = arith.index_cast %get3A_795 : i32 to index
      %get3A_797 = arith.constant 16 : index
      %get3A_798 = tpu.vector_load %arg6[%get3A_796, %get3A_797] {strides = array<i32>} : memref<128x32xf32, #tpu.memory_space<vmem>>, vector<16xf32>,
      tpu.vector_store_idx %arg8[%add3A_7, %broadcast_in_dim3A_790], %get3A_798 : memref<32x129xf32, #tpu.memory_space<vmem>>[vector<16xi32>, vector<16xi32>], vector<16xf32>,
      %broadcast_in_dim3A_799 = arith.constant 57 : i32
      %broadcast_in_dim3A_800 = vector.broadcast %broadcast_in_dim3A_799 : i32 to vector<16xi32>
      %get3A_801 = arith.constant 57 : i32
      %get3A_802 = arith.index_cast %get3A_801 : i32 to index
      %get3A_803 = arith.constant 0 : index
      %get3A_804 = tpu.vector_load %arg6[%get3A_802, %get3A_803] {strides = array<i32>} : memref<128x32xf32, #tpu.memory_space<vmem>>, vector<16xf32>,
      tpu.vector_store_idx %arg8[%iota3A, %broadcast_in_dim3A_800], %get3A_804 : memref<32x129xf32, #tpu.memory_space<vmem>>[vector<16xi32>, vector<16xi32>], vector<16xf32>,
      %get3A_805 = arith.constant 57 : i32
      %get3A_806 = arith.index_cast %get3A_805 : i32 to index
      %get3A_807 = arith.constant 16 : index
      %get3A_808 = tpu.vector_load %arg6[%get3A_806, %get3A_807] {strides = array<i32>} : memref<128x32xf32, #tpu.memory_space<vmem>>, vector<16xf32>,
      tpu.vector_store_idx %arg8[%add3A_7, %broadcast_in_dim3A_800], %get3A_808 : memref<32x129xf32, #tpu.memory_space<vmem>>[vector<16xi32>, vector<16xi32>], vector<16xf32>,
      %broadcast_in_dim3A_809 = arith.constant 58 : i32
      %broadcast_in_dim3A_810 = vector.broadcast %broadcast_in_dim3A_809 : i32 to vector<16xi32>
      %get3A_811 = arith.constant 58 : i32
      %get3A_812 = arith.index_cast %get3A_811 : i32 to index
      %get3A_813 = arith.constant 0 : index
      %get3A_814 = tpu.vector_load %arg6[%get3A_812, %get3A_813] {strides = array<i32>} : memref<128x32xf32, #tpu.memory_space<vmem>>, vector<16xf32>,
      tpu.vector_store_idx %arg8[%iota3A, %broadcast_in_dim3A_810], %get3A_814 : memref<32x129xf32, #tpu.memory_space<vmem>>[vector<16xi32>, vector<16xi32>], vector<16xf32>,
      %get3A_815 = arith.constant 58 : i32
      %get3A_816 = arith.index_cast %get3A_815 : i32 to index
      %get3A_817 = arith.constant 16 : index
      %get3A_818 = tpu.vector_load %arg6[%get3A_816, %get3A_817] {strides = array<i32>} : memref<128x32xf32, #tpu.memory_space<vmem>>, vector<16xf32>,
      tpu.vector_store_idx %arg8[%add3A_7, %broadcast_in_dim3A_810], %get3A_818 : memref<32x129xf32, #tpu.memory_space<vmem>>[vector<16xi32>, vector<16xi32>], vector<16xf32>,
      %broadcast_in_dim3A_819 = arith.constant 59 : i32
      %broadcast_in_dim3A_820 = vector.broadcast %broadcast_in_dim3A_819 : i32 to vector<16xi32>
      %get3A_821 = arith.constant 59 : i32
      %get3A_822 = arith.index_cast %get3A_821 : i32 to index
      %get3A_823 = arith.constant 0 : index
      %get3A_824 = tpu.vector_load %arg6[%get3A_822, %get3A_823] {strides = array<i32>} : memref<128x32xf32, #tpu.memory_space<vmem>>, vector<16xf32>,
      tpu.vector_store_idx %arg8[%iota3A, %broadcast_in_dim3A_820], %get3A_824 : memref<32x129xf32, #tpu.memory_space<vmem>>[vector<16xi32>, vector<16xi32>], vector<16xf32>,
      %get3A_825 = arith.constant 59 : i32
      %get3A_826 = arith.index_cast %get3A_825 : i32 to index
      %get3A_827 = arith.constant 16 : index
      %get3A_828 = tpu.vector_load %arg6[%get3A_826, %get3A_827] {strides = array<i32>} : memref<128x32xf32, #tpu.memory_space<vmem>>, vector<16xf32>,
      tpu.vector_store_idx %arg8[%add3A_7, %broadcast_in_dim3A_820], %get3A_828 : memref<32x129xf32, #tpu.memory_space<vmem>>[vector<16xi32>, vector<16xi32>], vector<16xf32>,
      %broadcast_in_dim3A_829 = arith.constant 60 : i32
      %broadcast_in_dim3A_830 = vector.broadcast %broadcast_in_dim3A_829 : i32 to vector<16xi32>
      %get3A_831 = arith.constant 60 : i32
      %get3A_832 = arith.index_cast %get3A_831 : i32 to index
      %get3A_833 = arith.constant 0 : index
      %get3A_834 = tpu.vector_load %arg6[%get3A_832, %get3A_833] {strides = array<i32>} : memref<128x32xf32, #tpu.memory_space<vmem>>, vector<16xf32>,
      tpu.vector_store_idx %arg8[%iota3A, %broadcast_in_dim3A_830], %get3A_834 : memref<32x129xf32, #tpu.memory_space<vmem>>[vector<16xi32>, vector<16xi32>], vector<16xf32>,
      %get3A_835 = arith.constant 60 : i32
      %get3A_836 = arith.index_cast %get3A_835 : i32 to index
      %get3A_837 = arith.constant 16 : index
      %get3A_838 = tpu.vector_load %arg6[%get3A_836, %get3A_837] {strides = array<i32>} : memref<128x32xf32, #tpu.memory_space<vmem>>, vector<16xf32>,
      tpu.vector_store_idx %arg8[%add3A_7, %broadcast_in_dim3A_830], %get3A_838 : memref<32x129xf32, #tpu.memory_space<vmem>>[vector<16xi32>, vector<16xi32>], vector<16xf32>,
      %broadcast_in_dim3A_839 = arith.constant 61 : i32
      %broadcast_in_dim3A_840 = vector.broadcast %broadcast_in_dim3A_839 : i32 to vector<16xi32>
      %get3A_841 = arith.constant 61 : i32
      %get3A_842 = arith.index_cast %get3A_841 : i32 to index
      %get3A_843 = arith.constant 0 : index
      %get3A_844 = tpu.vector_load %arg6[%get3A_842, %get3A_843] {strides = array<i32>} : memref<128x32xf32, #tpu.memory_space<vmem>>, vector<16xf32>,
      tpu.vector_store_idx %arg8[%iota3A, %broadcast_in_dim3A_840], %get3A_844 : memref<32x129xf32, #tpu.memory_space<vmem>>[vector<16xi32>, vector<16xi32>], vector<16xf32>,
      %get3A_845 = arith.constant 61 : i32
      %get3A_846 = arith.index_cast %get3A_845 : i32 to index
      %get3A_847 = arith.constant 16 : index
      %get3A_848 = tpu.vector_load %arg6[%get3A_846, %get3A_847] {strides = array<i32>} : memref<128x32xf32, #tpu.memory_space<vmem>>, vector<16xf32>,
      tpu.vector_store_idx %arg8[%add3A_7, %broadcast_in_dim3A_840], %get3A_848 : memref<32x129xf32, #tpu.memory_space<vmem>>[vector<16xi32>, vector<16xi32>], vector<16xf32>,
      %broadcast_in_dim3A_849 = arith.constant 62 : i32
      %broadcast_in_dim3A_850 = vector.broadcast %broadcast_in_dim3A_849 : i32 to vector<16xi32>
      %get3A_851 = arith.constant 62 : i32
      %get3A_852 = arith.index_cast %get3A_851 : i32 to index
      %get3A_853 = arith.constant 0 : index
      %get3A_854 = tpu.vector_load %arg6[%get3A_852, %get3A_853] {strides = array<i32>} : memref<128x32xf32, #tpu.memory_space<vmem>>, vector<16xf32>,
      tpu.vector_store_idx %arg8[%iota3A, %broadcast_in_dim3A_850], %get3A_854 : memref<32x129xf32, #tpu.memory_space<vmem>>[vector<16xi32>, vector<16xi32>], vector<16xf32>,
      %get3A_855 = arith.constant 62 : i32
      %get3A_856 = arith.index_cast %get3A_855 : i32 to index
      %get3A_857 = arith.constant 16 : index
      %get3A_858 = tpu.vector_load %arg6[%get3A_856, %get3A_857] {strides = array<i32>} : memref<128x32xf32, #tpu.memory_space<vmem>>, vector<16xf32>,
      tpu.vector_store_idx %arg8[%add3A_7, %broadcast_in_dim3A_850], %get3A_858 : memref<32x129xf32, #tpu.memory_space<vmem>>[vector<16xi32>, vector<16xi32>], vector<16xf32>,
      %broadcast_in_dim3A_859 = arith.constant 63 : i32
      %broadcast_in_dim3A_860 = vector.broadcast %broadcast_in_dim3A_859 : i32 to vector<16xi32>
      %get3A_861 = arith.constant 63 : i32
      %get3A_862 = arith.index_cast %get3A_861 : i32 to index
      %get3A_863 = arith.constant 0 : index
      %get3A_864 = tpu.vector_load %arg6[%get3A_862, %get3A_863] {strides = array<i32>} : memref<128x32xf32, #tpu.memory_space<vmem>>, vector<16xf32>,
      tpu.vector_store_idx %arg8[%iota3A, %broadcast_in_dim3A_860], %get3A_864 : memref<32x129xf32, #tpu.memory_space<vmem>>[vector<16xi32>, vector<16xi32>], vector<16xf32>,
      %get3A_865 = arith.constant 63 : i32
      %get3A_866 = arith.index_cast %get3A_865 : i32 to index
      %get3A_867 = arith.constant 16 : index
      %get3A_868 = tpu.vector_load %arg6[%get3A_866, %get3A_867] {strides = array<i32>} : memref<128x32xf32, #tpu.memory_space<vmem>>, vector<16xf32>,
      tpu.vector_store_idx %arg8[%add3A_7, %broadcast_in_dim3A_860], %get3A_868 : memref<32x129xf32, #tpu.memory_space<vmem>>[vector<16xi32>, vector<16xi32>], vector<16xf32>,
      %broadcast_in_dim3A_869 = arith.constant 64 : i32
      %broadcast_in_dim3A_870 = vector.broadcast %broadcast_in_dim3A_869 : i32 to vector<16xi32>
      %get3A_871 = arith.constant 64 : i32
      %get3A_872 = arith.index_cast %get3A_871 : i32 to index
      %get3A_873 = arith.constant 0 : index
      %get3A_874 = tpu.vector_load %arg6[%get3A_872, %get3A_873] {strides = array<i32>} : memref<128x32xf32, #tpu.memory_space<vmem>>, vector<16xf32>,
      tpu.vector_store_idx %arg8[%iota3A, %broadcast_in_dim3A_870], %get3A_874 : memref<32x129xf32, #tpu.memory_space<vmem>>[vector<16xi32>, vector<16xi32>], vector<16xf32>,
      %get3A_875 = arith.constant 64 : i32
      %get3A_876 = arith.index_cast %get3A_875 : i32 to index
      %get3A_877 = arith.constant 16 : index
      %get3A_878 = tpu.vector_load %arg6[%get3A_876, %get3A_877] {strides = array<i32>} : memref<128x32xf32, #tpu.memory_space<vmem>>, vector<16xf32>,
      tpu.vector_store_idx %arg8[%add3A_7, %broadcast_in_dim3A_870], %get3A_878 : memref<32x129xf32, #tpu.memory_space<vmem>>[vector<16xi32>, vector<16xi32>], vector<16xf32>,
      %broadcast_in_dim3A_879 = arith.constant 65 : i32
      %broadcast_in_dim3A_880 = vector.broadcast %broadcast_in_dim3A_879 : i32 to vector<16xi32>
      %get3A_881 = arith.constant 65 : i32
      %get3A_882 = arith.index_cast %get3A_881 : i32 to index
      %get3A_883 = arith.constant 0 : index
      %get3A_884 = tpu.vector_load %arg6[%get3A_882, %get3A_883] {strides = array<i32>} : memref<128x32xf32, #tpu.memory_space<vmem>>, vector<16xf32>,
      tpu.vector_store_idx %arg8[%iota3A, %broadcast_in_dim3A_880], %get3A_884 : memref<32x129xf32, #tpu.memory_space<vmem>>[vector<16xi32>, vector<16xi32>], vector<16xf32>,
      %get3A_885 = arith.constant 65 : i32
      %get3A_886 = arith.index_cast %get3A_885 : i32 to index
      %get3A_887 = arith.constant 16 : index
      %get3A_888 = tpu.vector_load %arg6[%get3A_886, %get3A_887] {strides = array<i32>} : memref<128x32xf32, #tpu.memory_space<vmem>>, vector<16xf32>,
      tpu.vector_store_idx %arg8[%add3A_7, %broadcast_in_dim3A_880], %get3A_888 : memref<32x129xf32, #tpu.memory_space<vmem>>[vector<16xi32>, vector<16xi32>], vector<16xf32>,
      %broadcast_in_dim3A_889 = arith.constant 66 : i32
      %broadcast_in_dim3A_890 = vector.broadcast %broadcast_in_dim3A_889 : i32 to vector<16xi32>
      %get3A_891 = arith.constant 66 : i32
      %get3A_892 = arith.index_cast %get3A_891 : i32 to index
      %get3A_893 = arith.constant 0 : index
      %get3A_894 = tpu.vector_load %arg6[%get3A_892, %get3A_893] {strides = array<i32>} : memref<128x32xf32, #tpu.memory_space<vmem>>, vector<16xf32>,
      tpu.vector_store_idx %arg8[%iota3A, %broadcast_in_dim3A_890], %get3A_894 : memref<32x129xf32, #tpu.memory_space<vmem>>[vector<16xi32>, vector<16xi32>], vector<16xf32>,
      %get3A_895 = arith.constant 66 : i32
      %get3A_896 = arith.index_cast %get3A_895 : i32 to index
      %get3A_897 = arith.constant 16 : index
      %get3A_898 = tpu.vector_load %arg6[%get3A_896, %get3A_897] {strides = array<i32>} : memref<128x32xf32, #tpu.memory_space<vmem>>, vector<16xf32>,
      tpu.vector_store_idx %arg8[%add3A_7, %broadcast_in_dim3A_890], %get3A_898 : memref<32x129xf32, #tpu.memory_space<vmem>>[vector<16xi32>, vector<16xi32>], vector<16xf32>,
      %broadcast_in_dim3A_899 = arith.constant 67 : i32
      %broadcast_in_dim3A_900 = vector.broadcast %broadcast_in_dim3A_899 : i32 to vector<16xi32>
      %get3A_901 = arith.constant 67 : i32
      %get3A_902 = arith.index_cast %get3A_901 : i32 to index
      %get3A_903 = arith.constant 0 : index
      %get3A_904 = tpu.vector_load %arg6[%get3A_902, %get3A_903] {strides = array<i32>} : memref<128x32xf32, #tpu.memory_space<vmem>>, vector<16xf32>,
      tpu.vector_store_idx %arg8[%iota3A, %broadcast_in_dim3A_900], %get3A_904 : memref<32x129xf32, #tpu.memory_space<vmem>>[vector<16xi32>, vector<16xi32>], vector<16xf32>,
      %get3A_905 = arith.constant 67 : i32
      %get3A_906 = arith.index_cast %get3A_905 : i32 to index
      %get3A_907 = arith.constant 16 : index
      %get3A_908 = tpu.vector_load %arg6[%get3A_906, %get3A_907] {strides = array<i32>} : memref<128x32xf32, #tpu.memory_space<vmem>>, vector<16xf32>,
      tpu.vector_store_idx %arg8[%add3A_7, %broadcast_in_dim3A_900], %get3A_908 : memref<32x129xf32, #tpu.memory_space<vmem>>[vector<16xi32>, vector<16xi32>], vector<16xf32>,
      %broadcast_in_dim3A_909 = arith.constant 68 : i32
      %broadcast_in_dim3A_910 = vector.broadcast %broadcast_in_dim3A_909 : i32 to vector<16xi32>
      %get3A_911 = arith.constant 68 : i32
      %get3A_912 = arith.index_cast %get3A_911 : i32 to index
      %get3A_913 = arith.constant 0 : index
      %get3A_914 = tpu.vector_load %arg6[%get3A_912, %get3A_913] {strides = array<i32>} : memref<128x32xf32, #tpu.memory_space<vmem>>, vector<16xf32>,
      tpu.vector_store_idx %arg8[%iota3A, %broadcast_in_dim3A_910], %get3A_914 : memref<32x129xf32, #tpu.memory_space<vmem>>[vector<16xi32>, vector<16xi32>], vector<16xf32>,
      %get3A_915 = arith.constant 68 : i32
      %get3A_916 = arith.index_cast %get3A_915 : i32 to index
      %get3A_917 = arith.constant 16 : index
      %get3A_918 = tpu.vector_load %arg6[%get3A_916, %get3A_917] {strides = array<i32>} : memref<128x32xf32, #tpu.memory_space<vmem>>, vector<16xf32>,
      tpu.vector_store_idx %arg8[%add3A_7, %broadcast_in_dim3A_910], %get3A_918 : memref<32x129xf32, #tpu.memory_space<vmem>>[vector<16xi32>, vector<16xi32>], vector<16xf32>,
      %broadcast_in_dim3A_919 = arith.constant 69 : i32
      %broadcast_in_dim3A_920 = vector.broadcast %broadcast_in_dim3A_919 : i32 to vector<16xi32>
      %get3A_921 = arith.constant 69 : i32
      %get3A_922 = arith.index_cast %get3A_921 : i32 to index
      %get3A_923 = arith.constant 0 : index
      %get3A_924 = tpu.vector_load %arg6[%get3A_922, %get3A_923] {strides = array<i32>} : memref<128x32xf32, #tpu.memory_space<vmem>>, vector<16xf32>,
      tpu.vector_store_idx %arg8[%iota3A, %broadcast_in_dim3A_920], %get3A_924 : memref<32x129xf32, #tpu.memory_space<vmem>>[vector<16xi32>, vector<16xi32>], vector<16xf32>,
      %get3A_925 = arith.constant 69 : i32
      %get3A_926 = arith.index_cast %get3A_925 : i32 to index
      %get3A_927 = arith.constant 16 : index
      %get3A_928 = tpu.vector_load %arg6[%get3A_926, %get3A_927] {strides = array<i32>} : memref<128x32xf32, #tpu.memory_space<vmem>>, vector<16xf32>,
      tpu.vector_store_idx %arg8[%add3A_7, %broadcast_in_dim3A_920], %get3A_928 : memref<32x129xf32, #tpu.memory_space<vmem>>[vector<16xi32>, vector<16xi32>], vector<16xf32>,
      %broadcast_in_dim3A_929 = arith.constant 70 : i32
      %broadcast_in_dim3A_930 = vector.broadcast %broadcast_in_dim3A_929 : i32 to vector<16xi32>
      %get3A_931 = arith.constant 70 : i32
      %get3A_932 = arith.index_cast %get3A_931 : i32 to index
      %get3A_933 = arith.constant 0 : index
      %get3A_934 = tpu.vector_load %arg6[%get3A_932, %get3A_933] {strides = array<i32>} : memref<128x32xf32, #tpu.memory_space<vmem>>, vector<16xf32>,
      tpu.vector_store_idx %arg8[%iota3A, %broadcast_in_dim3A_930], %get3A_934 : memref<32x129xf32, #tpu.memory_space<vmem>>[vector<16xi32>, vector<16xi32>], vector<16xf32>,
      %get3A_935 = arith.constant 70 : i32
      %get3A_936 = arith.index_cast %get3A_935 : i32 to index
      %get3A_937 = arith.constant 16 : index
      %get3A_938 = tpu.vector_load %arg6[%get3A_936, %get3A_937] {strides = array<i32>} : memref<128x32xf32, #tpu.memory_space<vmem>>, vector<16xf32>,
      tpu.vector_store_idx %arg8[%add3A_7, %broadcast_in_dim3A_930], %get3A_938 : memref<32x129xf32, #tpu.memory_space<vmem>>[vector<16xi32>, vector<16xi32>], vector<16xf32>,
      %broadcast_in_dim3A_939 = arith.constant 71 : i32
      %broadcast_in_dim3A_940 = vector.broadcast %broadcast_in_dim3A_939 : i32 to vector<16xi32>
      %get3A_941 = arith.constant 71 : i32
      %get3A_942 = arith.index_cast %get3A_941 : i32 to index
      %get3A_943 = arith.constant 0 : index
      %get3A_944 = tpu.vector_load %arg6[%get3A_942, %get3A_943] {strides = array<i32>} : memref<128x32xf32, #tpu.memory_space<vmem>>, vector<16xf32>,
      tpu.vector_store_idx %arg8[%iota3A, %broadcast_in_dim3A_940], %get3A_944 : memref<32x129xf32, #tpu.memory_space<vmem>>[vector<16xi32>, vector<16xi32>], vector<16xf32>,
      %get3A_945 = arith.constant 71 : i32
      %get3A_946 = arith.index_cast %get3A_945 : i32 to index
      %get3A_947 = arith.constant 16 : index
      %get3A_948 = tpu.vector_load %arg6[%get3A_946, %get3A_947] {strides = array<i32>} : memref<128x32xf32, #tpu.memory_space<vmem>>, vector<16xf32>,
      tpu.vector_store_idx %arg8[%add3A_7, %broadcast_in_dim3A_940], %get3A_948 : memref<32x129xf32, #tpu.memory_space<vmem>>[vector<16xi32>, vector<16xi32>], vector<16xf32>,
      %broadcast_in_dim3A_949 = arith.constant 72 : i32
      %broadcast_in_dim3A_950 = vector.broadcast %broadcast_in_dim3A_949 : i32 to vector<16xi32>
      %get3A_951 = arith.constant 72 : i32
      %get3A_952 = arith.index_cast %get3A_951 : i32 to index
      %get3A_953 = arith.constant 0 : index
      %get3A_954 = tpu.vector_load %arg6[%get3A_952, %get3A_953] {strides = array<i32>} : memref<128x32xf32, #tpu.memory_space<vmem>>, vector<16xf32>,
      tpu.vector_store_idx %arg8[%iota3A, %broadcast_in_dim3A_950], %get3A_954 : memref<32x129xf32, #tpu.memory_space<vmem>>[vector<16xi32>, vector<16xi32>], vector<16xf32>,
      %get3A_955 = arith.constant 72 : i32
      %get3A_956 = arith.index_cast %get3A_955 : i32 to index
      %get3A_957 = arith.constant 16 : index
      %get3A_958 = tpu.vector_load %arg6[%get3A_956, %get3A_957] {strides = array<i32>} : memref<128x32xf32, #tpu.memory_space<vmem>>, vector<16xf32>,
      tpu.vector_store_idx %arg8[%add3A_7, %broadcast_in_dim3A_950], %get3A_958 : memref<32x129xf32, #tpu.memory_space<vmem>>[vector<16xi32>, vector<16xi32>], vector<16xf32>,
      %broadcast_in_dim3A_959 = arith.constant 73 : i32
      %broadcast_in_dim3A_960 = vector.broadcast %broadcast_in_dim3A_959 : i32 to vector<16xi32>
      %get3A_961 = arith.constant 73 : i32
      %get3A_962 = arith.index_cast %get3A_961 : i32 to index
      %get3A_963 = arith.constant 0 : index
      %get3A_964 = tpu.vector_load %arg6[%get3A_962, %get3A_963] {strides = array<i32>} : memref<128x32xf32, #tpu.memory_space<vmem>>, vector<16xf32>,
      tpu.vector_store_idx %arg8[%iota3A, %broadcast_in_dim3A_960], %get3A_964 : memref<32x129xf32, #tpu.memory_space<vmem>>[vector<16xi32>, vector<16xi32>], vector<16xf32>,
      %get3A_965 = arith.constant 73 : i32
      %get3A_966 = arith.index_cast %get3A_965 : i32 to index
      %get3A_967 = arith.constant 16 : index
      %get3A_968 = tpu.vector_load %arg6[%get3A_966, %get3A_967] {strides = array<i32>} : memref<128x32xf32, #tpu.memory_space<vmem>>, vector<16xf32>,
      tpu.vector_store_idx %arg8[%add3A_7, %broadcast_in_dim3A_960], %get3A_968 : memref<32x129xf32, #tpu.memory_space<vmem>>[vector<16xi32>, vector<16xi32>], vector<16xf32>,
      %broadcast_in_dim3A_969 = arith.constant 74 : i32
      %broadcast_in_dim3A_970 = vector.broadcast %broadcast_in_dim3A_969 : i32 to vector<16xi32>
      %get3A_971 = arith.constant 74 : i32
      %get3A_972 = arith.index_cast %get3A_971 : i32 to index
      %get3A_973 = arith.constant 0 : index
      %get3A_974 = tpu.vector_load %arg6[%get3A_972, %get3A_973] {strides = array<i32>} : memref<128x32xf32, #tpu.memory_space<vmem>>, vector<16xf32>,
      tpu.vector_store_idx %arg8[%iota3A, %broadcast_in_dim3A_970], %get3A_974 : memref<32x129xf32, #tpu.memory_space<vmem>>[vector<16xi32>, vector<16xi32>], vector<16xf32>,
      %get3A_975 = arith.constant 74 : i32
      %get3A_976 = arith.index_cast %get3A_975 : i32 to index
      %get3A_977 = arith.constant 16 : index
      %get3A_978 = tpu.vector_load %arg6[%get3A_976, %get3A_977] {strides = array<i32>} : memref<128x32xf32, #tpu.memory_space<vmem>>, vector<16xf32>,
      tpu.vector_store_idx %arg8[%add3A_7, %broadcast_in_dim3A_970], %get3A_978 : memref<32x129xf32, #tpu.memory_space<vmem>>[vector<16xi32>, vector<16xi32>], vector<16xf32>,
      %broadcast_in_dim3A_979 = arith.constant 75 : i32
      %broadcast_in_dim3A_980 = vector.broadcast %broadcast_in_dim3A_979 : i32 to vector<16xi32>
      %get3A_981 = arith.constant 75 : i32
      %get3A_982 = arith.index_cast %get3A_981 : i32 to index
      %get3A_983 = arith.constant 0 : index
      %get3A_984 = tpu.vector_load %arg6[%get3A_982, %get3A_983] {strides = array<i32>} : memref<128x32xf32, #tpu.memory_space<vmem>>, vector<16xf32>,
      tpu.vector_store_idx %arg8[%iota3A, %broadcast_in_dim3A_980], %get3A_984 : memref<32x129xf32, #tpu.memory_space<vmem>>[vector<16xi32>, vector<16xi32>], vector<16xf32>,
      %get3A_985 = arith.constant 75 : i32
      %get3A_986 = arith.index_cast %get3A_985 : i32 to index
      %get3A_987 = arith.constant 16 : index
      %get3A_988 = tpu.vector_load %arg6[%get3A_986, %get3A_987] {strides = array<i32>} : memref<128x32xf32, #tpu.memory_space<vmem>>, vector<16xf32>,
      tpu.vector_store_idx %arg8[%add3A_7, %broadcast_in_dim3A_980], %get3A_988 : memref<32x129xf32, #tpu.memory_space<vmem>>[vector<16xi32>, vector<16xi32>], vector<16xf32>,
      %broadcast_in_dim3A_989 = arith.constant 76 : i32
      %broadcast_in_dim3A_990 = vector.broadcast %broadcast_in_dim3A_989 : i32 to vector<16xi32>
      %get3A_991 = arith.constant 76 : i32
      %get3A_992 = arith.index_cast %get3A_991 : i32 to index
      %get3A_993 = arith.constant 0 : index
      %get3A_994 = tpu.vector_load %arg6[%get3A_992, %get3A_993] {strides = array<i32>} : memref<128x32xf32, #tpu.memory_space<vmem>>, vector<16xf32>,
      tpu.vector_store_idx %arg8[%iota3A, %broadcast_in_dim3A_990], %get3A_994 : memref<32x129xf32, #tpu.memory_space<vmem>>[vector<16xi32>, vector<16xi32>], vector<16xf32>,
      %get3A_995 = arith.constant 76 : i32
      %get3A_996 = arith.index_cast %get3A_995 : i32 to index
      %get3A_997 = arith.constant 16 : index
      %get3A_998 = tpu.vector_load %arg6[%get3A_996, %get3A_997] {strides = array<i32>} : memref<128x32xf32, #tpu.memory_space<vmem>>, vector<16xf32>,
      tpu.vector_store_idx %arg8[%add3A_7, %broadcast_in_dim3A_990], %get3A_998 : memref<32x129xf32, #tpu.memory_space<vmem>>[vector<16xi32>, vector<16xi32>], vector<16xf32>,
      %broadcast_in_dim3A_999 = arith.constant 77 : i32
      %broadcast_in_dim3A_1000 = vector.broadcast %broadcast_in_dim3A_999 : i32 to vector<16xi32>
      %get3A_1001 = arith.constant 77 : i32
      %get3A_1002 = arith.index_cast %get3A_1001 : i32 to index
      %get3A_1003 = arith.constant 0 : index
      %get3A_1004 = tpu.vector_load %arg6[%get3A_1002, %get3A_1003] {strides = array<i32>} : memref<128x32xf32, #tpu.memory_space<vmem>>, vector<16xf32>,
      tpu.vector_store_idx %arg8[%iota3A, %broadcast_in_dim3A_1000], %get3A_1004 : memref<32x129xf32, #tpu.memory_space<vmem>>[vector<16xi32>, vector<16xi32>], vector<16xf32>,
      %get3A_1005 = arith.constant 77 : i32
      %get3A_1006 = arith.index_cast %get3A_1005 : i32 to index
      %get3A_1007 = arith.constant 16 : index
      %get3A_1008 = tpu.vector_load %arg6[%get3A_1006, %get3A_1007] {strides = array<i32>} : memref<128x32xf32, #tpu.memory_space<vmem>>, vector<16xf32>,
      tpu.vector_store_idx %arg8[%add3A_7, %broadcast_in_dim3A_1000], %get3A_1008 : memref<32x129xf32, #tpu.memory_space<vmem>>[vector<16xi32>, vector<16xi32>], vector<16xf32>,
      %broadcast_in_dim3A_1009 = arith.constant 78 : i32
      %broadcast_in_dim3A_1010 = vector.broadcast %broadcast_in_dim3A_1009 : i32 to vector<16xi32>
      %get3A_1011 = arith.constant 78 : i32
      %get3A_1012 = arith.index_cast %get3A_1011 : i32 to index
      %get3A_1013 = arith.constant 0 : index
      %get3A_1014 = tpu.vector_load %arg6[%get3A_1012, %get3A_1013] {strides = array<i32>} : memref<128x32xf32, #tpu.memory_space<vmem>>, vector<16xf32>,
      tpu.vector_store_idx %arg8[%iota3A, %broadcast_in_dim3A_1010], %get3A_1014 : memref<32x129xf32, #tpu.memory_space<vmem>>[vector<16xi32>, vector<16xi32>], vector<16xf32>,
      %get3A_1015 = arith.constant 78 : i32
      %get3A_1016 = arith.index_cast %get3A_1015 : i32 to index
      %get3A_1017 = arith.constant 16 : index
      %get3A_1018 = tpu.vector_load %arg6[%get3A_1016, %get3A_1017] {strides = array<i32>} : memref<128x32xf32, #tpu.memory_space<vmem>>, vector<16xf32>,
      tpu.vector_store_idx %arg8[%add3A_7, %broadcast_in_dim3A_1010], %get3A_1018 : memref<32x129xf32, #tpu.memory_space<vmem>>[vector<16xi32>, vector<16xi32>], vector<16xf32>,
      %broadcast_in_dim3A_1019 = arith.constant 79 : i32
      %broadcast_in_dim3A_1020 = vector.broadcast %broadcast_in_dim3A_1019 : i32 to vector<16xi32>
      %get3A_1021 = arith.constant 79 : i32
      %get3A_1022 = arith.index_cast %get3A_1021 : i32 to index
      %get3A_1023 = arith.constant 0 : index
      %get3A_1024 = tpu.vector_load %arg6[%get3A_1022, %get3A_1023] {strides = array<i32>} : memref<128x32xf32, #tpu.memory_space<vmem>>, vector<16xf32>,
      tpu.vector_store_idx %arg8[%iota3A, %broadcast_in_dim3A_1020], %get3A_1024 : memref<32x129xf32, #tpu.memory_space<vmem>>[vector<16xi32>, vector<16xi32>], vector<16xf32>,
      %get3A_1025 = arith.constant 79 : i32
      %get3A_1026 = arith.index_cast %get3A_1025 : i32 to index
      %get3A_1027 = arith.constant 16 : index
      %get3A_1028 = tpu.vector_load %arg6[%get3A_1026, %get3A_1027] {strides = array<i32>} : memref<128x32xf32, #tpu.memory_space<vmem>>, vector<16xf32>,
      tpu.vector_store_idx %arg8[%add3A_7, %broadcast_in_dim3A_1020], %get3A_1028 : memref<32x129xf32, #tpu.memory_space<vmem>>[vector<16xi32>, vector<16xi32>], vector<16xf32>,
      %broadcast_in_dim3A_1029 = arith.constant 80 : i32
      %broadcast_in_dim3A_1030 = vector.broadcast %broadcast_in_dim3A_1029 : i32 to vector<16xi32>
      %get3A_1031 = arith.constant 80 : i32
      %get3A_1032 = arith.index_cast %get3A_1031 : i32 to index
      %get3A_1033 = arith.constant 0 : index
      %get3A_1034 = tpu.vector_load %arg6[%get3A_1032, %get3A_1033] {strides = array<i32>} : memref<128x32xf32, #tpu.memory_space<vmem>>, vector<16xf32>,
      tpu.vector_store_idx %arg8[%iota3A, %broadcast_in_dim3A_1030], %get3A_1034 : memref<32x129xf32, #tpu.memory_space<vmem>>[vector<16xi32>, vector<16xi32>], vector<16xf32>,
      %get3A_1035 = arith.constant 80 : i32
      %get3A_1036 = arith.index_cast %get3A_1035 : i32 to index
      %get3A_1037 = arith.constant 16 : index
      %get3A_1038 = tpu.vector_load %arg6[%get3A_1036, %get3A_1037] {strides = array<i32>} : memref<128x32xf32, #tpu.memory_space<vmem>>, vector<16xf32>,
      tpu.vector_store_idx %arg8[%add3A_7, %broadcast_in_dim3A_1030], %get3A_1038 : memref<32x129xf32, #tpu.memory_space<vmem>>[vector<16xi32>, vector<16xi32>], vector<16xf32>,
      %broadcast_in_dim3A_1039 = arith.constant 81 : i32
      %broadcast_in_dim3A_1040 = vector.broadcast %broadcast_in_dim3A_1039 : i32 to vector<16xi32>
      %get3A_1041 = arith.constant 81 : i32
      %get3A_1042 = arith.index_cast %get3A_1041 : i32 to index
      %get3A_1043 = arith.constant 0 : index
      %get3A_1044 = tpu.vector_load %arg6[%get3A_1042, %get3A_1043] {strides = array<i32>} : memref<128x32xf32, #tpu.memory_space<vmem>>, vector<16xf32>,
      tpu.vector_store_idx %arg8[%iota3A, %broadcast_in_dim3A_1040], %get3A_1044 : memref<32x129xf32, #tpu.memory_space<vmem>>[vector<16xi32>, vector<16xi32>], vector<16xf32>,
      %get3A_1045 = arith.constant 81 : i32
      %get3A_1046 = arith.index_cast %get3A_1045 : i32 to index
      %get3A_1047 = arith.constant 16 : index
      %get3A_1048 = tpu.vector_load %arg6[%get3A_1046, %get3A_1047] {strides = array<i32>} : memref<128x32xf32, #tpu.memory_space<vmem>>, vector<16xf32>,
      tpu.vector_store_idx %arg8[%add3A_7, %broadcast_in_dim3A_1040], %get3A_1048 : memref<32x129xf32, #tpu.memory_space<vmem>>[vector<16xi32>, vector<16xi32>], vector<16xf32>,
      %broadcast_in_dim3A_1049 = arith.constant 82 : i32
      %broadcast_in_dim3A_1050 = vector.broadcast %broadcast_in_dim3A_1049 : i32 to vector<16xi32>
      %get3A_1051 = arith.constant 82 : i32
      %get3A_1052 = arith.index_cast %get3A_1051 : i32 to index
      %get3A_1053 = arith.constant 0 : index
      %get3A_1054 = tpu.vector_load %arg6[%get3A_1052, %get3A_1053] {strides = array<i32>} : memref<128x32xf32, #tpu.memory_space<vmem>>, vector<16xf32>,
      tpu.vector_store_idx %arg8[%iota3A, %broadcast_in_dim3A_1050], %get3A_1054 : memref<32x129xf32, #tpu.memory_space<vmem>>[vector<16xi32>, vector<16xi32>], vector<16xf32>,
      %get3A_1055 = arith.constant 82 : i32
      %get3A_1056 = arith.index_cast %get3A_1055 : i32 to index
      %get3A_1057 = arith.constant 16 : index
      %get3A_1058 = tpu.vector_load %arg6[%get3A_1056, %get3A_1057] {strides = array<i32>} : memref<128x32xf32, #tpu.memory_space<vmem>>, vector<16xf32>,
      tpu.vector_store_idx %arg8[%add3A_7, %broadcast_in_dim3A_1050], %get3A_1058 : memref<32x129xf32, #tpu.memory_space<vmem>>[vector<16xi32>, vector<16xi32>], vector<16xf32>,
      %broadcast_in_dim3A_1059 = arith.constant 83 : i32
      %broadcast_in_dim3A_1060 = vector.broadcast %broadcast_in_dim3A_1059 : i32 to vector<16xi32>
      %get3A_1061 = arith.constant 83 : i32
      %get3A_1062 = arith.index_cast %get3A_1061 : i32 to index
      %get3A_1063 = arith.constant 0 : index
      %get3A_1064 = tpu.vector_load %arg6[%get3A_1062, %get3A_1063] {strides = array<i32>} : memref<128x32xf32, #tpu.memory_space<vmem>>, vector<16xf32>,
      tpu.vector_store_idx %arg8[%iota3A, %broadcast_in_dim3A_1060], %get3A_1064 : memref<32x129xf32, #tpu.memory_space<vmem>>[vector<16xi32>, vector<16xi32>], vector<16xf32>,
      %get3A_1065 = arith.constant 83 : i32
      %get3A_1066 = arith.index_cast %get3A_1065 : i32 to index
      %get3A_1067 = arith.constant 16 : index
      %get3A_1068 = tpu.vector_load %arg6[%get3A_1066, %get3A_1067] {strides = array<i32>} : memref<128x32xf32, #tpu.memory_space<vmem>>, vector<16xf32>,
      tpu.vector_store_idx %arg8[%add3A_7, %broadcast_in_dim3A_1060], %get3A_1068 : memref<32x129xf32, #tpu.memory_space<vmem>>[vector<16xi32>, vector<16xi32>], vector<16xf32>,
      %broadcast_in_dim3A_1069 = arith.constant 84 : i32
      %broadcast_in_dim3A_1070 = vector.broadcast %broadcast_in_dim3A_1069 : i32 to vector<16xi32>
      %get3A_1071 = arith.constant 84 : i32
      %get3A_1072 = arith.index_cast %get3A_1071 : i32 to index
      %get3A_1073 = arith.constant 0 : index
      %get3A_1074 = tpu.vector_load %arg6[%get3A_1072, %get3A_1073] {strides = array<i32>} : memref<128x32xf32, #tpu.memory_space<vmem>>, vector<16xf32>,
      tpu.vector_store_idx %arg8[%iota3A, %broadcast_in_dim3A_1070], %get3A_1074 : memref<32x129xf32, #tpu.memory_space<vmem>>[vector<16xi32>, vector<16xi32>], vector<16xf32>,
      %get3A_1075 = arith.constant 84 : i32
      %get3A_1076 = arith.index_cast %get3A_1075 : i32 to index
      %get3A_1077 = arith.constant 16 : index
      %get3A_1078 = tpu.vector_load %arg6[%get3A_1076, %get3A_1077] {strides = array<i32>} : memref<128x32xf32, #tpu.memory_space<vmem>>, vector<16xf32>,
      tpu.vector_store_idx %arg8[%add3A_7, %broadcast_in_dim3A_1070], %get3A_1078 : memref<32x129xf32, #tpu.memory_space<vmem>>[vector<16xi32>, vector<16xi32>], vector<16xf32>,
      %broadcast_in_dim3A_1079 = arith.constant 85 : i32
      %broadcast_in_dim3A_1080 = vector.broadcast %broadcast_in_dim3A_1079 : i32 to vector<16xi32>
      %get3A_1081 = arith.constant 85 : i32
      %get3A_1082 = arith.index_cast %get3A_1081 : i32 to index
      %get3A_1083 = arith.constant 0 : index
      %get3A_1084 = tpu.vector_load %arg6[%get3A_1082, %get3A_1083] {strides = array<i32>} : memref<128x32xf32, #tpu.memory_space<vmem>>, vector<16xf32>,
      tpu.vector_store_idx %arg8[%iota3A, %broadcast_in_dim3A_1080], %get3A_1084 : memref<32x129xf32, #tpu.memory_space<vmem>>[vector<16xi32>, vector<16xi32>], vector<16xf32>,
      %get3A_1085 = arith.constant 85 : i32
      %get3A_1086 = arith.index_cast %get3A_1085 : i32 to index
      %get3A_1087 = arith.constant 16 : index
      %get3A_1088 = tpu.vector_load %arg6[%get3A_1086, %get3A_1087] {strides = array<i32>} : memref<128x32xf32, #tpu.memory_space<vmem>>, vector<16xf32>,
      tpu.vector_store_idx %arg8[%add3A_7, %broadcast_in_dim3A_1080], %get3A_1088 : memref<32x129xf32, #tpu.memory_space<vmem>>[vector<16xi32>, vector<16xi32>], vector<16xf32>,
      %broadcast_in_dim3A_1089 = arith.constant 86 : i32
      %broadcast_in_dim3A_1090 = vector.broadcast %broadcast_in_dim3A_1089 : i32 to vector<16xi32>
      %get3A_1091 = arith.constant 86 : i32
      %get3A_1092 = arith.index_cast %get3A_1091 : i32 to index
      %get3A_1093 = arith.constant 0 : index
      %get3A_1094 = tpu.vector_load %arg6[%get3A_1092, %get3A_1093] {strides = array<i32>} : memref<128x32xf32, #tpu.memory_space<vmem>>, vector<16xf32>,
      tpu.vector_store_idx %arg8[%iota3A, %broadcast_in_dim3A_1090], %get3A_1094 : memref<32x129xf32, #tpu.memory_space<vmem>>[vector<16xi32>, vector<16xi32>], vector<16xf32>,
      %get3A_1095 = arith.constant 86 : i32
      %get3A_1096 = arith.index_cast %get3A_1095 : i32 to index
      %get3A_1097 = arith.constant 16 : index
      %get3A_1098 = tpu.vector_load %arg6[%get3A_1096, %get3A_1097] {strides = array<i32>} : memref<128x32xf32, #tpu.memory_space<vmem>>, vector<16xf32>,
      tpu.vector_store_idx %arg8[%add3A_7, %broadcast_in_dim3A_1090], %get3A_1098 : memref<32x129xf32, #tpu.memory_space<vmem>>[vector<16xi32>, vector<16xi32>], vector<16xf32>,
      %broadcast_in_dim3A_1099 = arith.constant 87 : i32
      %broadcast_in_dim3A_1100 = vector.broadcast %broadcast_in_dim3A_1099 : i32 to vector<16xi32>
      %get3A_1101 = arith.constant 87 : i32
      %get3A_1102 = arith.index_cast %get3A_1101 : i32 to index
      %get3A_1103 = arith.constant 0 : index
      %get3A_1104 = tpu.vector_load %arg6[%get3A_1102, %get3A_1103] {strides = array<i32>} : memref<128x32xf32, #tpu.memory_space<vmem>>, vector<16xf32>,
      tpu.vector_store_idx %arg8[%iota3A, %broadcast_in_dim3A_1100], %get3A_1104 : memref<32x129xf32, #tpu.memory_space<vmem>>[vector<16xi32>, vector<16xi32>], vector<16xf32>,
      %get3A_1105 = arith.constant 87 : i32
      %get3A_1106 = arith.index_cast %get3A_1105 : i32 to index
      %get3A_1107 = arith.constant 16 : index
      %get3A_1108 = tpu.vector_load %arg6[%get3A_1106, %get3A_1107] {strides = array<i32>} : memref<128x32xf32, #tpu.memory_space<vmem>>, vector<16xf32>,
      tpu.vector_store_idx %arg8[%add3A_7, %broadcast_in_dim3A_1100], %get3A_1108 : memref<32x129xf32, #tpu.memory_space<vmem>>[vector<16xi32>, vector<16xi32>], vector<16xf32>,
      %broadcast_in_dim3A_1109 = arith.constant 88 : i32
      %broadcast_in_dim3A_1110 = vector.broadcast %broadcast_in_dim3A_1109 : i32 to vector<16xi32>
      %get3A_1111 = arith.constant 88 : i32
      %get3A_1112 = arith.index_cast %get3A_1111 : i32 to index
      %get3A_1113 = arith.constant 0 : index
      %get3A_1114 = tpu.vector_load %arg6[%get3A_1112, %get3A_1113] {strides = array<i32>} : memref<128x32xf32, #tpu.memory_space<vmem>>, vector<16xf32>,
      tpu.vector_store_idx %arg8[%iota3A, %broadcast_in_dim3A_1110], %get3A_1114 : memref<32x129xf32, #tpu.memory_space<vmem>>[vector<16xi32>, vector<16xi32>], vector<16xf32>,
      %get3A_1115 = arith.constant 88 : i32
      %get3A_1116 = arith.index_cast %get3A_1115 : i32 to index
      %get3A_1117 = arith.constant 16 : index
      %get3A_1118 = tpu.vector_load %arg6[%get3A_1116, %get3A_1117] {strides = array<i32>} : memref<128x32xf32, #tpu.memory_space<vmem>>, vector<16xf32>,
      tpu.vector_store_idx %arg8[%add3A_7, %broadcast_in_dim3A_1110], %get3A_1118 : memref<32x129xf32, #tpu.memory_space<vmem>>[vector<16xi32>, vector<16xi32>], vector<16xf32>,
      %broadcast_in_dim3A_1119 = arith.constant 89 : i32
      %broadcast_in_dim3A_1120 = vector.broadcast %broadcast_in_dim3A_1119 : i32 to vector<16xi32>
      %get3A_1121 = arith.constant 89 : i32
      %get3A_1122 = arith.index_cast %get3A_1121 : i32 to index
      %get3A_1123 = arith.constant 0 : index
      %get3A_1124 = tpu.vector_load %arg6[%get3A_1122, %get3A_1123] {strides = array<i32>} : memref<128x32xf32, #tpu.memory_space<vmem>>, vector<16xf32>,
      tpu.vector_store_idx %arg8[%iota3A, %broadcast_in_dim3A_1120], %get3A_1124 : memref<32x129xf32, #tpu.memory_space<vmem>>[vector<16xi32>, vector<16xi32>], vector<16xf32>,
      %get3A_1125 = arith.constant 89 : i32
      %get3A_1126 = arith.index_cast %get3A_1125 : i32 to index
      %get3A_1127 = arith.constant 16 : index
      %get3A_1128 = tpu.vector_load %arg6[%get3A_1126, %get3A_1127] {strides = array<i32>} : memref<128x32xf32, #tpu.memory_space<vmem>>, vector<16xf32>,
      tpu.vector_store_idx %arg8[%add3A_7, %broadcast_in_dim3A_1120], %get3A_1128 : memref<32x129xf32, #tpu.memory_space<vmem>>[vector<16xi32>, vector<16xi32>], vector<16xf32>,
      %broadcast_in_dim3A_1129 = arith.constant 90 : i32
      %broadcast_in_dim3A_1130 = vector.broadcast %broadcast_in_dim3A_1129 : i32 to vector<16xi32>
      %get3A_1131 = arith.constant 90 : i32
      %get3A_1132 = arith.index_cast %get3A_1131 : i32 to index
      %get3A_1133 = arith.constant 0 : index
      %get3A_1134 = tpu.vector_load %arg6[%get3A_1132, %get3A_1133] {strides = array<i32>} : memref<128x32xf32, #tpu.memory_space<vmem>>, vector<16xf32>,
      tpu.vector_store_idx %arg8[%iota3A, %broadcast_in_dim3A_1130], %get3A_1134 : memref<32x129xf32, #tpu.memory_space<vmem>>[vector<16xi32>, vector<16xi32>], vector<16xf32>,
      %get3A_1135 = arith.constant 90 : i32
      %get3A_1136 = arith.index_cast %get3A_1135 : i32 to index
      %get3A_1137 = arith.constant 16 : index
      %get3A_1138 = tpu.vector_load %arg6[%get3A_1136, %get3A_1137] {strides = array<i32>} : memref<128x32xf32, #tpu.memory_space<vmem>>, vector<16xf32>,
      tpu.vector_store_idx %arg8[%add3A_7, %broadcast_in_dim3A_1130], %get3A_1138 : memref<32x129xf32, #tpu.memory_space<vmem>>[vector<16xi32>, vector<16xi32>], vector<16xf32>,
      %broadcast_in_dim3A_1139 = arith.constant 91 : i32
      %broadcast_in_dim3A_1140 = vector.broadcast %broadcast_in_dim3A_1139 : i32 to vector<16xi32>
      %get3A_1141 = arith.constant 91 : i32
      %get3A_1142 = arith.index_cast %get3A_1141 : i32 to index
      %get3A_1143 = arith.constant 0 : index
      %get3A_1144 = tpu.vector_load %arg6[%get3A_1142, %get3A_1143] {strides = array<i32>} : memref<128x32xf32, #tpu.memory_space<vmem>>, vector<16xf32>,
      tpu.vector_store_idx %arg8[%iota3A, %broadcast_in_dim3A_1140], %get3A_1144 : memref<32x129xf32, #tpu.memory_space<vmem>>[vector<16xi32>, vector<16xi32>], vector<16xf32>,
      %get3A_1145 = arith.constant 91 : i32
      %get3A_1146 = arith.index_cast %get3A_1145 : i32 to index
      %get3A_1147 = arith.constant 16 : index
      %get3A_1148 = tpu.vector_load %arg6[%get3A_1146, %get3A_1147] {strides = array<i32>} : memref<128x32xf32, #tpu.memory_space<vmem>>, vector<16xf32>,
      tpu.vector_store_idx %arg8[%add3A_7, %broadcast_in_dim3A_1140], %get3A_1148 : memref<32x129xf32, #tpu.memory_space<vmem>>[vector<16xi32>, vector<16xi32>], vector<16xf32>,
      %broadcast_in_dim3A_1149 = arith.constant 92 : i32
      %broadcast_in_dim3A_1150 = vector.broadcast %broadcast_in_dim3A_1149 : i32 to vector<16xi32>
      %get3A_1151 = arith.constant 92 : i32
      %get3A_1152 = arith.index_cast %get3A_1151 : i32 to index
      %get3A_1153 = arith.constant 0 : index
      %get3A_1154 = tpu.vector_load %arg6[%get3A_1152, %get3A_1153] {strides = array<i32>} : memref<128x32xf32, #tpu.memory_space<vmem>>, vector<16xf32>,
      tpu.vector_store_idx %arg8[%iota3A, %broadcast_in_dim3A_1150], %get3A_1154 : memref<32x129xf32, #tpu.memory_space<vmem>>[vector<16xi32>, vector<16xi32>], vector<16xf32>,
      %get3A_1155 = arith.constant 92 : i32
      %get3A_1156 = arith.index_cast %get3A_1155 : i32 to index
      %get3A_1157 = arith.constant 16 : index
      %get3A_1158 = tpu.vector_load %arg6[%get3A_1156, %get3A_1157] {strides = array<i32>} : memref<128x32xf32, #tpu.memory_space<vmem>>, vector<16xf32>,
      tpu.vector_store_idx %arg8[%add3A_7, %broadcast_in_dim3A_1150], %get3A_1158 : memref<32x129xf32, #tpu.memory_space<vmem>>[vector<16xi32>, vector<16xi32>], vector<16xf32>,
      %broadcast_in_dim3A_1159 = arith.constant 93 : i32
      %broadcast_in_dim3A_1160 = vector.broadcast %broadcast_in_dim3A_1159 : i32 to vector<16xi32>
      %get3A_1161 = arith.constant 93 : i32
      %get3A_1162 = arith.index_cast %get3A_1161 : i32 to index
      %get3A_1163 = arith.constant 0 : index
      %get3A_1164 = tpu.vector_load %arg6[%get3A_1162, %get3A_1163] {strides = array<i32>} : memref<128x32xf32, #tpu.memory_space<vmem>>, vector<16xf32>,
      tpu.vector_store_idx %arg8[%iota3A, %broadcast_in_dim3A_1160], %get3A_1164 : memref<32x129xf32, #tpu.memory_space<vmem>>[vector<16xi32>, vector<16xi32>], vector<16xf32>,
      %get3A_1165 = arith.constant 93 : i32
      %get3A_1166 = arith.index_cast %get3A_1165 : i32 to index
      %get3A_1167 = arith.constant 16 : index
      %get3A_1168 = tpu.vector_load %arg6[%get3A_1166, %get3A_1167] {strides = array<i32>} : memref<128x32xf32, #tpu.memory_space<vmem>>, vector<16xf32>,
      tpu.vector_store_idx %arg8[%add3A_7, %broadcast_in_dim3A_1160], %get3A_1168 : memref<32x129xf32, #tpu.memory_space<vmem>>[vector<16xi32>, vector<16xi32>], vector<16xf32>,
      %broadcast_in_dim3A_1169 = arith.constant 94 : i32
      %broadcast_in_dim3A_1170 = vector.broadcast %broadcast_in_dim3A_1169 : i32 to vector<16xi32>
      %get3A_1171 = arith.constant 94 : i32
      %get3A_1172 = arith.index_cast %get3A_1171 : i32 to index
      %get3A_1173 = arith.constant 0 : index
      %get3A_1174 = tpu.vector_load %arg6[%get3A_1172, %get3A_1173] {strides = array<i32>} : memref<128x32xf32, #tpu.memory_space<vmem>>, vector<16xf32>,
      tpu.vector_store_idx %arg8[%iota3A, %broadcast_in_dim3A_1170], %get3A_1174 : memref<32x129xf32, #tpu.memory_space<vmem>>[vector<16xi32>, vector<16xi32>], vector<16xf32>,
      %get3A_1175 = arith.constant 94 : i32
      %get3A_1176 = arith.index_cast %get3A_1175 : i32 to index
      %get3A_1177 = arith.constant 16 : index
      %get3A_1178 = tpu.vector_load %arg6[%get3A_1176, %get3A_1177] {strides = array<i32>} : memref<128x32xf32, #tpu.memory_space<vmem>>, vector<16xf32>,
      tpu.vector_store_idx %arg8[%add3A_7, %broadcast_in_dim3A_1170], %get3A_1178 : memref<32x129xf32, #tpu.memory_space<vmem>>[vector<16xi32>, vector<16xi32>], vector<16xf32>,
      %broadcast_in_dim3A_1179 = arith.constant 95 : i32
      %broadcast_in_dim3A_1180 = vector.broadcast %broadcast_in_dim3A_1179 : i32 to vector<16xi32>
      %get3A_1181 = arith.constant 95 : i32
      %get3A_1182 = arith.index_cast %get3A_1181 : i32 to index
      %get3A_1183 = arith.constant 0 : index
      %get3A_1184 = tpu.vector_load %arg6[%get3A_1182, %get3A_1183] {strides = array<i32>} : memref<128x32xf32, #tpu.memory_space<vmem>>, vector<16xf32>,
      tpu.vector_store_idx %arg8[%iota3A, %broadcast_in_dim3A_1180], %get3A_1184 : memref<32x129xf32, #tpu.memory_space<vmem>>[vector<16xi32>, vector<16xi32>], vector<16xf32>,
      %get3A_1185 = arith.constant 95 : i32
      %get3A_1186 = arith.index_cast %get3A_1185 : i32 to index
      %get3A_1187 = arith.constant 16 : index
      %get3A_1188 = tpu.vector_load %arg6[%get3A_1186, %get3A_1187] {strides = array<i32>} : memref<128x32xf32, #tpu.memory_space<vmem>>, vector<16xf32>,
      tpu.vector_store_idx %arg8[%add3A_7, %broadcast_in_dim3A_1180], %get3A_1188 : memref<32x129xf32, #tpu.memory_space<vmem>>[vector<16xi32>, vector<16xi32>], vector<16xf32>,
      %broadcast_in_dim3A_1189 = arith.constant 96 : i32
      %broadcast_in_dim3A_1190 = vector.broadcast %broadcast_in_dim3A_1189 : i32 to vector<16xi32>
      %get3A_1191 = arith.constant 96 : i32
      %get3A_1192 = arith.index_cast %get3A_1191 : i32 to index
      %get3A_1193 = arith.constant 0 : index
      %get3A_1194 = tpu.vector_load %arg6[%get3A_1192, %get3A_1193] {strides = array<i32>} : memref<128x32xf32, #tpu.memory_space<vmem>>, vector<16xf32>,
      tpu.vector_store_idx %arg8[%iota3A, %broadcast_in_dim3A_1190], %get3A_1194 : memref<32x129xf32, #tpu.memory_space<vmem>>[vector<16xi32>, vector<16xi32>], vector<16xf32>,
      %get3A_1195 = arith.constant 96 : i32
      %get3A_1196 = arith.index_cast %get3A_1195 : i32 to index
      %get3A_1197 = arith.constant 16 : index
      %get3A_1198 = tpu.vector_load %arg6[%get3A_1196, %get3A_1197] {strides = array<i32>} : memref<128x32xf32, #tpu.memory_space<vmem>>, vector<16xf32>,
      tpu.vector_store_idx %arg8[%add3A_7, %broadcast_in_dim3A_1190], %get3A_1198 : memref<32x129xf32, #tpu.memory_space<vmem>>[vector<16xi32>, vector<16xi32>], vector<16xf32>,
      %broadcast_in_dim3A_1199 = arith.constant 97 : i32
      %broadcast_in_dim3A_1200 = vector.broadcast %broadcast_in_dim3A_1199 : i32 to vector<16xi32>
      %get3A_1201 = arith.constant 97 : i32
      %get3A_1202 = arith.index_cast %get3A_1201 : i32 to index
      %get3A_1203 = arith.constant 0 : index
      %get3A_1204 = tpu.vector_load %arg6[%get3A_1202, %get3A_1203] {strides = array<i32>} : memref<128x32xf32, #tpu.memory_space<vmem>>, vector<16xf32>,
      tpu.vector_store_idx %arg8[%iota3A, %broadcast_in_dim3A_1200], %get3A_1204 : memref<32x129xf32, #tpu.memory_space<vmem>>[vector<16xi32>, vector<16xi32>], vector<16xf32>,
      %get3A_1205 = arith.constant 97 : i32
      %get3A_1206 = arith.index_cast %get3A_1205 : i32 to index
      %get3A_1207 = arith.constant 16 : index
      %get3A_1208 = tpu.vector_load %arg6[%get3A_1206, %get3A_1207] {strides = array<i32>} : memref<128x32xf32, #tpu.memory_space<vmem>>, vector<16xf32>,
      tpu.vector_store_idx %arg8[%add3A_7, %broadcast_in_dim3A_1200], %get3A_1208 : memref<32x129xf32, #tpu.memory_space<vmem>>[vector<16xi32>, vector<16xi32>], vector<16xf32>,
      %broadcast_in_dim3A_1209 = arith.constant 98 : i32
      %broadcast_in_dim3A_1210 = vector.broadcast %broadcast_in_dim3A_1209 : i32 to vector<16xi32>
      %get3A_1211 = arith.constant 98 : i32
      %get3A_1212 = arith.index_cast %get3A_1211 : i32 to index
      %get3A_1213 = arith.constant 0 : index
      %get3A_1214 = tpu.vector_load %arg6[%get3A_1212, %get3A_1213] {strides = array<i32>} : memref<128x32xf32, #tpu.memory_space<vmem>>, vector<16xf32>,
      tpu.vector_store_idx %arg8[%iota3A, %broadcast_in_dim3A_1210], %get3A_1214 : memref<32x129xf32, #tpu.memory_space<vmem>>[vector<16xi32>, vector<16xi32>], vector<16xf32>,
      %get3A_1215 = arith.constant 98 : i32
      %get3A_1216 = arith.index_cast %get3A_1215 : i32 to index
      %get3A_1217 = arith.constant 16 : index
      %get3A_1218 = tpu.vector_load %arg6[%get3A_1216, %get3A_1217] {strides = array<i32>} : memref<128x32xf32, #tpu.memory_space<vmem>>, vector<16xf32>,
      tpu.vector_store_idx %arg8[%add3A_7, %broadcast_in_dim3A_1210], %get3A_1218 : memref<32x129xf32, #tpu.memory_space<vmem>>[vector<16xi32>, vector<16xi32>], vector<16xf32>,
      %broadcast_in_dim3A_1219 = arith.constant 99 : i32
      %broadcast_in_dim3A_1220 = vector.broadcast %broadcast_in_dim3A_1219 : i32 to vector<16xi32>
      %get3A_1221 = arith.constant 99 : i32
      %get3A_1222 = arith.index_cast %get3A_1221 : i32 to index
      %get3A_1223 = arith.constant 0 : index
      %get3A_1224 = tpu.vector_load %arg6[%get3A_1222, %get3A_1223] {strides = array<i32>} : memref<128x32xf32, #tpu.memory_space<vmem>>, vector<16xf32>,
      tpu.vector_store_idx %arg8[%iota3A, %broadcast_in_dim3A_1220], %get3A_1224 : memref<32x129xf32, #tpu.memory_space<vmem>>[vector<16xi32>, vector<16xi32>], vector<16xf32>,
      %get3A_1225 = arith.constant 99 : i32
      %get3A_1226 = arith.index_cast %get3A_1225 : i32 to index
      %get3A_1227 = arith.constant 16 : index
      %get3A_1228 = tpu.vector_load %arg6[%get3A_1226, %get3A_1227] {strides = array<i32>} : memref<128x32xf32, #tpu.memory_space<vmem>>, vector<16xf32>,
      tpu.vector_store_idx %arg8[%add3A_7, %broadcast_in_dim3A_1220], %get3A_1228 : memref<32x129xf32, #tpu.memory_space<vmem>>[vector<16xi32>, vector<16xi32>], vector<16xf32>,
      %broadcast_in_dim3A_1229 = arith.constant 100 : i32
      %broadcast_in_dim3A_1230 = vector.broadcast %broadcast_in_dim3A_1229 : i32 to vector<16xi32>
      %get3A_1231 = arith.constant 100 : i32
      %get3A_1232 = arith.index_cast %get3A_1231 : i32 to index
      %get3A_1233 = arith.constant 0 : index
      %get3A_1234 = tpu.vector_load %arg6[%get3A_1232, %get3A_1233] {strides = array<i32>} : memref<128x32xf32, #tpu.memory_space<vmem>>, vector<16xf32>,
      tpu.vector_store_idx %arg8[%iota3A, %broadcast_in_dim3A_1230], %get3A_1234 : memref<32x129xf32, #tpu.memory_space<vmem>>[vector<16xi32>, vector<16xi32>], vector<16xf32>,
      %get3A_1235 = arith.constant 100 : i32
      %get3A_1236 = arith.index_cast %get3A_1235 : i32 to index
      %get3A_1237 = arith.constant 16 : index
      %get3A_1238 = tpu.vector_load %arg6[%get3A_1236, %get3A_1237] {strides = array<i32>} : memref<128x32xf32, #tpu.memory_space<vmem>>, vector<16xf32>,
      tpu.vector_store_idx %arg8[%add3A_7, %broadcast_in_dim3A_1230], %get3A_1238 : memref<32x129xf32, #tpu.memory_space<vmem>>[vector<16xi32>, vector<16xi32>], vector<16xf32>,
      %broadcast_in_dim3A_1239 = arith.constant 101 : i32
      %broadcast_in_dim3A_1240 = vector.broadcast %broadcast_in_dim3A_1239 : i32 to vector<16xi32>
      %get3A_1241 = arith.constant 101 : i32
      %get3A_1242 = arith.index_cast %get3A_1241 : i32 to index
      %get3A_1243 = arith.constant 0 : index
      %get3A_1244 = tpu.vector_load %arg6[%get3A_1242, %get3A_1243] {strides = array<i32>} : memref<128x32xf32, #tpu.memory_space<vmem>>, vector<16xf32>,
      tpu.vector_store_idx %arg8[%iota3A, %broadcast_in_dim3A_1240], %get3A_1244 : memref<32x129xf32, #tpu.memory_space<vmem>>[vector<16xi32>, vector<16xi32>], vector<16xf32>,
      %get3A_1245 = arith.constant 101 : i32
      %get3A_1246 = arith.index_cast %get3A_1245 : i32 to index
      %get3A_1247 = arith.constant 16 : index
      %get3A_1248 = tpu.vector_load %arg6[%get3A_1246, %get3A_1247] {strides = array<i32>} : memref<128x32xf32, #tpu.memory_space<vmem>>, vector<16xf32>,
      tpu.vector_store_idx %arg8[%add3A_7, %broadcast_in_dim3A_1240], %get3A_1248 : memref<32x129xf32, #tpu.memory_space<vmem>>[vector<16xi32>, vector<16xi32>], vector<16xf32>,
      %broadcast_in_dim3A_1249 = arith.constant 102 : i32
      %broadcast_in_dim3A_1250 = vector.broadcast %broadcast_in_dim3A_1249 : i32 to vector<16xi32>
      %get3A_1251 = arith.constant 102 : i32
      %get3A_1252 = arith.index_cast %get3A_1251 : i32 to index
      %get3A_1253 = arith.constant 0 : index
      %get3A_1254 = tpu.vector_load %arg6[%get3A_1252, %get3A_1253] {strides = array<i32>} : memref<128x32xf32, #tpu.memory_space<vmem>>, vector<16xf32>,
      tpu.vector_store_idx %arg8[%iota3A, %broadcast_in_dim3A_1250], %get3A_1254 : memref<32x129xf32, #tpu.memory_space<vmem>>[vector<16xi32>, vector<16xi32>], vector<16xf32>,
      %get3A_1255 = arith.constant 102 : i32
      %get3A_1256 = arith.index_cast %get3A_1255 : i32 to index
      %get3A_1257 = arith.constant 16 : index
      %get3A_1258 = tpu.vector_load %arg6[%get3A_1256, %get3A_1257] {strides = array<i32>} : memref<128x32xf32, #tpu.memory_space<vmem>>, vector<16xf32>,
      tpu.vector_store_idx %arg8[%add3A_7, %broadcast_in_dim3A_1250], %get3A_1258 : memref<32x129xf32, #tpu.memory_space<vmem>>[vector<16xi32>, vector<16xi32>], vector<16xf32>,
      %broadcast_in_dim3A_1259 = arith.constant 103 : i32
      %broadcast_in_dim3A_1260 = vector.broadcast %broadcast_in_dim3A_1259 : i32 to vector<16xi32>
      %get3A_1261 = arith.constant 103 : i32
      %get3A_1262 = arith.index_cast %get3A_1261 : i32 to index
      %get3A_1263 = arith.constant 0 : index
      %get3A_1264 = tpu.vector_load %arg6[%get3A_1262, %get3A_1263] {strides = array<i32>} : memref<128x32xf32, #tpu.memory_space<vmem>>, vector<16xf32>,
      tpu.vector_store_idx %arg8[%iota3A, %broadcast_in_dim3A_1260], %get3A_1264 : memref<32x129xf32, #tpu.memory_space<vmem>>[vector<16xi32>, vector<16xi32>], vector<16xf32>,
      %get3A_1265 = arith.constant 103 : i32
      %get3A_1266 = arith.index_cast %get3A_1265 : i32 to index
      %get3A_1267 = arith.constant 16 : index
      %get3A_1268 = tpu.vector_load %arg6[%get3A_1266, %get3A_1267] {strides = array<i32>} : memref<128x32xf32, #tpu.memory_space<vmem>>, vector<16xf32>,
      tpu.vector_store_idx %arg8[%add3A_7, %broadcast_in_dim3A_1260], %get3A_1268 : memref<32x129xf32, #tpu.memory_space<vmem>>[vector<16xi32>, vector<16xi32>], vector<16xf32>,
      %broadcast_in_dim3A_1269 = arith.constant 104 : i32
      %broadcast_in_dim3A_1270 = vector.broadcast %broadcast_in_dim3A_1269 : i32 to vector<16xi32>
      %get3A_1271 = arith.constant 104 : i32
      %get3A_1272 = arith.index_cast %get3A_1271 : i32 to index
      %get3A_1273 = arith.constant 0 : index
      %get3A_1274 = tpu.vector_load %arg6[%get3A_1272, %get3A_1273] {strides = array<i32>} : memref<128x32xf32, #tpu.memory_space<vmem>>, vector<16xf32>,
      tpu.vector_store_idx %arg8[%iota3A, %broadcast_in_dim3A_1270], %get3A_1274 : memref<32x129xf32, #tpu.memory_space<vmem>>[vector<16xi32>, vector<16xi32>], vector<16xf32>,
      %get3A_1275 = arith.constant 104 : i32
      %get3A_1276 = arith.index_cast %get3A_1275 : i32 to index
      %get3A_1277 = arith.constant 16 : index
      %get3A_1278 = tpu.vector_load %arg6[%get3A_1276, %get3A_1277] {strides = array<i32>} : memref<128x32xf32, #tpu.memory_space<vmem>>, vector<16xf32>,
      tpu.vector_store_idx %arg8[%add3A_7, %broadcast_in_dim3A_1270], %get3A_1278 : memref<32x129xf32, #tpu.memory_space<vmem>>[vector<16xi32>, vector<16xi32>], vector<16xf32>,
      %broadcast_in_dim3A_1279 = arith.constant 105 : i32
      %broadcast_in_dim3A_1280 = vector.broadcast %broadcast_in_dim3A_1279 : i32 to vector<16xi32>
      %get3A_1281 = arith.constant 105 : i32
      %get3A_1282 = arith.index_cast %get3A_1281 : i32 to index
      %get3A_1283 = arith.constant 0 : index
      %get3A_1284 = tpu.vector_load %arg6[%get3A_1282, %get3A_1283] {strides = array<i32>} : memref<128x32xf32, #tpu.memory_space<vmem>>, vector<16xf32>,
      tpu.vector_store_idx %arg8[%iota3A, %broadcast_in_dim3A_1280], %get3A_1284 : memref<32x129xf32, #tpu.memory_space<vmem>>[vector<16xi32>, vector<16xi32>], vector<16xf32>,
      %get3A_1285 = arith.constant 105 : i32
      %get3A_1286 = arith.index_cast %get3A_1285 : i32 to index
      %get3A_1287 = arith.constant 16 : index
      %get3A_1288 = tpu.vector_load %arg6[%get3A_1286, %get3A_1287] {strides = array<i32>} : memref<128x32xf32, #tpu.memory_space<vmem>>, vector<16xf32>,
      tpu.vector_store_idx %arg8[%add3A_7, %broadcast_in_dim3A_1280], %get3A_1288 : memref<32x129xf32, #tpu.memory_space<vmem>>[vector<16xi32>, vector<16xi32>], vector<16xf32>,
      %broadcast_in_dim3A_1289 = arith.constant 106 : i32
      %broadcast_in_dim3A_1290 = vector.broadcast %broadcast_in_dim3A_1289 : i32 to vector<16xi32>
      %get3A_1291 = arith.constant 106 : i32
      %get3A_1292 = arith.index_cast %get3A_1291 : i32 to index
      %get3A_1293 = arith.constant 0 : index
      %get3A_1294 = tpu.vector_load %arg6[%get3A_1292, %get3A_1293] {strides = array<i32>} : memref<128x32xf32, #tpu.memory_space<vmem>>, vector<16xf32>,
      tpu.vector_store_idx %arg8[%iota3A, %broadcast_in_dim3A_1290], %get3A_1294 : memref<32x129xf32, #tpu.memory_space<vmem>>[vector<16xi32>, vector<16xi32>], vector<16xf32>,
      %get3A_1295 = arith.constant 106 : i32
      %get3A_1296 = arith.index_cast %get3A_1295 : i32 to index
      %get3A_1297 = arith.constant 16 : index
      %get3A_1298 = tpu.vector_load %arg6[%get3A_1296, %get3A_1297] {strides = array<i32>} : memref<128x32xf32, #tpu.memory_space<vmem>>, vector<16xf32>,
      tpu.vector_store_idx %arg8[%add3A_7, %broadcast_in_dim3A_1290], %get3A_1298 : memref<32x129xf32, #tpu.memory_space<vmem>>[vector<16xi32>, vector<16xi32>], vector<16xf32>,
      %broadcast_in_dim3A_1299 = arith.constant 107 : i32
      %broadcast_in_dim3A_1300 = vector.broadcast %broadcast_in_dim3A_1299 : i32 to vector<16xi32>
      %get3A_1301 = arith.constant 107 : i32
      %get3A_1302 = arith.index_cast %get3A_1301 : i32 to index
      %get3A_1303 = arith.constant 0 : index
      %get3A_1304 = tpu.vector_load %arg6[%get3A_1302, %get3A_1303] {strides = array<i32>} : memref<128x32xf32, #tpu.memory_space<vmem>>, vector<16xf32>,
      tpu.vector_store_idx %arg8[%iota3A, %broadcast_in_dim3A_1300], %get3A_1304 : memref<32x129xf32, #tpu.memory_space<vmem>>[vector<16xi32>, vector<16xi32>], vector<16xf32>,
      %get3A_1305 = arith.constant 107 : i32
      %get3A_1306 = arith.index_cast %get3A_1305 : i32 to index
      %get3A_1307 = arith.constant 16 : index
      %get3A_1308 = tpu.vector_load %arg6[%get3A_1306, %get3A_1307] {strides = array<i32>} : memref<128x32xf32, #tpu.memory_space<vmem>>, vector<16xf32>,
      tpu.vector_store_idx %arg8[%add3A_7, %broadcast_in_dim3A_1300], %get3A_1308 : memref<32x129xf32, #tpu.memory_space<vmem>>[vector<16xi32>, vector<16xi32>], vector<16xf32>,
      %broadcast_in_dim3A_1309 = arith.constant 108 : i32
      %broadcast_in_dim3A_1310 = vector.broadcast %broadcast_in_dim3A_1309 : i32 to vector<16xi32>
      %get3A_1311 = arith.constant 108 : i32
      %get3A_1312 = arith.index_cast %get3A_1311 : i32 to index
      %get3A_1313 = arith.constant 0 : index
      %get3A_1314 = tpu.vector_load %arg6[%get3A_1312, %get3A_1313] {strides = array<i32>} : memref<128x32xf32, #tpu.memory_space<vmem>>, vector<16xf32>,
      tpu.vector_store_idx %arg8[%iota3A, %broadcast_in_dim3A_1310], %get3A_1314 : memref<32x129xf32, #tpu.memory_space<vmem>>[vector<16xi32>, vector<16xi32>], vector<16xf32>,
      %get3A_1315 = arith.constant 108 : i32
      %get3A_1316 = arith.index_cast %get3A_1315 : i32 to index
      %get3A_1317 = arith.constant 16 : index
      %get3A_1318 = tpu.vector_load %arg6[%get3A_1316, %get3A_1317] {strides = array<i32>} : memref<128x32xf32, #tpu.memory_space<vmem>>, vector<16xf32>,
      tpu.vector_store_idx %arg8[%add3A_7, %broadcast_in_dim3A_1310], %get3A_1318 : memref<32x129xf32, #tpu.memory_space<vmem>>[vector<16xi32>, vector<16xi32>], vector<16xf32>,
      %broadcast_in_dim3A_1319 = arith.constant 109 : i32
      %broadcast_in_dim3A_1320 = vector.broadcast %broadcast_in_dim3A_1319 : i32 to vector<16xi32>
      %get3A_1321 = arith.constant 109 : i32
      %get3A_1322 = arith.index_cast %get3A_1321 : i32 to index
      %get3A_1323 = arith.constant 0 : index
      %get3A_1324 = tpu.vector_load %arg6[%get3A_1322, %get3A_1323] {strides = array<i32>} : memref<128x32xf32, #tpu.memory_space<vmem>>, vector<16xf32>,
      tpu.vector_store_idx %arg8[%iota3A, %broadcast_in_dim3A_1320], %get3A_1324 : memref<32x129xf32, #tpu.memory_space<vmem>>[vector<16xi32>, vector<16xi32>], vector<16xf32>,
      %get3A_1325 = arith.constant 109 : i32
      %get3A_1326 = arith.index_cast %get3A_1325 : i32 to index
      %get3A_1327 = arith.constant 16 : index
      %get3A_1328 = tpu.vector_load %arg6[%get3A_1326, %get3A_1327] {strides = array<i32>} : memref<128x32xf32, #tpu.memory_space<vmem>>, vector<16xf32>,
      tpu.vector_store_idx %arg8[%add3A_7, %broadcast_in_dim3A_1320], %get3A_1328 : memref<32x129xf32, #tpu.memory_space<vmem>>[vector<16xi32>, vector<16xi32>], vector<16xf32>,
      %broadcast_in_dim3A_1329 = arith.constant 110 : i32
      %broadcast_in_dim3A_1330 = vector.broadcast %broadcast_in_dim3A_1329 : i32 to vector<16xi32>
      %get3A_1331 = arith.constant 110 : i32
      %get3A_1332 = arith.index_cast %get3A_1331 : i32 to index
      %get3A_1333 = arith.constant 0 : index
      %get3A_1334 = tpu.vector_load %arg6[%get3A_1332, %get3A_1333] {strides = array<i32>} : memref<128x32xf32, #tpu.memory_space<vmem>>, vector<16xf32>,
      tpu.vector_store_idx %arg8[%iota3A, %broadcast_in_dim3A_1330], %get3A_1334 : memref<32x129xf32, #tpu.memory_space<vmem>>[vector<16xi32>, vector<16xi32>], vector<16xf32>,
      %get3A_1335 = arith.constant 110 : i32
      %get3A_1336 = arith.index_cast %get3A_1335 : i32 to index
      %get3A_1337 = arith.constant 16 : index
      %get3A_1338 = tpu.vector_load %arg6[%get3A_1336, %get3A_1337] {strides = array<i32>} : memref<128x32xf32, #tpu.memory_space<vmem>>, vector<16xf32>,
      tpu.vector_store_idx %arg8[%add3A_7, %broadcast_in_dim3A_1330], %get3A_1338 : memref<32x129xf32, #tpu.memory_space<vmem>>[vector<16xi32>, vector<16xi32>], vector<16xf32>,
      %broadcast_in_dim3A_1339 = arith.constant 111 : i32
      %broadcast_in_dim3A_1340 = vector.broadcast %broadcast_in_dim3A_1339 : i32 to vector<16xi32>
      %get3A_1341 = arith.constant 111 : i32
      %get3A_1342 = arith.index_cast %get3A_1341 : i32 to index
      %get3A_1343 = arith.constant 0 : index
      %get3A_1344 = tpu.vector_load %arg6[%get3A_1342, %get3A_1343] {strides = array<i32>} : memref<128x32xf32, #tpu.memory_space<vmem>>, vector<16xf32>,
      tpu.vector_store_idx %arg8[%iota3A, %broadcast_in_dim3A_1340], %get3A_1344 : memref<32x129xf32, #tpu.memory_space<vmem>>[vector<16xi32>, vector<16xi32>], vector<16xf32>,
      %get3A_1345 = arith.constant 111 : i32
      %get3A_1346 = arith.index_cast %get3A_1345 : i32 to index
      %get3A_1347 = arith.constant 16 : index
      %get3A_1348 = tpu.vector_load %arg6[%get3A_1346, %get3A_1347] {strides = array<i32>} : memref<128x32xf32, #tpu.memory_space<vmem>>, vector<16xf32>,
      tpu.vector_store_idx %arg8[%add3A_7, %broadcast_in_dim3A_1340], %get3A_1348 : memref<32x129xf32, #tpu.memory_space<vmem>>[vector<16xi32>, vector<16xi32>], vector<16xf32>,
      %broadcast_in_dim3A_1349 = arith.constant 112 : i32
      %broadcast_in_dim3A_1350 = vector.broadcast %broadcast_in_dim3A_1349 : i32 to vector<16xi32>
      %get3A_1351 = arith.constant 112 : i32
      %get3A_1352 = arith.index_cast %get3A_1351 : i32 to index
      %get3A_1353 = arith.constant 0 : index
      %get3A_1354 = tpu.vector_load %arg6[%get3A_1352, %get3A_1353] {strides = array<i32>} : memref<128x32xf32, #tpu.memory_space<vmem>>, vector<16xf32>,
      tpu.vector_store_idx %arg8[%iota3A, %broadcast_in_dim3A_1350], %get3A_1354 : memref<32x129xf32, #tpu.memory_space<vmem>>[vector<16xi32>, vector<16xi32>], vector<16xf32>,
      %get3A_1355 = arith.constant 112 : i32
      %get3A_1356 = arith.index_cast %get3A_1355 : i32 to index
      %get3A_1357 = arith.constant 16 : index
      %get3A_1358 = tpu.vector_load %arg6[%get3A_1356, %get3A_1357] {strides = array<i32>} : memref<128x32xf32, #tpu.memory_space<vmem>>, vector<16xf32>,
      tpu.vector_store_idx %arg8[%add3A_7, %broadcast_in_dim3A_1350], %get3A_1358 : memref<32x129xf32, #tpu.memory_space<vmem>>[vector<16xi32>, vector<16xi32>], vector<16xf32>,
      %broadcast_in_dim3A_1359 = arith.constant 113 : i32
      %broadcast_in_dim3A_1360 = vector.broadcast %broadcast_in_dim3A_1359 : i32 to vector<16xi32>
      %get3A_1361 = arith.constant 113 : i32
      %get3A_1362 = arith.index_cast %get3A_1361 : i32 to index
      %get3A_1363 = arith.constant 0 : index
      %get3A_1364 = tpu.vector_load %arg6[%get3A_1362, %get3A_1363] {strides = array<i32>} : memref<128x32xf32, #tpu.memory_space<vmem>>, vector<16xf32>,
      tpu.vector_store_idx %arg8[%iota3A, %broadcast_in_dim3A_1360], %get3A_1364 : memref<32x129xf32, #tpu.memory_space<vmem>>[vector<16xi32>, vector<16xi32>], vector<16xf32>,
      %get3A_1365 = arith.constant 113 : i32
      %get3A_1366 = arith.index_cast %get3A_1365 : i32 to index
      %get3A_1367 = arith.constant 16 : index
      %get3A_1368 = tpu.vector_load %arg6[%get3A_1366, %get3A_1367] {strides = array<i32>} : memref<128x32xf32, #tpu.memory_space<vmem>>, vector<16xf32>,
      tpu.vector_store_idx %arg8[%add3A_7, %broadcast_in_dim3A_1360], %get3A_1368 : memref<32x129xf32, #tpu.memory_space<vmem>>[vector<16xi32>, vector<16xi32>], vector<16xf32>,
      %broadcast_in_dim3A_1369 = arith.constant 114 : i32
      %broadcast_in_dim3A_1370 = vector.broadcast %broadcast_in_dim3A_1369 : i32 to vector<16xi32>
      %get3A_1371 = arith.constant 114 : i32
      %get3A_1372 = arith.index_cast %get3A_1371 : i32 to index
      %get3A_1373 = arith.constant 0 : index
      %get3A_1374 = tpu.vector_load %arg6[%get3A_1372, %get3A_1373] {strides = array<i32>} : memref<128x32xf32, #tpu.memory_space<vmem>>, vector<16xf32>,
      tpu.vector_store_idx %arg8[%iota3A, %broadcast_in_dim3A_1370], %get3A_1374 : memref<32x129xf32, #tpu.memory_space<vmem>>[vector<16xi32>, vector<16xi32>], vector<16xf32>,
      %get3A_1375 = arith.constant 114 : i32
      %get3A_1376 = arith.index_cast %get3A_1375 : i32 to index
      %get3A_1377 = arith.constant 16 : index
      %get3A_1378 = tpu.vector_load %arg6[%get3A_1376, %get3A_1377] {strides = array<i32>} : memref<128x32xf32, #tpu.memory_space<vmem>>, vector<16xf32>,
      tpu.vector_store_idx %arg8[%add3A_7, %broadcast_in_dim3A_1370], %get3A_1378 : memref<32x129xf32, #tpu.memory_space<vmem>>[vector<16xi32>, vector<16xi32>], vector<16xf32>,
      %broadcast_in_dim3A_1379 = arith.constant 115 : i32
      %broadcast_in_dim3A_1380 = vector.broadcast %broadcast_in_dim3A_1379 : i32 to vector<16xi32>
      %get3A_1381 = arith.constant 115 : i32
      %get3A_1382 = arith.index_cast %get3A_1381 : i32 to index
      %get3A_1383 = arith.constant 0 : index
      %get3A_1384 = tpu.vector_load %arg6[%get3A_1382, %get3A_1383] {strides = array<i32>} : memref<128x32xf32, #tpu.memory_space<vmem>>, vector<16xf32>,
      tpu.vector_store_idx %arg8[%iota3A, %broadcast_in_dim3A_1380], %get3A_1384 : memref<32x129xf32, #tpu.memory_space<vmem>>[vector<16xi32>, vector<16xi32>], vector<16xf32>,
      %get3A_1385 = arith.constant 115 : i32
      %get3A_1386 = arith.index_cast %get3A_1385 : i32 to index
      %get3A_1387 = arith.constant 16 : index
      %get3A_1388 = tpu.vector_load %arg6[%get3A_1386, %get3A_1387] {strides = array<i32>} : memref<128x32xf32, #tpu.memory_space<vmem>>, vector<16xf32>,
      tpu.vector_store_idx %arg8[%add3A_7, %broadcast_in_dim3A_1380], %get3A_1388 : memref<32x129xf32, #tpu.memory_space<vmem>>[vector<16xi32>, vector<16xi32>], vector<16xf32>,
      %broadcast_in_dim3A_1389 = arith.constant 116 : i32
      %broadcast_in_dim3A_1390 = vector.broadcast %broadcast_in_dim3A_1389 : i32 to vector<16xi32>
      %get3A_1391 = arith.constant 116 : i32
      %get3A_1392 = arith.index_cast %get3A_1391 : i32 to index
      %get3A_1393 = arith.constant 0 : index
      %get3A_1394 = tpu.vector_load %arg6[%get3A_1392, %get3A_1393] {strides = array<i32>} : memref<128x32xf32, #tpu.memory_space<vmem>>, vector<16xf32>,
      tpu.vector_store_idx %arg8[%iota3A, %broadcast_in_dim3A_1390], %get3A_1394 : memref<32x129xf32, #tpu.memory_space<vmem>>[vector<16xi32>, vector<16xi32>], vector<16xf32>,
      %get3A_1395 = arith.constant 116 : i32
      %get3A_1396 = arith.index_cast %get3A_1395 : i32 to index
      %get3A_1397 = arith.constant 16 : index
      %get3A_1398 = tpu.vector_load %arg6[%get3A_1396, %get3A_1397] {strides = array<i32>} : memref<128x32xf32, #tpu.memory_space<vmem>>, vector<16xf32>,
      tpu.vector_store_idx %arg8[%add3A_7, %broadcast_in_dim3A_1390], %get3A_1398 : memref<32x129xf32, #tpu.memory_space<vmem>>[vector<16xi32>, vector<16xi32>], vector<16xf32>,
      %broadcast_in_dim3A_1399 = arith.constant 117 : i32
      %broadcast_in_dim3A_1400 = vector.broadcast %broadcast_in_dim3A_1399 : i32 to vector<16xi32>
      %get3A_1401 = arith.constant 117 : i32
      %get3A_1402 = arith.index_cast %get3A_1401 : i32 to index
      %get3A_1403 = arith.constant 0 : index
      %get3A_1404 = tpu.vector_load %arg6[%get3A_1402, %get3A_1403] {strides = array<i32>} : memref<128x32xf32, #tpu.memory_space<vmem>>, vector<16xf32>,
      tpu.vector_store_idx %arg8[%iota3A, %broadcast_in_dim3A_1400], %get3A_1404 : memref<32x129xf32, #tpu.memory_space<vmem>>[vector<16xi32>, vector<16xi32>], vector<16xf32>,
      %get3A_1405 = arith.constant 117 : i32
      %get3A_1406 = arith.index_cast %get3A_1405 : i32 to index
      %get3A_1407 = arith.constant 16 : index
      %get3A_1408 = tpu.vector_load %arg6[%get3A_1406, %get3A_1407] {strides = array<i32>} : memref<128x32xf32, #tpu.memory_space<vmem>>, vector<16xf32>,
      tpu.vector_store_idx %arg8[%add3A_7, %broadcast_in_dim3A_1400], %get3A_1408 : memref<32x129xf32, #tpu.memory_space<vmem>>[vector<16xi32>, vector<16xi32>], vector<16xf32>,
      %broadcast_in_dim3A_1409 = arith.constant 118 : i32
      %broadcast_in_dim3A_1410 = vector.broadcast %broadcast_in_dim3A_1409 : i32 to vector<16xi32>
      %get3A_1411 = arith.constant 118 : i32
      %get3A_1412 = arith.index_cast %get3A_1411 : i32 to index
      %get3A_1413 = arith.constant 0 : index
      %get3A_1414 = tpu.vector_load %arg6[%get3A_1412, %get3A_1413] {strides = array<i32>} : memref<128x32xf32, #tpu.memory_space<vmem>>, vector<16xf32>,
      tpu.vector_store_idx %arg8[%iota3A, %broadcast_in_dim3A_1410], %get3A_1414 : memref<32x129xf32, #tpu.memory_space<vmem>>[vector<16xi32>, vector<16xi32>], vector<16xf32>,
      %get3A_1415 = arith.constant 118 : i32
      %get3A_1416 = arith.index_cast %get3A_1415 : i32 to index
      %get3A_1417 = arith.constant 16 : index
      %get3A_1418 = tpu.vector_load %arg6[%get3A_1416, %get3A_1417] {strides = array<i32>} : memref<128x32xf32, #tpu.memory_space<vmem>>, vector<16xf32>,
      tpu.vector_store_idx %arg8[%add3A_7, %broadcast_in_dim3A_1410], %get3A_1418 : memref<32x129xf32, #tpu.memory_space<vmem>>[vector<16xi32>, vector<16xi32>], vector<16xf32>,
      %broadcast_in_dim3A_1419 = arith.constant 119 : i32
      %broadcast_in_dim3A_1420 = vector.broadcast %broadcast_in_dim3A_1419 : i32 to vector<16xi32>
      %get3A_1421 = arith.constant 119 : i32
      %get3A_1422 = arith.index_cast %get3A_1421 : i32 to index
      %get3A_1423 = arith.constant 0 : index
      %get3A_1424 = tpu.vector_load %arg6[%get3A_1422, %get3A_1423] {strides = array<i32>} : memref<128x32xf32, #tpu.memory_space<vmem>>, vector<16xf32>,
      tpu.vector_store_idx %arg8[%iota3A, %broadcast_in_dim3A_1420], %get3A_1424 : memref<32x129xf32, #tpu.memory_space<vmem>>[vector<16xi32>, vector<16xi32>], vector<16xf32>,
      %get3A_1425 = arith.constant 119 : i32
      %get3A_1426 = arith.index_cast %get3A_1425 : i32 to index
      %get3A_1427 = arith.constant 16 : index
      %get3A_1428 = tpu.vector_load %arg6[%get3A_1426, %get3A_1427] {strides = array<i32>} : memref<128x32xf32, #tpu.memory_space<vmem>>, vector<16xf32>,
      tpu.vector_store_idx %arg8[%add3A_7, %broadcast_in_dim3A_1420], %get3A_1428 : memref<32x129xf32, #tpu.memory_space<vmem>>[vector<16xi32>, vector<16xi32>], vector<16xf32>,
      %broadcast_in_dim3A_1429 = arith.constant 120 : i32
      %broadcast_in_dim3A_1430 = vector.broadcast %broadcast_in_dim3A_1429 : i32 to vector<16xi32>
      %get3A_1431 = arith.constant 120 : i32
      %get3A_1432 = arith.index_cast %get3A_1431 : i32 to index
      %get3A_1433 = arith.constant 0 : index
      %get3A_1434 = tpu.vector_load %arg6[%get3A_1432, %get3A_1433] {strides = array<i32>} : memref<128x32xf32, #tpu.memory_space<vmem>>, vector<16xf32>,
      tpu.vector_store_idx %arg8[%iota3A, %broadcast_in_dim3A_1430], %get3A_1434 : memref<32x129xf32, #tpu.memory_space<vmem>>[vector<16xi32>, vector<16xi32>], vector<16xf32>,
      %get3A_1435 = arith.constant 120 : i32
      %get3A_1436 = arith.index_cast %get3A_1435 : i32 to index
      %get3A_1437 = arith.constant 16 : index
      %get3A_1438 = tpu.vector_load %arg6[%get3A_1436, %get3A_1437] {strides = array<i32>} : memref<128x32xf32, #tpu.memory_space<vmem>>, vector<16xf32>,
      tpu.vector_store_idx %arg8[%add3A_7, %broadcast_in_dim3A_1430], %get3A_1438 : memref<32x129xf32, #tpu.memory_space<vmem>>[vector<16xi32>, vector<16xi32>], vector<16xf32>,
      %broadcast_in_dim3A_1439 = arith.constant 121 : i32
      %broadcast_in_dim3A_1440 = vector.broadcast %broadcast_in_dim3A_1439 : i32 to vector<16xi32>
      %get3A_1441 = arith.constant 121 : i32
      %get3A_1442 = arith.index_cast %get3A_1441 : i32 to index
      %get3A_1443 = arith.constant 0 : index
      %get3A_1444 = tpu.vector_load %arg6[%get3A_1442, %get3A_1443] {strides = array<i32>} : memref<128x32xf32, #tpu.memory_space<vmem>>, vector<16xf32>,
      tpu.vector_store_idx %arg8[%iota3A, %broadcast_in_dim3A_1440], %get3A_1444 : memref<32x129xf32, #tpu.memory_space<vmem>>[vector<16xi32>, vector<16xi32>], vector<16xf32>,
      %get3A_1445 = arith.constant 121 : i32
      %get3A_1446 = arith.index_cast %get3A_1445 : i32 to index
      %get3A_1447 = arith.constant 16 : index
      %get3A_1448 = tpu.vector_load %arg6[%get3A_1446, %get3A_1447] {strides = array<i32>} : memref<128x32xf32, #tpu.memory_space<vmem>>, vector<16xf32>,
      tpu.vector_store_idx %arg8[%add3A_7, %broadcast_in_dim3A_1440], %get3A_1448 : memref<32x129xf32, #tpu.memory_space<vmem>>[vector<16xi32>, vector<16xi32>], vector<16xf32>,
      %broadcast_in_dim3A_1449 = arith.constant 122 : i32
      %broadcast_in_dim3A_1450 = vector.broadcast %broadcast_in_dim3A_1449 : i32 to vector<16xi32>
      %get3A_1451 = arith.constant 122 : i32
      %get3A_1452 = arith.index_cast %get3A_1451 : i32 to index
      %get3A_1453 = arith.constant 0 : index
      %get3A_1454 = tpu.vector_load %arg6[%get3A_1452, %get3A_1453] {strides = array<i32>} : memref<128x32xf32, #tpu.memory_space<vmem>>, vector<16xf32>,
      tpu.vector_store_idx %arg8[%iota3A, %broadcast_in_dim3A_1450], %get3A_1454 : memref<32x129xf32, #tpu.memory_space<vmem>>[vector<16xi32>, vector<16xi32>], vector<16xf32>,
      %get3A_1455 = arith.constant 122 : i32
      %get3A_1456 = arith.index_cast %get3A_1455 : i32 to index
      %get3A_1457 = arith.constant 16 : index
      %get3A_1458 = tpu.vector_load %arg6[%get3A_1456, %get3A_1457] {strides = array<i32>} : memref<128x32xf32, #tpu.memory_space<vmem>>, vector<16xf32>,
      tpu.vector_store_idx %arg8[%add3A_7, %broadcast_in_dim3A_1450], %get3A_1458 : memref<32x129xf32, #tpu.memory_space<vmem>>[vector<16xi32>, vector<16xi32>], vector<16xf32>,
      %broadcast_in_dim3A_1459 = arith.constant 123 : i32
      %broadcast_in_dim3A_1460 = vector.broadcast %broadcast_in_dim3A_1459 : i32 to vector<16xi32>
      %get3A_1461 = arith.constant 123 : i32
      %get3A_1462 = arith.index_cast %get3A_1461 : i32 to index
      %get3A_1463 = arith.constant 0 : index
      %get3A_1464 = tpu.vector_load %arg6[%get3A_1462, %get3A_1463] {strides = array<i32>} : memref<128x32xf32, #tpu.memory_space<vmem>>, vector<16xf32>,
      tpu.vector_store_idx %arg8[%iota3A, %broadcast_in_dim3A_1460], %get3A_1464 : memref<32x129xf32, #tpu.memory_space<vmem>>[vector<16xi32>, vector<16xi32>], vector<16xf32>,
      %get3A_1465 = arith.constant 123 : i32
      %get3A_1466 = arith.index_cast %get3A_1465 : i32 to index
      %get3A_1467 = arith.constant 16 : index
      %get3A_1468 = tpu.vector_load %arg6[%get3A_1466, %get3A_1467] {strides = array<i32>} : memref<128x32xf32, #tpu.memory_space<vmem>>, vector<16xf32>,
      tpu.vector_store_idx %arg8[%add3A_7, %broadcast_in_dim3A_1460], %get3A_1468 : memref<32x129xf32, #tpu.memory_space<vmem>>[vector<16xi32>, vector<16xi32>], vector<16xf32>,
      %broadcast_in_dim3A_1469 = arith.constant 124 : i32
      %broadcast_in_dim3A_1470 = vector.broadcast %broadcast_in_dim3A_1469 : i32 to vector<16xi32>
      %get3A_1471 = arith.constant 124 : i32
      %get3A_1472 = arith.index_cast %get3A_1471 : i32 to index
      %get3A_1473 = arith.constant 0 : index
      %get3A_1474 = tpu.vector_load %arg6[%get3A_1472, %get3A_1473] {strides = array<i32>} : memref<128x32xf32, #tpu.memory_space<vmem>>, vector<16xf32>,
      tpu.vector_store_idx %arg8[%iota3A, %broadcast_in_dim3A_1470], %get3A_1474 : memref<32x129xf32, #tpu.memory_space<vmem>>[vector<16xi32>, vector<16xi32>], vector<16xf32>,
      %get3A_1475 = arith.constant 124 : i32
      %get3A_1476 = arith.index_cast %get3A_1475 : i32 to index
      %get3A_1477 = arith.constant 16 : index
      %get3A_1478 = tpu.vector_load %arg6[%get3A_1476, %get3A_1477] {strides = array<i32>} : memref<128x32xf32, #tpu.memory_space<vmem>>, vector<16xf32>,
      tpu.vector_store_idx %arg8[%add3A_7, %broadcast_in_dim3A_1470], %get3A_1478 : memref<32x129xf32, #tpu.memory_space<vmem>>[vector<16xi32>, vector<16xi32>], vector<16xf32>,
      %broadcast_in_dim3A_1479 = arith.constant 125 : i32
      %broadcast_in_dim3A_1480 = vector.broadcast %broadcast_in_dim3A_1479 : i32 to vector<16xi32>
      %get3A_1481 = arith.constant 125 : i32
      %get3A_1482 = arith.index_cast %get3A_1481 : i32 to index
      %get3A_1483 = arith.constant 0 : index
      %get3A_1484 = tpu.vector_load %arg6[%get3A_1482, %get3A_1483] {strides = array<i32>} : memref<128x32xf32, #tpu.memory_space<vmem>>, vector<16xf32>,
      tpu.vector_store_idx %arg8[%iota3A, %broadcast_in_dim3A_1480], %get3A_1484 : memref<32x129xf32, #tpu.memory_space<vmem>>[vector<16xi32>, vector<16xi32>], vector<16xf32>,
      %get3A_1485 = arith.constant 125 : i32
      %get3A_1486 = arith.index_cast %get3A_1485 : i32 to index
      %get3A_1487 = arith.constant 16 : index
      %get3A_1488 = tpu.vector_load %arg6[%get3A_1486, %get3A_1487] {strides = array<i32>} : memref<128x32xf32, #tpu.memory_space<vmem>>, vector<16xf32>,
      tpu.vector_store_idx %arg8[%add3A_7, %broadcast_in_dim3A_1480], %get3A_1488 : memref<32x129xf32, #tpu.memory_space<vmem>>[vector<16xi32>, vector<16xi32>], vector<16xf32>,
      %broadcast_in_dim3A_1489 = arith.constant 126 : i32
      %broadcast_in_dim3A_1490 = vector.broadcast %broadcast_in_dim3A_1489 : i32 to vector<16xi32>
      %get3A_1491 = arith.constant 126 : i32
      %get3A_1492 = arith.index_cast %get3A_1491 : i32 to index
      %get3A_1493 = arith.constant 0 : index
      %get3A_1494 = tpu.vector_load %arg6[%get3A_1492, %get3A_1493] {strides = array<i32>} : memref<128x32xf32, #tpu.memory_space<vmem>>, vector<16xf32>,
      tpu.vector_store_idx %arg8[%iota3A, %broadcast_in_dim3A_1490], %get3A_1494 : memref<32x129xf32, #tpu.memory_space<vmem>>[vector<16xi32>, vector<16xi32>], vector<16xf32>,
      %get3A_1495 = arith.constant 126 : i32
      %get3A_1496 = arith.index_cast %get3A_1495 : i32 to index
      %get3A_1497 = arith.constant 16 : index
      %get3A_1498 = tpu.vector_load %arg6[%get3A_1496, %get3A_1497] {strides = array<i32>} : memref<128x32xf32, #tpu.memory_space<vmem>>, vector<16xf32>,
      tpu.vector_store_idx %arg8[%add3A_7, %broadcast_in_dim3A_1490], %get3A_1498 : memref<32x129xf32, #tpu.memory_space<vmem>>[vector<16xi32>, vector<16xi32>], vector<16xf32>,
      %broadcast_in_dim3A_1499 = arith.constant 127 : i32
      %broadcast_in_dim3A_1500 = vector.broadcast %broadcast_in_dim3A_1499 : i32 to vector<16xi32>
      %get3A_1501 = arith.constant 127 : i32
      %get3A_1502 = arith.index_cast %get3A_1501 : i32 to index
      %get3A_1503 = arith.constant 0 : index
      %get3A_1504 = tpu.vector_load %arg6[%get3A_1502, %get3A_1503] {strides = array<i32>} : memref<128x32xf32, #tpu.memory_space<vmem>>, vector<16xf32>,
      tpu.vector_store_idx %arg8[%iota3A, %broadcast_in_dim3A_1500], %get3A_1504 : memref<32x129xf32, #tpu.memory_space<vmem>>[vector<16xi32>, vector<16xi32>], vector<16xf32>,
      %get3A_1505 = arith.constant 127 : i32
      %get3A_1506 = arith.index_cast %get3A_1505 : i32 to index
      %get3A_1507 = arith.constant 16 : index
      %get3A_1508 = tpu.vector_load %arg6[%get3A_1506, %get3A_1507] {strides = array<i32>} : memref<128x32xf32, #tpu.memory_space<vmem>>, vector<16xf32>,
      tpu.vector_store_idx %arg8[%add3A_7, %broadcast_in_dim3A_1500], %get3A_1508 : memref<32x129xf32, #tpu.memory_space<vmem>>[vector<16xi32>, vector<16xi32>], vector<16xf32>,
      %add3A_1509 = arith.addi %mul3A_2, %mul3A_212 : i32
      %jit3A_1510 = arith.constant 32 : i32
      %div3A_1511 = arith.divsi %add3A_1509, %jit3A_1510 : i32
      %sign3A_1512 = arith.constant 0 : i32
      %sign3A_1513 = arith.cmpi sgt, %add3A_1509, %sign3A_1512 : i32
      %sign3A_1514 = arith.extui %sign3A_1513 : i1 to i32
      %sign3A_1515 = arith.constant 0 : i32
      %sign3A_1516 = arith.cmpi slt, %add3A_1509, %sign3A_1515 : i32
      %sign3A_1517 = arith.extui %sign3A_1516 : i1 to i32
      %sign3A_1518 = arith.subi %sign3A_1514, %sign3A_1517 : i32
      %sign3A_1519 = arith.constant 0 : i32
      %sign3A_1520 = arith.cmpi sgt, %jit3A_1510, %sign3A_1519 : i32
      %sign3A_1521 = arith.extui %sign3A_1520 : i1 to i32
      %sign3A_1522 = arith.constant 0 : i32
      %sign3A_1523 = arith.cmpi slt, %jit3A_1510, %sign3A_1522 : i32
      %sign3A_1524 = arith.extui %sign3A_1523 : i1 to i32
      %sign3A_1525 = arith.subi %sign3A_1521, %sign3A_1524 : i32
      %ne3A_1526 = arith.cmpi ne, %sign3A_1518, %sign3A_1525 : i32
      %rem3A_1527 = arith.remsi %add3A_1509, %jit3A_1510 : i32
      %ne3A_1528 = arith.constant 0 : i32
      %ne3A_1529 = arith.cmpi ne, %rem3A_1527, %ne3A_1528 : i32
      %and3A_1530 = arith.andi %ne3A_1526, %ne3A_1529 : i1
      %sub3A_1531 = arith.constant 1 : i32
      %sub3A_1532 = arith.subi %div3A_1511, %sub3A_1531 : i32
      %select_n3A_1533 = arith.select %and3A_1530, %sub3A_1532, %div3A_1511 : i32
      %mul3A_1534 = arith.constant 128 : i32
      %mul3A_1535 = arith.muli %select_n3A_1533, %mul3A_1534 : i32
      %jit3A_1536 = arith.constant 32 : i32
      %eq3A_1537 = arith.constant 0 : i32
      %eq3A_1538 = arith.cmpi eq, %jit3A_1536, %eq3A_1537 : i32
      %jit3A_1539 = arith.constant 1 : i32
      %select_n3A_1540 = arith.select %eq3A_1538, %jit3A_1539, %jit3A_1536 : i32
      %rem3A_1541 = arith.remsi %add3A_1509, %select_n3A_1540 : i32
      %ne3A_1542 = arith.constant 0 : i32
      %ne3A_1543 = arith.cmpi ne, %rem3A_1541, %ne3A_1542 : i32
      %lt3A_1544 = arith.constant 0 : i32
      %lt3A_1545 = arith.cmpi slt, %rem3A_1541, %lt3A_1544 : i32
      %lt3A_1546 = arith.constant 0 : i32
      %lt3A_1547 = arith.cmpi slt, %select_n3A_1540, %lt3A_1546 : i32
      %ne3A_1548 = arith.xori %lt3A_1545, %lt3A_1547 : i1
      %and3A_1549 = arith.andi %ne3A_1548, %ne3A_1543 : i1
      %add3A_1550 = arith.addi %rem3A_1541, %select_n3A_1540 : i32
      %select_n3A_1551 = arith.select %and3A_1549, %add3A_1550, %rem3A_1541 : i32
      %add3A_1552 = arith.addi %mul3A_1535, %select_n3A_1551 : i32
      %add3A_1553 = arith.constant 0 : i32
      %add3A_1554 = arith.addi %add3A_1552, %add3A_1553 : i32
      %mul3A_1555 = arith.constant 8 : i32
      %mul3A_1556 = arith.muli %add3A_1554, %mul3A_1555 : i32
      %dma_start3A_1557 = arith.constant 0 : i32
      %dma_start3A_1558 = arith.constant 0 : i32
      %dma_start3A_1559 = tpu.memref_slice %arg8[%dma_start3A_1557, %dma_start3A_1558] : memref<32x129xf32, #tpu.memory_space<vmem>> -> memref<8x128xf32, #tpu.memory_space<vmem>>
      %dma_start3A_1560 = arith.constant 0 : i32
      %dma_start3A_1561 = tpu.memref_slice %arg4[%mul3A_1556, %dma_start3A_1560] : memref<153600x128xf32, #tpu.memory_space<hbm>> -> memref<8x128xf32, #tpu.memory_space<hbm>>
      %dma_start3A_1562 = arith.constant 0 : i32
      %dma_start3A_1563 = tpu.memref_slice %arg4[%mul3A_1556, %dma_start3A_1562] : memref<153600x128xf32, #tpu.memory_space<hbm>> -> memref<8x128xf32, #tpu.memory_space<hbm>>
      %dma_start3A_1564 = arith.constant 0 : i32
      %dma_start3A_1565 = arith.constant 0 : i32
      %dma_start3A_1566 = tpu.memref_slice %arg8[%dma_start3A_1564, %dma_start3A_1565] : memref<32x129xf32, #tpu.memory_space<vmem>> -> memref<8x128xf32, #tpu.memory_space<vmem>>
      tpu.enqueue_dma source(%dma_start3A_1566 : memref<8x128xf32, #tpu.memory_space<vmem>>) target(%dma_start3A_1563 : memref<8x128xf32, #tpu.memory_space<hbm>>) target_semaphore(%arg12 : memref<!tpu.dma_semaphore, #tpu.memory_space<semaphore_mem>>)
      %add3A_1567 = arith.constant 32 : i32
      %add3A_1568 = arith.addi %add3A_1552, %add3A_1567 : i32
      %mul3A_1569 = arith.constant 8 : i32
      %mul3A_1570 = arith.muli %add3A_1568, %mul3A_1569 : i32
      %dma_start3A_1571 = arith.constant 8 : i32
      %dma_start3A_1572 = arith.constant 0 : i32
      %dma_start3A_1573 = tpu.memref_slice %arg8[%dma_start3A_1571, %dma_start3A_1572] : memref<32x129xf32, #tpu.memory_space<vmem>> -> memref<8x128xf32, #tpu.memory_space<vmem>>
      %dma_start3A_1574 = arith.constant 0 : i32
      %dma_start3A_1575 = tpu.memref_slice %arg4[%mul3A_1570, %dma_start3A_1574] : memref<153600x128xf32, #tpu.memory_space<hbm>> -> memref<8x128xf32, #tpu.memory_space<hbm>>
      %dma_start3A_1576 = arith.constant 0 : i32
      %dma_start3A_1577 = tpu.memref_slice %arg4[%mul3A_1570, %dma_start3A_1576] : memref<153600x128xf32, #tpu.memory_space<hbm>> -> memref<8x128xf32, #tpu.memory_space<hbm>>
      %dma_start3A_1578 = arith.constant 8 : i32
      %dma_start3A_1579 = arith.constant 0 : i32
      %dma_start3A_1580 = tpu.memref_slice %arg8[%dma_start3A_1578, %dma_start3A_1579] : memref<32x129xf32, #tpu.memory_space<vmem>> -> memref<8x128xf32, #tpu.memory_space<vmem>>
      tpu.enqueue_dma source(%dma_start3A_1580 : memref<8x128xf32, #tpu.memory_space<vmem>>) target(%dma_start3A_1577 : memref<8x128xf32, #tpu.memory_space<hbm>>) target_semaphore(%arg12 : memref<!tpu.dma_semaphore, #tpu.memory_space<semaphore_mem>>)
      %add3A_1581 = arith.constant 64 : i32
      %add3A_1582 = arith.addi %add3A_1552, %add3A_1581 : i32
      %mul3A_1583 = arith.constant 8 : i32
      %mul3A_1584 = arith.muli %add3A_1582, %mul3A_1583 : i32
      %dma_start3A_1585 = arith.constant 16 : i32
      %dma_start3A_1586 = arith.constant 0 : i32
      %dma_start3A_1587 = tpu.memref_slice %arg8[%dma_start3A_1585, %dma_start3A_1586] : memref<32x129xf32, #tpu.memory_space<vmem>> -> memref<8x128xf32, #tpu.memory_space<vmem>>
      %dma_start3A_1588 = arith.constant 0 : i32
      %dma_start3A_1589 = tpu.memref_slice %arg4[%mul3A_1584, %dma_start3A_1588] : memref<153600x128xf32, #tpu.memory_space<hbm>> -> memref<8x128xf32, #tpu.memory_space<hbm>>
      %dma_start3A_1590 = arith.constant 0 : i32
      %dma_start3A_1591 = tpu.memref_slice %arg4[%mul3A_1584, %dma_start3A_1590] : memref<153600x128xf32, #tpu.memory_space<hbm>> -> memref<8x128xf32, #tpu.memory_space<hbm>>
      %dma_start3A_1592 = arith.constant 16 : i32
      %dma_start3A_1593 = arith.constant 0 : i32
      %dma_start3A_1594 = tpu.memref_slice %arg8[%dma_start3A_1592, %dma_start3A_1593] : memref<32x129xf32, #tpu.memory_space<vmem>> -> memref<8x128xf32, #tpu.memory_space<vmem>>
      tpu.enqueue_dma source(%dma_start3A_1594 : memref<8x128xf32, #tpu.memory_space<vmem>>) target(%dma_start3A_1591 : memref<8x128xf32, #tpu.memory_space<hbm>>) target_semaphore(%arg12 : memref<!tpu.dma_semaphore, #tpu.memory_space<semaphore_mem>>)
      %add3A_1595 = arith.constant 96 : i32
      %add3A_1596 = arith.addi %add3A_1552, %add3A_1595 : i32
      %mul3A_1597 = arith.constant 8 : i32
      %mul3A_1598 = arith.muli %add3A_1596, %mul3A_1597 : i32
      %dma_start3A_1599 = arith.constant 24 : i32
      %dma_start3A_1600 = arith.constant 0 : i32
      %dma_start3A_1601 = tpu.memref_slice %arg8[%dma_start3A_1599, %dma_start3A_1600] : memref<32x129xf32, #tpu.memory_space<vmem>> -> memref<8x128xf32, #tpu.memory_space<vmem>>
      %dma_start3A_1602 = arith.constant 0 : i32
      %dma_start3A_1603 = tpu.memref_slice %arg4[%mul3A_1598, %dma_start3A_1602] : memref<153600x128xf32, #tpu.memory_space<hbm>> -> memref<8x128xf32, #tpu.memory_space<hbm>>
      %dma_start3A_1604 = arith.constant 0 : i32
      %dma_start3A_1605 = tpu.memref_slice %arg4[%mul3A_1598, %dma_start3A_1604] : memref<153600x128xf32, #tpu.memory_space<hbm>> -> memref<8x128xf32, #tpu.memory_space<hbm>>
      %dma_start3A_1606 = arith.constant 24 : i32
      %dma_start3A_1607 = arith.constant 0 : i32
      %dma_start3A_1608 = tpu.memref_slice %arg8[%dma_start3A_1606, %dma_start3A_1607] : memref<32x129xf32, #tpu.memory_space<vmem>> -> memref<8x128xf32, #tpu.memory_space<vmem>>
      tpu.enqueue_dma source(%dma_start3A_1608 : memref<8x128xf32, #tpu.memory_space<vmem>>) target(%dma_start3A_1605 : memref<8x128xf32, #tpu.memory_space<hbm>>) target_semaphore(%arg12 : memref<!tpu.dma_semaphore, #tpu.memory_space<semaphore_mem>>)
      %le3A = arith.constant 73 : i32
      %le3A_1609 = arith.cmpi sle, %scan3A_209, %le3A : i32
      %convert_element_type3A_1610 = arith.extui %le3A_1609 : i1 to i32
      %cond3A_1611 = arith.constant 0 : i32
      %cond3A_1612 = arith.cmpi ne, %convert_element_type3A_1610, %cond3A_1611 : i32
      scf.if %cond3A_1612 {
        %add3A_3005 = arith.constant 1 : i32
        %add3A_3006 = arith.addi %add3A_216, %add3A_3005 : i32
        %mul3A_3007 = arith.constant 128 : i32
        %mul3A_3008 = arith.muli %add3A_3006, %mul3A_3007 : i32
        %dma_start3A_3009 = tpu.memref_slice %arg5[%mul3A_3008] : memref<19200xi32, #tpu.memory_space<vmem>> -> memref<128xi32, #tpu.memory_space<vmem>>
        %dma_start3A_3010 = arith.constant 0 : i32
        %dma_start3A_3011 = arith.constant 0 : i32
        %dma_start3A_3012 = tpu.memref_slice %arg3[%dma_start3A_3010, %dma_start3A_3011] : memref<1001472x32xf32, #tpu.memory_space<hbm>> -> memref<1001472x32xf32, #tpu.memory_space<hbm>>
        tpu.enqueue_indirect_dma source(%dma_start3A_3012 : memref<1001472x32xf32, #tpu.memory_space<hbm>>) target(%arg6 : memref<128x32xf32, #tpu.memory_space<vmem>>) offsets(%dma_start3A_3009 : memref<128xi32, #tpu.memory_space<vmem>>) semaphore(%arg10 : memref<!tpu.dma_semaphore, #tpu.memory_space<semaphore_mem>>)
      } else {
      }
      %mul3A_1613 = arith.constant 128 : i32
      %mul3A_1614 = arith.muli %add3A_216, %mul3A_1613 : i32
      %dma_wait3A_1615 = tpu.memref_slice %arg5[%mul3A_1614] : memref<19200xi32, #tpu.memory_space<vmem>> -> memref<128xi32, #tpu.memory_space<vmem>>
      %dma_wait3A_1616 = arith.constant 0 : i32
      %dma_wait3A_1617 = arith.constant 0 : i32
      %dma_wait3A_1618 = tpu.memref_slice %arg3[%dma_wait3A_1616, %dma_wait3A_1617] : memref<1001472x32xf32, #tpu.memory_space<hbm>> -> memref<1001472x32xf32, #tpu.memory_space<hbm>>
      tpu.wait_indirect_dma semaphore(%arg11 : memref<!tpu.dma_semaphore, #tpu.memory_space<semaphore_mem>>) src(%dma_wait3A_1618 : memref<1001472x32xf32, #tpu.memory_space<hbm>>) dst(%arg7 : memref<128x32xf32, #tpu.memory_space<vmem>>)
      %ge3A_1619 = arith.constant 1 : i32
      %ge3A_1620 = arith.cmpi sge, %scan3A_209, %ge3A_1619 : i32
      %convert_element_type3A_1621 = arith.extui %ge3A_1620 : i1 to i32
      %cond3A_1622 = arith.constant 0 : i32
      %cond3A_1623 = arith.cmpi ne, %convert_element_type3A_1621, %cond3A_1622 : i32
      scf.if %cond3A_1623 {
        %sub3A_3005 = arith.constant 2 : i32
        %sub3A_3006 = arith.subi %add3A_216, %sub3A_3005 : i32
        %add3A_3007 = arith.addi %mul3A_2, %sub3A_3006 : i32
        %jit3A_3008 = arith.constant 32 : i32
        %div3A_3009 = arith.divsi %add3A_3007, %jit3A_3008 : i32
        %sign3A_3010 = arith.constant 0 : i32
        %sign3A_3011 = arith.cmpi sgt, %add3A_3007, %sign3A_3010 : i32
        %sign3A_3012 = arith.extui %sign3A_3011 : i1 to i32
        %sign3A_3013 = arith.constant 0 : i32
        %sign3A_3014 = arith.cmpi slt, %add3A_3007, %sign3A_3013 : i32
        %sign3A_3015 = arith.extui %sign3A_3014 : i1 to i32
        %sign3A_3016 = arith.subi %sign3A_3012, %sign3A_3015 : i32
        %sign3A_3017 = arith.constant 0 : i32
        %sign3A_3018 = arith.cmpi sgt, %jit3A_3008, %sign3A_3017 : i32
        %sign3A_3019 = arith.extui %sign3A_3018 : i1 to i32
        %sign3A_3020 = arith.constant 0 : i32
        %sign3A_3021 = arith.cmpi slt, %jit3A_3008, %sign3A_3020 : i32
        %sign3A_3022 = arith.extui %sign3A_3021 : i1 to i32
        %sign3A_3023 = arith.subi %sign3A_3019, %sign3A_3022 : i32
        %ne3A_3024 = arith.cmpi ne, %sign3A_3016, %sign3A_3023 : i32
        %rem3A_3025 = arith.remsi %add3A_3007, %jit3A_3008 : i32
        %ne3A_3026 = arith.constant 0 : i32
        %ne3A_3027 = arith.cmpi ne, %rem3A_3025, %ne3A_3026 : i32
        %and3A_3028 = arith.andi %ne3A_3024, %ne3A_3027 : i1
        %sub3A_3029 = arith.constant 1 : i32
        %sub3A_3030 = arith.subi %div3A_3009, %sub3A_3029 : i32
        %select_n3A_3031 = arith.select %and3A_3028, %sub3A_3030, %div3A_3009 : i32
        %mul3A_3032 = arith.constant 128 : i32
        %mul3A_3033 = arith.muli %select_n3A_3031, %mul3A_3032 : i32
        %jit3A_3034 = arith.constant 32 : i32
        %eq3A_3035 = arith.constant 0 : i32
        %eq3A_3036 = arith.cmpi eq, %jit3A_3034, %eq3A_3035 : i32
        %jit3A_3037 = arith.constant 1 : i32
        %select_n3A_3038 = arith.select %eq3A_3036, %jit3A_3037, %jit3A_3034 : i32
        %rem3A_3039 = arith.remsi %add3A_3007, %select_n3A_3038 : i32
        %ne3A_3040 = arith.constant 0 : i32
        %ne3A_3041 = arith.cmpi ne, %rem3A_3039, %ne3A_3040 : i32
        %lt3A_3042 = arith.constant 0 : i32
        %lt3A_3043 = arith.cmpi slt, %rem3A_3039, %lt3A_3042 : i32
        %lt3A_3044 = arith.constant 0 : i32
        %lt3A_3045 = arith.cmpi slt, %select_n3A_3038, %lt3A_3044 : i32
        %ne3A_3046 = arith.xori %lt3A_3043, %lt3A_3045 : i1
        %and3A_3047 = arith.andi %ne3A_3046, %ne3A_3041 : i1
        %add3A_3048 = arith.addi %rem3A_3039, %select_n3A_3038 : i32
        %select_n3A_3049 = arith.select %and3A_3047, %add3A_3048, %rem3A_3039 : i32
        %add3A_3050 = arith.addi %mul3A_3033, %select_n3A_3049 : i32
        %add3A_3051 = arith.constant 0 : i32
        %add3A_3052 = arith.addi %add3A_3050, %add3A_3051 : i32
        %mul3A_3053 = arith.constant 8 : i32
        %mul3A_3054 = arith.muli %add3A_3052, %mul3A_3053 : i32
        %dma_wait3A_3055 = arith.constant 0 : i32
        %dma_wait3A_3056 = arith.constant 0 : i32
        %dma_wait3A_3057 = tpu.memref_slice %arg9[%dma_wait3A_3055, %dma_wait3A_3056] : memref<32x129xf32, #tpu.memory_space<vmem>> -> memref<8x128xf32, #tpu.memory_space<vmem>>
        %dma_wait3A_3058 = arith.constant 0 : i32
        %dma_wait3A_3059 = tpu.memref_slice %arg4[%mul3A_3054, %dma_wait3A_3058] : memref<153600x128xf32, #tpu.memory_space<hbm>> -> memref<8x128xf32, #tpu.memory_space<hbm>>
        %dma_wait3A_3060 = arith.constant 0 : i32
        %dma_wait3A_3061 = tpu.memref_slice %arg4[%mul3A_3054, %dma_wait3A_3060] : memref<153600x128xf32, #tpu.memory_space<hbm>> -> memref<8x128xf32, #tpu.memory_space<hbm>>
        %dma_wait3A_3062 = arith.constant 0 : i32
        %dma_wait3A_3063 = arith.constant 0 : i32
        %dma_wait3A_3064 = tpu.memref_slice %arg9[%dma_wait3A_3062, %dma_wait3A_3063] : memref<32x129xf32, #tpu.memory_space<vmem>> -> memref<8x128xf32, #tpu.memory_space<vmem>>
        tpu.wait_dma2 semaphore(%arg13 : memref<!tpu.dma_semaphore, #tpu.memory_space<semaphore_mem>>) src(%dma_wait3A_3064 : memref<8x128xf32, #tpu.memory_space<vmem>>) dst(%dma_wait3A_3061 : memref<8x128xf32, #tpu.memory_space<hbm>>)
        %add3A_3065 = arith.constant 32 : i32
        %add3A_3066 = arith.addi %add3A_3050, %add3A_3065 : i32
        %mul3A_3067 = arith.constant 8 : i32
        %mul3A_3068 = arith.muli %add3A_3066, %mul3A_3067 : i32
        %dma_wait3A_3069 = arith.constant 8 : i32
        %dma_wait3A_3070 = arith.constant 0 : i32
        %dma_wait3A_3071 = tpu.memref_slice %arg9[%dma_wait3A_3069, %dma_wait3A_3070] : memref<32x129xf32, #tpu.memory_space<vmem>> -> memref<8x128xf32, #tpu.memory_space<vmem>>
        %dma_wait3A_3072 = arith.constant 0 : i32
        %dma_wait3A_3073 = tpu.memref_slice %arg4[%mul3A_3068, %dma_wait3A_3072] : memref<153600x128xf32, #tpu.memory_space<hbm>> -> memref<8x128xf32, #tpu.memory_space<hbm>>
        %dma_wait3A_3074 = arith.constant 0 : i32
        %dma_wait3A_3075 = tpu.memref_slice %arg4[%mul3A_3068, %dma_wait3A_3074] : memref<153600x128xf32, #tpu.memory_space<hbm>> -> memref<8x128xf32, #tpu.memory_space<hbm>>
        %dma_wait3A_3076 = arith.constant 8 : i32
        %dma_wait3A_3077 = arith.constant 0 : i32
        %dma_wait3A_3078 = tpu.memref_slice %arg9[%dma_wait3A_3076, %dma_wait3A_3077] : memref<32x129xf32, #tpu.memory_space<vmem>> -> memref<8x128xf32, #tpu.memory_space<vmem>>
        tpu.wait_dma2 semaphore(%arg13 : memref<!tpu.dma_semaphore, #tpu.memory_space<semaphore_mem>>) src(%dma_wait3A_3078 : memref<8x128xf32, #tpu.memory_space<vmem>>) dst(%dma_wait3A_3075 : memref<8x128xf32, #tpu.memory_space<hbm>>)
        %add3A_3079 = arith.constant 64 : i32
        %add3A_3080 = arith.addi %add3A_3050, %add3A_3079 : i32
        %mul3A_3081 = arith.constant 8 : i32
        %mul3A_3082 = arith.muli %add3A_3080, %mul3A_3081 : i32
        %dma_wait3A_3083 = arith.constant 16 : i32
        %dma_wait3A_3084 = arith.constant 0 : i32
        %dma_wait3A_3085 = tpu.memref_slice %arg9[%dma_wait3A_3083, %dma_wait3A_3084] : memref<32x129xf32, #tpu.memory_space<vmem>> -> memref<8x128xf32, #tpu.memory_space<vmem>>
        %dma_wait3A_3086 = arith.constant 0 : i32
        %dma_wait3A_3087 = tpu.memref_slice %arg4[%mul3A_3082, %dma_wait3A_3086] : memref<153600x128xf32, #tpu.memory_space<hbm>> -> memref<8x128xf32, #tpu.memory_space<hbm>>
        %dma_wait3A_3088 = arith.constant 0 : i32
        %dma_wait3A_3089 = tpu.memref_slice %arg4[%mul3A_3082, %dma_wait3A_3088] : memref<153600x128xf32, #tpu.memory_space<hbm>> -> memref<8x128xf32, #tpu.memory_space<hbm>>
        %dma_wait3A_3090 = arith.constant 16 : i32
        %dma_wait3A_3091 = arith.constant 0 : i32
        %dma_wait3A_3092 = tpu.memref_slice %arg9[%dma_wait3A_3090, %dma_wait3A_3091] : memref<32x129xf32, #tpu.memory_space<vmem>> -> memref<8x128xf32, #tpu.memory_space<vmem>>
        tpu.wait_dma2 semaphore(%arg13 : memref<!tpu.dma_semaphore, #tpu.memory_space<semaphore_mem>>) src(%dma_wait3A_3092 : memref<8x128xf32, #tpu.memory_space<vmem>>) dst(%dma_wait3A_3089 : memref<8x128xf32, #tpu.memory_space<hbm>>)
        %add3A_3093 = arith.constant 96 : i32
        %add3A_3094 = arith.addi %add3A_3050, %add3A_3093 : i32
        %mul3A_3095 = arith.constant 8 : i32
        %mul3A_3096 = arith.muli %add3A_3094, %mul3A_3095 : i32
        %dma_wait3A_3097 = arith.constant 24 : i32
        %dma_wait3A_3098 = arith.constant 0 : i32
        %dma_wait3A_3099 = tpu.memref_slice %arg9[%dma_wait3A_3097, %dma_wait3A_3098] : memref<32x129xf32, #tpu.memory_space<vmem>> -> memref<8x128xf32, #tpu.memory_space<vmem>>
        %dma_wait3A_3100 = arith.constant 0 : i32
        %dma_wait3A_3101 = tpu.memref_slice %arg4[%mul3A_3096, %dma_wait3A_3100] : memref<153600x128xf32, #tpu.memory_space<hbm>> -> memref<8x128xf32, #tpu.memory_space<hbm>>
        %dma_wait3A_3102 = arith.constant 0 : i32
        %dma_wait3A_3103 = tpu.memref_slice %arg4[%mul3A_3096, %dma_wait3A_3102] : memref<153600x128xf32, #tpu.memory_space<hbm>> -> memref<8x128xf32, #tpu.memory_space<hbm>>
        %dma_wait3A_3104 = arith.constant 24 : i32
        %dma_wait3A_3105 = arith.constant 0 : i32
        %dma_wait3A_3106 = tpu.memref_slice %arg9[%dma_wait3A_3104, %dma_wait3A_3105] : memref<32x129xf32, #tpu.memory_space<vmem>> -> memref<8x128xf32, #tpu.memory_space<vmem>>
        tpu.wait_dma2 semaphore(%arg13 : memref<!tpu.dma_semaphore, #tpu.memory_space<semaphore_mem>>) src(%dma_wait3A_3106 : memref<8x128xf32, #tpu.memory_space<vmem>>) dst(%dma_wait3A_3103 : memref<8x128xf32, #tpu.memory_space<hbm>>)
      } else {
      }
      %broadcast_in_dim3A_1624 = arith.constant 0 : i32
      %broadcast_in_dim3A_1625 = vector.broadcast %broadcast_in_dim3A_1624 : i32 to vector<16xi32>
      %get3A_1626 = arith.constant 0 : i32
      %get3A_1627 = arith.index_cast %get3A_1626 : i32 to index
      %get3A_1628 = arith.constant 0 : index
      %get3A_1629 = tpu.vector_load %arg7[%get3A_1627, %get3A_1628] {strides = array<i32>} : memref<128x32xf32, #tpu.memory_space<vmem>>, vector<16xf32>,
      tpu.vector_store_idx %arg9[%iota3A, %broadcast_in_dim3A_1625], %get3A_1629 : memref<32x129xf32, #tpu.memory_space<vmem>>[vector<16xi32>, vector<16xi32>], vector<16xf32>,
      %get3A_1630 = arith.constant 0 : i32
      %get3A_1631 = arith.index_cast %get3A_1630 : i32 to index
      %get3A_1632 = arith.constant 16 : index
      %get3A_1633 = tpu.vector_load %arg7[%get3A_1631, %get3A_1632] {strides = array<i32>} : memref<128x32xf32, #tpu.memory_space<vmem>>, vector<16xf32>,
      tpu.vector_store_idx %arg9[%add3A_7, %broadcast_in_dim3A_1625], %get3A_1633 : memref<32x129xf32, #tpu.memory_space<vmem>>[vector<16xi32>, vector<16xi32>], vector<16xf32>,
      %broadcast_in_dim3A_1634 = arith.constant 1 : i32
      %broadcast_in_dim3A_1635 = vector.broadcast %broadcast_in_dim3A_1634 : i32 to vector<16xi32>
      %get3A_1636 = arith.constant 1 : i32
      %get3A_1637 = arith.index_cast %get3A_1636 : i32 to index
      %get3A_1638 = arith.constant 0 : index
      %get3A_1639 = tpu.vector_load %arg7[%get3A_1637, %get3A_1638] {strides = array<i32>} : memref<128x32xf32, #tpu.memory_space<vmem>>, vector<16xf32>,
      tpu.vector_store_idx %arg9[%iota3A, %broadcast_in_dim3A_1635], %get3A_1639 : memref<32x129xf32, #tpu.memory_space<vmem>>[vector<16xi32>, vector<16xi32>], vector<16xf32>,
      %get3A_1640 = arith.constant 1 : i32
      %get3A_1641 = arith.index_cast %get3A_1640 : i32 to index
      %get3A_1642 = arith.constant 16 : index
      %get3A_1643 = tpu.vector_load %arg7[%get3A_1641, %get3A_1642] {strides = array<i32>} : memref<128x32xf32, #tpu.memory_space<vmem>>, vector<16xf32>,
      tpu.vector_store_idx %arg9[%add3A_7, %broadcast_in_dim3A_1635], %get3A_1643 : memref<32x129xf32, #tpu.memory_space<vmem>>[vector<16xi32>, vector<16xi32>], vector<16xf32>,
      %broadcast_in_dim3A_1644 = arith.constant 2 : i32
      %broadcast_in_dim3A_1645 = vector.broadcast %broadcast_in_dim3A_1644 : i32 to vector<16xi32>
      %get3A_1646 = arith.constant 2 : i32
      %get3A_1647 = arith.index_cast %get3A_1646 : i32 to index
      %get3A_1648 = arith.constant 0 : index
      %get3A_1649 = tpu.vector_load %arg7[%get3A_1647, %get3A_1648] {strides = array<i32>} : memref<128x32xf32, #tpu.memory_space<vmem>>, vector<16xf32>,
      tpu.vector_store_idx %arg9[%iota3A, %broadcast_in_dim3A_1645], %get3A_1649 : memref<32x129xf32, #tpu.memory_space<vmem>>[vector<16xi32>, vector<16xi32>], vector<16xf32>,
      %get3A_1650 = arith.constant 2 : i32
      %get3A_1651 = arith.index_cast %get3A_1650 : i32 to index
      %get3A_1652 = arith.constant 16 : index
      %get3A_1653 = tpu.vector_load %arg7[%get3A_1651, %get3A_1652] {strides = array<i32>} : memref<128x32xf32, #tpu.memory_space<vmem>>, vector<16xf32>,
      tpu.vector_store_idx %arg9[%add3A_7, %broadcast_in_dim3A_1645], %get3A_1653 : memref<32x129xf32, #tpu.memory_space<vmem>>[vector<16xi32>, vector<16xi32>], vector<16xf32>,
      %broadcast_in_dim3A_1654 = arith.constant 3 : i32
      %broadcast_in_dim3A_1655 = vector.broadcast %broadcast_in_dim3A_1654 : i32 to vector<16xi32>
      %get3A_1656 = arith.constant 3 : i32
      %get3A_1657 = arith.index_cast %get3A_1656 : i32 to index
      %get3A_1658 = arith.constant 0 : index
      %get3A_1659 = tpu.vector_load %arg7[%get3A_1657, %get3A_1658] {strides = array<i32>} : memref<128x32xf32, #tpu.memory_space<vmem>>, vector<16xf32>,
      tpu.vector_store_idx %arg9[%iota3A, %broadcast_in_dim3A_1655], %get3A_1659 : memref<32x129xf32, #tpu.memory_space<vmem>>[vector<16xi32>, vector<16xi32>], vector<16xf32>,
      %get3A_1660 = arith.constant 3 : i32
      %get3A_1661 = arith.index_cast %get3A_1660 : i32 to index
      %get3A_1662 = arith.constant 16 : index
      %get3A_1663 = tpu.vector_load %arg7[%get3A_1661, %get3A_1662] {strides = array<i32>} : memref<128x32xf32, #tpu.memory_space<vmem>>, vector<16xf32>,
      tpu.vector_store_idx %arg9[%add3A_7, %broadcast_in_dim3A_1655], %get3A_1663 : memref<32x129xf32, #tpu.memory_space<vmem>>[vector<16xi32>, vector<16xi32>], vector<16xf32>,
      %broadcast_in_dim3A_1664 = arith.constant 4 : i32
      %broadcast_in_dim3A_1665 = vector.broadcast %broadcast_in_dim3A_1664 : i32 to vector<16xi32>
      %get3A_1666 = arith.constant 4 : i32
      %get3A_1667 = arith.index_cast %get3A_1666 : i32 to index
      %get3A_1668 = arith.constant 0 : index
      %get3A_1669 = tpu.vector_load %arg7[%get3A_1667, %get3A_1668] {strides = array<i32>} : memref<128x32xf32, #tpu.memory_space<vmem>>, vector<16xf32>,
      tpu.vector_store_idx %arg9[%iota3A, %broadcast_in_dim3A_1665], %get3A_1669 : memref<32x129xf32, #tpu.memory_space<vmem>>[vector<16xi32>, vector<16xi32>], vector<16xf32>,
      %get3A_1670 = arith.constant 4 : i32
      %get3A_1671 = arith.index_cast %get3A_1670 : i32 to index
      %get3A_1672 = arith.constant 16 : index
      %get3A_1673 = tpu.vector_load %arg7[%get3A_1671, %get3A_1672] {strides = array<i32>} : memref<128x32xf32, #tpu.memory_space<vmem>>, vector<16xf32>,
      tpu.vector_store_idx %arg9[%add3A_7, %broadcast_in_dim3A_1665], %get3A_1673 : memref<32x129xf32, #tpu.memory_space<vmem>>[vector<16xi32>, vector<16xi32>], vector<16xf32>,
      %broadcast_in_dim3A_1674 = arith.constant 5 : i32
      %broadcast_in_dim3A_1675 = vector.broadcast %broadcast_in_dim3A_1674 : i32 to vector<16xi32>
      %get3A_1676 = arith.constant 5 : i32
      %get3A_1677 = arith.index_cast %get3A_1676 : i32 to index
      %get3A_1678 = arith.constant 0 : index
      %get3A_1679 = tpu.vector_load %arg7[%get3A_1677, %get3A_1678] {strides = array<i32>} : memref<128x32xf32, #tpu.memory_space<vmem>>, vector<16xf32>,
      tpu.vector_store_idx %arg9[%iota3A, %broadcast_in_dim3A_1675], %get3A_1679 : memref<32x129xf32, #tpu.memory_space<vmem>>[vector<16xi32>, vector<16xi32>], vector<16xf32>,
      %get3A_1680 = arith.constant 5 : i32
      %get3A_1681 = arith.index_cast %get3A_1680 : i32 to index
      %get3A_1682 = arith.constant 16 : index
      %get3A_1683 = tpu.vector_load %arg7[%get3A_1681, %get3A_1682] {strides = array<i32>} : memref<128x32xf32, #tpu.memory_space<vmem>>, vector<16xf32>,
      tpu.vector_store_idx %arg9[%add3A_7, %broadcast_in_dim3A_1675], %get3A_1683 : memref<32x129xf32, #tpu.memory_space<vmem>>[vector<16xi32>, vector<16xi32>], vector<16xf32>,
      %broadcast_in_dim3A_1684 = arith.constant 6 : i32
      %broadcast_in_dim3A_1685 = vector.broadcast %broadcast_in_dim3A_1684 : i32 to vector<16xi32>
      %get3A_1686 = arith.constant 6 : i32
      %get3A_1687 = arith.index_cast %get3A_1686 : i32 to index
      %get3A_1688 = arith.constant 0 : index
      %get3A_1689 = tpu.vector_load %arg7[%get3A_1687, %get3A_1688] {strides = array<i32>} : memref<128x32xf32, #tpu.memory_space<vmem>>, vector<16xf32>,
      tpu.vector_store_idx %arg9[%iota3A, %broadcast_in_dim3A_1685], %get3A_1689 : memref<32x129xf32, #tpu.memory_space<vmem>>[vector<16xi32>, vector<16xi32>], vector<16xf32>,
      %get3A_1690 = arith.constant 6 : i32
      %get3A_1691 = arith.index_cast %get3A_1690 : i32 to index
      %get3A_1692 = arith.constant 16 : index
      %get3A_1693 = tpu.vector_load %arg7[%get3A_1691, %get3A_1692] {strides = array<i32>} : memref<128x32xf32, #tpu.memory_space<vmem>>, vector<16xf32>,
      tpu.vector_store_idx %arg9[%add3A_7, %broadcast_in_dim3A_1685], %get3A_1693 : memref<32x129xf32, #tpu.memory_space<vmem>>[vector<16xi32>, vector<16xi32>], vector<16xf32>,
      %broadcast_in_dim3A_1694 = arith.constant 7 : i32
      %broadcast_in_dim3A_1695 = vector.broadcast %broadcast_in_dim3A_1694 : i32 to vector<16xi32>
      %get3A_1696 = arith.constant 7 : i32
      %get3A_1697 = arith.index_cast %get3A_1696 : i32 to index
      %get3A_1698 = arith.constant 0 : index
      %get3A_1699 = tpu.vector_load %arg7[%get3A_1697, %get3A_1698] {strides = array<i32>} : memref<128x32xf32, #tpu.memory_space<vmem>>, vector<16xf32>,
      tpu.vector_store_idx %arg9[%iota3A, %broadcast_in_dim3A_1695], %get3A_1699 : memref<32x129xf32, #tpu.memory_space<vmem>>[vector<16xi32>, vector<16xi32>], vector<16xf32>,
      %get3A_1700 = arith.constant 7 : i32
      %get3A_1701 = arith.index_cast %get3A_1700 : i32 to index
      %get3A_1702 = arith.constant 16 : index
      %get3A_1703 = tpu.vector_load %arg7[%get3A_1701, %get3A_1702] {strides = array<i32>} : memref<128x32xf32, #tpu.memory_space<vmem>>, vector<16xf32>,
      tpu.vector_store_idx %arg9[%add3A_7, %broadcast_in_dim3A_1695], %get3A_1703 : memref<32x129xf32, #tpu.memory_space<vmem>>[vector<16xi32>, vector<16xi32>], vector<16xf32>,
      %broadcast_in_dim3A_1704 = arith.constant 8 : i32
      %broadcast_in_dim3A_1705 = vector.broadcast %broadcast_in_dim3A_1704 : i32 to vector<16xi32>
      %get3A_1706 = arith.constant 8 : i32
      %get3A_1707 = arith.index_cast %get3A_1706 : i32 to index
      %get3A_1708 = arith.constant 0 : index
      %get3A_1709 = tpu.vector_load %arg7[%get3A_1707, %get3A_1708] {strides = array<i32>} : memref<128x32xf32, #tpu.memory_space<vmem>>, vector<16xf32>,
      tpu.vector_store_idx %arg9[%iota3A, %broadcast_in_dim3A_1705], %get3A_1709 : memref<32x129xf32, #tpu.memory_space<vmem>>[vector<16xi32>, vector<16xi32>], vector<16xf32>,
      %get3A_1710 = arith.constant 8 : i32
      %get3A_1711 = arith.index_cast %get3A_1710 : i32 to index
      %get3A_1712 = arith.constant 16 : index
      %get3A_1713 = tpu.vector_load %arg7[%get3A_1711, %get3A_1712] {strides = array<i32>} : memref<128x32xf32, #tpu.memory_space<vmem>>, vector<16xf32>,
      tpu.vector_store_idx %arg9[%add3A_7, %broadcast_in_dim3A_1705], %get3A_1713 : memref<32x129xf32, #tpu.memory_space<vmem>>[vector<16xi32>, vector<16xi32>], vector<16xf32>,
      %broadcast_in_dim3A_1714 = arith.constant 9 : i32
      %broadcast_in_dim3A_1715 = vector.broadcast %broadcast_in_dim3A_1714 : i32 to vector<16xi32>
      %get3A_1716 = arith.constant 9 : i32
      %get3A_1717 = arith.index_cast %get3A_1716 : i32 to index
      %get3A_1718 = arith.constant 0 : index
      %get3A_1719 = tpu.vector_load %arg7[%get3A_1717, %get3A_1718] {strides = array<i32>} : memref<128x32xf32, #tpu.memory_space<vmem>>, vector<16xf32>,
      tpu.vector_store_idx %arg9[%iota3A, %broadcast_in_dim3A_1715], %get3A_1719 : memref<32x129xf32, #tpu.memory_space<vmem>>[vector<16xi32>, vector<16xi32>], vector<16xf32>,
      %get3A_1720 = arith.constant 9 : i32
      %get3A_1721 = arith.index_cast %get3A_1720 : i32 to index
      %get3A_1722 = arith.constant 16 : index
      %get3A_1723 = tpu.vector_load %arg7[%get3A_1721, %get3A_1722] {strides = array<i32>} : memref<128x32xf32, #tpu.memory_space<vmem>>, vector<16xf32>,
      tpu.vector_store_idx %arg9[%add3A_7, %broadcast_in_dim3A_1715], %get3A_1723 : memref<32x129xf32, #tpu.memory_space<vmem>>[vector<16xi32>, vector<16xi32>], vector<16xf32>,
      %broadcast_in_dim3A_1724 = arith.constant 10 : i32
      %broadcast_in_dim3A_1725 = vector.broadcast %broadcast_in_dim3A_1724 : i32 to vector<16xi32>
      %get3A_1726 = arith.constant 10 : i32
      %get3A_1727 = arith.index_cast %get3A_1726 : i32 to index
      %get3A_1728 = arith.constant 0 : index
      %get3A_1729 = tpu.vector_load %arg7[%get3A_1727, %get3A_1728] {strides = array<i32>} : memref<128x32xf32, #tpu.memory_space<vmem>>, vector<16xf32>,
      tpu.vector_store_idx %arg9[%iota3A, %broadcast_in_dim3A_1725], %get3A_1729 : memref<32x129xf32, #tpu.memory_space<vmem>>[vector<16xi32>, vector<16xi32>], vector<16xf32>,
      %get3A_1730 = arith.constant 10 : i32
      %get3A_1731 = arith.index_cast %get3A_1730 : i32 to index
      %get3A_1732 = arith.constant 16 : index
      %get3A_1733 = tpu.vector_load %arg7[%get3A_1731, %get3A_1732] {strides = array<i32>} : memref<128x32xf32, #tpu.memory_space<vmem>>, vector<16xf32>,
      tpu.vector_store_idx %arg9[%add3A_7, %broadcast_in_dim3A_1725], %get3A_1733 : memref<32x129xf32, #tpu.memory_space<vmem>>[vector<16xi32>, vector<16xi32>], vector<16xf32>,
      %broadcast_in_dim3A_1734 = arith.constant 11 : i32
      %broadcast_in_dim3A_1735 = vector.broadcast %broadcast_in_dim3A_1734 : i32 to vector<16xi32>
      %get3A_1736 = arith.constant 11 : i32
      %get3A_1737 = arith.index_cast %get3A_1736 : i32 to index
      %get3A_1738 = arith.constant 0 : index
      %get3A_1739 = tpu.vector_load %arg7[%get3A_1737, %get3A_1738] {strides = array<i32>} : memref<128x32xf32, #tpu.memory_space<vmem>>, vector<16xf32>,
      tpu.vector_store_idx %arg9[%iota3A, %broadcast_in_dim3A_1735], %get3A_1739 : memref<32x129xf32, #tpu.memory_space<vmem>>[vector<16xi32>, vector<16xi32>], vector<16xf32>,
      %get3A_1740 = arith.constant 11 : i32
      %get3A_1741 = arith.index_cast %get3A_1740 : i32 to index
      %get3A_1742 = arith.constant 16 : index
      %get3A_1743 = tpu.vector_load %arg7[%get3A_1741, %get3A_1742] {strides = array<i32>} : memref<128x32xf32, #tpu.memory_space<vmem>>, vector<16xf32>,
      tpu.vector_store_idx %arg9[%add3A_7, %broadcast_in_dim3A_1735], %get3A_1743 : memref<32x129xf32, #tpu.memory_space<vmem>>[vector<16xi32>, vector<16xi32>], vector<16xf32>,
      %broadcast_in_dim3A_1744 = arith.constant 12 : i32
      %broadcast_in_dim3A_1745 = vector.broadcast %broadcast_in_dim3A_1744 : i32 to vector<16xi32>
      %get3A_1746 = arith.constant 12 : i32
      %get3A_1747 = arith.index_cast %get3A_1746 : i32 to index
      %get3A_1748 = arith.constant 0 : index
      %get3A_1749 = tpu.vector_load %arg7[%get3A_1747, %get3A_1748] {strides = array<i32>} : memref<128x32xf32, #tpu.memory_space<vmem>>, vector<16xf32>,
      tpu.vector_store_idx %arg9[%iota3A, %broadcast_in_dim3A_1745], %get3A_1749 : memref<32x129xf32, #tpu.memory_space<vmem>>[vector<16xi32>, vector<16xi32>], vector<16xf32>,
      %get3A_1750 = arith.constant 12 : i32
      %get3A_1751 = arith.index_cast %get3A_1750 : i32 to index
      %get3A_1752 = arith.constant 16 : index
      %get3A_1753 = tpu.vector_load %arg7[%get3A_1751, %get3A_1752] {strides = array<i32>} : memref<128x32xf32, #tpu.memory_space<vmem>>, vector<16xf32>,
      tpu.vector_store_idx %arg9[%add3A_7, %broadcast_in_dim3A_1745], %get3A_1753 : memref<32x129xf32, #tpu.memory_space<vmem>>[vector<16xi32>, vector<16xi32>], vector<16xf32>,
      %broadcast_in_dim3A_1754 = arith.constant 13 : i32
      %broadcast_in_dim3A_1755 = vector.broadcast %broadcast_in_dim3A_1754 : i32 to vector<16xi32>
      %get3A_1756 = arith.constant 13 : i32
      %get3A_1757 = arith.index_cast %get3A_1756 : i32 to index
      %get3A_1758 = arith.constant 0 : index
      %get3A_1759 = tpu.vector_load %arg7[%get3A_1757, %get3A_1758] {strides = array<i32>} : memref<128x32xf32, #tpu.memory_space<vmem>>, vector<16xf32>,
      tpu.vector_store_idx %arg9[%iota3A, %broadcast_in_dim3A_1755], %get3A_1759 : memref<32x129xf32, #tpu.memory_space<vmem>>[vector<16xi32>, vector<16xi32>], vector<16xf32>,
      %get3A_1760 = arith.constant 13 : i32
      %get3A_1761 = arith.index_cast %get3A_1760 : i32 to index
      %get3A_1762 = arith.constant 16 : index
      %get3A_1763 = tpu.vector_load %arg7[%get3A_1761, %get3A_1762] {strides = array<i32>} : memref<128x32xf32, #tpu.memory_space<vmem>>, vector<16xf32>,
      tpu.vector_store_idx %arg9[%add3A_7, %broadcast_in_dim3A_1755], %get3A_1763 : memref<32x129xf32, #tpu.memory_space<vmem>>[vector<16xi32>, vector<16xi32>], vector<16xf32>,
      %broadcast_in_dim3A_1764 = arith.constant 14 : i32
      %broadcast_in_dim3A_1765 = vector.broadcast %broadcast_in_dim3A_1764 : i32 to vector<16xi32>
      %get3A_1766 = arith.constant 14 : i32
      %get3A_1767 = arith.index_cast %get3A_1766 : i32 to index
      %get3A_1768 = arith.constant 0 : index
      %get3A_1769 = tpu.vector_load %arg7[%get3A_1767, %get3A_1768] {strides = array<i32>} : memref<128x32xf32, #tpu.memory_space<vmem>>, vector<16xf32>,
      tpu.vector_store_idx %arg9[%iota3A, %broadcast_in_dim3A_1765], %get3A_1769 : memref<32x129xf32, #tpu.memory_space<vmem>>[vector<16xi32>, vector<16xi32>], vector<16xf32>,
      %get3A_1770 = arith.constant 14 : i32
      %get3A_1771 = arith.index_cast %get3A_1770 : i32 to index
      %get3A_1772 = arith.constant 16 : index
      %get3A_1773 = tpu.vector_load %arg7[%get3A_1771, %get3A_1772] {strides = array<i32>} : memref<128x32xf32, #tpu.memory_space<vmem>>, vector<16xf32>,
      tpu.vector_store_idx %arg9[%add3A_7, %broadcast_in_dim3A_1765], %get3A_1773 : memref<32x129xf32, #tpu.memory_space<vmem>>[vector<16xi32>, vector<16xi32>], vector<16xf32>,
      %broadcast_in_dim3A_1774 = arith.constant 15 : i32
      %broadcast_in_dim3A_1775 = vector.broadcast %broadcast_in_dim3A_1774 : i32 to vector<16xi32>
      %get3A_1776 = arith.constant 15 : i32
      %get3A_1777 = arith.index_cast %get3A_1776 : i32 to index
      %get3A_1778 = arith.constant 0 : index
      %get3A_1779 = tpu.vector_load %arg7[%get3A_1777, %get3A_1778] {strides = array<i32>} : memref<128x32xf32, #tpu.memory_space<vmem>>, vector<16xf32>,
      tpu.vector_store_idx %arg9[%iota3A, %broadcast_in_dim3A_1775], %get3A_1779 : memref<32x129xf32, #tpu.memory_space<vmem>>[vector<16xi32>, vector<16xi32>], vector<16xf32>,
      %get3A_1780 = arith.constant 15 : i32
      %get3A_1781 = arith.index_cast %get3A_1780 : i32 to index
      %get3A_1782 = arith.constant 16 : index
      %get3A_1783 = tpu.vector_load %arg7[%get3A_1781, %get3A_1782] {strides = array<i32>} : memref<128x32xf32, #tpu.memory_space<vmem>>, vector<16xf32>,
      tpu.vector_store_idx %arg9[%add3A_7, %broadcast_in_dim3A_1775], %get3A_1783 : memref<32x129xf32, #tpu.memory_space<vmem>>[vector<16xi32>, vector<16xi32>], vector<16xf32>,
      %broadcast_in_dim3A_1784 = arith.constant 16 : i32
      %broadcast_in_dim3A_1785 = vector.broadcast %broadcast_in_dim3A_1784 : i32 to vector<16xi32>
      %get3A_1786 = arith.constant 16 : i32
      %get3A_1787 = arith.index_cast %get3A_1786 : i32 to index
      %get3A_1788 = arith.constant 0 : index
      %get3A_1789 = tpu.vector_load %arg7[%get3A_1787, %get3A_1788] {strides = array<i32>} : memref<128x32xf32, #tpu.memory_space<vmem>>, vector<16xf32>,
      tpu.vector_store_idx %arg9[%iota3A, %broadcast_in_dim3A_1785], %get3A_1789 : memref<32x129xf32, #tpu.memory_space<vmem>>[vector<16xi32>, vector<16xi32>], vector<16xf32>,
      %get3A_1790 = arith.constant 16 : i32
      %get3A_1791 = arith.index_cast %get3A_1790 : i32 to index
      %get3A_1792 = arith.constant 16 : index
      %get3A_1793 = tpu.vector_load %arg7[%get3A_1791, %get3A_1792] {strides = array<i32>} : memref<128x32xf32, #tpu.memory_space<vmem>>, vector<16xf32>,
      tpu.vector_store_idx %arg9[%add3A_7, %broadcast_in_dim3A_1785], %get3A_1793 : memref<32x129xf32, #tpu.memory_space<vmem>>[vector<16xi32>, vector<16xi32>], vector<16xf32>,
      %broadcast_in_dim3A_1794 = arith.constant 17 : i32
      %broadcast_in_dim3A_1795 = vector.broadcast %broadcast_in_dim3A_1794 : i32 to vector<16xi32>
      %get3A_1796 = arith.constant 17 : i32
      %get3A_1797 = arith.index_cast %get3A_1796 : i32 to index
      %get3A_1798 = arith.constant 0 : index
      %get3A_1799 = tpu.vector_load %arg7[%get3A_1797, %get3A_1798] {strides = array<i32>} : memref<128x32xf32, #tpu.memory_space<vmem>>, vector<16xf32>,
      tpu.vector_store_idx %arg9[%iota3A, %broadcast_in_dim3A_1795], %get3A_1799 : memref<32x129xf32, #tpu.memory_space<vmem>>[vector<16xi32>, vector<16xi32>], vector<16xf32>,
      %get3A_1800 = arith.constant 17 : i32
      %get3A_1801 = arith.index_cast %get3A_1800 : i32 to index
      %get3A_1802 = arith.constant 16 : index
      %get3A_1803 = tpu.vector_load %arg7[%get3A_1801, %get3A_1802] {strides = array<i32>} : memref<128x32xf32, #tpu.memory_space<vmem>>, vector<16xf32>,
      tpu.vector_store_idx %arg9[%add3A_7, %broadcast_in_dim3A_1795], %get3A_1803 : memref<32x129xf32, #tpu.memory_space<vmem>>[vector<16xi32>, vector<16xi32>], vector<16xf32>,
      %broadcast_in_dim3A_1804 = arith.constant 18 : i32
      %broadcast_in_dim3A_1805 = vector.broadcast %broadcast_in_dim3A_1804 : i32 to vector<16xi32>
      %get3A_1806 = arith.constant 18 : i32
      %get3A_1807 = arith.index_cast %get3A_1806 : i32 to index
      %get3A_1808 = arith.constant 0 : index
      %get3A_1809 = tpu.vector_load %arg7[%get3A_1807, %get3A_1808] {strides = array<i32>} : memref<128x32xf32, #tpu.memory_space<vmem>>, vector<16xf32>,
      tpu.vector_store_idx %arg9[%iota3A, %broadcast_in_dim3A_1805], %get3A_1809 : memref<32x129xf32, #tpu.memory_space<vmem>>[vector<16xi32>, vector<16xi32>], vector<16xf32>,
      %get3A_1810 = arith.constant 18 : i32
      %get3A_1811 = arith.index_cast %get3A_1810 : i32 to index
      %get3A_1812 = arith.constant 16 : index
      %get3A_1813 = tpu.vector_load %arg7[%get3A_1811, %get3A_1812] {strides = array<i32>} : memref<128x32xf32, #tpu.memory_space<vmem>>, vector<16xf32>,
      tpu.vector_store_idx %arg9[%add3A_7, %broadcast_in_dim3A_1805], %get3A_1813 : memref<32x129xf32, #tpu.memory_space<vmem>>[vector<16xi32>, vector<16xi32>], vector<16xf32>,
      %broadcast_in_dim3A_1814 = arith.constant 19 : i32
      %broadcast_in_dim3A_1815 = vector.broadcast %broadcast_in_dim3A_1814 : i32 to vector<16xi32>
      %get3A_1816 = arith.constant 19 : i32
      %get3A_1817 = arith.index_cast %get3A_1816 : i32 to index
      %get3A_1818 = arith.constant 0 : index
      %get3A_1819 = tpu.vector_load %arg7[%get3A_1817, %get3A_1818] {strides = array<i32>} : memref<128x32xf32, #tpu.memory_space<vmem>>, vector<16xf32>,
      tpu.vector_store_idx %arg9[%iota3A, %broadcast_in_dim3A_1815], %get3A_1819 : memref<32x129xf32, #tpu.memory_space<vmem>>[vector<16xi32>, vector<16xi32>], vector<16xf32>,
      %get3A_1820 = arith.constant 19 : i32
      %get3A_1821 = arith.index_cast %get3A_1820 : i32 to index
      %get3A_1822 = arith.constant 16 : index
      %get3A_1823 = tpu.vector_load %arg7[%get3A_1821, %get3A_1822] {strides = array<i32>} : memref<128x32xf32, #tpu.memory_space<vmem>>, vector<16xf32>,
      tpu.vector_store_idx %arg9[%add3A_7, %broadcast_in_dim3A_1815], %get3A_1823 : memref<32x129xf32, #tpu.memory_space<vmem>>[vector<16xi32>, vector<16xi32>], vector<16xf32>,
      %broadcast_in_dim3A_1824 = arith.constant 20 : i32
      %broadcast_in_dim3A_1825 = vector.broadcast %broadcast_in_dim3A_1824 : i32 to vector<16xi32>
      %get3A_1826 = arith.constant 20 : i32
      %get3A_1827 = arith.index_cast %get3A_1826 : i32 to index
      %get3A_1828 = arith.constant 0 : index
      %get3A_1829 = tpu.vector_load %arg7[%get3A_1827, %get3A_1828] {strides = array<i32>} : memref<128x32xf32, #tpu.memory_space<vmem>>, vector<16xf32>,
      tpu.vector_store_idx %arg9[%iota3A, %broadcast_in_dim3A_1825], %get3A_1829 : memref<32x129xf32, #tpu.memory_space<vmem>>[vector<16xi32>, vector<16xi32>], vector<16xf32>,
      %get3A_1830 = arith.constant 20 : i32
      %get3A_1831 = arith.index_cast %get3A_1830 : i32 to index
      %get3A_1832 = arith.constant 16 : index
      %get3A_1833 = tpu.vector_load %arg7[%get3A_1831, %get3A_1832] {strides = array<i32>} : memref<128x32xf32, #tpu.memory_space<vmem>>, vector<16xf32>,
      tpu.vector_store_idx %arg9[%add3A_7, %broadcast_in_dim3A_1825], %get3A_1833 : memref<32x129xf32, #tpu.memory_space<vmem>>[vector<16xi32>, vector<16xi32>], vector<16xf32>,
      %broadcast_in_dim3A_1834 = arith.constant 21 : i32
      %broadcast_in_dim3A_1835 = vector.broadcast %broadcast_in_dim3A_1834 : i32 to vector<16xi32>
      %get3A_1836 = arith.constant 21 : i32
      %get3A_1837 = arith.index_cast %get3A_1836 : i32 to index
      %get3A_1838 = arith.constant 0 : index
      %get3A_1839 = tpu.vector_load %arg7[%get3A_1837, %get3A_1838] {strides = array<i32>} : memref<128x32xf32, #tpu.memory_space<vmem>>, vector<16xf32>,
      tpu.vector_store_idx %arg9[%iota3A, %broadcast_in_dim3A_1835], %get3A_1839 : memref<32x129xf32, #tpu.memory_space<vmem>>[vector<16xi32>, vector<16xi32>], vector<16xf32>,
      %get3A_1840 = arith.constant 21 : i32
      %get3A_1841 = arith.index_cast %get3A_1840 : i32 to index
      %get3A_1842 = arith.constant 16 : index
      %get3A_1843 = tpu.vector_load %arg7[%get3A_1841, %get3A_1842] {strides = array<i32>} : memref<128x32xf32, #tpu.memory_space<vmem>>, vector<16xf32>,
      tpu.vector_store_idx %arg9[%add3A_7, %broadcast_in_dim3A_1835], %get3A_1843 : memref<32x129xf32, #tpu.memory_space<vmem>>[vector<16xi32>, vector<16xi32>], vector<16xf32>,
      %broadcast_in_dim3A_1844 = arith.constant 22 : i32
      %broadcast_in_dim3A_1845 = vector.broadcast %broadcast_in_dim3A_1844 : i32 to vector<16xi32>
      %get3A_1846 = arith.constant 22 : i32
      %get3A_1847 = arith.index_cast %get3A_1846 : i32 to index
      %get3A_1848 = arith.constant 0 : index
      %get3A_1849 = tpu.vector_load %arg7[%get3A_1847, %get3A_1848] {strides = array<i32>} : memref<128x32xf32, #tpu.memory_space<vmem>>, vector<16xf32>,
      tpu.vector_store_idx %arg9[%iota3A, %broadcast_in_dim3A_1845], %get3A_1849 : memref<32x129xf32, #tpu.memory_space<vmem>>[vector<16xi32>, vector<16xi32>], vector<16xf32>,
      %get3A_1850 = arith.constant 22 : i32
      %get3A_1851 = arith.index_cast %get3A_1850 : i32 to index
      %get3A_1852 = arith.constant 16 : index
      %get3A_1853 = tpu.vector_load %arg7[%get3A_1851, %get3A_1852] {strides = array<i32>} : memref<128x32xf32, #tpu.memory_space<vmem>>, vector<16xf32>,
      tpu.vector_store_idx %arg9[%add3A_7, %broadcast_in_dim3A_1845], %get3A_1853 : memref<32x129xf32, #tpu.memory_space<vmem>>[vector<16xi32>, vector<16xi32>], vector<16xf32>,
      %broadcast_in_dim3A_1854 = arith.constant 23 : i32
      %broadcast_in_dim3A_1855 = vector.broadcast %broadcast_in_dim3A_1854 : i32 to vector<16xi32>
      %get3A_1856 = arith.constant 23 : i32
      %get3A_1857 = arith.index_cast %get3A_1856 : i32 to index
      %get3A_1858 = arith.constant 0 : index
      %get3A_1859 = tpu.vector_load %arg7[%get3A_1857, %get3A_1858] {strides = array<i32>} : memref<128x32xf32, #tpu.memory_space<vmem>>, vector<16xf32>,
      tpu.vector_store_idx %arg9[%iota3A, %broadcast_in_dim3A_1855], %get3A_1859 : memref<32x129xf32, #tpu.memory_space<vmem>>[vector<16xi32>, vector<16xi32>], vector<16xf32>,
      %get3A_1860 = arith.constant 23 : i32
      %get3A_1861 = arith.index_cast %get3A_1860 : i32 to index
      %get3A_1862 = arith.constant 16 : index
      %get3A_1863 = tpu.vector_load %arg7[%get3A_1861, %get3A_1862] {strides = array<i32>} : memref<128x32xf32, #tpu.memory_space<vmem>>, vector<16xf32>,
      tpu.vector_store_idx %arg9[%add3A_7, %broadcast_in_dim3A_1855], %get3A_1863 : memref<32x129xf32, #tpu.memory_space<vmem>>[vector<16xi32>, vector<16xi32>], vector<16xf32>,
      %broadcast_in_dim3A_1864 = arith.constant 24 : i32
      %broadcast_in_dim3A_1865 = vector.broadcast %broadcast_in_dim3A_1864 : i32 to vector<16xi32>
      %get3A_1866 = arith.constant 24 : i32
      %get3A_1867 = arith.index_cast %get3A_1866 : i32 to index
      %get3A_1868 = arith.constant 0 : index
      %get3A_1869 = tpu.vector_load %arg7[%get3A_1867, %get3A_1868] {strides = array<i32>} : memref<128x32xf32, #tpu.memory_space<vmem>>, vector<16xf32>,
      tpu.vector_store_idx %arg9[%iota3A, %broadcast_in_dim3A_1865], %get3A_1869 : memref<32x129xf32, #tpu.memory_space<vmem>>[vector<16xi32>, vector<16xi32>], vector<16xf32>,
      %get3A_1870 = arith.constant 24 : i32
      %get3A_1871 = arith.index_cast %get3A_1870 : i32 to index
      %get3A_1872 = arith.constant 16 : index
      %get3A_1873 = tpu.vector_load %arg7[%get3A_1871, %get3A_1872] {strides = array<i32>} : memref<128x32xf32, #tpu.memory_space<vmem>>, vector<16xf32>,
      tpu.vector_store_idx %arg9[%add3A_7, %broadcast_in_dim3A_1865], %get3A_1873 : memref<32x129xf32, #tpu.memory_space<vmem>>[vector<16xi32>, vector<16xi32>], vector<16xf32>,
      %broadcast_in_dim3A_1874 = arith.constant 25 : i32
      %broadcast_in_dim3A_1875 = vector.broadcast %broadcast_in_dim3A_1874 : i32 to vector<16xi32>
      %get3A_1876 = arith.constant 25 : i32
      %get3A_1877 = arith.index_cast %get3A_1876 : i32 to index
      %get3A_1878 = arith.constant 0 : index
      %get3A_1879 = tpu.vector_load %arg7[%get3A_1877, %get3A_1878] {strides = array<i32>} : memref<128x32xf32, #tpu.memory_space<vmem>>, vector<16xf32>,
      tpu.vector_store_idx %arg9[%iota3A, %broadcast_in_dim3A_1875], %get3A_1879 : memref<32x129xf32, #tpu.memory_space<vmem>>[vector<16xi32>, vector<16xi32>], vector<16xf32>,
      %get3A_1880 = arith.constant 25 : i32
      %get3A_1881 = arith.index_cast %get3A_1880 : i32 to index
      %get3A_1882 = arith.constant 16 : index
      %get3A_1883 = tpu.vector_load %arg7[%get3A_1881, %get3A_1882] {strides = array<i32>} : memref<128x32xf32, #tpu.memory_space<vmem>>, vector<16xf32>,
      tpu.vector_store_idx %arg9[%add3A_7, %broadcast_in_dim3A_1875], %get3A_1883 : memref<32x129xf32, #tpu.memory_space<vmem>>[vector<16xi32>, vector<16xi32>], vector<16xf32>,
      %broadcast_in_dim3A_1884 = arith.constant 26 : i32
      %broadcast_in_dim3A_1885 = vector.broadcast %broadcast_in_dim3A_1884 : i32 to vector<16xi32>
      %get3A_1886 = arith.constant 26 : i32
      %get3A_1887 = arith.index_cast %get3A_1886 : i32 to index
      %get3A_1888 = arith.constant 0 : index
      %get3A_1889 = tpu.vector_load %arg7[%get3A_1887, %get3A_1888] {strides = array<i32>} : memref<128x32xf32, #tpu.memory_space<vmem>>, vector<16xf32>,
      tpu.vector_store_idx %arg9[%iota3A, %broadcast_in_dim3A_1885], %get3A_1889 : memref<32x129xf32, #tpu.memory_space<vmem>>[vector<16xi32>, vector<16xi32>], vector<16xf32>,
      %get3A_1890 = arith.constant 26 : i32
      %get3A_1891 = arith.index_cast %get3A_1890 : i32 to index
      %get3A_1892 = arith.constant 16 : index
      %get3A_1893 = tpu.vector_load %arg7[%get3A_1891, %get3A_1892] {strides = array<i32>} : memref<128x32xf32, #tpu.memory_space<vmem>>, vector<16xf32>,
      tpu.vector_store_idx %arg9[%add3A_7, %broadcast_in_dim3A_1885], %get3A_1893 : memref<32x129xf32, #tpu.memory_space<vmem>>[vector<16xi32>, vector<16xi32>], vector<16xf32>,
      %broadcast_in_dim3A_1894 = arith.constant 27 : i32
      %broadcast_in_dim3A_1895 = vector.broadcast %broadcast_in_dim3A_1894 : i32 to vector<16xi32>
      %get3A_1896 = arith.constant 27 : i32
      %get3A_1897 = arith.index_cast %get3A_1896 : i32 to index
      %get3A_1898 = arith.constant 0 : index
      %get3A_1899 = tpu.vector_load %arg7[%get3A_1897, %get3A_1898] {strides = array<i32>} : memref<128x32xf32, #tpu.memory_space<vmem>>, vector<16xf32>,
      tpu.vector_store_idx %arg9[%iota3A, %broadcast_in_dim3A_1895], %get3A_1899 : memref<32x129xf32, #tpu.memory_space<vmem>>[vector<16xi32>, vector<16xi32>], vector<16xf32>,
      %get3A_1900 = arith.constant 27 : i32
      %get3A_1901 = arith.index_cast %get3A_1900 : i32 to index
      %get3A_1902 = arith.constant 16 : index
      %get3A_1903 = tpu.vector_load %arg7[%get3A_1901, %get3A_1902] {strides = array<i32>} : memref<128x32xf32, #tpu.memory_space<vmem>>, vector<16xf32>,
      tpu.vector_store_idx %arg9[%add3A_7, %broadcast_in_dim3A_1895], %get3A_1903 : memref<32x129xf32, #tpu.memory_space<vmem>>[vector<16xi32>, vector<16xi32>], vector<16xf32>,
      %broadcast_in_dim3A_1904 = arith.constant 28 : i32
      %broadcast_in_dim3A_1905 = vector.broadcast %broadcast_in_dim3A_1904 : i32 to vector<16xi32>
      %get3A_1906 = arith.constant 28 : i32
      %get3A_1907 = arith.index_cast %get3A_1906 : i32 to index
      %get3A_1908 = arith.constant 0 : index
      %get3A_1909 = tpu.vector_load %arg7[%get3A_1907, %get3A_1908] {strides = array<i32>} : memref<128x32xf32, #tpu.memory_space<vmem>>, vector<16xf32>,
      tpu.vector_store_idx %arg9[%iota3A, %broadcast_in_dim3A_1905], %get3A_1909 : memref<32x129xf32, #tpu.memory_space<vmem>>[vector<16xi32>, vector<16xi32>], vector<16xf32>,
      %get3A_1910 = arith.constant 28 : i32
      %get3A_1911 = arith.index_cast %get3A_1910 : i32 to index
      %get3A_1912 = arith.constant 16 : index
      %get3A_1913 = tpu.vector_load %arg7[%get3A_1911, %get3A_1912] {strides = array<i32>} : memref<128x32xf32, #tpu.memory_space<vmem>>, vector<16xf32>,
      tpu.vector_store_idx %arg9[%add3A_7, %broadcast_in_dim3A_1905], %get3A_1913 : memref<32x129xf32, #tpu.memory_space<vmem>>[vector<16xi32>, vector<16xi32>], vector<16xf32>,
      %broadcast_in_dim3A_1914 = arith.constant 29 : i32
      %broadcast_in_dim3A_1915 = vector.broadcast %broadcast_in_dim3A_1914 : i32 to vector<16xi32>
      %get3A_1916 = arith.constant 29 : i32
      %get3A_1917 = arith.index_cast %get3A_1916 : i32 to index
      %get3A_1918 = arith.constant 0 : index
      %get3A_1919 = tpu.vector_load %arg7[%get3A_1917, %get3A_1918] {strides = array<i32>} : memref<128x32xf32, #tpu.memory_space<vmem>>, vector<16xf32>,
      tpu.vector_store_idx %arg9[%iota3A, %broadcast_in_dim3A_1915], %get3A_1919 : memref<32x129xf32, #tpu.memory_space<vmem>>[vector<16xi32>, vector<16xi32>], vector<16xf32>,
      %get3A_1920 = arith.constant 29 : i32
      %get3A_1921 = arith.index_cast %get3A_1920 : i32 to index
      %get3A_1922 = arith.constant 16 : index
      %get3A_1923 = tpu.vector_load %arg7[%get3A_1921, %get3A_1922] {strides = array<i32>} : memref<128x32xf32, #tpu.memory_space<vmem>>, vector<16xf32>,
      tpu.vector_store_idx %arg9[%add3A_7, %broadcast_in_dim3A_1915], %get3A_1923 : memref<32x129xf32, #tpu.memory_space<vmem>>[vector<16xi32>, vector<16xi32>], vector<16xf32>,
      %broadcast_in_dim3A_1924 = arith.constant 30 : i32
      %broadcast_in_dim3A_1925 = vector.broadcast %broadcast_in_dim3A_1924 : i32 to vector<16xi32>
      %get3A_1926 = arith.constant 30 : i32
      %get3A_1927 = arith.index_cast %get3A_1926 : i32 to index
      %get3A_1928 = arith.constant 0 : index
      %get3A_1929 = tpu.vector_load %arg7[%get3A_1927, %get3A_1928] {strides = array<i32>} : memref<128x32xf32, #tpu.memory_space<vmem>>, vector<16xf32>,
      tpu.vector_store_idx %arg9[%iota3A, %broadcast_in_dim3A_1925], %get3A_1929 : memref<32x129xf32, #tpu.memory_space<vmem>>[vector<16xi32>, vector<16xi32>], vector<16xf32>,
      %get3A_1930 = arith.constant 30 : i32
      %get3A_1931 = arith.index_cast %get3A_1930 : i32 to index
      %get3A_1932 = arith.constant 16 : index
      %get3A_1933 = tpu.vector_load %arg7[%get3A_1931, %get3A_1932] {strides = array<i32>} : memref<128x32xf32, #tpu.memory_space<vmem>>, vector<16xf32>,
      tpu.vector_store_idx %arg9[%add3A_7, %broadcast_in_dim3A_1925], %get3A_1933 : memref<32x129xf32, #tpu.memory_space<vmem>>[vector<16xi32>, vector<16xi32>], vector<16xf32>,
      %broadcast_in_dim3A_1934 = arith.constant 31 : i32
      %broadcast_in_dim3A_1935 = vector.broadcast %broadcast_in_dim3A_1934 : i32 to vector<16xi32>
      %get3A_1936 = arith.constant 31 : i32
      %get3A_1937 = arith.index_cast %get3A_1936 : i32 to index
      %get3A_1938 = arith.constant 0 : index
      %get3A_1939 = tpu.vector_load %arg7[%get3A_1937, %get3A_1938] {strides = array<i32>} : memref<128x32xf32, #tpu.memory_space<vmem>>, vector<16xf32>,
      tpu.vector_store_idx %arg9[%iota3A, %broadcast_in_dim3A_1935], %get3A_1939 : memref<32x129xf32, #tpu.memory_space<vmem>>[vector<16xi32>, vector<16xi32>], vector<16xf32>,
      %get3A_1940 = arith.constant 31 : i32
      %get3A_1941 = arith.index_cast %get3A_1940 : i32 to index
      %get3A_1942 = arith.constant 16 : index
      %get3A_1943 = tpu.vector_load %arg7[%get3A_1941, %get3A_1942] {strides = array<i32>} : memref<128x32xf32, #tpu.memory_space<vmem>>, vector<16xf32>,
      tpu.vector_store_idx %arg9[%add3A_7, %broadcast_in_dim3A_1935], %get3A_1943 : memref<32x129xf32, #tpu.memory_space<vmem>>[vector<16xi32>, vector<16xi32>], vector<16xf32>,
      %broadcast_in_dim3A_1944 = arith.constant 32 : i32
      %broadcast_in_dim3A_1945 = vector.broadcast %broadcast_in_dim3A_1944 : i32 to vector<16xi32>
      %get3A_1946 = arith.constant 32 : i32
      %get3A_1947 = arith.index_cast %get3A_1946 : i32 to index
      %get3A_1948 = arith.constant 0 : index
      %get3A_1949 = tpu.vector_load %arg7[%get3A_1947, %get3A_1948] {strides = array<i32>} : memref<128x32xf32, #tpu.memory_space<vmem>>, vector<16xf32>,
      tpu.vector_store_idx %arg9[%iota3A, %broadcast_in_dim3A_1945], %get3A_1949 : memref<32x129xf32, #tpu.memory_space<vmem>>[vector<16xi32>, vector<16xi32>], vector<16xf32>,
      %get3A_1950 = arith.constant 32 : i32
      %get3A_1951 = arith.index_cast %get3A_1950 : i32 to index
      %get3A_1952 = arith.constant 16 : index
      %get3A_1953 = tpu.vector_load %arg7[%get3A_1951, %get3A_1952] {strides = array<i32>} : memref<128x32xf32, #tpu.memory_space<vmem>>, vector<16xf32>,
      tpu.vector_store_idx %arg9[%add3A_7, %broadcast_in_dim3A_1945], %get3A_1953 : memref<32x129xf32, #tpu.memory_space<vmem>>[vector<16xi32>, vector<16xi32>], vector<16xf32>,
      %broadcast_in_dim3A_1954 = arith.constant 33 : i32
      %broadcast_in_dim3A_1955 = vector.broadcast %broadcast_in_dim3A_1954 : i32 to vector<16xi32>
      %get3A_1956 = arith.constant 33 : i32
      %get3A_1957 = arith.index_cast %get3A_1956 : i32 to index
      %get3A_1958 = arith.constant 0 : index
      %get3A_1959 = tpu.vector_load %arg7[%get3A_1957, %get3A_1958] {strides = array<i32>} : memref<128x32xf32, #tpu.memory_space<vmem>>, vector<16xf32>,
      tpu.vector_store_idx %arg9[%iota3A, %broadcast_in_dim3A_1955], %get3A_1959 : memref<32x129xf32, #tpu.memory_space<vmem>>[vector<16xi32>, vector<16xi32>], vector<16xf32>,
      %get3A_1960 = arith.constant 33 : i32
      %get3A_1961 = arith.index_cast %get3A_1960 : i32 to index
      %get3A_1962 = arith.constant 16 : index
      %get3A_1963 = tpu.vector_load %arg7[%get3A_1961, %get3A_1962] {strides = array<i32>} : memref<128x32xf32, #tpu.memory_space<vmem>>, vector<16xf32>,
      tpu.vector_store_idx %arg9[%add3A_7, %broadcast_in_dim3A_1955], %get3A_1963 : memref<32x129xf32, #tpu.memory_space<vmem>>[vector<16xi32>, vector<16xi32>], vector<16xf32>,
      %broadcast_in_dim3A_1964 = arith.constant 34 : i32
      %broadcast_in_dim3A_1965 = vector.broadcast %broadcast_in_dim3A_1964 : i32 to vector<16xi32>
      %get3A_1966 = arith.constant 34 : i32
      %get3A_1967 = arith.index_cast %get3A_1966 : i32 to index
      %get3A_1968 = arith.constant 0 : index
      %get3A_1969 = tpu.vector_load %arg7[%get3A_1967, %get3A_1968] {strides = array<i32>} : memref<128x32xf32, #tpu.memory_space<vmem>>, vector<16xf32>,
      tpu.vector_store_idx %arg9[%iota3A, %broadcast_in_dim3A_1965], %get3A_1969 : memref<32x129xf32, #tpu.memory_space<vmem>>[vector<16xi32>, vector<16xi32>], vector<16xf32>,
      %get3A_1970 = arith.constant 34 : i32
      %get3A_1971 = arith.index_cast %get3A_1970 : i32 to index
      %get3A_1972 = arith.constant 16 : index
      %get3A_1973 = tpu.vector_load %arg7[%get3A_1971, %get3A_1972] {strides = array<i32>} : memref<128x32xf32, #tpu.memory_space<vmem>>, vector<16xf32>,
      tpu.vector_store_idx %arg9[%add3A_7, %broadcast_in_dim3A_1965], %get3A_1973 : memref<32x129xf32, #tpu.memory_space<vmem>>[vector<16xi32>, vector<16xi32>], vector<16xf32>,
      %broadcast_in_dim3A_1974 = arith.constant 35 : i32
      %broadcast_in_dim3A_1975 = vector.broadcast %broadcast_in_dim3A_1974 : i32 to vector<16xi32>
      %get3A_1976 = arith.constant 35 : i32
      %get3A_1977 = arith.index_cast %get3A_1976 : i32 to index
      %get3A_1978 = arith.constant 0 : index
      %get3A_1979 = tpu.vector_load %arg7[%get3A_1977, %get3A_1978] {strides = array<i32>} : memref<128x32xf32, #tpu.memory_space<vmem>>, vector<16xf32>,
      tpu.vector_store_idx %arg9[%iota3A, %broadcast_in_dim3A_1975], %get3A_1979 : memref<32x129xf32, #tpu.memory_space<vmem>>[vector<16xi32>, vector<16xi32>], vector<16xf32>,
      %get3A_1980 = arith.constant 35 : i32
      %get3A_1981 = arith.index_cast %get3A_1980 : i32 to index
      %get3A_1982 = arith.constant 16 : index
      %get3A_1983 = tpu.vector_load %arg7[%get3A_1981, %get3A_1982] {strides = array<i32>} : memref<128x32xf32, #tpu.memory_space<vmem>>, vector<16xf32>,
      tpu.vector_store_idx %arg9[%add3A_7, %broadcast_in_dim3A_1975], %get3A_1983 : memref<32x129xf32, #tpu.memory_space<vmem>>[vector<16xi32>, vector<16xi32>], vector<16xf32>,
      %broadcast_in_dim3A_1984 = arith.constant 36 : i32
      %broadcast_in_dim3A_1985 = vector.broadcast %broadcast_in_dim3A_1984 : i32 to vector<16xi32>
      %get3A_1986 = arith.constant 36 : i32
      %get3A_1987 = arith.index_cast %get3A_1986 : i32 to index
      %get3A_1988 = arith.constant 0 : index
      %get3A_1989 = tpu.vector_load %arg7[%get3A_1987, %get3A_1988] {strides = array<i32>} : memref<128x32xf32, #tpu.memory_space<vmem>>, vector<16xf32>,
      tpu.vector_store_idx %arg9[%iota3A, %broadcast_in_dim3A_1985], %get3A_1989 : memref<32x129xf32, #tpu.memory_space<vmem>>[vector<16xi32>, vector<16xi32>], vector<16xf32>,
      %get3A_1990 = arith.constant 36 : i32
      %get3A_1991 = arith.index_cast %get3A_1990 : i32 to index
      %get3A_1992 = arith.constant 16 : index
      %get3A_1993 = tpu.vector_load %arg7[%get3A_1991, %get3A_1992] {strides = array<i32>} : memref<128x32xf32, #tpu.memory_space<vmem>>, vector<16xf32>,
      tpu.vector_store_idx %arg9[%add3A_7, %broadcast_in_dim3A_1985], %get3A_1993 : memref<32x129xf32, #tpu.memory_space<vmem>>[vector<16xi32>, vector<16xi32>], vector<16xf32>,
      %broadcast_in_dim3A_1994 = arith.constant 37 : i32
      %broadcast_in_dim3A_1995 = vector.broadcast %broadcast_in_dim3A_1994 : i32 to vector<16xi32>
      %get3A_1996 = arith.constant 37 : i32
      %get3A_1997 = arith.index_cast %get3A_1996 : i32 to index
      %get3A_1998 = arith.constant 0 : index
      %get3A_1999 = tpu.vector_load %arg7[%get3A_1997, %get3A_1998] {strides = array<i32>} : memref<128x32xf32, #tpu.memory_space<vmem>>, vector<16xf32>,
      tpu.vector_store_idx %arg9[%iota3A, %broadcast_in_dim3A_1995], %get3A_1999 : memref<32x129xf32, #tpu.memory_space<vmem>>[vector<16xi32>, vector<16xi32>], vector<16xf32>,
      %get3A_2000 = arith.constant 37 : i32
      %get3A_2001 = arith.index_cast %get3A_2000 : i32 to index
      %get3A_2002 = arith.constant 16 : index
      %get3A_2003 = tpu.vector_load %arg7[%get3A_2001, %get3A_2002] {strides = array<i32>} : memref<128x32xf32, #tpu.memory_space<vmem>>, vector<16xf32>,
      tpu.vector_store_idx %arg9[%add3A_7, %broadcast_in_dim3A_1995], %get3A_2003 : memref<32x129xf32, #tpu.memory_space<vmem>>[vector<16xi32>, vector<16xi32>], vector<16xf32>,
      %broadcast_in_dim3A_2004 = arith.constant 38 : i32
      %broadcast_in_dim3A_2005 = vector.broadcast %broadcast_in_dim3A_2004 : i32 to vector<16xi32>
      %get3A_2006 = arith.constant 38 : i32
      %get3A_2007 = arith.index_cast %get3A_2006 : i32 to index
      %get3A_2008 = arith.constant 0 : index
      %get3A_2009 = tpu.vector_load %arg7[%get3A_2007, %get3A_2008] {strides = array<i32>} : memref<128x32xf32, #tpu.memory_space<vmem>>, vector<16xf32>,
      tpu.vector_store_idx %arg9[%iota3A, %broadcast_in_dim3A_2005], %get3A_2009 : memref<32x129xf32, #tpu.memory_space<vmem>>[vector<16xi32>, vector<16xi32>], vector<16xf32>,
      %get3A_2010 = arith.constant 38 : i32
      %get3A_2011 = arith.index_cast %get3A_2010 : i32 to index
      %get3A_2012 = arith.constant 16 : index
      %get3A_2013 = tpu.vector_load %arg7[%get3A_2011, %get3A_2012] {strides = array<i32>} : memref<128x32xf32, #tpu.memory_space<vmem>>, vector<16xf32>,
      tpu.vector_store_idx %arg9[%add3A_7, %broadcast_in_dim3A_2005], %get3A_2013 : memref<32x129xf32, #tpu.memory_space<vmem>>[vector<16xi32>, vector<16xi32>], vector<16xf32>,
      %broadcast_in_dim3A_2014 = arith.constant 39 : i32
      %broadcast_in_dim3A_2015 = vector.broadcast %broadcast_in_dim3A_2014 : i32 to vector<16xi32>
      %get3A_2016 = arith.constant 39 : i32
      %get3A_2017 = arith.index_cast %get3A_2016 : i32 to index
      %get3A_2018 = arith.constant 0 : index
      %get3A_2019 = tpu.vector_load %arg7[%get3A_2017, %get3A_2018] {strides = array<i32>} : memref<128x32xf32, #tpu.memory_space<vmem>>, vector<16xf32>,
      tpu.vector_store_idx %arg9[%iota3A, %broadcast_in_dim3A_2015], %get3A_2019 : memref<32x129xf32, #tpu.memory_space<vmem>>[vector<16xi32>, vector<16xi32>], vector<16xf32>,
      %get3A_2020 = arith.constant 39 : i32
      %get3A_2021 = arith.index_cast %get3A_2020 : i32 to index
      %get3A_2022 = arith.constant 16 : index
      %get3A_2023 = tpu.vector_load %arg7[%get3A_2021, %get3A_2022] {strides = array<i32>} : memref<128x32xf32, #tpu.memory_space<vmem>>, vector<16xf32>,
      tpu.vector_store_idx %arg9[%add3A_7, %broadcast_in_dim3A_2015], %get3A_2023 : memref<32x129xf32, #tpu.memory_space<vmem>>[vector<16xi32>, vector<16xi32>], vector<16xf32>,
      %broadcast_in_dim3A_2024 = arith.constant 40 : i32
      %broadcast_in_dim3A_2025 = vector.broadcast %broadcast_in_dim3A_2024 : i32 to vector<16xi32>
      %get3A_2026 = arith.constant 40 : i32
      %get3A_2027 = arith.index_cast %get3A_2026 : i32 to index
      %get3A_2028 = arith.constant 0 : index
      %get3A_2029 = tpu.vector_load %arg7[%get3A_2027, %get3A_2028] {strides = array<i32>} : memref<128x32xf32, #tpu.memory_space<vmem>>, vector<16xf32>,
      tpu.vector_store_idx %arg9[%iota3A, %broadcast_in_dim3A_2025], %get3A_2029 : memref<32x129xf32, #tpu.memory_space<vmem>>[vector<16xi32>, vector<16xi32>], vector<16xf32>,
      %get3A_2030 = arith.constant 40 : i32
      %get3A_2031 = arith.index_cast %get3A_2030 : i32 to index
      %get3A_2032 = arith.constant 16 : index
      %get3A_2033 = tpu.vector_load %arg7[%get3A_2031, %get3A_2032] {strides = array<i32>} : memref<128x32xf32, #tpu.memory_space<vmem>>, vector<16xf32>,
      tpu.vector_store_idx %arg9[%add3A_7, %broadcast_in_dim3A_2025], %get3A_2033 : memref<32x129xf32, #tpu.memory_space<vmem>>[vector<16xi32>, vector<16xi32>], vector<16xf32>,
      %broadcast_in_dim3A_2034 = arith.constant 41 : i32
      %broadcast_in_dim3A_2035 = vector.broadcast %broadcast_in_dim3A_2034 : i32 to vector<16xi32>
      %get3A_2036 = arith.constant 41 : i32
      %get3A_2037 = arith.index_cast %get3A_2036 : i32 to index
      %get3A_2038 = arith.constant 0 : index
      %get3A_2039 = tpu.vector_load %arg7[%get3A_2037, %get3A_2038] {strides = array<i32>} : memref<128x32xf32, #tpu.memory_space<vmem>>, vector<16xf32>,
      tpu.vector_store_idx %arg9[%iota3A, %broadcast_in_dim3A_2035], %get3A_2039 : memref<32x129xf32, #tpu.memory_space<vmem>>[vector<16xi32>, vector<16xi32>], vector<16xf32>,
      %get3A_2040 = arith.constant 41 : i32
      %get3A_2041 = arith.index_cast %get3A_2040 : i32 to index
      %get3A_2042 = arith.constant 16 : index
      %get3A_2043 = tpu.vector_load %arg7[%get3A_2041, %get3A_2042] {strides = array<i32>} : memref<128x32xf32, #tpu.memory_space<vmem>>, vector<16xf32>,
      tpu.vector_store_idx %arg9[%add3A_7, %broadcast_in_dim3A_2035], %get3A_2043 : memref<32x129xf32, #tpu.memory_space<vmem>>[vector<16xi32>, vector<16xi32>], vector<16xf32>,
      %broadcast_in_dim3A_2044 = arith.constant 42 : i32
      %broadcast_in_dim3A_2045 = vector.broadcast %broadcast_in_dim3A_2044 : i32 to vector<16xi32>
      %get3A_2046 = arith.constant 42 : i32
      %get3A_2047 = arith.index_cast %get3A_2046 : i32 to index
      %get3A_2048 = arith.constant 0 : index
      %get3A_2049 = tpu.vector_load %arg7[%get3A_2047, %get3A_2048] {strides = array<i32>} : memref<128x32xf32, #tpu.memory_space<vmem>>, vector<16xf32>,
      tpu.vector_store_idx %arg9[%iota3A, %broadcast_in_dim3A_2045], %get3A_2049 : memref<32x129xf32, #tpu.memory_space<vmem>>[vector<16xi32>, vector<16xi32>], vector<16xf32>,
      %get3A_2050 = arith.constant 42 : i32
      %get3A_2051 = arith.index_cast %get3A_2050 : i32 to index
      %get3A_2052 = arith.constant 16 : index
      %get3A_2053 = tpu.vector_load %arg7[%get3A_2051, %get3A_2052] {strides = array<i32>} : memref<128x32xf32, #tpu.memory_space<vmem>>, vector<16xf32>,
      tpu.vector_store_idx %arg9[%add3A_7, %broadcast_in_dim3A_2045], %get3A_2053 : memref<32x129xf32, #tpu.memory_space<vmem>>[vector<16xi32>, vector<16xi32>], vector<16xf32>,
      %broadcast_in_dim3A_2054 = arith.constant 43 : i32
      %broadcast_in_dim3A_2055 = vector.broadcast %broadcast_in_dim3A_2054 : i32 to vector<16xi32>
      %get3A_2056 = arith.constant 43 : i32
      %get3A_2057 = arith.index_cast %get3A_2056 : i32 to index
      %get3A_2058 = arith.constant 0 : index
      %get3A_2059 = tpu.vector_load %arg7[%get3A_2057, %get3A_2058] {strides = array<i32>} : memref<128x32xf32, #tpu.memory_space<vmem>>, vector<16xf32>,
      tpu.vector_store_idx %arg9[%iota3A, %broadcast_in_dim3A_2055], %get3A_2059 : memref<32x129xf32, #tpu.memory_space<vmem>>[vector<16xi32>, vector<16xi32>], vector<16xf32>,
      %get3A_2060 = arith.constant 43 : i32
      %get3A_2061 = arith.index_cast %get3A_2060 : i32 to index
      %get3A_2062 = arith.constant 16 : index
      %get3A_2063 = tpu.vector_load %arg7[%get3A_2061, %get3A_2062] {strides = array<i32>} : memref<128x32xf32, #tpu.memory_space<vmem>>, vector<16xf32>,
      tpu.vector_store_idx %arg9[%add3A_7, %broadcast_in_dim3A_2055], %get3A_2063 : memref<32x129xf32, #tpu.memory_space<vmem>>[vector<16xi32>, vector<16xi32>], vector<16xf32>,
      %broadcast_in_dim3A_2064 = arith.constant 44 : i32
      %broadcast_in_dim3A_2065 = vector.broadcast %broadcast_in_dim3A_2064 : i32 to vector<16xi32>
      %get3A_2066 = arith.constant 44 : i32
      %get3A_2067 = arith.index_cast %get3A_2066 : i32 to index
      %get3A_2068 = arith.constant 0 : index
      %get3A_2069 = tpu.vector_load %arg7[%get3A_2067, %get3A_2068] {strides = array<i32>} : memref<128x32xf32, #tpu.memory_space<vmem>>, vector<16xf32>,
      tpu.vector_store_idx %arg9[%iota3A, %broadcast_in_dim3A_2065], %get3A_2069 : memref<32x129xf32, #tpu.memory_space<vmem>>[vector<16xi32>, vector<16xi32>], vector<16xf32>,
      %get3A_2070 = arith.constant 44 : i32
      %get3A_2071 = arith.index_cast %get3A_2070 : i32 to index
      %get3A_2072 = arith.constant 16 : index
      %get3A_2073 = tpu.vector_load %arg7[%get3A_2071, %get3A_2072] {strides = array<i32>} : memref<128x32xf32, #tpu.memory_space<vmem>>, vector<16xf32>,
      tpu.vector_store_idx %arg9[%add3A_7, %broadcast_in_dim3A_2065], %get3A_2073 : memref<32x129xf32, #tpu.memory_space<vmem>>[vector<16xi32>, vector<16xi32>], vector<16xf32>,
      %broadcast_in_dim3A_2074 = arith.constant 45 : i32
      %broadcast_in_dim3A_2075 = vector.broadcast %broadcast_in_dim3A_2074 : i32 to vector<16xi32>
      %get3A_2076 = arith.constant 45 : i32
      %get3A_2077 = arith.index_cast %get3A_2076 : i32 to index
      %get3A_2078 = arith.constant 0 : index
      %get3A_2079 = tpu.vector_load %arg7[%get3A_2077, %get3A_2078] {strides = array<i32>} : memref<128x32xf32, #tpu.memory_space<vmem>>, vector<16xf32>,
      tpu.vector_store_idx %arg9[%iota3A, %broadcast_in_dim3A_2075], %get3A_2079 : memref<32x129xf32, #tpu.memory_space<vmem>>[vector<16xi32>, vector<16xi32>], vector<16xf32>,
      %get3A_2080 = arith.constant 45 : i32
      %get3A_2081 = arith.index_cast %get3A_2080 : i32 to index
      %get3A_2082 = arith.constant 16 : index
      %get3A_2083 = tpu.vector_load %arg7[%get3A_2081, %get3A_2082] {strides = array<i32>} : memref<128x32xf32, #tpu.memory_space<vmem>>, vector<16xf32>,
      tpu.vector_store_idx %arg9[%add3A_7, %broadcast_in_dim3A_2075], %get3A_2083 : memref<32x129xf32, #tpu.memory_space<vmem>>[vector<16xi32>, vector<16xi32>], vector<16xf32>,
      %broadcast_in_dim3A_2084 = arith.constant 46 : i32
      %broadcast_in_dim3A_2085 = vector.broadcast %broadcast_in_dim3A_2084 : i32 to vector<16xi32>
      %get3A_2086 = arith.constant 46 : i32
      %get3A_2087 = arith.index_cast %get3A_2086 : i32 to index
      %get3A_2088 = arith.constant 0 : index
      %get3A_2089 = tpu.vector_load %arg7[%get3A_2087, %get3A_2088] {strides = array<i32>} : memref<128x32xf32, #tpu.memory_space<vmem>>, vector<16xf32>,
      tpu.vector_store_idx %arg9[%iota3A, %broadcast_in_dim3A_2085], %get3A_2089 : memref<32x129xf32, #tpu.memory_space<vmem>>[vector<16xi32>, vector<16xi32>], vector<16xf32>,
      %get3A_2090 = arith.constant 46 : i32
      %get3A_2091 = arith.index_cast %get3A_2090 : i32 to index
      %get3A_2092 = arith.constant 16 : index
      %get3A_2093 = tpu.vector_load %arg7[%get3A_2091, %get3A_2092] {strides = array<i32>} : memref<128x32xf32, #tpu.memory_space<vmem>>, vector<16xf32>,
      tpu.vector_store_idx %arg9[%add3A_7, %broadcast_in_dim3A_2085], %get3A_2093 : memref<32x129xf32, #tpu.memory_space<vmem>>[vector<16xi32>, vector<16xi32>], vector<16xf32>,
      %broadcast_in_dim3A_2094 = arith.constant 47 : i32
      %broadcast_in_dim3A_2095 = vector.broadcast %broadcast_in_dim3A_2094 : i32 to vector<16xi32>
      %get3A_2096 = arith.constant 47 : i32
      %get3A_2097 = arith.index_cast %get3A_2096 : i32 to index
      %get3A_2098 = arith.constant 0 : index
      %get3A_2099 = tpu.vector_load %arg7[%get3A_2097, %get3A_2098] {strides = array<i32>} : memref<128x32xf32, #tpu.memory_space<vmem>>, vector<16xf32>,
      tpu.vector_store_idx %arg9[%iota3A, %broadcast_in_dim3A_2095], %get3A_2099 : memref<32x129xf32, #tpu.memory_space<vmem>>[vector<16xi32>, vector<16xi32>], vector<16xf32>,
      %get3A_2100 = arith.constant 47 : i32
      %get3A_2101 = arith.index_cast %get3A_2100 : i32 to index
      %get3A_2102 = arith.constant 16 : index
      %get3A_2103 = tpu.vector_load %arg7[%get3A_2101, %get3A_2102] {strides = array<i32>} : memref<128x32xf32, #tpu.memory_space<vmem>>, vector<16xf32>,
      tpu.vector_store_idx %arg9[%add3A_7, %broadcast_in_dim3A_2095], %get3A_2103 : memref<32x129xf32, #tpu.memory_space<vmem>>[vector<16xi32>, vector<16xi32>], vector<16xf32>,
      %broadcast_in_dim3A_2104 = arith.constant 48 : i32
      %broadcast_in_dim3A_2105 = vector.broadcast %broadcast_in_dim3A_2104 : i32 to vector<16xi32>
      %get3A_2106 = arith.constant 48 : i32
      %get3A_2107 = arith.index_cast %get3A_2106 : i32 to index
      %get3A_2108 = arith.constant 0 : index
      %get3A_2109 = tpu.vector_load %arg7[%get3A_2107, %get3A_2108] {strides = array<i32>} : memref<128x32xf32, #tpu.memory_space<vmem>>, vector<16xf32>,
      tpu.vector_store_idx %arg9[%iota3A, %broadcast_in_dim3A_2105], %get3A_2109 : memref<32x129xf32, #tpu.memory_space<vmem>>[vector<16xi32>, vector<16xi32>], vector<16xf32>,
      %get3A_2110 = arith.constant 48 : i32
      %get3A_2111 = arith.index_cast %get3A_2110 : i32 to index
      %get3A_2112 = arith.constant 16 : index
      %get3A_2113 = tpu.vector_load %arg7[%get3A_2111, %get3A_2112] {strides = array<i32>} : memref<128x32xf32, #tpu.memory_space<vmem>>, vector<16xf32>,
      tpu.vector_store_idx %arg9[%add3A_7, %broadcast_in_dim3A_2105], %get3A_2113 : memref<32x129xf32, #tpu.memory_space<vmem>>[vector<16xi32>, vector<16xi32>], vector<16xf32>,
      %broadcast_in_dim3A_2114 = arith.constant 49 : i32
      %broadcast_in_dim3A_2115 = vector.broadcast %broadcast_in_dim3A_2114 : i32 to vector<16xi32>
      %get3A_2116 = arith.constant 49 : i32
      %get3A_2117 = arith.index_cast %get3A_2116 : i32 to index
      %get3A_2118 = arith.constant 0 : index
      %get3A_2119 = tpu.vector_load %arg7[%get3A_2117, %get3A_2118] {strides = array<i32>} : memref<128x32xf32, #tpu.memory_space<vmem>>, vector<16xf32>,
      tpu.vector_store_idx %arg9[%iota3A, %broadcast_in_dim3A_2115], %get3A_2119 : memref<32x129xf32, #tpu.memory_space<vmem>>[vector<16xi32>, vector<16xi32>], vector<16xf32>,
      %get3A_2120 = arith.constant 49 : i32
      %get3A_2121 = arith.index_cast %get3A_2120 : i32 to index
      %get3A_2122 = arith.constant 16 : index
      %get3A_2123 = tpu.vector_load %arg7[%get3A_2121, %get3A_2122] {strides = array<i32>} : memref<128x32xf32, #tpu.memory_space<vmem>>, vector<16xf32>,
      tpu.vector_store_idx %arg9[%add3A_7, %broadcast_in_dim3A_2115], %get3A_2123 : memref<32x129xf32, #tpu.memory_space<vmem>>[vector<16xi32>, vector<16xi32>], vector<16xf32>,
      %broadcast_in_dim3A_2124 = arith.constant 50 : i32
      %broadcast_in_dim3A_2125 = vector.broadcast %broadcast_in_dim3A_2124 : i32 to vector<16xi32>
      %get3A_2126 = arith.constant 50 : i32
      %get3A_2127 = arith.index_cast %get3A_2126 : i32 to index
      %get3A_2128 = arith.constant 0 : index
      %get3A_2129 = tpu.vector_load %arg7[%get3A_2127, %get3A_2128] {strides = array<i32>} : memref<128x32xf32, #tpu.memory_space<vmem>>, vector<16xf32>,
      tpu.vector_store_idx %arg9[%iota3A, %broadcast_in_dim3A_2125], %get3A_2129 : memref<32x129xf32, #tpu.memory_space<vmem>>[vector<16xi32>, vector<16xi32>], vector<16xf32>,
      %get3A_2130 = arith.constant 50 : i32
      %get3A_2131 = arith.index_cast %get3A_2130 : i32 to index
      %get3A_2132 = arith.constant 16 : index
      %get3A_2133 = tpu.vector_load %arg7[%get3A_2131, %get3A_2132] {strides = array<i32>} : memref<128x32xf32, #tpu.memory_space<vmem>>, vector<16xf32>,
      tpu.vector_store_idx %arg9[%add3A_7, %broadcast_in_dim3A_2125], %get3A_2133 : memref<32x129xf32, #tpu.memory_space<vmem>>[vector<16xi32>, vector<16xi32>], vector<16xf32>,
      %broadcast_in_dim3A_2134 = arith.constant 51 : i32
      %broadcast_in_dim3A_2135 = vector.broadcast %broadcast_in_dim3A_2134 : i32 to vector<16xi32>
      %get3A_2136 = arith.constant 51 : i32
      %get3A_2137 = arith.index_cast %get3A_2136 : i32 to index
      %get3A_2138 = arith.constant 0 : index
      %get3A_2139 = tpu.vector_load %arg7[%get3A_2137, %get3A_2138] {strides = array<i32>} : memref<128x32xf32, #tpu.memory_space<vmem>>, vector<16xf32>,
      tpu.vector_store_idx %arg9[%iota3A, %broadcast_in_dim3A_2135], %get3A_2139 : memref<32x129xf32, #tpu.memory_space<vmem>>[vector<16xi32>, vector<16xi32>], vector<16xf32>,
      %get3A_2140 = arith.constant 51 : i32
      %get3A_2141 = arith.index_cast %get3A_2140 : i32 to index
      %get3A_2142 = arith.constant 16 : index
      %get3A_2143 = tpu.vector_load %arg7[%get3A_2141, %get3A_2142] {strides = array<i32>} : memref<128x32xf32, #tpu.memory_space<vmem>>, vector<16xf32>,
      tpu.vector_store_idx %arg9[%add3A_7, %broadcast_in_dim3A_2135], %get3A_2143 : memref<32x129xf32, #tpu.memory_space<vmem>>[vector<16xi32>, vector<16xi32>], vector<16xf32>,
      %broadcast_in_dim3A_2144 = arith.constant 52 : i32
      %broadcast_in_dim3A_2145 = vector.broadcast %broadcast_in_dim3A_2144 : i32 to vector<16xi32>
      %get3A_2146 = arith.constant 52 : i32
      %get3A_2147 = arith.index_cast %get3A_2146 : i32 to index
      %get3A_2148 = arith.constant 0 : index
      %get3A_2149 = tpu.vector_load %arg7[%get3A_2147, %get3A_2148] {strides = array<i32>} : memref<128x32xf32, #tpu.memory_space<vmem>>, vector<16xf32>,
      tpu.vector_store_idx %arg9[%iota3A, %broadcast_in_dim3A_2145], %get3A_2149 : memref<32x129xf32, #tpu.memory_space<vmem>>[vector<16xi32>, vector<16xi32>], vector<16xf32>,
      %get3A_2150 = arith.constant 52 : i32
      %get3A_2151 = arith.index_cast %get3A_2150 : i32 to index
      %get3A_2152 = arith.constant 16 : index
      %get3A_2153 = tpu.vector_load %arg7[%get3A_2151, %get3A_2152] {strides = array<i32>} : memref<128x32xf32, #tpu.memory_space<vmem>>, vector<16xf32>,
      tpu.vector_store_idx %arg9[%add3A_7, %broadcast_in_dim3A_2145], %get3A_2153 : memref<32x129xf32, #tpu.memory_space<vmem>>[vector<16xi32>, vector<16xi32>], vector<16xf32>,
      %broadcast_in_dim3A_2154 = arith.constant 53 : i32
      %broadcast_in_dim3A_2155 = vector.broadcast %broadcast_in_dim3A_2154 : i32 to vector<16xi32>
      %get3A_2156 = arith.constant 53 : i32
      %get3A_2157 = arith.index_cast %get3A_2156 : i32 to index
      %get3A_2158 = arith.constant 0 : index
      %get3A_2159 = tpu.vector_load %arg7[%get3A_2157, %get3A_2158] {strides = array<i32>} : memref<128x32xf32, #tpu.memory_space<vmem>>, vector<16xf32>,
      tpu.vector_store_idx %arg9[%iota3A, %broadcast_in_dim3A_2155], %get3A_2159 : memref<32x129xf32, #tpu.memory_space<vmem>>[vector<16xi32>, vector<16xi32>], vector<16xf32>,
      %get3A_2160 = arith.constant 53 : i32
      %get3A_2161 = arith.index_cast %get3A_2160 : i32 to index
      %get3A_2162 = arith.constant 16 : index
      %get3A_2163 = tpu.vector_load %arg7[%get3A_2161, %get3A_2162] {strides = array<i32>} : memref<128x32xf32, #tpu.memory_space<vmem>>, vector<16xf32>,
      tpu.vector_store_idx %arg9[%add3A_7, %broadcast_in_dim3A_2155], %get3A_2163 : memref<32x129xf32, #tpu.memory_space<vmem>>[vector<16xi32>, vector<16xi32>], vector<16xf32>,
      %broadcast_in_dim3A_2164 = arith.constant 54 : i32
      %broadcast_in_dim3A_2165 = vector.broadcast %broadcast_in_dim3A_2164 : i32 to vector<16xi32>
      %get3A_2166 = arith.constant 54 : i32
      %get3A_2167 = arith.index_cast %get3A_2166 : i32 to index
      %get3A_2168 = arith.constant 0 : index
      %get3A_2169 = tpu.vector_load %arg7[%get3A_2167, %get3A_2168] {strides = array<i32>} : memref<128x32xf32, #tpu.memory_space<vmem>>, vector<16xf32>,
      tpu.vector_store_idx %arg9[%iota3A, %broadcast_in_dim3A_2165], %get3A_2169 : memref<32x129xf32, #tpu.memory_space<vmem>>[vector<16xi32>, vector<16xi32>], vector<16xf32>,
      %get3A_2170 = arith.constant 54 : i32
      %get3A_2171 = arith.index_cast %get3A_2170 : i32 to index
      %get3A_2172 = arith.constant 16 : index
      %get3A_2173 = tpu.vector_load %arg7[%get3A_2171, %get3A_2172] {strides = array<i32>} : memref<128x32xf32, #tpu.memory_space<vmem>>, vector<16xf32>,
      tpu.vector_store_idx %arg9[%add3A_7, %broadcast_in_dim3A_2165], %get3A_2173 : memref<32x129xf32, #tpu.memory_space<vmem>>[vector<16xi32>, vector<16xi32>], vector<16xf32>,
      %broadcast_in_dim3A_2174 = arith.constant 55 : i32
      %broadcast_in_dim3A_2175 = vector.broadcast %broadcast_in_dim3A_2174 : i32 to vector<16xi32>
      %get3A_2176 = arith.constant 55 : i32
      %get3A_2177 = arith.index_cast %get3A_2176 : i32 to index
      %get3A_2178 = arith.constant 0 : index
      %get3A_2179 = tpu.vector_load %arg7[%get3A_2177, %get3A_2178] {strides = array<i32>} : memref<128x32xf32, #tpu.memory_space<vmem>>, vector<16xf32>,
      tpu.vector_store_idx %arg9[%iota3A, %broadcast_in_dim3A_2175], %get3A_2179 : memref<32x129xf32, #tpu.memory_space<vmem>>[vector<16xi32>, vector<16xi32>], vector<16xf32>,
      %get3A_2180 = arith.constant 55 : i32
      %get3A_2181 = arith.index_cast %get3A_2180 : i32 to index
      %get3A_2182 = arith.constant 16 : index
      %get3A_2183 = tpu.vector_load %arg7[%get3A_2181, %get3A_2182] {strides = array<i32>} : memref<128x32xf32, #tpu.memory_space<vmem>>, vector<16xf32>,
      tpu.vector_store_idx %arg9[%add3A_7, %broadcast_in_dim3A_2175], %get3A_2183 : memref<32x129xf32, #tpu.memory_space<vmem>>[vector<16xi32>, vector<16xi32>], vector<16xf32>,
      %broadcast_in_dim3A_2184 = arith.constant 56 : i32
      %broadcast_in_dim3A_2185 = vector.broadcast %broadcast_in_dim3A_2184 : i32 to vector<16xi32>
      %get3A_2186 = arith.constant 56 : i32
      %get3A_2187 = arith.index_cast %get3A_2186 : i32 to index
      %get3A_2188 = arith.constant 0 : index
      %get3A_2189 = tpu.vector_load %arg7[%get3A_2187, %get3A_2188] {strides = array<i32>} : memref<128x32xf32, #tpu.memory_space<vmem>>, vector<16xf32>,
      tpu.vector_store_idx %arg9[%iota3A, %broadcast_in_dim3A_2185], %get3A_2189 : memref<32x129xf32, #tpu.memory_space<vmem>>[vector<16xi32>, vector<16xi32>], vector<16xf32>,
      %get3A_2190 = arith.constant 56 : i32
      %get3A_2191 = arith.index_cast %get3A_2190 : i32 to index
      %get3A_2192 = arith.constant 16 : index
      %get3A_2193 = tpu.vector_load %arg7[%get3A_2191, %get3A_2192] {strides = array<i32>} : memref<128x32xf32, #tpu.memory_space<vmem>>, vector<16xf32>,
      tpu.vector_store_idx %arg9[%add3A_7, %broadcast_in_dim3A_2185], %get3A_2193 : memref<32x129xf32, #tpu.memory_space<vmem>>[vector<16xi32>, vector<16xi32>], vector<16xf32>,
      %broadcast_in_dim3A_2194 = arith.constant 57 : i32
      %broadcast_in_dim3A_2195 = vector.broadcast %broadcast_in_dim3A_2194 : i32 to vector<16xi32>
      %get3A_2196 = arith.constant 57 : i32
      %get3A_2197 = arith.index_cast %get3A_2196 : i32 to index
      %get3A_2198 = arith.constant 0 : index
      %get3A_2199 = tpu.vector_load %arg7[%get3A_2197, %get3A_2198] {strides = array<i32>} : memref<128x32xf32, #tpu.memory_space<vmem>>, vector<16xf32>,
      tpu.vector_store_idx %arg9[%iota3A, %broadcast_in_dim3A_2195], %get3A_2199 : memref<32x129xf32, #tpu.memory_space<vmem>>[vector<16xi32>, vector<16xi32>], vector<16xf32>,
      %get3A_2200 = arith.constant 57 : i32
      %get3A_2201 = arith.index_cast %get3A_2200 : i32 to index
      %get3A_2202 = arith.constant 16 : index
      %get3A_2203 = tpu.vector_load %arg7[%get3A_2201, %get3A_2202] {strides = array<i32>} : memref<128x32xf32, #tpu.memory_space<vmem>>, vector<16xf32>,
      tpu.vector_store_idx %arg9[%add3A_7, %broadcast_in_dim3A_2195], %get3A_2203 : memref<32x129xf32, #tpu.memory_space<vmem>>[vector<16xi32>, vector<16xi32>], vector<16xf32>,
      %broadcast_in_dim3A_2204 = arith.constant 58 : i32
      %broadcast_in_dim3A_2205 = vector.broadcast %broadcast_in_dim3A_2204 : i32 to vector<16xi32>
      %get3A_2206 = arith.constant 58 : i32
      %get3A_2207 = arith.index_cast %get3A_2206 : i32 to index
      %get3A_2208 = arith.constant 0 : index
      %get3A_2209 = tpu.vector_load %arg7[%get3A_2207, %get3A_2208] {strides = array<i32>} : memref<128x32xf32, #tpu.memory_space<vmem>>, vector<16xf32>,
      tpu.vector_store_idx %arg9[%iota3A, %broadcast_in_dim3A_2205], %get3A_2209 : memref<32x129xf32, #tpu.memory_space<vmem>>[vector<16xi32>, vector<16xi32>], vector<16xf32>,
      %get3A_2210 = arith.constant 58 : i32
      %get3A_2211 = arith.index_cast %get3A_2210 : i32 to index
      %get3A_2212 = arith.constant 16 : index
      %get3A_2213 = tpu.vector_load %arg7[%get3A_2211, %get3A_2212] {strides = array<i32>} : memref<128x32xf32, #tpu.memory_space<vmem>>, vector<16xf32>,
      tpu.vector_store_idx %arg9[%add3A_7, %broadcast_in_dim3A_2205], %get3A_2213 : memref<32x129xf32, #tpu.memory_space<vmem>>[vector<16xi32>, vector<16xi32>], vector<16xf32>,
      %broadcast_in_dim3A_2214 = arith.constant 59 : i32
      %broadcast_in_dim3A_2215 = vector.broadcast %broadcast_in_dim3A_2214 : i32 to vector<16xi32>
      %get3A_2216 = arith.constant 59 : i32
      %get3A_2217 = arith.index_cast %get3A_2216 : i32 to index
      %get3A_2218 = arith.constant 0 : index
      %get3A_2219 = tpu.vector_load %arg7[%get3A_2217, %get3A_2218] {strides = array<i32>} : memref<128x32xf32, #tpu.memory_space<vmem>>, vector<16xf32>,
      tpu.vector_store_idx %arg9[%iota3A, %broadcast_in_dim3A_2215], %get3A_2219 : memref<32x129xf32, #tpu.memory_space<vmem>>[vector<16xi32>, vector<16xi32>], vector<16xf32>,
      %get3A_2220 = arith.constant 59 : i32
      %get3A_2221 = arith.index_cast %get3A_2220 : i32 to index
      %get3A_2222 = arith.constant 16 : index
      %get3A_2223 = tpu.vector_load %arg7[%get3A_2221, %get3A_2222] {strides = array<i32>} : memref<128x32xf32, #tpu.memory_space<vmem>>, vector<16xf32>,
      tpu.vector_store_idx %arg9[%add3A_7, %broadcast_in_dim3A_2215], %get3A_2223 : memref<32x129xf32, #tpu.memory_space<vmem>>[vector<16xi32>, vector<16xi32>], vector<16xf32>,
      %broadcast_in_dim3A_2224 = arith.constant 60 : i32
      %broadcast_in_dim3A_2225 = vector.broadcast %broadcast_in_dim3A_2224 : i32 to vector<16xi32>
      %get3A_2226 = arith.constant 60 : i32
      %get3A_2227 = arith.index_cast %get3A_2226 : i32 to index
      %get3A_2228 = arith.constant 0 : index
      %get3A_2229 = tpu.vector_load %arg7[%get3A_2227, %get3A_2228] {strides = array<i32>} : memref<128x32xf32, #tpu.memory_space<vmem>>, vector<16xf32>,
      tpu.vector_store_idx %arg9[%iota3A, %broadcast_in_dim3A_2225], %get3A_2229 : memref<32x129xf32, #tpu.memory_space<vmem>>[vector<16xi32>, vector<16xi32>], vector<16xf32>,
      %get3A_2230 = arith.constant 60 : i32
      %get3A_2231 = arith.index_cast %get3A_2230 : i32 to index
      %get3A_2232 = arith.constant 16 : index
      %get3A_2233 = tpu.vector_load %arg7[%get3A_2231, %get3A_2232] {strides = array<i32>} : memref<128x32xf32, #tpu.memory_space<vmem>>, vector<16xf32>,
      tpu.vector_store_idx %arg9[%add3A_7, %broadcast_in_dim3A_2225], %get3A_2233 : memref<32x129xf32, #tpu.memory_space<vmem>>[vector<16xi32>, vector<16xi32>], vector<16xf32>,
      %broadcast_in_dim3A_2234 = arith.constant 61 : i32
      %broadcast_in_dim3A_2235 = vector.broadcast %broadcast_in_dim3A_2234 : i32 to vector<16xi32>
      %get3A_2236 = arith.constant 61 : i32
      %get3A_2237 = arith.index_cast %get3A_2236 : i32 to index
      %get3A_2238 = arith.constant 0 : index
      %get3A_2239 = tpu.vector_load %arg7[%get3A_2237, %get3A_2238] {strides = array<i32>} : memref<128x32xf32, #tpu.memory_space<vmem>>, vector<16xf32>,
      tpu.vector_store_idx %arg9[%iota3A, %broadcast_in_dim3A_2235], %get3A_2239 : memref<32x129xf32, #tpu.memory_space<vmem>>[vector<16xi32>, vector<16xi32>], vector<16xf32>,
      %get3A_2240 = arith.constant 61 : i32
      %get3A_2241 = arith.index_cast %get3A_2240 : i32 to index
      %get3A_2242 = arith.constant 16 : index
      %get3A_2243 = tpu.vector_load %arg7[%get3A_2241, %get3A_2242] {strides = array<i32>} : memref<128x32xf32, #tpu.memory_space<vmem>>, vector<16xf32>,
      tpu.vector_store_idx %arg9[%add3A_7, %broadcast_in_dim3A_2235], %get3A_2243 : memref<32x129xf32, #tpu.memory_space<vmem>>[vector<16xi32>, vector<16xi32>], vector<16xf32>,
      %broadcast_in_dim3A_2244 = arith.constant 62 : i32
      %broadcast_in_dim3A_2245 = vector.broadcast %broadcast_in_dim3A_2244 : i32 to vector<16xi32>
      %get3A_2246 = arith.constant 62 : i32
      %get3A_2247 = arith.index_cast %get3A_2246 : i32 to index
      %get3A_2248 = arith.constant 0 : index
      %get3A_2249 = tpu.vector_load %arg7[%get3A_2247, %get3A_2248] {strides = array<i32>} : memref<128x32xf32, #tpu.memory_space<vmem>>, vector<16xf32>,
      tpu.vector_store_idx %arg9[%iota3A, %broadcast_in_dim3A_2245], %get3A_2249 : memref<32x129xf32, #tpu.memory_space<vmem>>[vector<16xi32>, vector<16xi32>], vector<16xf32>,
      %get3A_2250 = arith.constant 62 : i32
      %get3A_2251 = arith.index_cast %get3A_2250 : i32 to index
      %get3A_2252 = arith.constant 16 : index
      %get3A_2253 = tpu.vector_load %arg7[%get3A_2251, %get3A_2252] {strides = array<i32>} : memref<128x32xf32, #tpu.memory_space<vmem>>, vector<16xf32>,
      tpu.vector_store_idx %arg9[%add3A_7, %broadcast_in_dim3A_2245], %get3A_2253 : memref<32x129xf32, #tpu.memory_space<vmem>>[vector<16xi32>, vector<16xi32>], vector<16xf32>,
      %broadcast_in_dim3A_2254 = arith.constant 63 : i32
      %broadcast_in_dim3A_2255 = vector.broadcast %broadcast_in_dim3A_2254 : i32 to vector<16xi32>
      %get3A_2256 = arith.constant 63 : i32
      %get3A_2257 = arith.index_cast %get3A_2256 : i32 to index
      %get3A_2258 = arith.constant 0 : index
      %get3A_2259 = tpu.vector_load %arg7[%get3A_2257, %get3A_2258] {strides = array<i32>} : memref<128x32xf32, #tpu.memory_space<vmem>>, vector<16xf32>,
      tpu.vector_store_idx %arg9[%iota3A, %broadcast_in_dim3A_2255], %get3A_2259 : memref<32x129xf32, #tpu.memory_space<vmem>>[vector<16xi32>, vector<16xi32>], vector<16xf32>,
      %get3A_2260 = arith.constant 63 : i32
      %get3A_2261 = arith.index_cast %get3A_2260 : i32 to index
      %get3A_2262 = arith.constant 16 : index
      %get3A_2263 = tpu.vector_load %arg7[%get3A_2261, %get3A_2262] {strides = array<i32>} : memref<128x32xf32, #tpu.memory_space<vmem>>, vector<16xf32>,
      tpu.vector_store_idx %arg9[%add3A_7, %broadcast_in_dim3A_2255], %get3A_2263 : memref<32x129xf32, #tpu.memory_space<vmem>>[vector<16xi32>, vector<16xi32>], vector<16xf32>,
      %broadcast_in_dim3A_2264 = arith.constant 64 : i32
      %broadcast_in_dim3A_2265 = vector.broadcast %broadcast_in_dim3A_2264 : i32 to vector<16xi32>
      %get3A_2266 = arith.constant 64 : i32
      %get3A_2267 = arith.index_cast %get3A_2266 : i32 to index
      %get3A_2268 = arith.constant 0 : index
      %get3A_2269 = tpu.vector_load %arg7[%get3A_2267, %get3A_2268] {strides = array<i32>} : memref<128x32xf32, #tpu.memory_space<vmem>>, vector<16xf32>,
      tpu.vector_store_idx %arg9[%iota3A, %broadcast_in_dim3A_2265], %get3A_2269 : memref<32x129xf32, #tpu.memory_space<vmem>>[vector<16xi32>, vector<16xi32>], vector<16xf32>,
      %get3A_2270 = arith.constant 64 : i32
      %get3A_2271 = arith.index_cast %get3A_2270 : i32 to index
      %get3A_2272 = arith.constant 16 : index
      %get3A_2273 = tpu.vector_load %arg7[%get3A_2271, %get3A_2272] {strides = array<i32>} : memref<128x32xf32, #tpu.memory_space<vmem>>, vector<16xf32>,
      tpu.vector_store_idx %arg9[%add3A_7, %broadcast_in_dim3A_2265], %get3A_2273 : memref<32x129xf32, #tpu.memory_space<vmem>>[vector<16xi32>, vector<16xi32>], vector<16xf32>,
      %broadcast_in_dim3A_2274 = arith.constant 65 : i32
      %broadcast_in_dim3A_2275 = vector.broadcast %broadcast_in_dim3A_2274 : i32 to vector<16xi32>
      %get3A_2276 = arith.constant 65 : i32
      %get3A_2277 = arith.index_cast %get3A_2276 : i32 to index
      %get3A_2278 = arith.constant 0 : index
      %get3A_2279 = tpu.vector_load %arg7[%get3A_2277, %get3A_2278] {strides = array<i32>} : memref<128x32xf32, #tpu.memory_space<vmem>>, vector<16xf32>,
      tpu.vector_store_idx %arg9[%iota3A, %broadcast_in_dim3A_2275], %get3A_2279 : memref<32x129xf32, #tpu.memory_space<vmem>>[vector<16xi32>, vector<16xi32>], vector<16xf32>,
      %get3A_2280 = arith.constant 65 : i32
      %get3A_2281 = arith.index_cast %get3A_2280 : i32 to index
      %get3A_2282 = arith.constant 16 : index
      %get3A_2283 = tpu.vector_load %arg7[%get3A_2281, %get3A_2282] {strides = array<i32>} : memref<128x32xf32, #tpu.memory_space<vmem>>, vector<16xf32>,
      tpu.vector_store_idx %arg9[%add3A_7, %broadcast_in_dim3A_2275], %get3A_2283 : memref<32x129xf32, #tpu.memory_space<vmem>>[vector<16xi32>, vector<16xi32>], vector<16xf32>,
      %broadcast_in_dim3A_2284 = arith.constant 66 : i32
      %broadcast_in_dim3A_2285 = vector.broadcast %broadcast_in_dim3A_2284 : i32 to vector<16xi32>
      %get3A_2286 = arith.constant 66 : i32
      %get3A_2287 = arith.index_cast %get3A_2286 : i32 to index
      %get3A_2288 = arith.constant 0 : index
      %get3A_2289 = tpu.vector_load %arg7[%get3A_2287, %get3A_2288] {strides = array<i32>} : memref<128x32xf32, #tpu.memory_space<vmem>>, vector<16xf32>,
      tpu.vector_store_idx %arg9[%iota3A, %broadcast_in_dim3A_2285], %get3A_2289 : memref<32x129xf32, #tpu.memory_space<vmem>>[vector<16xi32>, vector<16xi32>], vector<16xf32>,
      %get3A_2290 = arith.constant 66 : i32
      %get3A_2291 = arith.index_cast %get3A_2290 : i32 to index
      %get3A_2292 = arith.constant 16 : index
      %get3A_2293 = tpu.vector_load %arg7[%get3A_2291, %get3A_2292] {strides = array<i32>} : memref<128x32xf32, #tpu.memory_space<vmem>>, vector<16xf32>,
      tpu.vector_store_idx %arg9[%add3A_7, %broadcast_in_dim3A_2285], %get3A_2293 : memref<32x129xf32, #tpu.memory_space<vmem>>[vector<16xi32>, vector<16xi32>], vector<16xf32>,
      %broadcast_in_dim3A_2294 = arith.constant 67 : i32
      %broadcast_in_dim3A_2295 = vector.broadcast %broadcast_in_dim3A_2294 : i32 to vector<16xi32>
      %get3A_2296 = arith.constant 67 : i32
      %get3A_2297 = arith.index_cast %get3A_2296 : i32 to index
      %get3A_2298 = arith.constant 0 : index
      %get3A_2299 = tpu.vector_load %arg7[%get3A_2297, %get3A_2298] {strides = array<i32>} : memref<128x32xf32, #tpu.memory_space<vmem>>, vector<16xf32>,
      tpu.vector_store_idx %arg9[%iota3A, %broadcast_in_dim3A_2295], %get3A_2299 : memref<32x129xf32, #tpu.memory_space<vmem>>[vector<16xi32>, vector<16xi32>], vector<16xf32>,
      %get3A_2300 = arith.constant 67 : i32
      %get3A_2301 = arith.index_cast %get3A_2300 : i32 to index
      %get3A_2302 = arith.constant 16 : index
      %get3A_2303 = tpu.vector_load %arg7[%get3A_2301, %get3A_2302] {strides = array<i32>} : memref<128x32xf32, #tpu.memory_space<vmem>>, vector<16xf32>,
      tpu.vector_store_idx %arg9[%add3A_7, %broadcast_in_dim3A_2295], %get3A_2303 : memref<32x129xf32, #tpu.memory_space<vmem>>[vector<16xi32>, vector<16xi32>], vector<16xf32>,
      %broadcast_in_dim3A_2304 = arith.constant 68 : i32
      %broadcast_in_dim3A_2305 = vector.broadcast %broadcast_in_dim3A_2304 : i32 to vector<16xi32>
      %get3A_2306 = arith.constant 68 : i32
      %get3A_2307 = arith.index_cast %get3A_2306 : i32 to index
      %get3A_2308 = arith.constant 0 : index
      %get3A_2309 = tpu.vector_load %arg7[%get3A_2307, %get3A_2308] {strides = array<i32>} : memref<128x32xf32, #tpu.memory_space<vmem>>, vector<16xf32>,
      tpu.vector_store_idx %arg9[%iota3A, %broadcast_in_dim3A_2305], %get3A_2309 : memref<32x129xf32, #tpu.memory_space<vmem>>[vector<16xi32>, vector<16xi32>], vector<16xf32>,
      %get3A_2310 = arith.constant 68 : i32
      %get3A_2311 = arith.index_cast %get3A_2310 : i32 to index
      %get3A_2312 = arith.constant 16 : index
      %get3A_2313 = tpu.vector_load %arg7[%get3A_2311, %get3A_2312] {strides = array<i32>} : memref<128x32xf32, #tpu.memory_space<vmem>>, vector<16xf32>,
      tpu.vector_store_idx %arg9[%add3A_7, %broadcast_in_dim3A_2305], %get3A_2313 : memref<32x129xf32, #tpu.memory_space<vmem>>[vector<16xi32>, vector<16xi32>], vector<16xf32>,
      %broadcast_in_dim3A_2314 = arith.constant 69 : i32
      %broadcast_in_dim3A_2315 = vector.broadcast %broadcast_in_dim3A_2314 : i32 to vector<16xi32>
      %get3A_2316 = arith.constant 69 : i32
      %get3A_2317 = arith.index_cast %get3A_2316 : i32 to index
      %get3A_2318 = arith.constant 0 : index
      %get3A_2319 = tpu.vector_load %arg7[%get3A_2317, %get3A_2318] {strides = array<i32>} : memref<128x32xf32, #tpu.memory_space<vmem>>, vector<16xf32>,
      tpu.vector_store_idx %arg9[%iota3A, %broadcast_in_dim3A_2315], %get3A_2319 : memref<32x129xf32, #tpu.memory_space<vmem>>[vector<16xi32>, vector<16xi32>], vector<16xf32>,
      %get3A_2320 = arith.constant 69 : i32
      %get3A_2321 = arith.index_cast %get3A_2320 : i32 to index
      %get3A_2322 = arith.constant 16 : index
      %get3A_2323 = tpu.vector_load %arg7[%get3A_2321, %get3A_2322] {strides = array<i32>} : memref<128x32xf32, #tpu.memory_space<vmem>>, vector<16xf32>,
      tpu.vector_store_idx %arg9[%add3A_7, %broadcast_in_dim3A_2315], %get3A_2323 : memref<32x129xf32, #tpu.memory_space<vmem>>[vector<16xi32>, vector<16xi32>], vector<16xf32>,
      %broadcast_in_dim3A_2324 = arith.constant 70 : i32
      %broadcast_in_dim3A_2325 = vector.broadcast %broadcast_in_dim3A_2324 : i32 to vector<16xi32>
      %get3A_2326 = arith.constant 70 : i32
      %get3A_2327 = arith.index_cast %get3A_2326 : i32 to index
      %get3A_2328 = arith.constant 0 : index
      %get3A_2329 = tpu.vector_load %arg7[%get3A_2327, %get3A_2328] {strides = array<i32>} : memref<128x32xf32, #tpu.memory_space<vmem>>, vector<16xf32>,
      tpu.vector_store_idx %arg9[%iota3A, %broadcast_in_dim3A_2325], %get3A_2329 : memref<32x129xf32, #tpu.memory_space<vmem>>[vector<16xi32>, vector<16xi32>], vector<16xf32>,
      %get3A_2330 = arith.constant 70 : i32
      %get3A_2331 = arith.index_cast %get3A_2330 : i32 to index
      %get3A_2332 = arith.constant 16 : index
      %get3A_2333 = tpu.vector_load %arg7[%get3A_2331, %get3A_2332] {strides = array<i32>} : memref<128x32xf32, #tpu.memory_space<vmem>>, vector<16xf32>,
      tpu.vector_store_idx %arg9[%add3A_7, %broadcast_in_dim3A_2325], %get3A_2333 : memref<32x129xf32, #tpu.memory_space<vmem>>[vector<16xi32>, vector<16xi32>], vector<16xf32>,
      %broadcast_in_dim3A_2334 = arith.constant 71 : i32
      %broadcast_in_dim3A_2335 = vector.broadcast %broadcast_in_dim3A_2334 : i32 to vector<16xi32>
      %get3A_2336 = arith.constant 71 : i32
      %get3A_2337 = arith.index_cast %get3A_2336 : i32 to index
      %get3A_2338 = arith.constant 0 : index
      %get3A_2339 = tpu.vector_load %arg7[%get3A_2337, %get3A_2338] {strides = array<i32>} : memref<128x32xf32, #tpu.memory_space<vmem>>, vector<16xf32>,
      tpu.vector_store_idx %arg9[%iota3A, %broadcast_in_dim3A_2335], %get3A_2339 : memref<32x129xf32, #tpu.memory_space<vmem>>[vector<16xi32>, vector<16xi32>], vector<16xf32>,
      %get3A_2340 = arith.constant 71 : i32
      %get3A_2341 = arith.index_cast %get3A_2340 : i32 to index
      %get3A_2342 = arith.constant 16 : index
      %get3A_2343 = tpu.vector_load %arg7[%get3A_2341, %get3A_2342] {strides = array<i32>} : memref<128x32xf32, #tpu.memory_space<vmem>>, vector<16xf32>,
      tpu.vector_store_idx %arg9[%add3A_7, %broadcast_in_dim3A_2335], %get3A_2343 : memref<32x129xf32, #tpu.memory_space<vmem>>[vector<16xi32>, vector<16xi32>], vector<16xf32>,
      %broadcast_in_dim3A_2344 = arith.constant 72 : i32
      %broadcast_in_dim3A_2345 = vector.broadcast %broadcast_in_dim3A_2344 : i32 to vector<16xi32>
      %get3A_2346 = arith.constant 72 : i32
      %get3A_2347 = arith.index_cast %get3A_2346 : i32 to index
      %get3A_2348 = arith.constant 0 : index
      %get3A_2349 = tpu.vector_load %arg7[%get3A_2347, %get3A_2348] {strides = array<i32>} : memref<128x32xf32, #tpu.memory_space<vmem>>, vector<16xf32>,
      tpu.vector_store_idx %arg9[%iota3A, %broadcast_in_dim3A_2345], %get3A_2349 : memref<32x129xf32, #tpu.memory_space<vmem>>[vector<16xi32>, vector<16xi32>], vector<16xf32>,
      %get3A_2350 = arith.constant 72 : i32
      %get3A_2351 = arith.index_cast %get3A_2350 : i32 to index
      %get3A_2352 = arith.constant 16 : index
      %get3A_2353 = tpu.vector_load %arg7[%get3A_2351, %get3A_2352] {strides = array<i32>} : memref<128x32xf32, #tpu.memory_space<vmem>>, vector<16xf32>,
      tpu.vector_store_idx %arg9[%add3A_7, %broadcast_in_dim3A_2345], %get3A_2353 : memref<32x129xf32, #tpu.memory_space<vmem>>[vector<16xi32>, vector<16xi32>], vector<16xf32>,
      %broadcast_in_dim3A_2354 = arith.constant 73 : i32
      %broadcast_in_dim3A_2355 = vector.broadcast %broadcast_in_dim3A_2354 : i32 to vector<16xi32>
      %get3A_2356 = arith.constant 73 : i32
      %get3A_2357 = arith.index_cast %get3A_2356 : i32 to index
      %get3A_2358 = arith.constant 0 : index
      %get3A_2359 = tpu.vector_load %arg7[%get3A_2357, %get3A_2358] {strides = array<i32>} : memref<128x32xf32, #tpu.memory_space<vmem>>, vector<16xf32>,
      tpu.vector_store_idx %arg9[%iota3A, %broadcast_in_dim3A_2355], %get3A_2359 : memref<32x129xf32, #tpu.memory_space<vmem>>[vector<16xi32>, vector<16xi32>], vector<16xf32>,
      %get3A_2360 = arith.constant 73 : i32
      %get3A_2361 = arith.index_cast %get3A_2360 : i32 to index
      %get3A_2362 = arith.constant 16 : index
      %get3A_2363 = tpu.vector_load %arg7[%get3A_2361, %get3A_2362] {strides = array<i32>} : memref<128x32xf32, #tpu.memory_space<vmem>>, vector<16xf32>,
      tpu.vector_store_idx %arg9[%add3A_7, %broadcast_in_dim3A_2355], %get3A_2363 : memref<32x129xf32, #tpu.memory_space<vmem>>[vector<16xi32>, vector<16xi32>], vector<16xf32>,
      %broadcast_in_dim3A_2364 = arith.constant 74 : i32
      %broadcast_in_dim3A_2365 = vector.broadcast %broadcast_in_dim3A_2364 : i32 to vector<16xi32>
      %get3A_2366 = arith.constant 74 : i32
      %get3A_2367 = arith.index_cast %get3A_2366 : i32 to index
      %get3A_2368 = arith.constant 0 : index
      %get3A_2369 = tpu.vector_load %arg7[%get3A_2367, %get3A_2368] {strides = array<i32>} : memref<128x32xf32, #tpu.memory_space<vmem>>, vector<16xf32>,
      tpu.vector_store_idx %arg9[%iota3A, %broadcast_in_dim3A_2365], %get3A_2369 : memref<32x129xf32, #tpu.memory_space<vmem>>[vector<16xi32>, vector<16xi32>], vector<16xf32>,
      %get3A_2370 = arith.constant 74 : i32
      %get3A_2371 = arith.index_cast %get3A_2370 : i32 to index
      %get3A_2372 = arith.constant 16 : index
      %get3A_2373 = tpu.vector_load %arg7[%get3A_2371, %get3A_2372] {strides = array<i32>} : memref<128x32xf32, #tpu.memory_space<vmem>>, vector<16xf32>,
      tpu.vector_store_idx %arg9[%add3A_7, %broadcast_in_dim3A_2365], %get3A_2373 : memref<32x129xf32, #tpu.memory_space<vmem>>[vector<16xi32>, vector<16xi32>], vector<16xf32>,
      %broadcast_in_dim3A_2374 = arith.constant 75 : i32
      %broadcast_in_dim3A_2375 = vector.broadcast %broadcast_in_dim3A_2374 : i32 to vector<16xi32>
      %get3A_2376 = arith.constant 75 : i32
      %get3A_2377 = arith.index_cast %get3A_2376 : i32 to index
      %get3A_2378 = arith.constant 0 : index
      %get3A_2379 = tpu.vector_load %arg7[%get3A_2377, %get3A_2378] {strides = array<i32>} : memref<128x32xf32, #tpu.memory_space<vmem>>, vector<16xf32>,
      tpu.vector_store_idx %arg9[%iota3A, %broadcast_in_dim3A_2375], %get3A_2379 : memref<32x129xf32, #tpu.memory_space<vmem>>[vector<16xi32>, vector<16xi32>], vector<16xf32>,
      %get3A_2380 = arith.constant 75 : i32
      %get3A_2381 = arith.index_cast %get3A_2380 : i32 to index
      %get3A_2382 = arith.constant 16 : index
      %get3A_2383 = tpu.vector_load %arg7[%get3A_2381, %get3A_2382] {strides = array<i32>} : memref<128x32xf32, #tpu.memory_space<vmem>>, vector<16xf32>,
      tpu.vector_store_idx %arg9[%add3A_7, %broadcast_in_dim3A_2375], %get3A_2383 : memref<32x129xf32, #tpu.memory_space<vmem>>[vector<16xi32>, vector<16xi32>], vector<16xf32>,
      %broadcast_in_dim3A_2384 = arith.constant 76 : i32
      %broadcast_in_dim3A_2385 = vector.broadcast %broadcast_in_dim3A_2384 : i32 to vector<16xi32>
      %get3A_2386 = arith.constant 76 : i32
      %get3A_2387 = arith.index_cast %get3A_2386 : i32 to index
      %get3A_2388 = arith.constant 0 : index
      %get3A_2389 = tpu.vector_load %arg7[%get3A_2387, %get3A_2388] {strides = array<i32>} : memref<128x32xf32, #tpu.memory_space<vmem>>, vector<16xf32>,
      tpu.vector_store_idx %arg9[%iota3A, %broadcast_in_dim3A_2385], %get3A_2389 : memref<32x129xf32, #tpu.memory_space<vmem>>[vector<16xi32>, vector<16xi32>], vector<16xf32>,
      %get3A_2390 = arith.constant 76 : i32
      %get3A_2391 = arith.index_cast %get3A_2390 : i32 to index
      %get3A_2392 = arith.constant 16 : index
      %get3A_2393 = tpu.vector_load %arg7[%get3A_2391, %get3A_2392] {strides = array<i32>} : memref<128x32xf32, #tpu.memory_space<vmem>>, vector<16xf32>,
      tpu.vector_store_idx %arg9[%add3A_7, %broadcast_in_dim3A_2385], %get3A_2393 : memref<32x129xf32, #tpu.memory_space<vmem>>[vector<16xi32>, vector<16xi32>], vector<16xf32>,
      %broadcast_in_dim3A_2394 = arith.constant 77 : i32
      %broadcast_in_dim3A_2395 = vector.broadcast %broadcast_in_dim3A_2394 : i32 to vector<16xi32>
      %get3A_2396 = arith.constant 77 : i32
      %get3A_2397 = arith.index_cast %get3A_2396 : i32 to index
      %get3A_2398 = arith.constant 0 : index
      %get3A_2399 = tpu.vector_load %arg7[%get3A_2397, %get3A_2398] {strides = array<i32>} : memref<128x32xf32, #tpu.memory_space<vmem>>, vector<16xf32>,
      tpu.vector_store_idx %arg9[%iota3A, %broadcast_in_dim3A_2395], %get3A_2399 : memref<32x129xf32, #tpu.memory_space<vmem>>[vector<16xi32>, vector<16xi32>], vector<16xf32>,
      %get3A_2400 = arith.constant 77 : i32
      %get3A_2401 = arith.index_cast %get3A_2400 : i32 to index
      %get3A_2402 = arith.constant 16 : index
      %get3A_2403 = tpu.vector_load %arg7[%get3A_2401, %get3A_2402] {strides = array<i32>} : memref<128x32xf32, #tpu.memory_space<vmem>>, vector<16xf32>,
      tpu.vector_store_idx %arg9[%add3A_7, %broadcast_in_dim3A_2395], %get3A_2403 : memref<32x129xf32, #tpu.memory_space<vmem>>[vector<16xi32>, vector<16xi32>], vector<16xf32>,
      %broadcast_in_dim3A_2404 = arith.constant 78 : i32
      %broadcast_in_dim3A_2405 = vector.broadcast %broadcast_in_dim3A_2404 : i32 to vector<16xi32>
      %get3A_2406 = arith.constant 78 : i32
      %get3A_2407 = arith.index_cast %get3A_2406 : i32 to index
      %get3A_2408 = arith.constant 0 : index
      %get3A_2409 = tpu.vector_load %arg7[%get3A_2407, %get3A_2408] {strides = array<i32>} : memref<128x32xf32, #tpu.memory_space<vmem>>, vector<16xf32>,
      tpu.vector_store_idx %arg9[%iota3A, %broadcast_in_dim3A_2405], %get3A_2409 : memref<32x129xf32, #tpu.memory_space<vmem>>[vector<16xi32>, vector<16xi32>], vector<16xf32>,
      %get3A_2410 = arith.constant 78 : i32
      %get3A_2411 = arith.index_cast %get3A_2410 : i32 to index
      %get3A_2412 = arith.constant 16 : index
      %get3A_2413 = tpu.vector_load %arg7[%get3A_2411, %get3A_2412] {strides = array<i32>} : memref<128x32xf32, #tpu.memory_space<vmem>>, vector<16xf32>,
      tpu.vector_store_idx %arg9[%add3A_7, %broadcast_in_dim3A_2405], %get3A_2413 : memref<32x129xf32, #tpu.memory_space<vmem>>[vector<16xi32>, vector<16xi32>], vector<16xf32>,
      %broadcast_in_dim3A_2414 = arith.constant 79 : i32
      %broadcast_in_dim3A_2415 = vector.broadcast %broadcast_in_dim3A_2414 : i32 to vector<16xi32>
      %get3A_2416 = arith.constant 79 : i32
      %get3A_2417 = arith.index_cast %get3A_2416 : i32 to index
      %get3A_2418 = arith.constant 0 : index
      %get3A_2419 = tpu.vector_load %arg7[%get3A_2417, %get3A_2418] {strides = array<i32>} : memref<128x32xf32, #tpu.memory_space<vmem>>, vector<16xf32>,
      tpu.vector_store_idx %arg9[%iota3A, %broadcast_in_dim3A_2415], %get3A_2419 : memref<32x129xf32, #tpu.memory_space<vmem>>[vector<16xi32>, vector<16xi32>], vector<16xf32>,
      %get3A_2420 = arith.constant 79 : i32
      %get3A_2421 = arith.index_cast %get3A_2420 : i32 to index
      %get3A_2422 = arith.constant 16 : index
      %get3A_2423 = tpu.vector_load %arg7[%get3A_2421, %get3A_2422] {strides = array<i32>} : memref<128x32xf32, #tpu.memory_space<vmem>>, vector<16xf32>,
      tpu.vector_store_idx %arg9[%add3A_7, %broadcast_in_dim3A_2415], %get3A_2423 : memref<32x129xf32, #tpu.memory_space<vmem>>[vector<16xi32>, vector<16xi32>], vector<16xf32>,
      %broadcast_in_dim3A_2424 = arith.constant 80 : i32
      %broadcast_in_dim3A_2425 = vector.broadcast %broadcast_in_dim3A_2424 : i32 to vector<16xi32>
      %get3A_2426 = arith.constant 80 : i32
      %get3A_2427 = arith.index_cast %get3A_2426 : i32 to index
      %get3A_2428 = arith.constant 0 : index
      %get3A_2429 = tpu.vector_load %arg7[%get3A_2427, %get3A_2428] {strides = array<i32>} : memref<128x32xf32, #tpu.memory_space<vmem>>, vector<16xf32>,
      tpu.vector_store_idx %arg9[%iota3A, %broadcast_in_dim3A_2425], %get3A_2429 : memref<32x129xf32, #tpu.memory_space<vmem>>[vector<16xi32>, vector<16xi32>], vector<16xf32>,
      %get3A_2430 = arith.constant 80 : i32
      %get3A_2431 = arith.index_cast %get3A_2430 : i32 to index
      %get3A_2432 = arith.constant 16 : index
      %get3A_2433 = tpu.vector_load %arg7[%get3A_2431, %get3A_2432] {strides = array<i32>} : memref<128x32xf32, #tpu.memory_space<vmem>>, vector<16xf32>,
      tpu.vector_store_idx %arg9[%add3A_7, %broadcast_in_dim3A_2425], %get3A_2433 : memref<32x129xf32, #tpu.memory_space<vmem>>[vector<16xi32>, vector<16xi32>], vector<16xf32>,
      %broadcast_in_dim3A_2434 = arith.constant 81 : i32
      %broadcast_in_dim3A_2435 = vector.broadcast %broadcast_in_dim3A_2434 : i32 to vector<16xi32>
      %get3A_2436 = arith.constant 81 : i32
      %get3A_2437 = arith.index_cast %get3A_2436 : i32 to index
      %get3A_2438 = arith.constant 0 : index
      %get3A_2439 = tpu.vector_load %arg7[%get3A_2437, %get3A_2438] {strides = array<i32>} : memref<128x32xf32, #tpu.memory_space<vmem>>, vector<16xf32>,
      tpu.vector_store_idx %arg9[%iota3A, %broadcast_in_dim3A_2435], %get3A_2439 : memref<32x129xf32, #tpu.memory_space<vmem>>[vector<16xi32>, vector<16xi32>], vector<16xf32>,
      %get3A_2440 = arith.constant 81 : i32
      %get3A_2441 = arith.index_cast %get3A_2440 : i32 to index
      %get3A_2442 = arith.constant 16 : index
      %get3A_2443 = tpu.vector_load %arg7[%get3A_2441, %get3A_2442] {strides = array<i32>} : memref<128x32xf32, #tpu.memory_space<vmem>>, vector<16xf32>,
      tpu.vector_store_idx %arg9[%add3A_7, %broadcast_in_dim3A_2435], %get3A_2443 : memref<32x129xf32, #tpu.memory_space<vmem>>[vector<16xi32>, vector<16xi32>], vector<16xf32>,
      %broadcast_in_dim3A_2444 = arith.constant 82 : i32
      %broadcast_in_dim3A_2445 = vector.broadcast %broadcast_in_dim3A_2444 : i32 to vector<16xi32>
      %get3A_2446 = arith.constant 82 : i32
      %get3A_2447 = arith.index_cast %get3A_2446 : i32 to index
      %get3A_2448 = arith.constant 0 : index
      %get3A_2449 = tpu.vector_load %arg7[%get3A_2447, %get3A_2448] {strides = array<i32>} : memref<128x32xf32, #tpu.memory_space<vmem>>, vector<16xf32>,
      tpu.vector_store_idx %arg9[%iota3A, %broadcast_in_dim3A_2445], %get3A_2449 : memref<32x129xf32, #tpu.memory_space<vmem>>[vector<16xi32>, vector<16xi32>], vector<16xf32>,
      %get3A_2450 = arith.constant 82 : i32
      %get3A_2451 = arith.index_cast %get3A_2450 : i32 to index
      %get3A_2452 = arith.constant 16 : index
      %get3A_2453 = tpu.vector_load %arg7[%get3A_2451, %get3A_2452] {strides = array<i32>} : memref<128x32xf32, #tpu.memory_space<vmem>>, vector<16xf32>,
      tpu.vector_store_idx %arg9[%add3A_7, %broadcast_in_dim3A_2445], %get3A_2453 : memref<32x129xf32, #tpu.memory_space<vmem>>[vector<16xi32>, vector<16xi32>], vector<16xf32>,
      %broadcast_in_dim3A_2454 = arith.constant 83 : i32
      %broadcast_in_dim3A_2455 = vector.broadcast %broadcast_in_dim3A_2454 : i32 to vector<16xi32>
      %get3A_2456 = arith.constant 83 : i32
      %get3A_2457 = arith.index_cast %get3A_2456 : i32 to index
      %get3A_2458 = arith.constant 0 : index
      %get3A_2459 = tpu.vector_load %arg7[%get3A_2457, %get3A_2458] {strides = array<i32>} : memref<128x32xf32, #tpu.memory_space<vmem>>, vector<16xf32>,
      tpu.vector_store_idx %arg9[%iota3A, %broadcast_in_dim3A_2455], %get3A_2459 : memref<32x129xf32, #tpu.memory_space<vmem>>[vector<16xi32>, vector<16xi32>], vector<16xf32>,
      %get3A_2460 = arith.constant 83 : i32
      %get3A_2461 = arith.index_cast %get3A_2460 : i32 to index
      %get3A_2462 = arith.constant 16 : index
      %get3A_2463 = tpu.vector_load %arg7[%get3A_2461, %get3A_2462] {strides = array<i32>} : memref<128x32xf32, #tpu.memory_space<vmem>>, vector<16xf32>,
      tpu.vector_store_idx %arg9[%add3A_7, %broadcast_in_dim3A_2455], %get3A_2463 : memref<32x129xf32, #tpu.memory_space<vmem>>[vector<16xi32>, vector<16xi32>], vector<16xf32>,
      %broadcast_in_dim3A_2464 = arith.constant 84 : i32
      %broadcast_in_dim3A_2465 = vector.broadcast %broadcast_in_dim3A_2464 : i32 to vector<16xi32>
      %get3A_2466 = arith.constant 84 : i32
      %get3A_2467 = arith.index_cast %get3A_2466 : i32 to index
      %get3A_2468 = arith.constant 0 : index
      %get3A_2469 = tpu.vector_load %arg7[%get3A_2467, %get3A_2468] {strides = array<i32>} : memref<128x32xf32, #tpu.memory_space<vmem>>, vector<16xf32>,
      tpu.vector_store_idx %arg9[%iota3A, %broadcast_in_dim3A_2465], %get3A_2469 : memref<32x129xf32, #tpu.memory_space<vmem>>[vector<16xi32>, vector<16xi32>], vector<16xf32>,
      %get3A_2470 = arith.constant 84 : i32
      %get3A_2471 = arith.index_cast %get3A_2470 : i32 to index
      %get3A_2472 = arith.constant 16 : index
      %get3A_2473 = tpu.vector_load %arg7[%get3A_2471, %get3A_2472] {strides = array<i32>} : memref<128x32xf32, #tpu.memory_space<vmem>>, vector<16xf32>,
      tpu.vector_store_idx %arg9[%add3A_7, %broadcast_in_dim3A_2465], %get3A_2473 : memref<32x129xf32, #tpu.memory_space<vmem>>[vector<16xi32>, vector<16xi32>], vector<16xf32>,
      %broadcast_in_dim3A_2474 = arith.constant 85 : i32
      %broadcast_in_dim3A_2475 = vector.broadcast %broadcast_in_dim3A_2474 : i32 to vector<16xi32>
      %get3A_2476 = arith.constant 85 : i32
      %get3A_2477 = arith.index_cast %get3A_2476 : i32 to index
      %get3A_2478 = arith.constant 0 : index
      %get3A_2479 = tpu.vector_load %arg7[%get3A_2477, %get3A_2478] {strides = array<i32>} : memref<128x32xf32, #tpu.memory_space<vmem>>, vector<16xf32>,
      tpu.vector_store_idx %arg9[%iota3A, %broadcast_in_dim3A_2475], %get3A_2479 : memref<32x129xf32, #tpu.memory_space<vmem>>[vector<16xi32>, vector<16xi32>], vector<16xf32>,
      %get3A_2480 = arith.constant 85 : i32
      %get3A_2481 = arith.index_cast %get3A_2480 : i32 to index
      %get3A_2482 = arith.constant 16 : index
      %get3A_2483 = tpu.vector_load %arg7[%get3A_2481, %get3A_2482] {strides = array<i32>} : memref<128x32xf32, #tpu.memory_space<vmem>>, vector<16xf32>,
      tpu.vector_store_idx %arg9[%add3A_7, %broadcast_in_dim3A_2475], %get3A_2483 : memref<32x129xf32, #tpu.memory_space<vmem>>[vector<16xi32>, vector<16xi32>], vector<16xf32>,
      %broadcast_in_dim3A_2484 = arith.constant 86 : i32
      %broadcast_in_dim3A_2485 = vector.broadcast %broadcast_in_dim3A_2484 : i32 to vector<16xi32>
      %get3A_2486 = arith.constant 86 : i32
      %get3A_2487 = arith.index_cast %get3A_2486 : i32 to index
      %get3A_2488 = arith.constant 0 : index
      %get3A_2489 = tpu.vector_load %arg7[%get3A_2487, %get3A_2488] {strides = array<i32>} : memref<128x32xf32, #tpu.memory_space<vmem>>, vector<16xf32>,
      tpu.vector_store_idx %arg9[%iota3A, %broadcast_in_dim3A_2485], %get3A_2489 : memref<32x129xf32, #tpu.memory_space<vmem>>[vector<16xi32>, vector<16xi32>], vector<16xf32>,
      %get3A_2490 = arith.constant 86 : i32
      %get3A_2491 = arith.index_cast %get3A_2490 : i32 to index
      %get3A_2492 = arith.constant 16 : index
      %get3A_2493 = tpu.vector_load %arg7[%get3A_2491, %get3A_2492] {strides = array<i32>} : memref<128x32xf32, #tpu.memory_space<vmem>>, vector<16xf32>,
      tpu.vector_store_idx %arg9[%add3A_7, %broadcast_in_dim3A_2485], %get3A_2493 : memref<32x129xf32, #tpu.memory_space<vmem>>[vector<16xi32>, vector<16xi32>], vector<16xf32>,
      %broadcast_in_dim3A_2494 = arith.constant 87 : i32
      %broadcast_in_dim3A_2495 = vector.broadcast %broadcast_in_dim3A_2494 : i32 to vector<16xi32>
      %get3A_2496 = arith.constant 87 : i32
      %get3A_2497 = arith.index_cast %get3A_2496 : i32 to index
      %get3A_2498 = arith.constant 0 : index
      %get3A_2499 = tpu.vector_load %arg7[%get3A_2497, %get3A_2498] {strides = array<i32>} : memref<128x32xf32, #tpu.memory_space<vmem>>, vector<16xf32>,
      tpu.vector_store_idx %arg9[%iota3A, %broadcast_in_dim3A_2495], %get3A_2499 : memref<32x129xf32, #tpu.memory_space<vmem>>[vector<16xi32>, vector<16xi32>], vector<16xf32>,
      %get3A_2500 = arith.constant 87 : i32
      %get3A_2501 = arith.index_cast %get3A_2500 : i32 to index
      %get3A_2502 = arith.constant 16 : index
      %get3A_2503 = tpu.vector_load %arg7[%get3A_2501, %get3A_2502] {strides = array<i32>} : memref<128x32xf32, #tpu.memory_space<vmem>>, vector<16xf32>,
      tpu.vector_store_idx %arg9[%add3A_7, %broadcast_in_dim3A_2495], %get3A_2503 : memref<32x129xf32, #tpu.memory_space<vmem>>[vector<16xi32>, vector<16xi32>], vector<16xf32>,
      %broadcast_in_dim3A_2504 = arith.constant 88 : i32
      %broadcast_in_dim3A_2505 = vector.broadcast %broadcast_in_dim3A_2504 : i32 to vector<16xi32>
      %get3A_2506 = arith.constant 88 : i32
      %get3A_2507 = arith.index_cast %get3A_2506 : i32 to index
      %get3A_2508 = arith.constant 0 : index
      %get3A_2509 = tpu.vector_load %arg7[%get3A_2507, %get3A_2508] {strides = array<i32>} : memref<128x32xf32, #tpu.memory_space<vmem>>, vector<16xf32>,
      tpu.vector_store_idx %arg9[%iota3A, %broadcast_in_dim3A_2505], %get3A_2509 : memref<32x129xf32, #tpu.memory_space<vmem>>[vector<16xi32>, vector<16xi32>], vector<16xf32>,
      %get3A_2510 = arith.constant 88 : i32
      %get3A_2511 = arith.index_cast %get3A_2510 : i32 to index
      %get3A_2512 = arith.constant 16 : index
      %get3A_2513 = tpu.vector_load %arg7[%get3A_2511, %get3A_2512] {strides = array<i32>} : memref<128x32xf32, #tpu.memory_space<vmem>>, vector<16xf32>,
      tpu.vector_store_idx %arg9[%add3A_7, %broadcast_in_dim3A_2505], %get3A_2513 : memref<32x129xf32, #tpu.memory_space<vmem>>[vector<16xi32>, vector<16xi32>], vector<16xf32>,
      %broadcast_in_dim3A_2514 = arith.constant 89 : i32
      %broadcast_in_dim3A_2515 = vector.broadcast %broadcast_in_dim3A_2514 : i32 to vector<16xi32>
      %get3A_2516 = arith.constant 89 : i32
      %get3A_2517 = arith.index_cast %get3A_2516 : i32 to index
      %get3A_2518 = arith.constant 0 : index
      %get3A_2519 = tpu.vector_load %arg7[%get3A_2517, %get3A_2518] {strides = array<i32>} : memref<128x32xf32, #tpu.memory_space<vmem>>, vector<16xf32>,
      tpu.vector_store_idx %arg9[%iota3A, %broadcast_in_dim3A_2515], %get3A_2519 : memref<32x129xf32, #tpu.memory_space<vmem>>[vector<16xi32>, vector<16xi32>], vector<16xf32>,
      %get3A_2520 = arith.constant 89 : i32
      %get3A_2521 = arith.index_cast %get3A_2520 : i32 to index
      %get3A_2522 = arith.constant 16 : index
      %get3A_2523 = tpu.vector_load %arg7[%get3A_2521, %get3A_2522] {strides = array<i32>} : memref<128x32xf32, #tpu.memory_space<vmem>>, vector<16xf32>,
      tpu.vector_store_idx %arg9[%add3A_7, %broadcast_in_dim3A_2515], %get3A_2523 : memref<32x129xf32, #tpu.memory_space<vmem>>[vector<16xi32>, vector<16xi32>], vector<16xf32>,
      %broadcast_in_dim3A_2524 = arith.constant 90 : i32
      %broadcast_in_dim3A_2525 = vector.broadcast %broadcast_in_dim3A_2524 : i32 to vector<16xi32>
      %get3A_2526 = arith.constant 90 : i32
      %get3A_2527 = arith.index_cast %get3A_2526 : i32 to index
      %get3A_2528 = arith.constant 0 : index
      %get3A_2529 = tpu.vector_load %arg7[%get3A_2527, %get3A_2528] {strides = array<i32>} : memref<128x32xf32, #tpu.memory_space<vmem>>, vector<16xf32>,
      tpu.vector_store_idx %arg9[%iota3A, %broadcast_in_dim3A_2525], %get3A_2529 : memref<32x129xf32, #tpu.memory_space<vmem>>[vector<16xi32>, vector<16xi32>], vector<16xf32>,
      %get3A_2530 = arith.constant 90 : i32
      %get3A_2531 = arith.index_cast %get3A_2530 : i32 to index
      %get3A_2532 = arith.constant 16 : index
      %get3A_2533 = tpu.vector_load %arg7[%get3A_2531, %get3A_2532] {strides = array<i32>} : memref<128x32xf32, #tpu.memory_space<vmem>>, vector<16xf32>,
      tpu.vector_store_idx %arg9[%add3A_7, %broadcast_in_dim3A_2525], %get3A_2533 : memref<32x129xf32, #tpu.memory_space<vmem>>[vector<16xi32>, vector<16xi32>], vector<16xf32>,
      %broadcast_in_dim3A_2534 = arith.constant 91 : i32
      %broadcast_in_dim3A_2535 = vector.broadcast %broadcast_in_dim3A_2534 : i32 to vector<16xi32>
      %get3A_2536 = arith.constant 91 : i32
      %get3A_2537 = arith.index_cast %get3A_2536 : i32 to index
      %get3A_2538 = arith.constant 0 : index
      %get3A_2539 = tpu.vector_load %arg7[%get3A_2537, %get3A_2538] {strides = array<i32>} : memref<128x32xf32, #tpu.memory_space<vmem>>, vector<16xf32>,
      tpu.vector_store_idx %arg9[%iota3A, %broadcast_in_dim3A_2535], %get3A_2539 : memref<32x129xf32, #tpu.memory_space<vmem>>[vector<16xi32>, vector<16xi32>], vector<16xf32>,
      %get3A_2540 = arith.constant 91 : i32
      %get3A_2541 = arith.index_cast %get3A_2540 : i32 to index
      %get3A_2542 = arith.constant 16 : index
      %get3A_2543 = tpu.vector_load %arg7[%get3A_2541, %get3A_2542] {strides = array<i32>} : memref<128x32xf32, #tpu.memory_space<vmem>>, vector<16xf32>,
      tpu.vector_store_idx %arg9[%add3A_7, %broadcast_in_dim3A_2535], %get3A_2543 : memref<32x129xf32, #tpu.memory_space<vmem>>[vector<16xi32>, vector<16xi32>], vector<16xf32>,
      %broadcast_in_dim3A_2544 = arith.constant 92 : i32
      %broadcast_in_dim3A_2545 = vector.broadcast %broadcast_in_dim3A_2544 : i32 to vector<16xi32>
      %get3A_2546 = arith.constant 92 : i32
      %get3A_2547 = arith.index_cast %get3A_2546 : i32 to index
      %get3A_2548 = arith.constant 0 : index
      %get3A_2549 = tpu.vector_load %arg7[%get3A_2547, %get3A_2548] {strides = array<i32>} : memref<128x32xf32, #tpu.memory_space<vmem>>, vector<16xf32>,
      tpu.vector_store_idx %arg9[%iota3A, %broadcast_in_dim3A_2545], %get3A_2549 : memref<32x129xf32, #tpu.memory_space<vmem>>[vector<16xi32>, vector<16xi32>], vector<16xf32>,
      %get3A_2550 = arith.constant 92 : i32
      %get3A_2551 = arith.index_cast %get3A_2550 : i32 to index
      %get3A_2552 = arith.constant 16 : index
      %get3A_2553 = tpu.vector_load %arg7[%get3A_2551, %get3A_2552] {strides = array<i32>} : memref<128x32xf32, #tpu.memory_space<vmem>>, vector<16xf32>,
      tpu.vector_store_idx %arg9[%add3A_7, %broadcast_in_dim3A_2545], %get3A_2553 : memref<32x129xf32, #tpu.memory_space<vmem>>[vector<16xi32>, vector<16xi32>], vector<16xf32>,
      %broadcast_in_dim3A_2554 = arith.constant 93 : i32
      %broadcast_in_dim3A_2555 = vector.broadcast %broadcast_in_dim3A_2554 : i32 to vector<16xi32>
      %get3A_2556 = arith.constant 93 : i32
      %get3A_2557 = arith.index_cast %get3A_2556 : i32 to index
      %get3A_2558 = arith.constant 0 : index
      %get3A_2559 = tpu.vector_load %arg7[%get3A_2557, %get3A_2558] {strides = array<i32>} : memref<128x32xf32, #tpu.memory_space<vmem>>, vector<16xf32>,
      tpu.vector_store_idx %arg9[%iota3A, %broadcast_in_dim3A_2555], %get3A_2559 : memref<32x129xf32, #tpu.memory_space<vmem>>[vector<16xi32>, vector<16xi32>], vector<16xf32>,
      %get3A_2560 = arith.constant 93 : i32
      %get3A_2561 = arith.index_cast %get3A_2560 : i32 to index
      %get3A_2562 = arith.constant 16 : index
      %get3A_2563 = tpu.vector_load %arg7[%get3A_2561, %get3A_2562] {strides = array<i32>} : memref<128x32xf32, #tpu.memory_space<vmem>>, vector<16xf32>,
      tpu.vector_store_idx %arg9[%add3A_7, %broadcast_in_dim3A_2555], %get3A_2563 : memref<32x129xf32, #tpu.memory_space<vmem>>[vector<16xi32>, vector<16xi32>], vector<16xf32>,
      %broadcast_in_dim3A_2564 = arith.constant 94 : i32
      %broadcast_in_dim3A_2565 = vector.broadcast %broadcast_in_dim3A_2564 : i32 to vector<16xi32>
      %get3A_2566 = arith.constant 94 : i32
      %get3A_2567 = arith.index_cast %get3A_2566 : i32 to index
      %get3A_2568 = arith.constant 0 : index
      %get3A_2569 = tpu.vector_load %arg7[%get3A_2567, %get3A_2568] {strides = array<i32>} : memref<128x32xf32, #tpu.memory_space<vmem>>, vector<16xf32>,
      tpu.vector_store_idx %arg9[%iota3A, %broadcast_in_dim3A_2565], %get3A_2569 : memref<32x129xf32, #tpu.memory_space<vmem>>[vector<16xi32>, vector<16xi32>], vector<16xf32>,
      %get3A_2570 = arith.constant 94 : i32
      %get3A_2571 = arith.index_cast %get3A_2570 : i32 to index
      %get3A_2572 = arith.constant 16 : index
      %get3A_2573 = tpu.vector_load %arg7[%get3A_2571, %get3A_2572] {strides = array<i32>} : memref<128x32xf32, #tpu.memory_space<vmem>>, vector<16xf32>,
      tpu.vector_store_idx %arg9[%add3A_7, %broadcast_in_dim3A_2565], %get3A_2573 : memref<32x129xf32, #tpu.memory_space<vmem>>[vector<16xi32>, vector<16xi32>], vector<16xf32>,
      %broadcast_in_dim3A_2574 = arith.constant 95 : i32
      %broadcast_in_dim3A_2575 = vector.broadcast %broadcast_in_dim3A_2574 : i32 to vector<16xi32>
      %get3A_2576 = arith.constant 95 : i32
      %get3A_2577 = arith.index_cast %get3A_2576 : i32 to index
      %get3A_2578 = arith.constant 0 : index
      %get3A_2579 = tpu.vector_load %arg7[%get3A_2577, %get3A_2578] {strides = array<i32>} : memref<128x32xf32, #tpu.memory_space<vmem>>, vector<16xf32>,
      tpu.vector_store_idx %arg9[%iota3A, %broadcast_in_dim3A_2575], %get3A_2579 : memref<32x129xf32, #tpu.memory_space<vmem>>[vector<16xi32>, vector<16xi32>], vector<16xf32>,
      %get3A_2580 = arith.constant 95 : i32
      %get3A_2581 = arith.index_cast %get3A_2580 : i32 to index
      %get3A_2582 = arith.constant 16 : index
      %get3A_2583 = tpu.vector_load %arg7[%get3A_2581, %get3A_2582] {strides = array<i32>} : memref<128x32xf32, #tpu.memory_space<vmem>>, vector<16xf32>,
      tpu.vector_store_idx %arg9[%add3A_7, %broadcast_in_dim3A_2575], %get3A_2583 : memref<32x129xf32, #tpu.memory_space<vmem>>[vector<16xi32>, vector<16xi32>], vector<16xf32>,
      %broadcast_in_dim3A_2584 = arith.constant 96 : i32
      %broadcast_in_dim3A_2585 = vector.broadcast %broadcast_in_dim3A_2584 : i32 to vector<16xi32>
      %get3A_2586 = arith.constant 96 : i32
      %get3A_2587 = arith.index_cast %get3A_2586 : i32 to index
      %get3A_2588 = arith.constant 0 : index
      %get3A_2589 = tpu.vector_load %arg7[%get3A_2587, %get3A_2588] {strides = array<i32>} : memref<128x32xf32, #tpu.memory_space<vmem>>, vector<16xf32>,
      tpu.vector_store_idx %arg9[%iota3A, %broadcast_in_dim3A_2585], %get3A_2589 : memref<32x129xf32, #tpu.memory_space<vmem>>[vector<16xi32>, vector<16xi32>], vector<16xf32>,
      %get3A_2590 = arith.constant 96 : i32
      %get3A_2591 = arith.index_cast %get3A_2590 : i32 to index
      %get3A_2592 = arith.constant 16 : index
      %get3A_2593 = tpu.vector_load %arg7[%get3A_2591, %get3A_2592] {strides = array<i32>} : memref<128x32xf32, #tpu.memory_space<vmem>>, vector<16xf32>,
      tpu.vector_store_idx %arg9[%add3A_7, %broadcast_in_dim3A_2585], %get3A_2593 : memref<32x129xf32, #tpu.memory_space<vmem>>[vector<16xi32>, vector<16xi32>], vector<16xf32>,
      %broadcast_in_dim3A_2594 = arith.constant 97 : i32
      %broadcast_in_dim3A_2595 = vector.broadcast %broadcast_in_dim3A_2594 : i32 to vector<16xi32>
      %get3A_2596 = arith.constant 97 : i32
      %get3A_2597 = arith.index_cast %get3A_2596 : i32 to index
      %get3A_2598 = arith.constant 0 : index
      %get3A_2599 = tpu.vector_load %arg7[%get3A_2597, %get3A_2598] {strides = array<i32>} : memref<128x32xf32, #tpu.memory_space<vmem>>, vector<16xf32>,
      tpu.vector_store_idx %arg9[%iota3A, %broadcast_in_dim3A_2595], %get3A_2599 : memref<32x129xf32, #tpu.memory_space<vmem>>[vector<16xi32>, vector<16xi32>], vector<16xf32>,
      %get3A_2600 = arith.constant 97 : i32
      %get3A_2601 = arith.index_cast %get3A_2600 : i32 to index
      %get3A_2602 = arith.constant 16 : index
      %get3A_2603 = tpu.vector_load %arg7[%get3A_2601, %get3A_2602] {strides = array<i32>} : memref<128x32xf32, #tpu.memory_space<vmem>>, vector<16xf32>,
      tpu.vector_store_idx %arg9[%add3A_7, %broadcast_in_dim3A_2595], %get3A_2603 : memref<32x129xf32, #tpu.memory_space<vmem>>[vector<16xi32>, vector<16xi32>], vector<16xf32>,
      %broadcast_in_dim3A_2604 = arith.constant 98 : i32
      %broadcast_in_dim3A_2605 = vector.broadcast %broadcast_in_dim3A_2604 : i32 to vector<16xi32>
      %get3A_2606 = arith.constant 98 : i32
      %get3A_2607 = arith.index_cast %get3A_2606 : i32 to index
      %get3A_2608 = arith.constant 0 : index
      %get3A_2609 = tpu.vector_load %arg7[%get3A_2607, %get3A_2608] {strides = array<i32>} : memref<128x32xf32, #tpu.memory_space<vmem>>, vector<16xf32>,
      tpu.vector_store_idx %arg9[%iota3A, %broadcast_in_dim3A_2605], %get3A_2609 : memref<32x129xf32, #tpu.memory_space<vmem>>[vector<16xi32>, vector<16xi32>], vector<16xf32>,
      %get3A_2610 = arith.constant 98 : i32
      %get3A_2611 = arith.index_cast %get3A_2610 : i32 to index
      %get3A_2612 = arith.constant 16 : index
      %get3A_2613 = tpu.vector_load %arg7[%get3A_2611, %get3A_2612] {strides = array<i32>} : memref<128x32xf32, #tpu.memory_space<vmem>>, vector<16xf32>,
      tpu.vector_store_idx %arg9[%add3A_7, %broadcast_in_dim3A_2605], %get3A_2613 : memref<32x129xf32, #tpu.memory_space<vmem>>[vector<16xi32>, vector<16xi32>], vector<16xf32>,
      %broadcast_in_dim3A_2614 = arith.constant 99 : i32
      %broadcast_in_dim3A_2615 = vector.broadcast %broadcast_in_dim3A_2614 : i32 to vector<16xi32>
      %get3A_2616 = arith.constant 99 : i32
      %get3A_2617 = arith.index_cast %get3A_2616 : i32 to index
      %get3A_2618 = arith.constant 0 : index
      %get3A_2619 = tpu.vector_load %arg7[%get3A_2617, %get3A_2618] {strides = array<i32>} : memref<128x32xf32, #tpu.memory_space<vmem>>, vector<16xf32>,
      tpu.vector_store_idx %arg9[%iota3A, %broadcast_in_dim3A_2615], %get3A_2619 : memref<32x129xf32, #tpu.memory_space<vmem>>[vector<16xi32>, vector<16xi32>], vector<16xf32>,
      %get3A_2620 = arith.constant 99 : i32
      %get3A_2621 = arith.index_cast %get3A_2620 : i32 to index
      %get3A_2622 = arith.constant 16 : index
      %get3A_2623 = tpu.vector_load %arg7[%get3A_2621, %get3A_2622] {strides = array<i32>} : memref<128x32xf32, #tpu.memory_space<vmem>>, vector<16xf32>,
      tpu.vector_store_idx %arg9[%add3A_7, %broadcast_in_dim3A_2615], %get3A_2623 : memref<32x129xf32, #tpu.memory_space<vmem>>[vector<16xi32>, vector<16xi32>], vector<16xf32>,
      %broadcast_in_dim3A_2624 = arith.constant 100 : i32
      %broadcast_in_dim3A_2625 = vector.broadcast %broadcast_in_dim3A_2624 : i32 to vector<16xi32>
      %get3A_2626 = arith.constant 100 : i32
      %get3A_2627 = arith.index_cast %get3A_2626 : i32 to index
      %get3A_2628 = arith.constant 0 : index
      %get3A_2629 = tpu.vector_load %arg7[%get3A_2627, %get3A_2628] {strides = array<i32>} : memref<128x32xf32, #tpu.memory_space<vmem>>, vector<16xf32>,
      tpu.vector_store_idx %arg9[%iota3A, %broadcast_in_dim3A_2625], %get3A_2629 : memref<32x129xf32, #tpu.memory_space<vmem>>[vector<16xi32>, vector<16xi32>], vector<16xf32>,
      %get3A_2630 = arith.constant 100 : i32
      %get3A_2631 = arith.index_cast %get3A_2630 : i32 to index
      %get3A_2632 = arith.constant 16 : index
      %get3A_2633 = tpu.vector_load %arg7[%get3A_2631, %get3A_2632] {strides = array<i32>} : memref<128x32xf32, #tpu.memory_space<vmem>>, vector<16xf32>,
      tpu.vector_store_idx %arg9[%add3A_7, %broadcast_in_dim3A_2625], %get3A_2633 : memref<32x129xf32, #tpu.memory_space<vmem>>[vector<16xi32>, vector<16xi32>], vector<16xf32>,
      %broadcast_in_dim3A_2634 = arith.constant 101 : i32
      %broadcast_in_dim3A_2635 = vector.broadcast %broadcast_in_dim3A_2634 : i32 to vector<16xi32>
      %get3A_2636 = arith.constant 101 : i32
      %get3A_2637 = arith.index_cast %get3A_2636 : i32 to index
      %get3A_2638 = arith.constant 0 : index
      %get3A_2639 = tpu.vector_load %arg7[%get3A_2637, %get3A_2638] {strides = array<i32>} : memref<128x32xf32, #tpu.memory_space<vmem>>, vector<16xf32>,
      tpu.vector_store_idx %arg9[%iota3A, %broadcast_in_dim3A_2635], %get3A_2639 : memref<32x129xf32, #tpu.memory_space<vmem>>[vector<16xi32>, vector<16xi32>], vector<16xf32>,
      %get3A_2640 = arith.constant 101 : i32
      %get3A_2641 = arith.index_cast %get3A_2640 : i32 to index
      %get3A_2642 = arith.constant 16 : index
      %get3A_2643 = tpu.vector_load %arg7[%get3A_2641, %get3A_2642] {strides = array<i32>} : memref<128x32xf32, #tpu.memory_space<vmem>>, vector<16xf32>,
      tpu.vector_store_idx %arg9[%add3A_7, %broadcast_in_dim3A_2635], %get3A_2643 : memref<32x129xf32, #tpu.memory_space<vmem>>[vector<16xi32>, vector<16xi32>], vector<16xf32>,
      %broadcast_in_dim3A_2644 = arith.constant 102 : i32
      %broadcast_in_dim3A_2645 = vector.broadcast %broadcast_in_dim3A_2644 : i32 to vector<16xi32>
      %get3A_2646 = arith.constant 102 : i32
      %get3A_2647 = arith.index_cast %get3A_2646 : i32 to index
      %get3A_2648 = arith.constant 0 : index
      %get3A_2649 = tpu.vector_load %arg7[%get3A_2647, %get3A_2648] {strides = array<i32>} : memref<128x32xf32, #tpu.memory_space<vmem>>, vector<16xf32>,
      tpu.vector_store_idx %arg9[%iota3A, %broadcast_in_dim3A_2645], %get3A_2649 : memref<32x129xf32, #tpu.memory_space<vmem>>[vector<16xi32>, vector<16xi32>], vector<16xf32>,
      %get3A_2650 = arith.constant 102 : i32
      %get3A_2651 = arith.index_cast %get3A_2650 : i32 to index
      %get3A_2652 = arith.constant 16 : index
      %get3A_2653 = tpu.vector_load %arg7[%get3A_2651, %get3A_2652] {strides = array<i32>} : memref<128x32xf32, #tpu.memory_space<vmem>>, vector<16xf32>,
      tpu.vector_store_idx %arg9[%add3A_7, %broadcast_in_dim3A_2645], %get3A_2653 : memref<32x129xf32, #tpu.memory_space<vmem>>[vector<16xi32>, vector<16xi32>], vector<16xf32>,
      %broadcast_in_dim3A_2654 = arith.constant 103 : i32
      %broadcast_in_dim3A_2655 = vector.broadcast %broadcast_in_dim3A_2654 : i32 to vector<16xi32>
      %get3A_2656 = arith.constant 103 : i32
      %get3A_2657 = arith.index_cast %get3A_2656 : i32 to index
      %get3A_2658 = arith.constant 0 : index
      %get3A_2659 = tpu.vector_load %arg7[%get3A_2657, %get3A_2658] {strides = array<i32>} : memref<128x32xf32, #tpu.memory_space<vmem>>, vector<16xf32>,
      tpu.vector_store_idx %arg9[%iota3A, %broadcast_in_dim3A_2655], %get3A_2659 : memref<32x129xf32, #tpu.memory_space<vmem>>[vector<16xi32>, vector<16xi32>], vector<16xf32>,
      %get3A_2660 = arith.constant 103 : i32
      %get3A_2661 = arith.index_cast %get3A_2660 : i32 to index
      %get3A_2662 = arith.constant 16 : index
      %get3A_2663 = tpu.vector_load %arg7[%get3A_2661, %get3A_2662] {strides = array<i32>} : memref<128x32xf32, #tpu.memory_space<vmem>>, vector<16xf32>,
      tpu.vector_store_idx %arg9[%add3A_7, %broadcast_in_dim3A_2655], %get3A_2663 : memref<32x129xf32, #tpu.memory_space<vmem>>[vector<16xi32>, vector<16xi32>], vector<16xf32>,
      %broadcast_in_dim3A_2664 = arith.constant 104 : i32
      %broadcast_in_dim3A_2665 = vector.broadcast %broadcast_in_dim3A_2664 : i32 to vector<16xi32>
      %get3A_2666 = arith.constant 104 : i32
      %get3A_2667 = arith.index_cast %get3A_2666 : i32 to index
      %get3A_2668 = arith.constant 0 : index
      %get3A_2669 = tpu.vector_load %arg7[%get3A_2667, %get3A_2668] {strides = array<i32>} : memref<128x32xf32, #tpu.memory_space<vmem>>, vector<16xf32>,
      tpu.vector_store_idx %arg9[%iota3A, %broadcast_in_dim3A_2665], %get3A_2669 : memref<32x129xf32, #tpu.memory_space<vmem>>[vector<16xi32>, vector<16xi32>], vector<16xf32>,
      %get3A_2670 = arith.constant 104 : i32
      %get3A_2671 = arith.index_cast %get3A_2670 : i32 to index
      %get3A_2672 = arith.constant 16 : index
      %get3A_2673 = tpu.vector_load %arg7[%get3A_2671, %get3A_2672] {strides = array<i32>} : memref<128x32xf32, #tpu.memory_space<vmem>>, vector<16xf32>,
      tpu.vector_store_idx %arg9[%add3A_7, %broadcast_in_dim3A_2665], %get3A_2673 : memref<32x129xf32, #tpu.memory_space<vmem>>[vector<16xi32>, vector<16xi32>], vector<16xf32>,
      %broadcast_in_dim3A_2674 = arith.constant 105 : i32
      %broadcast_in_dim3A_2675 = vector.broadcast %broadcast_in_dim3A_2674 : i32 to vector<16xi32>
      %get3A_2676 = arith.constant 105 : i32
      %get3A_2677 = arith.index_cast %get3A_2676 : i32 to index
      %get3A_2678 = arith.constant 0 : index
      %get3A_2679 = tpu.vector_load %arg7[%get3A_2677, %get3A_2678] {strides = array<i32>} : memref<128x32xf32, #tpu.memory_space<vmem>>, vector<16xf32>,
      tpu.vector_store_idx %arg9[%iota3A, %broadcast_in_dim3A_2675], %get3A_2679 : memref<32x129xf32, #tpu.memory_space<vmem>>[vector<16xi32>, vector<16xi32>], vector<16xf32>,
      %get3A_2680 = arith.constant 105 : i32
      %get3A_2681 = arith.index_cast %get3A_2680 : i32 to index
      %get3A_2682 = arith.constant 16 : index
      %get3A_2683 = tpu.vector_load %arg7[%get3A_2681, %get3A_2682] {strides = array<i32>} : memref<128x32xf32, #tpu.memory_space<vmem>>, vector<16xf32>,
      tpu.vector_store_idx %arg9[%add3A_7, %broadcast_in_dim3A_2675], %get3A_2683 : memref<32x129xf32, #tpu.memory_space<vmem>>[vector<16xi32>, vector<16xi32>], vector<16xf32>,
      %broadcast_in_dim3A_2684 = arith.constant 106 : i32
      %broadcast_in_dim3A_2685 = vector.broadcast %broadcast_in_dim3A_2684 : i32 to vector<16xi32>
      %get3A_2686 = arith.constant 106 : i32
      %get3A_2687 = arith.index_cast %get3A_2686 : i32 to index
      %get3A_2688 = arith.constant 0 : index
      %get3A_2689 = tpu.vector_load %arg7[%get3A_2687, %get3A_2688] {strides = array<i32>} : memref<128x32xf32, #tpu.memory_space<vmem>>, vector<16xf32>,
      tpu.vector_store_idx %arg9[%iota3A, %broadcast_in_dim3A_2685], %get3A_2689 : memref<32x129xf32, #tpu.memory_space<vmem>>[vector<16xi32>, vector<16xi32>], vector<16xf32>,
      %get3A_2690 = arith.constant 106 : i32
      %get3A_2691 = arith.index_cast %get3A_2690 : i32 to index
      %get3A_2692 = arith.constant 16 : index
      %get3A_2693 = tpu.vector_load %arg7[%get3A_2691, %get3A_2692] {strides = array<i32>} : memref<128x32xf32, #tpu.memory_space<vmem>>, vector<16xf32>,
      tpu.vector_store_idx %arg9[%add3A_7, %broadcast_in_dim3A_2685], %get3A_2693 : memref<32x129xf32, #tpu.memory_space<vmem>>[vector<16xi32>, vector<16xi32>], vector<16xf32>,
      %broadcast_in_dim3A_2694 = arith.constant 107 : i32
      %broadcast_in_dim3A_2695 = vector.broadcast %broadcast_in_dim3A_2694 : i32 to vector<16xi32>
      %get3A_2696 = arith.constant 107 : i32
      %get3A_2697 = arith.index_cast %get3A_2696 : i32 to index
      %get3A_2698 = arith.constant 0 : index
      %get3A_2699 = tpu.vector_load %arg7[%get3A_2697, %get3A_2698] {strides = array<i32>} : memref<128x32xf32, #tpu.memory_space<vmem>>, vector<16xf32>,
      tpu.vector_store_idx %arg9[%iota3A, %broadcast_in_dim3A_2695], %get3A_2699 : memref<32x129xf32, #tpu.memory_space<vmem>>[vector<16xi32>, vector<16xi32>], vector<16xf32>,
      %get3A_2700 = arith.constant 107 : i32
      %get3A_2701 = arith.index_cast %get3A_2700 : i32 to index
      %get3A_2702 = arith.constant 16 : index
      %get3A_2703 = tpu.vector_load %arg7[%get3A_2701, %get3A_2702] {strides = array<i32>} : memref<128x32xf32, #tpu.memory_space<vmem>>, vector<16xf32>,
      tpu.vector_store_idx %arg9[%add3A_7, %broadcast_in_dim3A_2695], %get3A_2703 : memref<32x129xf32, #tpu.memory_space<vmem>>[vector<16xi32>, vector<16xi32>], vector<16xf32>,
      %broadcast_in_dim3A_2704 = arith.constant 108 : i32
      %broadcast_in_dim3A_2705 = vector.broadcast %broadcast_in_dim3A_2704 : i32 to vector<16xi32>
      %get3A_2706 = arith.constant 108 : i32
      %get3A_2707 = arith.index_cast %get3A_2706 : i32 to index
      %get3A_2708 = arith.constant 0 : index
      %get3A_2709 = tpu.vector_load %arg7[%get3A_2707, %get3A_2708] {strides = array<i32>} : memref<128x32xf32, #tpu.memory_space<vmem>>, vector<16xf32>,
      tpu.vector_store_idx %arg9[%iota3A, %broadcast_in_dim3A_2705], %get3A_2709 : memref<32x129xf32, #tpu.memory_space<vmem>>[vector<16xi32>, vector<16xi32>], vector<16xf32>,
      %get3A_2710 = arith.constant 108 : i32
      %get3A_2711 = arith.index_cast %get3A_2710 : i32 to index
      %get3A_2712 = arith.constant 16 : index
      %get3A_2713 = tpu.vector_load %arg7[%get3A_2711, %get3A_2712] {strides = array<i32>} : memref<128x32xf32, #tpu.memory_space<vmem>>, vector<16xf32>,
      tpu.vector_store_idx %arg9[%add3A_7, %broadcast_in_dim3A_2705], %get3A_2713 : memref<32x129xf32, #tpu.memory_space<vmem>>[vector<16xi32>, vector<16xi32>], vector<16xf32>,
      %broadcast_in_dim3A_2714 = arith.constant 109 : i32
      %broadcast_in_dim3A_2715 = vector.broadcast %broadcast_in_dim3A_2714 : i32 to vector<16xi32>
      %get3A_2716 = arith.constant 109 : i32
      %get3A_2717 = arith.index_cast %get3A_2716 : i32 to index
      %get3A_2718 = arith.constant 0 : index
      %get3A_2719 = tpu.vector_load %arg7[%get3A_2717, %get3A_2718] {strides = array<i32>} : memref<128x32xf32, #tpu.memory_space<vmem>>, vector<16xf32>,
      tpu.vector_store_idx %arg9[%iota3A, %broadcast_in_dim3A_2715], %get3A_2719 : memref<32x129xf32, #tpu.memory_space<vmem>>[vector<16xi32>, vector<16xi32>], vector<16xf32>,
      %get3A_2720 = arith.constant 109 : i32
      %get3A_2721 = arith.index_cast %get3A_2720 : i32 to index
      %get3A_2722 = arith.constant 16 : index
      %get3A_2723 = tpu.vector_load %arg7[%get3A_2721, %get3A_2722] {strides = array<i32>} : memref<128x32xf32, #tpu.memory_space<vmem>>, vector<16xf32>,
      tpu.vector_store_idx %arg9[%add3A_7, %broadcast_in_dim3A_2715], %get3A_2723 : memref<32x129xf32, #tpu.memory_space<vmem>>[vector<16xi32>, vector<16xi32>], vector<16xf32>,
      %broadcast_in_dim3A_2724 = arith.constant 110 : i32
      %broadcast_in_dim3A_2725 = vector.broadcast %broadcast_in_dim3A_2724 : i32 to vector<16xi32>
      %get3A_2726 = arith.constant 110 : i32
      %get3A_2727 = arith.index_cast %get3A_2726 : i32 to index
      %get3A_2728 = arith.constant 0 : index
      %get3A_2729 = tpu.vector_load %arg7[%get3A_2727, %get3A_2728] {strides = array<i32>} : memref<128x32xf32, #tpu.memory_space<vmem>>, vector<16xf32>,
      tpu.vector_store_idx %arg9[%iota3A, %broadcast_in_dim3A_2725], %get3A_2729 : memref<32x129xf32, #tpu.memory_space<vmem>>[vector<16xi32>, vector<16xi32>], vector<16xf32>,
      %get3A_2730 = arith.constant 110 : i32
      %get3A_2731 = arith.index_cast %get3A_2730 : i32 to index
      %get3A_2732 = arith.constant 16 : index
      %get3A_2733 = tpu.vector_load %arg7[%get3A_2731, %get3A_2732] {strides = array<i32>} : memref<128x32xf32, #tpu.memory_space<vmem>>, vector<16xf32>,
      tpu.vector_store_idx %arg9[%add3A_7, %broadcast_in_dim3A_2725], %get3A_2733 : memref<32x129xf32, #tpu.memory_space<vmem>>[vector<16xi32>, vector<16xi32>], vector<16xf32>,
      %broadcast_in_dim3A_2734 = arith.constant 111 : i32
      %broadcast_in_dim3A_2735 = vector.broadcast %broadcast_in_dim3A_2734 : i32 to vector<16xi32>
      %get3A_2736 = arith.constant 111 : i32
      %get3A_2737 = arith.index_cast %get3A_2736 : i32 to index
      %get3A_2738 = arith.constant 0 : index
      %get3A_2739 = tpu.vector_load %arg7[%get3A_2737, %get3A_2738] {strides = array<i32>} : memref<128x32xf32, #tpu.memory_space<vmem>>, vector<16xf32>,
      tpu.vector_store_idx %arg9[%iota3A, %broadcast_in_dim3A_2735], %get3A_2739 : memref<32x129xf32, #tpu.memory_space<vmem>>[vector<16xi32>, vector<16xi32>], vector<16xf32>,
      %get3A_2740 = arith.constant 111 : i32
      %get3A_2741 = arith.index_cast %get3A_2740 : i32 to index
      %get3A_2742 = arith.constant 16 : index
      %get3A_2743 = tpu.vector_load %arg7[%get3A_2741, %get3A_2742] {strides = array<i32>} : memref<128x32xf32, #tpu.memory_space<vmem>>, vector<16xf32>,
      tpu.vector_store_idx %arg9[%add3A_7, %broadcast_in_dim3A_2735], %get3A_2743 : memref<32x129xf32, #tpu.memory_space<vmem>>[vector<16xi32>, vector<16xi32>], vector<16xf32>,
      %broadcast_in_dim3A_2744 = arith.constant 112 : i32
      %broadcast_in_dim3A_2745 = vector.broadcast %broadcast_in_dim3A_2744 : i32 to vector<16xi32>
      %get3A_2746 = arith.constant 112 : i32
      %get3A_2747 = arith.index_cast %get3A_2746 : i32 to index
      %get3A_2748 = arith.constant 0 : index
      %get3A_2749 = tpu.vector_load %arg7[%get3A_2747, %get3A_2748] {strides = array<i32>} : memref<128x32xf32, #tpu.memory_space<vmem>>, vector<16xf32>,
      tpu.vector_store_idx %arg9[%iota3A, %broadcast_in_dim3A_2745], %get3A_2749 : memref<32x129xf32, #tpu.memory_space<vmem>>[vector<16xi32>, vector<16xi32>], vector<16xf32>,
      %get3A_2750 = arith.constant 112 : i32
      %get3A_2751 = arith.index_cast %get3A_2750 : i32 to index
      %get3A_2752 = arith.constant 16 : index
      %get3A_2753 = tpu.vector_load %arg7[%get3A_2751, %get3A_2752] {strides = array<i32>} : memref<128x32xf32, #tpu.memory_space<vmem>>, vector<16xf32>,
      tpu.vector_store_idx %arg9[%add3A_7, %broadcast_in_dim3A_2745], %get3A_2753 : memref<32x129xf32, #tpu.memory_space<vmem>>[vector<16xi32>, vector<16xi32>], vector<16xf32>,
      %broadcast_in_dim3A_2754 = arith.constant 113 : i32
      %broadcast_in_dim3A_2755 = vector.broadcast %broadcast_in_dim3A_2754 : i32 to vector<16xi32>
      %get3A_2756 = arith.constant 113 : i32
      %get3A_2757 = arith.index_cast %get3A_2756 : i32 to index
      %get3A_2758 = arith.constant 0 : index
      %get3A_2759 = tpu.vector_load %arg7[%get3A_2757, %get3A_2758] {strides = array<i32>} : memref<128x32xf32, #tpu.memory_space<vmem>>, vector<16xf32>,
      tpu.vector_store_idx %arg9[%iota3A, %broadcast_in_dim3A_2755], %get3A_2759 : memref<32x129xf32, #tpu.memory_space<vmem>>[vector<16xi32>, vector<16xi32>], vector<16xf32>,
      %get3A_2760 = arith.constant 113 : i32
      %get3A_2761 = arith.index_cast %get3A_2760 : i32 to index
      %get3A_2762 = arith.constant 16 : index
      %get3A_2763 = tpu.vector_load %arg7[%get3A_2761, %get3A_2762] {strides = array<i32>} : memref<128x32xf32, #tpu.memory_space<vmem>>, vector<16xf32>,
      tpu.vector_store_idx %arg9[%add3A_7, %broadcast_in_dim3A_2755], %get3A_2763 : memref<32x129xf32, #tpu.memory_space<vmem>>[vector<16xi32>, vector<16xi32>], vector<16xf32>,
      %broadcast_in_dim3A_2764 = arith.constant 114 : i32
      %broadcast_in_dim3A_2765 = vector.broadcast %broadcast_in_dim3A_2764 : i32 to vector<16xi32>
      %get3A_2766 = arith.constant 114 : i32
      %get3A_2767 = arith.index_cast %get3A_2766 : i32 to index
      %get3A_2768 = arith.constant 0 : index
      %get3A_2769 = tpu.vector_load %arg7[%get3A_2767, %get3A_2768] {strides = array<i32>} : memref<128x32xf32, #tpu.memory_space<vmem>>, vector<16xf32>,
      tpu.vector_store_idx %arg9[%iota3A, %broadcast_in_dim3A_2765], %get3A_2769 : memref<32x129xf32, #tpu.memory_space<vmem>>[vector<16xi32>, vector<16xi32>], vector<16xf32>,
      %get3A_2770 = arith.constant 114 : i32
      %get3A_2771 = arith.index_cast %get3A_2770 : i32 to index
      %get3A_2772 = arith.constant 16 : index
      %get3A_2773 = tpu.vector_load %arg7[%get3A_2771, %get3A_2772] {strides = array<i32>} : memref<128x32xf32, #tpu.memory_space<vmem>>, vector<16xf32>,
      tpu.vector_store_idx %arg9[%add3A_7, %broadcast_in_dim3A_2765], %get3A_2773 : memref<32x129xf32, #tpu.memory_space<vmem>>[vector<16xi32>, vector<16xi32>], vector<16xf32>,
      %broadcast_in_dim3A_2774 = arith.constant 115 : i32
      %broadcast_in_dim3A_2775 = vector.broadcast %broadcast_in_dim3A_2774 : i32 to vector<16xi32>
      %get3A_2776 = arith.constant 115 : i32
      %get3A_2777 = arith.index_cast %get3A_2776 : i32 to index
      %get3A_2778 = arith.constant 0 : index
      %get3A_2779 = tpu.vector_load %arg7[%get3A_2777, %get3A_2778] {strides = array<i32>} : memref<128x32xf32, #tpu.memory_space<vmem>>, vector<16xf32>,
      tpu.vector_store_idx %arg9[%iota3A, %broadcast_in_dim3A_2775], %get3A_2779 : memref<32x129xf32, #tpu.memory_space<vmem>>[vector<16xi32>, vector<16xi32>], vector<16xf32>,
      %get3A_2780 = arith.constant 115 : i32
      %get3A_2781 = arith.index_cast %get3A_2780 : i32 to index
      %get3A_2782 = arith.constant 16 : index
      %get3A_2783 = tpu.vector_load %arg7[%get3A_2781, %get3A_2782] {strides = array<i32>} : memref<128x32xf32, #tpu.memory_space<vmem>>, vector<16xf32>,
      tpu.vector_store_idx %arg9[%add3A_7, %broadcast_in_dim3A_2775], %get3A_2783 : memref<32x129xf32, #tpu.memory_space<vmem>>[vector<16xi32>, vector<16xi32>], vector<16xf32>,
      %broadcast_in_dim3A_2784 = arith.constant 116 : i32
      %broadcast_in_dim3A_2785 = vector.broadcast %broadcast_in_dim3A_2784 : i32 to vector<16xi32>
      %get3A_2786 = arith.constant 116 : i32
      %get3A_2787 = arith.index_cast %get3A_2786 : i32 to index
      %get3A_2788 = arith.constant 0 : index
      %get3A_2789 = tpu.vector_load %arg7[%get3A_2787, %get3A_2788] {strides = array<i32>} : memref<128x32xf32, #tpu.memory_space<vmem>>, vector<16xf32>,
      tpu.vector_store_idx %arg9[%iota3A, %broadcast_in_dim3A_2785], %get3A_2789 : memref<32x129xf32, #tpu.memory_space<vmem>>[vector<16xi32>, vector<16xi32>], vector<16xf32>,
      %get3A_2790 = arith.constant 116 : i32
      %get3A_2791 = arith.index_cast %get3A_2790 : i32 to index
      %get3A_2792 = arith.constant 16 : index
      %get3A_2793 = tpu.vector_load %arg7[%get3A_2791, %get3A_2792] {strides = array<i32>} : memref<128x32xf32, #tpu.memory_space<vmem>>, vector<16xf32>,
      tpu.vector_store_idx %arg9[%add3A_7, %broadcast_in_dim3A_2785], %get3A_2793 : memref<32x129xf32, #tpu.memory_space<vmem>>[vector<16xi32>, vector<16xi32>], vector<16xf32>,
      %broadcast_in_dim3A_2794 = arith.constant 117 : i32
      %broadcast_in_dim3A_2795 = vector.broadcast %broadcast_in_dim3A_2794 : i32 to vector<16xi32>
      %get3A_2796 = arith.constant 117 : i32
      %get3A_2797 = arith.index_cast %get3A_2796 : i32 to index
      %get3A_2798 = arith.constant 0 : index
      %get3A_2799 = tpu.vector_load %arg7[%get3A_2797, %get3A_2798] {strides = array<i32>} : memref<128x32xf32, #tpu.memory_space<vmem>>, vector<16xf32>,
      tpu.vector_store_idx %arg9[%iota3A, %broadcast_in_dim3A_2795], %get3A_2799 : memref<32x129xf32, #tpu.memory_space<vmem>>[vector<16xi32>, vector<16xi32>], vector<16xf32>,
      %get3A_2800 = arith.constant 117 : i32
      %get3A_2801 = arith.index_cast %get3A_2800 : i32 to index
      %get3A_2802 = arith.constant 16 : index
      %get3A_2803 = tpu.vector_load %arg7[%get3A_2801, %get3A_2802] {strides = array<i32>} : memref<128x32xf32, #tpu.memory_space<vmem>>, vector<16xf32>,
      tpu.vector_store_idx %arg9[%add3A_7, %broadcast_in_dim3A_2795], %get3A_2803 : memref<32x129xf32, #tpu.memory_space<vmem>>[vector<16xi32>, vector<16xi32>], vector<16xf32>,
      %broadcast_in_dim3A_2804 = arith.constant 118 : i32
      %broadcast_in_dim3A_2805 = vector.broadcast %broadcast_in_dim3A_2804 : i32 to vector<16xi32>
      %get3A_2806 = arith.constant 118 : i32
      %get3A_2807 = arith.index_cast %get3A_2806 : i32 to index
      %get3A_2808 = arith.constant 0 : index
      %get3A_2809 = tpu.vector_load %arg7[%get3A_2807, %get3A_2808] {strides = array<i32>} : memref<128x32xf32, #tpu.memory_space<vmem>>, vector<16xf32>,
      tpu.vector_store_idx %arg9[%iota3A, %broadcast_in_dim3A_2805], %get3A_2809 : memref<32x129xf32, #tpu.memory_space<vmem>>[vector<16xi32>, vector<16xi32>], vector<16xf32>,
      %get3A_2810 = arith.constant 118 : i32
      %get3A_2811 = arith.index_cast %get3A_2810 : i32 to index
      %get3A_2812 = arith.constant 16 : index
      %get3A_2813 = tpu.vector_load %arg7[%get3A_2811, %get3A_2812] {strides = array<i32>} : memref<128x32xf32, #tpu.memory_space<vmem>>, vector<16xf32>,
      tpu.vector_store_idx %arg9[%add3A_7, %broadcast_in_dim3A_2805], %get3A_2813 : memref<32x129xf32, #tpu.memory_space<vmem>>[vector<16xi32>, vector<16xi32>], vector<16xf32>,
      %broadcast_in_dim3A_2814 = arith.constant 119 : i32
      %broadcast_in_dim3A_2815 = vector.broadcast %broadcast_in_dim3A_2814 : i32 to vector<16xi32>
      %get3A_2816 = arith.constant 119 : i32
      %get3A_2817 = arith.index_cast %get3A_2816 : i32 to index
      %get3A_2818 = arith.constant 0 : index
      %get3A_2819 = tpu.vector_load %arg7[%get3A_2817, %get3A_2818] {strides = array<i32>} : memref<128x32xf32, #tpu.memory_space<vmem>>, vector<16xf32>,
      tpu.vector_store_idx %arg9[%iota3A, %broadcast_in_dim3A_2815], %get3A_2819 : memref<32x129xf32, #tpu.memory_space<vmem>>[vector<16xi32>, vector<16xi32>], vector<16xf32>,
      %get3A_2820 = arith.constant 119 : i32
      %get3A_2821 = arith.index_cast %get3A_2820 : i32 to index
      %get3A_2822 = arith.constant 16 : index
      %get3A_2823 = tpu.vector_load %arg7[%get3A_2821, %get3A_2822] {strides = array<i32>} : memref<128x32xf32, #tpu.memory_space<vmem>>, vector<16xf32>,
      tpu.vector_store_idx %arg9[%add3A_7, %broadcast_in_dim3A_2815], %get3A_2823 : memref<32x129xf32, #tpu.memory_space<vmem>>[vector<16xi32>, vector<16xi32>], vector<16xf32>,
      %broadcast_in_dim3A_2824 = arith.constant 120 : i32
      %broadcast_in_dim3A_2825 = vector.broadcast %broadcast_in_dim3A_2824 : i32 to vector<16xi32>
      %get3A_2826 = arith.constant 120 : i32
      %get3A_2827 = arith.index_cast %get3A_2826 : i32 to index
      %get3A_2828 = arith.constant 0 : index
      %get3A_2829 = tpu.vector_load %arg7[%get3A_2827, %get3A_2828] {strides = array<i32>} : memref<128x32xf32, #tpu.memory_space<vmem>>, vector<16xf32>,
      tpu.vector_store_idx %arg9[%iota3A, %broadcast_in_dim3A_2825], %get3A_2829 : memref<32x129xf32, #tpu.memory_space<vmem>>[vector<16xi32>, vector<16xi32>], vector<16xf32>,
      %get3A_2830 = arith.constant 120 : i32
      %get3A_2831 = arith.index_cast %get3A_2830 : i32 to index
      %get3A_2832 = arith.constant 16 : index
      %get3A_2833 = tpu.vector_load %arg7[%get3A_2831, %get3A_2832] {strides = array<i32>} : memref<128x32xf32, #tpu.memory_space<vmem>>, vector<16xf32>,
      tpu.vector_store_idx %arg9[%add3A_7, %broadcast_in_dim3A_2825], %get3A_2833 : memref<32x129xf32, #tpu.memory_space<vmem>>[vector<16xi32>, vector<16xi32>], vector<16xf32>,
      %broadcast_in_dim3A_2834 = arith.constant 121 : i32
      %broadcast_in_dim3A_2835 = vector.broadcast %broadcast_in_dim3A_2834 : i32 to vector<16xi32>
      %get3A_2836 = arith.constant 121 : i32
      %get3A_2837 = arith.index_cast %get3A_2836 : i32 to index
      %get3A_2838 = arith.constant 0 : index
      %get3A_2839 = tpu.vector_load %arg7[%get3A_2837, %get3A_2838] {strides = array<i32>} : memref<128x32xf32, #tpu.memory_space<vmem>>, vector<16xf32>,
      tpu.vector_store_idx %arg9[%iota3A, %broadcast_in_dim3A_2835], %get3A_2839 : memref<32x129xf32, #tpu.memory_space<vmem>>[vector<16xi32>, vector<16xi32>], vector<16xf32>,
      %get3A_2840 = arith.constant 121 : i32
      %get3A_2841 = arith.index_cast %get3A_2840 : i32 to index
      %get3A_2842 = arith.constant 16 : index
      %get3A_2843 = tpu.vector_load %arg7[%get3A_2841, %get3A_2842] {strides = array<i32>} : memref<128x32xf32, #tpu.memory_space<vmem>>, vector<16xf32>,
      tpu.vector_store_idx %arg9[%add3A_7, %broadcast_in_dim3A_2835], %get3A_2843 : memref<32x129xf32, #tpu.memory_space<vmem>>[vector<16xi32>, vector<16xi32>], vector<16xf32>,
      %broadcast_in_dim3A_2844 = arith.constant 122 : i32
      %broadcast_in_dim3A_2845 = vector.broadcast %broadcast_in_dim3A_2844 : i32 to vector<16xi32>
      %get3A_2846 = arith.constant 122 : i32
      %get3A_2847 = arith.index_cast %get3A_2846 : i32 to index
      %get3A_2848 = arith.constant 0 : index
      %get3A_2849 = tpu.vector_load %arg7[%get3A_2847, %get3A_2848] {strides = array<i32>} : memref<128x32xf32, #tpu.memory_space<vmem>>, vector<16xf32>,
      tpu.vector_store_idx %arg9[%iota3A, %broadcast_in_dim3A_2845], %get3A_2849 : memref<32x129xf32, #tpu.memory_space<vmem>>[vector<16xi32>, vector<16xi32>], vector<16xf32>,
      %get3A_2850 = arith.constant 122 : i32
      %get3A_2851 = arith.index_cast %get3A_2850 : i32 to index
      %get3A_2852 = arith.constant 16 : index
      %get3A_2853 = tpu.vector_load %arg7[%get3A_2851, %get3A_2852] {strides = array<i32>} : memref<128x32xf32, #tpu.memory_space<vmem>>, vector<16xf32>,
      tpu.vector_store_idx %arg9[%add3A_7, %broadcast_in_dim3A_2845], %get3A_2853 : memref<32x129xf32, #tpu.memory_space<vmem>>[vector<16xi32>, vector<16xi32>], vector<16xf32>,
      %broadcast_in_dim3A_2854 = arith.constant 123 : i32
      %broadcast_in_dim3A_2855 = vector.broadcast %broadcast_in_dim3A_2854 : i32 to vector<16xi32>
      %get3A_2856 = arith.constant 123 : i32
      %get3A_2857 = arith.index_cast %get3A_2856 : i32 to index
      %get3A_2858 = arith.constant 0 : index
      %get3A_2859 = tpu.vector_load %arg7[%get3A_2857, %get3A_2858] {strides = array<i32>} : memref<128x32xf32, #tpu.memory_space<vmem>>, vector<16xf32>,
      tpu.vector_store_idx %arg9[%iota3A, %broadcast_in_dim3A_2855], %get3A_2859 : memref<32x129xf32, #tpu.memory_space<vmem>>[vector<16xi32>, vector<16xi32>], vector<16xf32>,
      %get3A_2860 = arith.constant 123 : i32
      %get3A_2861 = arith.index_cast %get3A_2860 : i32 to index
      %get3A_2862 = arith.constant 16 : index
      %get3A_2863 = tpu.vector_load %arg7[%get3A_2861, %get3A_2862] {strides = array<i32>} : memref<128x32xf32, #tpu.memory_space<vmem>>, vector<16xf32>,
      tpu.vector_store_idx %arg9[%add3A_7, %broadcast_in_dim3A_2855], %get3A_2863 : memref<32x129xf32, #tpu.memory_space<vmem>>[vector<16xi32>, vector<16xi32>], vector<16xf32>,
      %broadcast_in_dim3A_2864 = arith.constant 124 : i32
      %broadcast_in_dim3A_2865 = vector.broadcast %broadcast_in_dim3A_2864 : i32 to vector<16xi32>
      %get3A_2866 = arith.constant 124 : i32
      %get3A_2867 = arith.index_cast %get3A_2866 : i32 to index
      %get3A_2868 = arith.constant 0 : index
      %get3A_2869 = tpu.vector_load %arg7[%get3A_2867, %get3A_2868] {strides = array<i32>} : memref<128x32xf32, #tpu.memory_space<vmem>>, vector<16xf32>,
      tpu.vector_store_idx %arg9[%iota3A, %broadcast_in_dim3A_2865], %get3A_2869 : memref<32x129xf32, #tpu.memory_space<vmem>>[vector<16xi32>, vector<16xi32>], vector<16xf32>,
      %get3A_2870 = arith.constant 124 : i32
      %get3A_2871 = arith.index_cast %get3A_2870 : i32 to index
      %get3A_2872 = arith.constant 16 : index
      %get3A_2873 = tpu.vector_load %arg7[%get3A_2871, %get3A_2872] {strides = array<i32>} : memref<128x32xf32, #tpu.memory_space<vmem>>, vector<16xf32>,
      tpu.vector_store_idx %arg9[%add3A_7, %broadcast_in_dim3A_2865], %get3A_2873 : memref<32x129xf32, #tpu.memory_space<vmem>>[vector<16xi32>, vector<16xi32>], vector<16xf32>,
      %broadcast_in_dim3A_2874 = arith.constant 125 : i32
      %broadcast_in_dim3A_2875 = vector.broadcast %broadcast_in_dim3A_2874 : i32 to vector<16xi32>
      %get3A_2876 = arith.constant 125 : i32
      %get3A_2877 = arith.index_cast %get3A_2876 : i32 to index
      %get3A_2878 = arith.constant 0 : index
      %get3A_2879 = tpu.vector_load %arg7[%get3A_2877, %get3A_2878] {strides = array<i32>} : memref<128x32xf32, #tpu.memory_space<vmem>>, vector<16xf32>,
      tpu.vector_store_idx %arg9[%iota3A, %broadcast_in_dim3A_2875], %get3A_2879 : memref<32x129xf32, #tpu.memory_space<vmem>>[vector<16xi32>, vector<16xi32>], vector<16xf32>,
      %get3A_2880 = arith.constant 125 : i32
      %get3A_2881 = arith.index_cast %get3A_2880 : i32 to index
      %get3A_2882 = arith.constant 16 : index
      %get3A_2883 = tpu.vector_load %arg7[%get3A_2881, %get3A_2882] {strides = array<i32>} : memref<128x32xf32, #tpu.memory_space<vmem>>, vector<16xf32>,
      tpu.vector_store_idx %arg9[%add3A_7, %broadcast_in_dim3A_2875], %get3A_2883 : memref<32x129xf32, #tpu.memory_space<vmem>>[vector<16xi32>, vector<16xi32>], vector<16xf32>,
      %broadcast_in_dim3A_2884 = arith.constant 126 : i32
      %broadcast_in_dim3A_2885 = vector.broadcast %broadcast_in_dim3A_2884 : i32 to vector<16xi32>
      %get3A_2886 = arith.constant 126 : i32
      %get3A_2887 = arith.index_cast %get3A_2886 : i32 to index
      %get3A_2888 = arith.constant 0 : index
      %get3A_2889 = tpu.vector_load %arg7[%get3A_2887, %get3A_2888] {strides = array<i32>} : memref<128x32xf32, #tpu.memory_space<vmem>>, vector<16xf32>,
      tpu.vector_store_idx %arg9[%iota3A, %broadcast_in_dim3A_2885], %get3A_2889 : memref<32x129xf32, #tpu.memory_space<vmem>>[vector<16xi32>, vector<16xi32>], vector<16xf32>,
      %get3A_2890 = arith.constant 126 : i32
      %get3A_2891 = arith.index_cast %get3A_2890 : i32 to index
      %get3A_2892 = arith.constant 16 : index
      %get3A_2893 = tpu.vector_load %arg7[%get3A_2891, %get3A_2892] {strides = array<i32>} : memref<128x32xf32, #tpu.memory_space<vmem>>, vector<16xf32>,
      tpu.vector_store_idx %arg9[%add3A_7, %broadcast_in_dim3A_2885], %get3A_2893 : memref<32x129xf32, #tpu.memory_space<vmem>>[vector<16xi32>, vector<16xi32>], vector<16xf32>,
      %broadcast_in_dim3A_2894 = arith.constant 127 : i32
      %broadcast_in_dim3A_2895 = vector.broadcast %broadcast_in_dim3A_2894 : i32 to vector<16xi32>
      %get3A_2896 = arith.constant 127 : i32
      %get3A_2897 = arith.index_cast %get3A_2896 : i32 to index
      %get3A_2898 = arith.constant 0 : index
      %get3A_2899 = tpu.vector_load %arg7[%get3A_2897, %get3A_2898] {strides = array<i32>} : memref<128x32xf32, #tpu.memory_space<vmem>>, vector<16xf32>,
      tpu.vector_store_idx %arg9[%iota3A, %broadcast_in_dim3A_2895], %get3A_2899 : memref<32x129xf32, #tpu.memory_space<vmem>>[vector<16xi32>, vector<16xi32>], vector<16xf32>,
      %get3A_2900 = arith.constant 127 : i32
      %get3A_2901 = arith.index_cast %get3A_2900 : i32 to index
      %get3A_2902 = arith.constant 16 : index
      %get3A_2903 = tpu.vector_load %arg7[%get3A_2901, %get3A_2902] {strides = array<i32>} : memref<128x32xf32, #tpu.memory_space<vmem>>, vector<16xf32>,
      tpu.vector_store_idx %arg9[%add3A_7, %broadcast_in_dim3A_2895], %get3A_2903 : memref<32x129xf32, #tpu.memory_space<vmem>>[vector<16xi32>, vector<16xi32>], vector<16xf32>,
      %add3A_2904 = arith.addi %mul3A_2, %add3A_216 : i32
      %jit3A_2905 = arith.constant 32 : i32
      %div3A_2906 = arith.divsi %add3A_2904, %jit3A_2905 : i32
      %sign3A_2907 = arith.constant 0 : i32
      %sign3A_2908 = arith.cmpi sgt, %add3A_2904, %sign3A_2907 : i32
      %sign3A_2909 = arith.extui %sign3A_2908 : i1 to i32
      %sign3A_2910 = arith.constant 0 : i32
      %sign3A_2911 = arith.cmpi slt, %add3A_2904, %sign3A_2910 : i32
      %sign3A_2912 = arith.extui %sign3A_2911 : i1 to i32
      %sign3A_2913 = arith.subi %sign3A_2909, %sign3A_2912 : i32
      %sign3A_2914 = arith.constant 0 : i32
      %sign3A_2915 = arith.cmpi sgt, %jit3A_2905, %sign3A_2914 : i32
      %sign3A_2916 = arith.extui %sign3A_2915 : i1 to i32
      %sign3A_2917 = arith.constant 0 : i32
      %sign3A_2918 = arith.cmpi slt, %jit3A_2905, %sign3A_2917 : i32
      %sign3A_2919 = arith.extui %sign3A_2918 : i1 to i32
      %sign3A_2920 = arith.subi %sign3A_2916, %sign3A_2919 : i32
      %ne3A_2921 = arith.cmpi ne, %sign3A_2913, %sign3A_2920 : i32
      %rem3A_2922 = arith.remsi %add3A_2904, %jit3A_2905 : i32
      %ne3A_2923 = arith.constant 0 : i32
      %ne3A_2924 = arith.cmpi ne, %rem3A_2922, %ne3A_2923 : i32
      %and3A_2925 = arith.andi %ne3A_2921, %ne3A_2924 : i1
      %sub3A_2926 = arith.constant 1 : i32
      %sub3A_2927 = arith.subi %div3A_2906, %sub3A_2926 : i32
      %select_n3A_2928 = arith.select %and3A_2925, %sub3A_2927, %div3A_2906 : i32
      %mul3A_2929 = arith.constant 128 : i32
      %mul3A_2930 = arith.muli %select_n3A_2928, %mul3A_2929 : i32
      %jit3A_2931 = arith.constant 32 : i32
      %eq3A_2932 = arith.constant 0 : i32
      %eq3A_2933 = arith.cmpi eq, %jit3A_2931, %eq3A_2932 : i32
      %jit3A_2934 = arith.constant 1 : i32
      %select_n3A_2935 = arith.select %eq3A_2933, %jit3A_2934, %jit3A_2931 : i32
      %rem3A_2936 = arith.remsi %add3A_2904, %select_n3A_2935 : i32
      %ne3A_2937 = arith.constant 0 : i32
      %ne3A_2938 = arith.cmpi ne, %rem3A_2936, %ne3A_2937 : i32
      %lt3A_2939 = arith.constant 0 : i32
      %lt3A_2940 = arith.cmpi slt, %rem3A_2936, %lt3A_2939 : i32
      %lt3A_2941 = arith.constant 0 : i32
      %lt3A_2942 = arith.cmpi slt, %select_n3A_2935, %lt3A_2941 : i32
      %ne3A_2943 = arith.xori %lt3A_2940, %lt3A_2942 : i1
      %and3A_2944 = arith.andi %ne3A_2943, %ne3A_2938 : i1
      %add3A_2945 = arith.addi %rem3A_2936, %select_n3A_2935 : i32
      %select_n3A_2946 = arith.select %and3A_2944, %add3A_2945, %rem3A_2936 : i32
      %add3A_2947 = arith.addi %mul3A_2930, %select_n3A_2946 : i32
      %add3A_2948 = arith.constant 0 : i32
      %add3A_2949 = arith.addi %add3A_2947, %add3A_2948 : i32
      %mul3A_2950 = arith.constant 8 : i32
      %mul3A_2951 = arith.muli %add3A_2949, %mul3A_2950 : i32
      %dma_start3A_2952 = arith.constant 0 : i32
      %dma_start3A_2953 = arith.constant 0 : i32
      %dma_start3A_2954 = tpu.memref_slice %arg9[%dma_start3A_2952, %dma_start3A_2953] : memref<32x129xf32, #tpu.memory_space<vmem>> -> memref<8x128xf32, #tpu.memory_space<vmem>>
      %dma_start3A_2955 = arith.constant 0 : i32
      %dma_start3A_2956 = tpu.memref_slice %arg4[%mul3A_2951, %dma_start3A_2955] : memref<153600x128xf32, #tpu.memory_space<hbm>> -> memref<8x128xf32, #tpu.memory_space<hbm>>
      %dma_start3A_2957 = arith.constant 0 : i32
      %dma_start3A_2958 = tpu.memref_slice %arg4[%mul3A_2951, %dma_start3A_2957] : memref<153600x128xf32, #tpu.memory_space<hbm>> -> memref<8x128xf32, #tpu.memory_space<hbm>>
      %dma_start3A_2959 = arith.constant 0 : i32
      %dma_start3A_2960 = arith.constant 0 : i32
      %dma_start3A_2961 = tpu.memref_slice %arg9[%dma_start3A_2959, %dma_start3A_2960] : memref<32x129xf32, #tpu.memory_space<vmem>> -> memref<8x128xf32, #tpu.memory_space<vmem>>
      tpu.enqueue_dma source(%dma_start3A_2961 : memref<8x128xf32, #tpu.memory_space<vmem>>) target(%dma_start3A_2958 : memref<8x128xf32, #tpu.memory_space<hbm>>) target_semaphore(%arg13 : memref<!tpu.dma_semaphore, #tpu.memory_space<semaphore_mem>>)
      %add3A_2962 = arith.constant 32 : i32
      %add3A_2963 = arith.addi %add3A_2947, %add3A_2962 : i32
      %mul3A_2964 = arith.constant 8 : i32
      %mul3A_2965 = arith.muli %add3A_2963, %mul3A_2964 : i32
      %dma_start3A_2966 = arith.constant 8 : i32
      %dma_start3A_2967 = arith.constant 0 : i32
      %dma_start3A_2968 = tpu.memref_slice %arg9[%dma_start3A_2966, %dma_start3A_2967] : memref<32x129xf32, #tpu.memory_space<vmem>> -> memref<8x128xf32, #tpu.memory_space<vmem>>
      %dma_start3A_2969 = arith.constant 0 : i32
      %dma_start3A_2970 = tpu.memref_slice %arg4[%mul3A_2965, %dma_start3A_2969] : memref<153600x128xf32, #tpu.memory_space<hbm>> -> memref<8x128xf32, #tpu.memory_space<hbm>>
      %dma_start3A_2971 = arith.constant 0 : i32
      %dma_start3A_2972 = tpu.memref_slice %arg4[%mul3A_2965, %dma_start3A_2971] : memref<153600x128xf32, #tpu.memory_space<hbm>> -> memref<8x128xf32, #tpu.memory_space<hbm>>
      %dma_start3A_2973 = arith.constant 8 : i32
      %dma_start3A_2974 = arith.constant 0 : i32
      %dma_start3A_2975 = tpu.memref_slice %arg9[%dma_start3A_2973, %dma_start3A_2974] : memref<32x129xf32, #tpu.memory_space<vmem>> -> memref<8x128xf32, #tpu.memory_space<vmem>>
      tpu.enqueue_dma source(%dma_start3A_2975 : memref<8x128xf32, #tpu.memory_space<vmem>>) target(%dma_start3A_2972 : memref<8x128xf32, #tpu.memory_space<hbm>>) target_semaphore(%arg13 : memref<!tpu.dma_semaphore, #tpu.memory_space<semaphore_mem>>)
      %add3A_2976 = arith.constant 64 : i32
      %add3A_2977 = arith.addi %add3A_2947, %add3A_2976 : i32
      %mul3A_2978 = arith.constant 8 : i32
      %mul3A_2979 = arith.muli %add3A_2977, %mul3A_2978 : i32
      %dma_start3A_2980 = arith.constant 16 : i32
      %dma_start3A_2981 = arith.constant 0 : i32
      %dma_start3A_2982 = tpu.memref_slice %arg9[%dma_start3A_2980, %dma_start3A_2981] : memref<32x129xf32, #tpu.memory_space<vmem>> -> memref<8x128xf32, #tpu.memory_space<vmem>>
      %dma_start3A_2983 = arith.constant 0 : i32
      %dma_start3A_2984 = tpu.memref_slice %arg4[%mul3A_2979, %dma_start3A_2983] : memref<153600x128xf32, #tpu.memory_space<hbm>> -> memref<8x128xf32, #tpu.memory_space<hbm>>
      %dma_start3A_2985 = arith.constant 0 : i32
      %dma_start3A_2986 = tpu.memref_slice %arg4[%mul3A_2979, %dma_start3A_2985] : memref<153600x128xf32, #tpu.memory_space<hbm>> -> memref<8x128xf32, #tpu.memory_space<hbm>>
      %dma_start3A_2987 = arith.constant 16 : i32
      %dma_start3A_2988 = arith.constant 0 : i32
      %dma_start3A_2989 = tpu.memref_slice %arg9[%dma_start3A_2987, %dma_start3A_2988] : memref<32x129xf32, #tpu.memory_space<vmem>> -> memref<8x128xf32, #tpu.memory_space<vmem>>
      tpu.enqueue_dma source(%dma_start3A_2989 : memref<8x128xf32, #tpu.memory_space<vmem>>) target(%dma_start3A_2986 : memref<8x128xf32, #tpu.memory_space<hbm>>) target_semaphore(%arg13 : memref<!tpu.dma_semaphore, #tpu.memory_space<semaphore_mem>>)
      %add3A_2990 = arith.constant 96 : i32
      %add3A_2991 = arith.addi %add3A_2947, %add3A_2990 : i32
      %mul3A_2992 = arith.constant 8 : i32
      %mul3A_2993 = arith.muli %add3A_2991, %mul3A_2992 : i32
      %dma_start3A_2994 = arith.constant 24 : i32
      %dma_start3A_2995 = arith.constant 0 : i32
      %dma_start3A_2996 = tpu.memref_slice %arg9[%dma_start3A_2994, %dma_start3A_2995] : memref<32x129xf32, #tpu.memory_space<vmem>> -> memref<8x128xf32, #tpu.memory_space<vmem>>
      %dma_start3A_2997 = arith.constant 0 : i32
      %dma_start3A_2998 = tpu.memref_slice %arg4[%mul3A_2993, %dma_start3A_2997] : memref<153600x128xf32, #tpu.memory_space<hbm>> -> memref<8x128xf32, #tpu.memory_space<hbm>>
      %dma_start3A_2999 = arith.constant 0 : i32
      %dma_start3A_3000 = tpu.memref_slice %arg4[%mul3A_2993, %dma_start3A_2999] : memref<153600x128xf32, #tpu.memory_space<hbm>> -> memref<8x128xf32, #tpu.memory_space<hbm>>
      %dma_start3A_3001 = arith.constant 24 : i32
      %dma_start3A_3002 = arith.constant 0 : i32
      %dma_start3A_3003 = tpu.memref_slice %arg9[%dma_start3A_3001, %dma_start3A_3002] : memref<32x129xf32, #tpu.memory_space<vmem>> -> memref<8x128xf32, #tpu.memory_space<vmem>>
      tpu.enqueue_dma source(%dma_start3A_3003 : memref<8x128xf32, #tpu.memory_space<vmem>>) target(%dma_start3A_3000 : memref<8x128xf32, #tpu.memory_space<hbm>>) target_semaphore(%arg13 : memref<!tpu.dma_semaphore, #tpu.memory_space<semaphore_mem>>)
      %scan3A_3004 = arith.constant 0 : i32
      scf.yield %scan3A_3004 : i32
    }
    %scan3A_17 = arith.constant 75 : i32
    %add3A_18 = arith.constant 148 : i32
    %add3A_19 = arith.addi %mul3A_2, %add3A_18 : i32
    %jit3A = arith.constant 32 : i32
    %div3A = arith.divsi %add3A_19, %jit3A : i32
    %sign3A = arith.constant 0 : i32
    %sign3A_20 = arith.cmpi sgt, %add3A_19, %sign3A : i32
    %sign3A_21 = arith.extui %sign3A_20 : i1 to i32
    %sign3A_22 = arith.constant 0 : i32
    %sign3A_23 = arith.cmpi slt, %add3A_19, %sign3A_22 : i32
    %sign3A_24 = arith.extui %sign3A_23 : i1 to i32
    %sign3A_25 = arith.subi %sign3A_21, %sign3A_24 : i32
    %sign3A_26 = arith.constant 0 : i32
    %sign3A_27 = arith.cmpi sgt, %jit3A, %sign3A_26 : i32
    %sign3A_28 = arith.extui %sign3A_27 : i1 to i32
    %sign3A_29 = arith.constant 0 : i32
    %sign3A_30 = arith.cmpi slt, %jit3A, %sign3A_29 : i32
    %sign3A_31 = arith.extui %sign3A_30 : i1 to i32
    %sign3A_32 = arith.subi %sign3A_28, %sign3A_31 : i32
    %ne3A = arith.cmpi ne, %sign3A_25, %sign3A_32 : i32
    %rem3A = arith.remsi %add3A_19, %jit3A : i32
    %ne3A_33 = arith.constant 0 : i32
    %ne3A_34 = arith.cmpi ne, %rem3A, %ne3A_33 : i32
    %and3A = arith.andi %ne3A, %ne3A_34 : i1
    %sub3A = arith.constant 1 : i32
    %sub3A_35 = arith.subi %div3A, %sub3A : i32
    %select_n3A = arith.select %and3A, %sub3A_35, %div3A : i32
    %mul3A_36 = arith.constant 128 : i32
    %mul3A_37 = arith.muli %select_n3A, %mul3A_36 : i32
    %jit3A_38 = arith.constant 32 : i32
    %eq3A = arith.constant 0 : i32
    %eq3A_39 = arith.cmpi eq, %jit3A_38, %eq3A : i32
    %jit3A_40 = arith.constant 1 : i32
    %select_n3A_41 = arith.select %eq3A_39, %jit3A_40, %jit3A_38 : i32
    %rem3A_42 = arith.remsi %add3A_19, %select_n3A_41 : i32
    %ne3A_43 = arith.constant 0 : i32
    %ne3A_44 = arith.cmpi ne, %rem3A_42, %ne3A_43 : i32
    %lt3A = arith.constant 0 : i32
    %lt3A_45 = arith.cmpi slt, %rem3A_42, %lt3A : i32
    %lt3A_46 = arith.constant 0 : i32
    %lt3A_47 = arith.cmpi slt, %select_n3A_41, %lt3A_46 : i32
    %ne3A_48 = arith.xori %lt3A_45, %lt3A_47 : i1
    %and3A_49 = arith.andi %ne3A_48, %ne3A_44 : i1
    %add3A_50 = arith.addi %rem3A_42, %select_n3A_41 : i32
    %select_n3A_51 = arith.select %and3A_49, %add3A_50, %rem3A_42 : i32
    %add3A_52 = arith.addi %mul3A_37, %select_n3A_51 : i32
    %add3A_53 = arith.constant 0 : i32
    %add3A_54 = arith.addi %add3A_52, %add3A_53 : i32
    %mul3A_55 = arith.constant 8 : i32
    %mul3A_56 = arith.muli %add3A_54, %mul3A_55 : i32
    %dma_wait3A = arith.constant 0 : i32
    %dma_wait3A_57 = arith.constant 0 : i32
    %dma_wait3A_58 = tpu.memref_slice %arg8[%dma_wait3A, %dma_wait3A_57] : memref<32x129xf32, #tpu.memory_space<vmem>> -> memref<8x128xf32, #tpu.memory_space<vmem>>
    %dma_wait3A_59 = arith.constant 0 : i32
    %dma_wait3A_60 = tpu.memref_slice %arg4[%mul3A_56, %dma_wait3A_59] : memref<153600x128xf32, #tpu.memory_space<hbm>> -> memref<8x128xf32, #tpu.memory_space<hbm>>
    %dma_wait3A_61 = arith.constant 0 : i32
    %dma_wait3A_62 = tpu.memref_slice %arg4[%mul3A_56, %dma_wait3A_61] : memref<153600x128xf32, #tpu.memory_space<hbm>> -> memref<8x128xf32, #tpu.memory_space<hbm>>
    %dma_wait3A_63 = arith.constant 0 : i32
    %dma_wait3A_64 = arith.constant 0 : i32
    %dma_wait3A_65 = tpu.memref_slice %arg8[%dma_wait3A_63, %dma_wait3A_64] : memref<32x129xf32, #tpu.memory_space<vmem>> -> memref<8x128xf32, #tpu.memory_space<vmem>>
    tpu.wait_dma2 semaphore(%arg12 : memref<!tpu.dma_semaphore, #tpu.memory_space<semaphore_mem>>) src(%dma_wait3A_65 : memref<8x128xf32, #tpu.memory_space<vmem>>) dst(%dma_wait3A_62 : memref<8x128xf32, #tpu.memory_space<hbm>>)
    %add3A_66 = arith.constant 32 : i32
    %add3A_67 = arith.addi %add3A_52, %add3A_66 : i32
    %mul3A_68 = arith.constant 8 : i32
    %mul3A_69 = arith.muli %add3A_67, %mul3A_68 : i32
    %dma_wait3A_70 = arith.constant 8 : i32
    %dma_wait3A_71 = arith.constant 0 : i32
    %dma_wait3A_72 = tpu.memref_slice %arg8[%dma_wait3A_70, %dma_wait3A_71] : memref<32x129xf32, #tpu.memory_space<vmem>> -> memref<8x128xf32, #tpu.memory_space<vmem>>
    %dma_wait3A_73 = arith.constant 0 : i32
    %dma_wait3A_74 = tpu.memref_slice %arg4[%mul3A_69, %dma_wait3A_73] : memref<153600x128xf32, #tpu.memory_space<hbm>> -> memref<8x128xf32, #tpu.memory_space<hbm>>
    %dma_wait3A_75 = arith.constant 0 : i32
    %dma_wait3A_76 = tpu.memref_slice %arg4[%mul3A_69, %dma_wait3A_75] : memref<153600x128xf32, #tpu.memory_space<hbm>> -> memref<8x128xf32, #tpu.memory_space<hbm>>
    %dma_wait3A_77 = arith.constant 8 : i32
    %dma_wait3A_78 = arith.constant 0 : i32
    %dma_wait3A_79 = tpu.memref_slice %arg8[%dma_wait3A_77, %dma_wait3A_78] : memref<32x129xf32, #tpu.memory_space<vmem>> -> memref<8x128xf32, #tpu.memory_space<vmem>>
    tpu.wait_dma2 semaphore(%arg12 : memref<!tpu.dma_semaphore, #tpu.memory_space<semaphore_mem>>) src(%dma_wait3A_79 : memref<8x128xf32, #tpu.memory_space<vmem>>) dst(%dma_wait3A_76 : memref<8x128xf32, #tpu.memory_space<hbm>>)
    %add3A_80 = arith.constant 64 : i32
    %add3A_81 = arith.addi %add3A_52, %add3A_80 : i32
    %mul3A_82 = arith.constant 8 : i32
    %mul3A_83 = arith.muli %add3A_81, %mul3A_82 : i32
    %dma_wait3A_84 = arith.constant 16 : i32
    %dma_wait3A_85 = arith.constant 0 : i32
    %dma_wait3A_86 = tpu.memref_slice %arg8[%dma_wait3A_84, %dma_wait3A_85] : memref<32x129xf32, #tpu.memory_space<vmem>> -> memref<8x128xf32, #tpu.memory_space<vmem>>
    %dma_wait3A_87 = arith.constant 0 : i32
    %dma_wait3A_88 = tpu.memref_slice %arg4[%mul3A_83, %dma_wait3A_87] : memref<153600x128xf32, #tpu.memory_space<hbm>> -> memref<8x128xf32, #tpu.memory_space<hbm>>
    %dma_wait3A_89 = arith.constant 0 : i32
    %dma_wait3A_90 = tpu.memref_slice %arg4[%mul3A_83, %dma_wait3A_89] : memref<153600x128xf32, #tpu.memory_space<hbm>> -> memref<8x128xf32, #tpu.memory_space<hbm>>
    %dma_wait3A_91 = arith.constant 16 : i32
    %dma_wait3A_92 = arith.constant 0 : i32
    %dma_wait3A_93 = tpu.memref_slice %arg8[%dma_wait3A_91, %dma_wait3A_92] : memref<32x129xf32, #tpu.memory_space<vmem>> -> memref<8x128xf32, #tpu.memory_space<vmem>>
    tpu.wait_dma2 semaphore(%arg12 : memref<!tpu.dma_semaphore, #tpu.memory_space<semaphore_mem>>) src(%dma_wait3A_93 : memref<8x128xf32, #tpu.memory_space<vmem>>) dst(%dma_wait3A_90 : memref<8x128xf32, #tpu.memory_space<hbm>>)
    %add3A_94 = arith.constant 96 : i32
    %add3A_95 = arith.addi %add3A_52, %add3A_94 : i32
    %mul3A_96 = arith.constant 8 : i32
    %mul3A_97 = arith.muli %add3A_95, %mul3A_96 : i32
    %dma_wait3A_98 = arith.constant 24 : i32
    %dma_wait3A_99 = arith.constant 0 : i32
    %dma_wait3A_100 = tpu.memref_slice %arg8[%dma_wait3A_98, %dma_wait3A_99] : memref<32x129xf32, #tpu.memory_space<vmem>> -> memref<8x128xf32, #tpu.memory_space<vmem>>
    %dma_wait3A_101 = arith.constant 0 : i32
    %dma_wait3A_102 = tpu.memref_slice %arg4[%mul3A_97, %dma_wait3A_101] : memref<153600x128xf32, #tpu.memory_space<hbm>> -> memref<8x128xf32, #tpu.memory_space<hbm>>
    %dma_wait3A_103 = arith.constant 0 : i32
    %dma_wait3A_104 = tpu.memref_slice %arg4[%mul3A_97, %dma_wait3A_103] : memref<153600x128xf32, #tpu.memory_space<hbm>> -> memref<8x128xf32, #tpu.memory_space<hbm>>
    %dma_wait3A_105 = arith.constant 24 : i32
    %dma_wait3A_106 = arith.constant 0 : i32
    %dma_wait3A_107 = tpu.memref_slice %arg8[%dma_wait3A_105, %dma_wait3A_106] : memref<32x129xf32, #tpu.memory_space<vmem>> -> memref<8x128xf32, #tpu.memory_space<vmem>>
    tpu.wait_dma2 semaphore(%arg12 : memref<!tpu.dma_semaphore, #tpu.memory_space<semaphore_mem>>) src(%dma_wait3A_107 : memref<8x128xf32, #tpu.memory_space<vmem>>) dst(%dma_wait3A_104 : memref<8x128xf32, #tpu.memory_space<hbm>>)
    %add3A_108 = arith.constant 149 : i32
    %add3A_109 = arith.addi %mul3A_2, %add3A_108 : i32
    %jit3A_110 = arith.constant 32 : i32
    %div3A_111 = arith.divsi %add3A_109, %jit3A_110 : i32
    %sign3A_112 = arith.constant 0 : i32
    %sign3A_113 = arith.cmpi sgt, %add3A_109, %sign3A_112 : i32
    %sign3A_114 = arith.extui %sign3A_113 : i1 to i32
    %sign3A_115 = arith.constant 0 : i32
    %sign3A_116 = arith.cmpi slt, %add3A_109, %sign3A_115 : i32
    %sign3A_117 = arith.extui %sign3A_116 : i1 to i32
    %sign3A_118 = arith.subi %sign3A_114, %sign3A_117 : i32
    %sign3A_119 = arith.constant 0 : i32
    %sign3A_120 = arith.cmpi sgt, %jit3A_110, %sign3A_119 : i32
    %sign3A_121 = arith.extui %sign3A_120 : i1 to i32
    %sign3A_122 = arith.constant 0 : i32
    %sign3A_123 = arith.cmpi slt, %jit3A_110, %sign3A_122 : i32
    %sign3A_124 = arith.extui %sign3A_123 : i1 to i32
    %sign3A_125 = arith.subi %sign3A_121, %sign3A_124 : i32
    %ne3A_126 = arith.cmpi ne, %sign3A_118, %sign3A_125 : i32
    %rem3A_127 = arith.remsi %add3A_109, %jit3A_110 : i32
    %ne3A_128 = arith.constant 0 : i32
    %ne3A_129 = arith.cmpi ne, %rem3A_127, %ne3A_128 : i32
    %and3A_130 = arith.andi %ne3A_126, %ne3A_129 : i1
    %sub3A_131 = arith.constant 1 : i32
    %sub3A_132 = arith.subi %div3A_111, %sub3A_131 : i32
    %select_n3A_133 = arith.select %and3A_130, %sub3A_132, %div3A_111 : i32
    %mul3A_134 = arith.constant 128 : i32
    %mul3A_135 = arith.muli %select_n3A_133, %mul3A_134 : i32
    %jit3A_136 = arith.constant 32 : i32
    %eq3A_137 = arith.constant 0 : i32
    %eq3A_138 = arith.cmpi eq, %jit3A_136, %eq3A_137 : i32
    %jit3A_139 = arith.constant 1 : i32
    %select_n3A_140 = arith.select %eq3A_138, %jit3A_139, %jit3A_136 : i32
    %rem3A_141 = arith.remsi %add3A_109, %select_n3A_140 : i32
    %ne3A_142 = arith.constant 0 : i32
    %ne3A_143 = arith.cmpi ne, %rem3A_141, %ne3A_142 : i32
    %lt3A_144 = arith.constant 0 : i32
    %lt3A_145 = arith.cmpi slt, %rem3A_141, %lt3A_144 : i32
    %lt3A_146 = arith.constant 0 : i32
    %lt3A_147 = arith.cmpi slt, %select_n3A_140, %lt3A_146 : i32
    %ne3A_148 = arith.xori %lt3A_145, %lt3A_147 : i1
    %and3A_149 = arith.andi %ne3A_148, %ne3A_143 : i1
    %add3A_150 = arith.addi %rem3A_141, %select_n3A_140 : i32
    %select_n3A_151 = arith.select %and3A_149, %add3A_150, %rem3A_141 : i32
    %add3A_152 = arith.addi %mul3A_135, %select_n3A_151 : i32
    %add3A_153 = arith.constant 0 : i32
    %add3A_154 = arith.addi %add3A_152, %add3A_153 : i32
    %mul3A_155 = arith.constant 8 : i32
    %mul3A_156 = arith.muli %add3A_154, %mul3A_155 : i32
    %dma_wait3A_157 = arith.constant 0 : i32
    %dma_wait3A_158 = arith.constant 0 : i32
    %dma_wait3A_159 = tpu.memref_slice %arg9[%dma_wait3A_157, %dma_wait3A_158] : memref<32x129xf32, #tpu.memory_space<vmem>> -> memref<8x128xf32, #tpu.memory_space<vmem>>
    %dma_wait3A_160 = arith.constant 0 : i32
    %dma_wait3A_161 = tpu.memref_slice %arg4[%mul3A_156, %dma_wait3A_160] : memref<153600x128xf32, #tpu.memory_space<hbm>> -> memref<8x128xf32, #tpu.memory_space<hbm>>
    %dma_wait3A_162 = arith.constant 0 : i32
    %dma_wait3A_163 = tpu.memref_slice %arg4[%mul3A_156, %dma_wait3A_162] : memref<153600x128xf32, #tpu.memory_space<hbm>> -> memref<8x128xf32, #tpu.memory_space<hbm>>
    %dma_wait3A_164 = arith.constant 0 : i32
    %dma_wait3A_165 = arith.constant 0 : i32
    %dma_wait3A_166 = tpu.memref_slice %arg9[%dma_wait3A_164, %dma_wait3A_165] : memref<32x129xf32, #tpu.memory_space<vmem>> -> memref<8x128xf32, #tpu.memory_space<vmem>>
    tpu.wait_dma2 semaphore(%arg13 : memref<!tpu.dma_semaphore, #tpu.memory_space<semaphore_mem>>) src(%dma_wait3A_166 : memref<8x128xf32, #tpu.memory_space<vmem>>) dst(%dma_wait3A_163 : memref<8x128xf32, #tpu.memory_space<hbm>>)
    %add3A_167 = arith.constant 32 : i32
    %add3A_168 = arith.addi %add3A_152, %add3A_167 : i32
    %mul3A_169 = arith.constant 8 : i32
    %mul3A_170 = arith.muli %add3A_168, %mul3A_169 : i32
    %dma_wait3A_171 = arith.constant 8 : i32
    %dma_wait3A_172 = arith.constant 0 : i32
    %dma_wait3A_173 = tpu.memref_slice %arg9[%dma_wait3A_171, %dma_wait3A_172] : memref<32x129xf32, #tpu.memory_space<vmem>> -> memref<8x128xf32, #tpu.memory_space<vmem>>
    %dma_wait3A_174 = arith.constant 0 : i32
    %dma_wait3A_175 = tpu.memref_slice %arg4[%mul3A_170, %dma_wait3A_174] : memref<153600x128xf32, #tpu.memory_space<hbm>> -> memref<8x128xf32, #tpu.memory_space<hbm>>
    %dma_wait3A_176 = arith.constant 0 : i32
    %dma_wait3A_177 = tpu.memref_slice %arg4[%mul3A_170, %dma_wait3A_176] : memref<153600x128xf32, #tpu.memory_space<hbm>> -> memref<8x128xf32, #tpu.memory_space<hbm>>
    %dma_wait3A_178 = arith.constant 8 : i32
    %dma_wait3A_179 = arith.constant 0 : i32
    %dma_wait3A_180 = tpu.memref_slice %arg9[%dma_wait3A_178, %dma_wait3A_179] : memref<32x129xf32, #tpu.memory_space<vmem>> -> memref<8x128xf32, #tpu.memory_space<vmem>>
    tpu.wait_dma2 semaphore(%arg13 : memref<!tpu.dma_semaphore, #tpu.memory_space<semaphore_mem>>) src(%dma_wait3A_180 : memref<8x128xf32, #tpu.memory_space<vmem>>) dst(%dma_wait3A_177 : memref<8x128xf32, #tpu.memory_space<hbm>>)
    %add3A_181 = arith.constant 64 : i32
    %add3A_182 = arith.addi %add3A_152, %add3A_181 : i32
    %mul3A_183 = arith.constant 8 : i32
    %mul3A_184 = arith.muli %add3A_182, %mul3A_183 : i32
    %dma_wait3A_185 = arith.constant 16 : i32
    %dma_wait3A_186 = arith.constant 0 : i32
    %dma_wait3A_187 = tpu.memref_slice %arg9[%dma_wait3A_185, %dma_wait3A_186] : memref<32x129xf32, #tpu.memory_space<vmem>> -> memref<8x128xf32, #tpu.memory_space<vmem>>
    %dma_wait3A_188 = arith.constant 0 : i32
    %dma_wait3A_189 = tpu.memref_slice %arg4[%mul3A_184, %dma_wait3A_188] : memref<153600x128xf32, #tpu.memory_space<hbm>> -> memref<8x128xf32, #tpu.memory_space<hbm>>
    %dma_wait3A_190 = arith.constant 0 : i32
    %dma_wait3A_191 = tpu.memref_slice %arg4[%mul3A_184, %dma_wait3A_190] : memref<153600x128xf32, #tpu.memory_space<hbm>> -> memref<8x128xf32, #tpu.memory_space<hbm>>
    %dma_wait3A_192 = arith.constant 16 : i32
    %dma_wait3A_193 = arith.constant 0 : i32
    %dma_wait3A_194 = tpu.memref_slice %arg9[%dma_wait3A_192, %dma_wait3A_193] : memref<32x129xf32, #tpu.memory_space<vmem>> -> memref<8x128xf32, #tpu.memory_space<vmem>>
    tpu.wait_dma2 semaphore(%arg13 : memref<!tpu.dma_semaphore, #tpu.memory_space<semaphore_mem>>) src(%dma_wait3A_194 : memref<8x128xf32, #tpu.memory_space<vmem>>) dst(%dma_wait3A_191 : memref<8x128xf32, #tpu.memory_space<hbm>>)
    %add3A_195 = arith.constant 96 : i32
    %add3A_196 = arith.addi %add3A_152, %add3A_195 : i32
    %mul3A_197 = arith.constant 8 : i32
    %mul3A_198 = arith.muli %add3A_196, %mul3A_197 : i32
    %dma_wait3A_199 = arith.constant 24 : i32
    %dma_wait3A_200 = arith.constant 0 : i32
    %dma_wait3A_201 = tpu.memref_slice %arg9[%dma_wait3A_199, %dma_wait3A_200] : memref<32x129xf32, #tpu.memory_space<vmem>> -> memref<8x128xf32, #tpu.memory_space<vmem>>
    %dma_wait3A_202 = arith.constant 0 : i32
    %dma_wait3A_203 = tpu.memref_slice %arg4[%mul3A_198, %dma_wait3A_202] : memref<153600x128xf32, #tpu.memory_space<hbm>> -> memref<8x128xf32, #tpu.memory_space<hbm>>
    %dma_wait3A_204 = arith.constant 0 : i32
    %dma_wait3A_205 = tpu.memref_slice %arg4[%mul3A_198, %dma_wait3A_204] : memref<153600x128xf32, #tpu.memory_space<hbm>> -> memref<8x128xf32, #tpu.memory_space<hbm>>
    %dma_wait3A_206 = arith.constant 24 : i32
    %dma_wait3A_207 = arith.constant 0 : i32
    %dma_wait3A_208 = tpu.memref_slice %arg9[%dma_wait3A_206, %dma_wait3A_207] : memref<32x129xf32, #tpu.memory_space<vmem>> -> memref<8x128xf32, #tpu.memory_space<vmem>>
    tpu.wait_dma2 semaphore(%arg13 : memref<!tpu.dma_semaphore, #tpu.memory_space<semaphore_mem>>) src(%dma_wait3A_208 : memref<8x128xf32, #tpu.memory_space<vmem>>) dst(%dma_wait3A_205 : memref<8x128xf32, #tpu.memory_space<hbm>>)
    return
  }
}

module attributes {stable_mosaic.version = 14 : i64} {
  func.func @body(%arg0: i32, %arg1: memref<32x16384xf32, #tpu.memory_space<vmem>>, %arg2: memref<4096x128xf32, #tpu.memory_space<vmem>>) attributes {dimension_semantics = [#tpu.dimension_semantics<arbitrary>], iteration_bounds = array<i64: 62>, scalar_prefetch = 0 : i64, scratch_operands = 0 : i64, tpu.core_type = #tpu.core_type<tc>, window_params = [{transform_indices = @transform_0, window_bounds = array<i64: 32, 16384>}, {transform_indices = @transform_1, window_bounds = array<i64: 4096, 128>}]} {
    %get3A = arith.constant 0 : index
    %get3A_0 = arith.constant 0 : index
    %get3A_1 = vector.load %arg1[%get3A, %get3A_0] : memref<32x16384xf32, #tpu.memory_space<vmem>>, vector<32x512xf32>
    %transpose3A = tpu.transpose %get3A_1, [1, 0] : vector<32x512xf32> -> vector<512x32xf32>
    %swap3A = arith.constant 0 : index
    %swap3A_2 = arith.constant 0 : index
    %swap3A_3 = vector.load %arg2[%swap3A, %swap3A_2] : memref<4096x128xf32, #tpu.memory_space<vmem>>, vector<512x32xf32>
    tpu.vector_store %arg2[%swap3A, %swap3A_2], %transpose3A {strides = array<i32>} : memref<4096x128xf32, #tpu.memory_space<vmem>>, vector<512x32xf32>,
    %get3A_4 = arith.constant 0 : index
    %get3A_5 = arith.constant 512 : index
    %get3A_6 = vector.load %arg1[%get3A_4, %get3A_5] : memref<32x16384xf32, #tpu.memory_space<vmem>>, vector<32x512xf32>
    %transpose3A_7 = tpu.transpose %get3A_6, [1, 0] : vector<32x512xf32> -> vector<512x32xf32>
    %swap3A_8 = arith.constant 0 : index
    %swap3A_9 = arith.constant 32 : index
    %swap3A_10 = vector.load %arg2[%swap3A_8, %swap3A_9] : memref<4096x128xf32, #tpu.memory_space<vmem>>, vector<512x32xf32>
    tpu.vector_store %arg2[%swap3A_8, %swap3A_9], %transpose3A_7 {strides = array<i32>} : memref<4096x128xf32, #tpu.memory_space<vmem>>, vector<512x32xf32>,
    %get3A_11 = arith.constant 0 : index
    %get3A_12 = arith.constant 1024 : index
    %get3A_13 = vector.load %arg1[%get3A_11, %get3A_12] : memref<32x16384xf32, #tpu.memory_space<vmem>>, vector<32x512xf32>
    %transpose3A_14 = tpu.transpose %get3A_13, [1, 0] : vector<32x512xf32> -> vector<512x32xf32>
    %swap3A_15 = arith.constant 0 : index
    %swap3A_16 = arith.constant 64 : index
    %swap3A_17 = vector.load %arg2[%swap3A_15, %swap3A_16] : memref<4096x128xf32, #tpu.memory_space<vmem>>, vector<512x32xf32>
    tpu.vector_store %arg2[%swap3A_15, %swap3A_16], %transpose3A_14 {strides = array<i32>} : memref<4096x128xf32, #tpu.memory_space<vmem>>, vector<512x32xf32>,
    %get3A_18 = arith.constant 0 : index
    %get3A_19 = arith.constant 1536 : index
    %get3A_20 = vector.load %arg1[%get3A_18, %get3A_19] : memref<32x16384xf32, #tpu.memory_space<vmem>>, vector<32x512xf32>
    %transpose3A_21 = tpu.transpose %get3A_20, [1, 0] : vector<32x512xf32> -> vector<512x32xf32>
    %swap3A_22 = arith.constant 0 : index
    %swap3A_23 = arith.constant 96 : index
    %swap3A_24 = vector.load %arg2[%swap3A_22, %swap3A_23] : memref<4096x128xf32, #tpu.memory_space<vmem>>, vector<512x32xf32>
    tpu.vector_store %arg2[%swap3A_22, %swap3A_23], %transpose3A_21 {strides = array<i32>} : memref<4096x128xf32, #tpu.memory_space<vmem>>, vector<512x32xf32>,
    %get3A_25 = arith.constant 0 : index
    %get3A_26 = arith.constant 2048 : index
    %get3A_27 = vector.load %arg1[%get3A_25, %get3A_26] : memref<32x16384xf32, #tpu.memory_space<vmem>>, vector<32x512xf32>
    %transpose3A_28 = tpu.transpose %get3A_27, [1, 0] : vector<32x512xf32> -> vector<512x32xf32>
    %swap3A_29 = arith.constant 512 : index
    %swap3A_30 = arith.constant 0 : index
    %swap3A_31 = vector.load %arg2[%swap3A_29, %swap3A_30] : memref<4096x128xf32, #tpu.memory_space<vmem>>, vector<512x32xf32>
    tpu.vector_store %arg2[%swap3A_29, %swap3A_30], %transpose3A_28 {strides = array<i32>} : memref<4096x128xf32, #tpu.memory_space<vmem>>, vector<512x32xf32>,
    %get3A_32 = arith.constant 0 : index
    %get3A_33 = arith.constant 2560 : index
    %get3A_34 = vector.load %arg1[%get3A_32, %get3A_33] : memref<32x16384xf32, #tpu.memory_space<vmem>>, vector<32x512xf32>
    %transpose3A_35 = tpu.transpose %get3A_34, [1, 0] : vector<32x512xf32> -> vector<512x32xf32>
    %swap3A_36 = arith.constant 512 : index
    %swap3A_37 = arith.constant 32 : index
    %swap3A_38 = vector.load %arg2[%swap3A_36, %swap3A_37] : memref<4096x128xf32, #tpu.memory_space<vmem>>, vector<512x32xf32>
    tpu.vector_store %arg2[%swap3A_36, %swap3A_37], %transpose3A_35 {strides = array<i32>} : memref<4096x128xf32, #tpu.memory_space<vmem>>, vector<512x32xf32>,
    %get3A_39 = arith.constant 0 : index
    %get3A_40 = arith.constant 3072 : index
    %get3A_41 = vector.load %arg1[%get3A_39, %get3A_40] : memref<32x16384xf32, #tpu.memory_space<vmem>>, vector<32x512xf32>
    %transpose3A_42 = tpu.transpose %get3A_41, [1, 0] : vector<32x512xf32> -> vector<512x32xf32>
    %swap3A_43 = arith.constant 512 : index
    %swap3A_44 = arith.constant 64 : index
    %swap3A_45 = vector.load %arg2[%swap3A_43, %swap3A_44] : memref<4096x128xf32, #tpu.memory_space<vmem>>, vector<512x32xf32>
    tpu.vector_store %arg2[%swap3A_43, %swap3A_44], %transpose3A_42 {strides = array<i32>} : memref<4096x128xf32, #tpu.memory_space<vmem>>, vector<512x32xf32>,
    %get3A_46 = arith.constant 0 : index
    %get3A_47 = arith.constant 3584 : index
    %get3A_48 = vector.load %arg1[%get3A_46, %get3A_47] : memref<32x16384xf32, #tpu.memory_space<vmem>>, vector<32x512xf32>
    %transpose3A_49 = tpu.transpose %get3A_48, [1, 0] : vector<32x512xf32> -> vector<512x32xf32>
    %swap3A_50 = arith.constant 512 : index
    %swap3A_51 = arith.constant 96 : index
    %swap3A_52 = vector.load %arg2[%swap3A_50, %swap3A_51] : memref<4096x128xf32, #tpu.memory_space<vmem>>, vector<512x32xf32>
    tpu.vector_store %arg2[%swap3A_50, %swap3A_51], %transpose3A_49 {strides = array<i32>} : memref<4096x128xf32, #tpu.memory_space<vmem>>, vector<512x32xf32>,
    %get3A_53 = arith.constant 0 : index
    %get3A_54 = arith.constant 4096 : index
    %get3A_55 = vector.load %arg1[%get3A_53, %get3A_54] : memref<32x16384xf32, #tpu.memory_space<vmem>>, vector<32x512xf32>
    %transpose3A_56 = tpu.transpose %get3A_55, [1, 0] : vector<32x512xf32> -> vector<512x32xf32>
    %swap3A_57 = arith.constant 1024 : index
    %swap3A_58 = arith.constant 0 : index
    %swap3A_59 = vector.load %arg2[%swap3A_57, %swap3A_58] : memref<4096x128xf32, #tpu.memory_space<vmem>>, vector<512x32xf32>
    tpu.vector_store %arg2[%swap3A_57, %swap3A_58], %transpose3A_56 {strides = array<i32>} : memref<4096x128xf32, #tpu.memory_space<vmem>>, vector<512x32xf32>,
    %get3A_60 = arith.constant 0 : index
    %get3A_61 = arith.constant 4608 : index
    %get3A_62 = vector.load %arg1[%get3A_60, %get3A_61] : memref<32x16384xf32, #tpu.memory_space<vmem>>, vector<32x512xf32>
    %transpose3A_63 = tpu.transpose %get3A_62, [1, 0] : vector<32x512xf32> -> vector<512x32xf32>
    %swap3A_64 = arith.constant 1024 : index
    %swap3A_65 = arith.constant 32 : index
    %swap3A_66 = vector.load %arg2[%swap3A_64, %swap3A_65] : memref<4096x128xf32, #tpu.memory_space<vmem>>, vector<512x32xf32>
    tpu.vector_store %arg2[%swap3A_64, %swap3A_65], %transpose3A_63 {strides = array<i32>} : memref<4096x128xf32, #tpu.memory_space<vmem>>, vector<512x32xf32>,
    %get3A_67 = arith.constant 0 : index
    %get3A_68 = arith.constant 5120 : index
    %get3A_69 = vector.load %arg1[%get3A_67, %get3A_68] : memref<32x16384xf32, #tpu.memory_space<vmem>>, vector<32x512xf32>
    %transpose3A_70 = tpu.transpose %get3A_69, [1, 0] : vector<32x512xf32> -> vector<512x32xf32>
    %swap3A_71 = arith.constant 1024 : index
    %swap3A_72 = arith.constant 64 : index
    %swap3A_73 = vector.load %arg2[%swap3A_71, %swap3A_72] : memref<4096x128xf32, #tpu.memory_space<vmem>>, vector<512x32xf32>
    tpu.vector_store %arg2[%swap3A_71, %swap3A_72], %transpose3A_70 {strides = array<i32>} : memref<4096x128xf32, #tpu.memory_space<vmem>>, vector<512x32xf32>,
    %get3A_74 = arith.constant 0 : index
    %get3A_75 = arith.constant 5632 : index
    %get3A_76 = vector.load %arg1[%get3A_74, %get3A_75] : memref<32x16384xf32, #tpu.memory_space<vmem>>, vector<32x512xf32>
    %transpose3A_77 = tpu.transpose %get3A_76, [1, 0] : vector<32x512xf32> -> vector<512x32xf32>
    %swap3A_78 = arith.constant 1024 : index
    %swap3A_79 = arith.constant 96 : index
    %swap3A_80 = vector.load %arg2[%swap3A_78, %swap3A_79] : memref<4096x128xf32, #tpu.memory_space<vmem>>, vector<512x32xf32>
    tpu.vector_store %arg2[%swap3A_78, %swap3A_79], %transpose3A_77 {strides = array<i32>} : memref<4096x128xf32, #tpu.memory_space<vmem>>, vector<512x32xf32>,
    %get3A_81 = arith.constant 0 : index
    %get3A_82 = arith.constant 6144 : index
    %get3A_83 = vector.load %arg1[%get3A_81, %get3A_82] : memref<32x16384xf32, #tpu.memory_space<vmem>>, vector<32x512xf32>
    %transpose3A_84 = tpu.transpose %get3A_83, [1, 0] : vector<32x512xf32> -> vector<512x32xf32>
    %swap3A_85 = arith.constant 1536 : index
    %swap3A_86 = arith.constant 0 : index
    %swap3A_87 = vector.load %arg2[%swap3A_85, %swap3A_86] : memref<4096x128xf32, #tpu.memory_space<vmem>>, vector<512x32xf32>
    tpu.vector_store %arg2[%swap3A_85, %swap3A_86], %transpose3A_84 {strides = array<i32>} : memref<4096x128xf32, #tpu.memory_space<vmem>>, vector<512x32xf32>,
    %get3A_88 = arith.constant 0 : index
    %get3A_89 = arith.constant 6656 : index
    %get3A_90 = vector.load %arg1[%get3A_88, %get3A_89] : memref<32x16384xf32, #tpu.memory_space<vmem>>, vector<32x512xf32>
    %transpose3A_91 = tpu.transpose %get3A_90, [1, 0] : vector<32x512xf32> -> vector<512x32xf32>
    %swap3A_92 = arith.constant 1536 : index
    %swap3A_93 = arith.constant 32 : index
    %swap3A_94 = vector.load %arg2[%swap3A_92, %swap3A_93] : memref<4096x128xf32, #tpu.memory_space<vmem>>, vector<512x32xf32>
    tpu.vector_store %arg2[%swap3A_92, %swap3A_93], %transpose3A_91 {strides = array<i32>} : memref<4096x128xf32, #tpu.memory_space<vmem>>, vector<512x32xf32>,
    %get3A_95 = arith.constant 0 : index
    %get3A_96 = arith.constant 7168 : index
    %get3A_97 = vector.load %arg1[%get3A_95, %get3A_96] : memref<32x16384xf32, #tpu.memory_space<vmem>>, vector<32x512xf32>
    %transpose3A_98 = tpu.transpose %get3A_97, [1, 0] : vector<32x512xf32> -> vector<512x32xf32>
    %swap3A_99 = arith.constant 1536 : index
    %swap3A_100 = arith.constant 64 : index
    %swap3A_101 = vector.load %arg2[%swap3A_99, %swap3A_100] : memref<4096x128xf32, #tpu.memory_space<vmem>>, vector<512x32xf32>
    tpu.vector_store %arg2[%swap3A_99, %swap3A_100], %transpose3A_98 {strides = array<i32>} : memref<4096x128xf32, #tpu.memory_space<vmem>>, vector<512x32xf32>,
    %get3A_102 = arith.constant 0 : index
    %get3A_103 = arith.constant 7680 : index
    %get3A_104 = vector.load %arg1[%get3A_102, %get3A_103] : memref<32x16384xf32, #tpu.memory_space<vmem>>, vector<32x512xf32>
    %transpose3A_105 = tpu.transpose %get3A_104, [1, 0] : vector<32x512xf32> -> vector<512x32xf32>
    %swap3A_106 = arith.constant 1536 : index
    %swap3A_107 = arith.constant 96 : index
    %swap3A_108 = vector.load %arg2[%swap3A_106, %swap3A_107] : memref<4096x128xf32, #tpu.memory_space<vmem>>, vector<512x32xf32>
    tpu.vector_store %arg2[%swap3A_106, %swap3A_107], %transpose3A_105 {strides = array<i32>} : memref<4096x128xf32, #tpu.memory_space<vmem>>, vector<512x32xf32>,
    %get3A_109 = arith.constant 0 : index
    %get3A_110 = arith.constant 8192 : index
    %get3A_111 = vector.load %arg1[%get3A_109, %get3A_110] : memref<32x16384xf32, #tpu.memory_space<vmem>>, vector<32x512xf32>
    %transpose3A_112 = tpu.transpose %get3A_111, [1, 0] : vector<32x512xf32> -> vector<512x32xf32>
    %swap3A_113 = arith.constant 2048 : index
    %swap3A_114 = arith.constant 0 : index
    %swap3A_115 = vector.load %arg2[%swap3A_113, %swap3A_114] : memref<4096x128xf32, #tpu.memory_space<vmem>>, vector<512x32xf32>
    tpu.vector_store %arg2[%swap3A_113, %swap3A_114], %transpose3A_112 {strides = array<i32>} : memref<4096x128xf32, #tpu.memory_space<vmem>>, vector<512x32xf32>,
    %get3A_116 = arith.constant 0 : index
    %get3A_117 = arith.constant 8704 : index
    %get3A_118 = vector.load %arg1[%get3A_116, %get3A_117] : memref<32x16384xf32, #tpu.memory_space<vmem>>, vector<32x512xf32>
    %transpose3A_119 = tpu.transpose %get3A_118, [1, 0] : vector<32x512xf32> -> vector<512x32xf32>
    %swap3A_120 = arith.constant 2048 : index
    %swap3A_121 = arith.constant 32 : index
    %swap3A_122 = vector.load %arg2[%swap3A_120, %swap3A_121] : memref<4096x128xf32, #tpu.memory_space<vmem>>, vector<512x32xf32>
    tpu.vector_store %arg2[%swap3A_120, %swap3A_121], %transpose3A_119 {strides = array<i32>} : memref<4096x128xf32, #tpu.memory_space<vmem>>, vector<512x32xf32>,
    %get3A_123 = arith.constant 0 : index
    %get3A_124 = arith.constant 9216 : index
    %get3A_125 = vector.load %arg1[%get3A_123, %get3A_124] : memref<32x16384xf32, #tpu.memory_space<vmem>>, vector<32x512xf32>
    %transpose3A_126 = tpu.transpose %get3A_125, [1, 0] : vector<32x512xf32> -> vector<512x32xf32>
    %swap3A_127 = arith.constant 2048 : index
    %swap3A_128 = arith.constant 64 : index
    %swap3A_129 = vector.load %arg2[%swap3A_127, %swap3A_128] : memref<4096x128xf32, #tpu.memory_space<vmem>>, vector<512x32xf32>
    tpu.vector_store %arg2[%swap3A_127, %swap3A_128], %transpose3A_126 {strides = array<i32>} : memref<4096x128xf32, #tpu.memory_space<vmem>>, vector<512x32xf32>,
    %get3A_130 = arith.constant 0 : index
    %get3A_131 = arith.constant 9728 : index
    %get3A_132 = vector.load %arg1[%get3A_130, %get3A_131] : memref<32x16384xf32, #tpu.memory_space<vmem>>, vector<32x512xf32>
    %transpose3A_133 = tpu.transpose %get3A_132, [1, 0] : vector<32x512xf32> -> vector<512x32xf32>
    %swap3A_134 = arith.constant 2048 : index
    %swap3A_135 = arith.constant 96 : index
    %swap3A_136 = vector.load %arg2[%swap3A_134, %swap3A_135] : memref<4096x128xf32, #tpu.memory_space<vmem>>, vector<512x32xf32>
    tpu.vector_store %arg2[%swap3A_134, %swap3A_135], %transpose3A_133 {strides = array<i32>} : memref<4096x128xf32, #tpu.memory_space<vmem>>, vector<512x32xf32>,
    %get3A_137 = arith.constant 0 : index
    %get3A_138 = arith.constant 10240 : index
    %get3A_139 = vector.load %arg1[%get3A_137, %get3A_138] : memref<32x16384xf32, #tpu.memory_space<vmem>>, vector<32x512xf32>
    %transpose3A_140 = tpu.transpose %get3A_139, [1, 0] : vector<32x512xf32> -> vector<512x32xf32>
    %swap3A_141 = arith.constant 2560 : index
    %swap3A_142 = arith.constant 0 : index
    %swap3A_143 = vector.load %arg2[%swap3A_141, %swap3A_142] : memref<4096x128xf32, #tpu.memory_space<vmem>>, vector<512x32xf32>
    tpu.vector_store %arg2[%swap3A_141, %swap3A_142], %transpose3A_140 {strides = array<i32>} : memref<4096x128xf32, #tpu.memory_space<vmem>>, vector<512x32xf32>,
    %get3A_144 = arith.constant 0 : index
    %get3A_145 = arith.constant 10752 : index
    %get3A_146 = vector.load %arg1[%get3A_144, %get3A_145] : memref<32x16384xf32, #tpu.memory_space<vmem>>, vector<32x512xf32>
    %transpose3A_147 = tpu.transpose %get3A_146, [1, 0] : vector<32x512xf32> -> vector<512x32xf32>
    %swap3A_148 = arith.constant 2560 : index
    %swap3A_149 = arith.constant 32 : index
    %swap3A_150 = vector.load %arg2[%swap3A_148, %swap3A_149] : memref<4096x128xf32, #tpu.memory_space<vmem>>, vector<512x32xf32>
    tpu.vector_store %arg2[%swap3A_148, %swap3A_149], %transpose3A_147 {strides = array<i32>} : memref<4096x128xf32, #tpu.memory_space<vmem>>, vector<512x32xf32>,
    %get3A_151 = arith.constant 0 : index
    %get3A_152 = arith.constant 11264 : index
    %get3A_153 = vector.load %arg1[%get3A_151, %get3A_152] : memref<32x16384xf32, #tpu.memory_space<vmem>>, vector<32x512xf32>
    %transpose3A_154 = tpu.transpose %get3A_153, [1, 0] : vector<32x512xf32> -> vector<512x32xf32>
    %swap3A_155 = arith.constant 2560 : index
    %swap3A_156 = arith.constant 64 : index
    %swap3A_157 = vector.load %arg2[%swap3A_155, %swap3A_156] : memref<4096x128xf32, #tpu.memory_space<vmem>>, vector<512x32xf32>
    tpu.vector_store %arg2[%swap3A_155, %swap3A_156], %transpose3A_154 {strides = array<i32>} : memref<4096x128xf32, #tpu.memory_space<vmem>>, vector<512x32xf32>,
    %get3A_158 = arith.constant 0 : index
    %get3A_159 = arith.constant 11776 : index
    %get3A_160 = vector.load %arg1[%get3A_158, %get3A_159] : memref<32x16384xf32, #tpu.memory_space<vmem>>, vector<32x512xf32>
    %transpose3A_161 = tpu.transpose %get3A_160, [1, 0] : vector<32x512xf32> -> vector<512x32xf32>
    %swap3A_162 = arith.constant 2560 : index
    %swap3A_163 = arith.constant 96 : index
    %swap3A_164 = vector.load %arg2[%swap3A_162, %swap3A_163] : memref<4096x128xf32, #tpu.memory_space<vmem>>, vector<512x32xf32>
    tpu.vector_store %arg2[%swap3A_162, %swap3A_163], %transpose3A_161 {strides = array<i32>} : memref<4096x128xf32, #tpu.memory_space<vmem>>, vector<512x32xf32>,
    %get3A_165 = arith.constant 0 : index
    %get3A_166 = arith.constant 12288 : index
    %get3A_167 = vector.load %arg1[%get3A_165, %get3A_166] : memref<32x16384xf32, #tpu.memory_space<vmem>>, vector<32x512xf32>
    %transpose3A_168 = tpu.transpose %get3A_167, [1, 0] : vector<32x512xf32> -> vector<512x32xf32>
    %swap3A_169 = arith.constant 3072 : index
    %swap3A_170 = arith.constant 0 : index
    %swap3A_171 = vector.load %arg2[%swap3A_169, %swap3A_170] : memref<4096x128xf32, #tpu.memory_space<vmem>>, vector<512x32xf32>
    tpu.vector_store %arg2[%swap3A_169, %swap3A_170], %transpose3A_168 {strides = array<i32>} : memref<4096x128xf32, #tpu.memory_space<vmem>>, vector<512x32xf32>,
    %get3A_172 = arith.constant 0 : index
    %get3A_173 = arith.constant 12800 : index
    %get3A_174 = vector.load %arg1[%get3A_172, %get3A_173] : memref<32x16384xf32, #tpu.memory_space<vmem>>, vector<32x512xf32>
    %transpose3A_175 = tpu.transpose %get3A_174, [1, 0] : vector<32x512xf32> -> vector<512x32xf32>
    %swap3A_176 = arith.constant 3072 : index
    %swap3A_177 = arith.constant 32 : index
    %swap3A_178 = vector.load %arg2[%swap3A_176, %swap3A_177] : memref<4096x128xf32, #tpu.memory_space<vmem>>, vector<512x32xf32>
    tpu.vector_store %arg2[%swap3A_176, %swap3A_177], %transpose3A_175 {strides = array<i32>} : memref<4096x128xf32, #tpu.memory_space<vmem>>, vector<512x32xf32>,
    %get3A_179 = arith.constant 0 : index
    %get3A_180 = arith.constant 13312 : index
    %get3A_181 = vector.load %arg1[%get3A_179, %get3A_180] : memref<32x16384xf32, #tpu.memory_space<vmem>>, vector<32x512xf32>
    %transpose3A_182 = tpu.transpose %get3A_181, [1, 0] : vector<32x512xf32> -> vector<512x32xf32>
    %swap3A_183 = arith.constant 3072 : index
    %swap3A_184 = arith.constant 64 : index
    %swap3A_185 = vector.load %arg2[%swap3A_183, %swap3A_184] : memref<4096x128xf32, #tpu.memory_space<vmem>>, vector<512x32xf32>
    tpu.vector_store %arg2[%swap3A_183, %swap3A_184], %transpose3A_182 {strides = array<i32>} : memref<4096x128xf32, #tpu.memory_space<vmem>>, vector<512x32xf32>,
    %get3A_186 = arith.constant 0 : index
    %get3A_187 = arith.constant 13824 : index
    %get3A_188 = vector.load %arg1[%get3A_186, %get3A_187] : memref<32x16384xf32, #tpu.memory_space<vmem>>, vector<32x512xf32>
    %transpose3A_189 = tpu.transpose %get3A_188, [1, 0] : vector<32x512xf32> -> vector<512x32xf32>
    %swap3A_190 = arith.constant 3072 : index
    %swap3A_191 = arith.constant 96 : index
    %swap3A_192 = vector.load %arg2[%swap3A_190, %swap3A_191] : memref<4096x128xf32, #tpu.memory_space<vmem>>, vector<512x32xf32>
    tpu.vector_store %arg2[%swap3A_190, %swap3A_191], %transpose3A_189 {strides = array<i32>} : memref<4096x128xf32, #tpu.memory_space<vmem>>, vector<512x32xf32>,
    %get3A_193 = arith.constant 0 : index
    %get3A_194 = arith.constant 14336 : index
    %get3A_195 = vector.load %arg1[%get3A_193, %get3A_194] : memref<32x16384xf32, #tpu.memory_space<vmem>>, vector<32x512xf32>
    %transpose3A_196 = tpu.transpose %get3A_195, [1, 0] : vector<32x512xf32> -> vector<512x32xf32>
    %swap3A_197 = arith.constant 3584 : index
    %swap3A_198 = arith.constant 0 : index
    %swap3A_199 = vector.load %arg2[%swap3A_197, %swap3A_198] : memref<4096x128xf32, #tpu.memory_space<vmem>>, vector<512x32xf32>
    tpu.vector_store %arg2[%swap3A_197, %swap3A_198], %transpose3A_196 {strides = array<i32>} : memref<4096x128xf32, #tpu.memory_space<vmem>>, vector<512x32xf32>,
    %get3A_200 = arith.constant 0 : index
    %get3A_201 = arith.constant 14848 : index
    %get3A_202 = vector.load %arg1[%get3A_200, %get3A_201] : memref<32x16384xf32, #tpu.memory_space<vmem>>, vector<32x512xf32>
    %transpose3A_203 = tpu.transpose %get3A_202, [1, 0] : vector<32x512xf32> -> vector<512x32xf32>
    %swap3A_204 = arith.constant 3584 : index
    %swap3A_205 = arith.constant 32 : index
    %swap3A_206 = vector.load %arg2[%swap3A_204, %swap3A_205] : memref<4096x128xf32, #tpu.memory_space<vmem>>, vector<512x32xf32>
    tpu.vector_store %arg2[%swap3A_204, %swap3A_205], %transpose3A_203 {strides = array<i32>} : memref<4096x128xf32, #tpu.memory_space<vmem>>, vector<512x32xf32>,
    %get3A_207 = arith.constant 0 : index
    %get3A_208 = arith.constant 15360 : index
    %get3A_209 = vector.load %arg1[%get3A_207, %get3A_208] : memref<32x16384xf32, #tpu.memory_space<vmem>>, vector<32x512xf32>
    %transpose3A_210 = tpu.transpose %get3A_209, [1, 0] : vector<32x512xf32> -> vector<512x32xf32>
    %swap3A_211 = arith.constant 3584 : index
    %swap3A_212 = arith.constant 64 : index
    %swap3A_213 = vector.load %arg2[%swap3A_211, %swap3A_212] : memref<4096x128xf32, #tpu.memory_space<vmem>>, vector<512x32xf32>
    tpu.vector_store %arg2[%swap3A_211, %swap3A_212], %transpose3A_210 {strides = array<i32>} : memref<4096x128xf32, #tpu.memory_space<vmem>>, vector<512x32xf32>,
    %get3A_214 = arith.constant 0 : index
    %get3A_215 = arith.constant 15872 : index
    %get3A_216 = vector.load %arg1[%get3A_214, %get3A_215] : memref<32x16384xf32, #tpu.memory_space<vmem>>, vector<32x512xf32>
    %transpose3A_217 = tpu.transpose %get3A_216, [1, 0] : vector<32x512xf32> -> vector<512x32xf32>
    %swap3A_218 = arith.constant 3584 : index
    %swap3A_219 = arith.constant 96 : index
    %swap3A_220 = vector.load %arg2[%swap3A_218, %swap3A_219] : memref<4096x128xf32, #tpu.memory_space<vmem>>, vector<512x32xf32>
    tpu.vector_store %arg2[%swap3A_218, %swap3A_219], %transpose3A_217 {strides = array<i32>} : memref<4096x128xf32, #tpu.memory_space<vmem>>, vector<512x32xf32>,
    return
  }
  func.func @transform_0(%arg0: i32) -> (i32, i32) {
    %c0_i32 = arith.constant 0 : i32
    %c0_i32_0 = arith.constant 0 : i32
    return %c0_i32, %arg0 : i32, i32
  }
  func.func @transform_1(%arg0: i32) -> (i32, i32) {
    %c0_i32 = arith.constant 0 : i32
    %c0_i32_0 = arith.constant 0 : i32
    return %arg0, %c0_i32 : i32, i32
  }
}

</mosaic_0001>

<sc_bundles>
// kernel: kernel.4.cloned.1.call-start
scs
__scs_entry_jumppad:
0x0: {  	(pc) =	sbr.rel $0x88, $3  }
0x1: {  	(tag) =	ssettag $0x0;
	lr =	simm.s32 $0x1  }
0x2: {  	[smem:$0x3F9D] =	sst lr;
	_ =	strace $0xD0000000  }
0x3: {  	_ = 	snop  }
0x4: {  	_ = 	snop  }
0x5: {  	_ = 	snop  }
0x6: {  	_ = 	snop  }
0x7: {  	_ = 	snop  }
__scs_overlays_trampoline_lowered:
0x8: {  	[smem:$0x3FAC] =	sst s0  }
0x9: {  	[smem:$0x3FAD] =	sst s1  }
0xa: {  	[smem:$0x3FAE] =	sst s2  }
0xb: {  	[smem:$0x3FAF] =	sst s3  }
0xc: {  	[smem:$0x3FB0] =	sst s4  }
0xd: {  	[smem:$0x3FB1] =	sst s5  }
0xe: {  	[smem:$0x3FB2] =	sst s6  }
0xf: {  	[smem:$0x3FB3] =	sst s7  }
0x10: {  	[smem:$0x3FB4] =	sst s8  }
0x11: {  	[smem:$0x3FB5] =	sst s9;
	s0 =	simm.s32 @!p0 $0x0  }
0x12: {  	s1 =	sld [smem:$0x3F9B];
	s0 =	simm.s32 @p0 $0x1  }
0x13: {  	[smem:$0x3FB6] =	sst s0;
	s0 =	simm.s32 @!p1 $0x0  }
0x14: {  	s2 =	sld [smem:$0x3F9A];
	s0 =	simm.s32 @p1 $0x1  }
0x15: {  	[smem:$0x3FB7] =	sst s0;
	s0 =	simm.s32 @!p2 $0x0  }
0x16: {  	s3 =	sld [smem:$0x3FDB];
	s0 =	simm.s32 @p2 $0x1  }
0x17: {  	s4 =	simm.s32 $0x1BF5;
	[smem:$0x3FB9] =	sst s0  }
0x18: {  	s0 =	sld [smem:$0x3F9C];
	_ =	swait.ge [sflag:s4], $0x0  }
0x19: {  	s7 =	sld [smem:$0x3F9D]  }
0x1a: {  	s8 =	sadd.s32 $0xFFFFE003, lr  }
0x1b: {  	s9 =	sadd.s32 $0xFFFFFEF7, lr;
	s5 =	simm.s32 $0xFFFFFFFF;
	p2 =	slt.u32 s8, $0xFFFFF086  }
0x1c: {  	p1 =	slt.u32 s9, $0xF7A;
	s5 =	simm.s32 @!p2 $0x0  }
0x1d: {  	s5 =	simm.s32 @p1 $0x1;
	p0 =	seq.s32 s7, s2  }
0x1e: {  	s7 =	smul.u32 @!p0 $0xF7A, s2;
	p2 =	seq.s32 @!p0 s5, $0x0  }
0x1f: {  	s9 =	smul.u32 $0xF7A, s1;
	s8 =	simm.s32 @!p0 $0x1BF5;
	p2 =	por !p2, p0  }
0x20: {  	[sflag:s8] =	ssyncset.s32 @!p0 $0xFFFFF086;
	s6 =	sadd.s32 @!p0 s3, s7;
	s7 =	simm.s32 @!p0 $0x108  }
0x21: {  	s3 =	sadd.s32 s3, s9;
	s6 =	sadd.s32 @!p0 $0x88, s6;
	s7 =	simm.s32 @p2 $0x1082  }
0x22: {  	[simem:s7], [sflag:s8] =	dma.local @!p0 [hbm:s6], $0xF7A  }
0x23: {  	s9 =	sor.u32 $0xD0000000, s2;
	s6 =	simm.s32 $0x108;
	_ =	swait.ge @!p0 [sflag:s8], $0x0  }
0x24: {  	s3 =	sadd.s32 $0x88, s3;
	s6 =	simm.s32 @!p1 $0x1082;
	[sflag:s4] =	ssyncset.s32 $0xFFFFF086  }
0x25: {  	[simem:s6], [sflag:s4] =	dma.local [hbm:s3], $0xF7A  }
0x26: {  	[smem:$0x3F9D] =	sst s1;
	(tag) =	ssettag s2;
	_ =	strace s9  }
0x27: {  	s1 =	sld [smem:$0x3FAD]  }
0x28: {  	s2 =	sld [smem:$0x3FAE]  }
0x29: {  	s4 =	sld [smem:$0x3FB0]  }
0x2a: {  	p0 =	seq.s32 s5, $0x0;
	s5 =	sld [smem:$0x3FB1]  }
0x2b: {  	s6 =	sld [smem:$0x3FB2]  }
0x2c: {  	s7 =	sld [smem:$0x3FB3]  }
0x2d: {  	s3 =	simm.s32 $0x108;
	s8 =	sld [smem:$0x3FB4]  }
0x2e: {  	s3 =	simm.s32 @!p0 $0x1082;
	s9 =	sld [smem:$0x3FB5]  }
0x2f: {  	lr =	sadd.s32 s0, s3;
	s0 =	sld [smem:$0x3FAC]  }
0x30: {  	s3 =	sld [smem:$0x3FAF]  }
0x31: {  	[smem:$0x3FB8] =	sst s10  }
0x32: {  	s10 =	sld [smem:$0x3FB6];
	_ =	sdelay $0x3  }
0x33: {  	p0 =	seq.s32 s10, $0x1;
	s10 =	sld [smem:$0x3FB8];
	_ =	sdelay $0x3  }
0x34: {  	[smem:$0x3FB8] =	sst s10  }
0x35: {  	s10 =	sld [smem:$0x3FB7];
	_ =	sdelay $0x3  }
0x36: {  	p1 =	seq.s32 s10, $0x1;
	s10 =	sld [smem:$0x3FB8];
	_ =	sdelay $0x3  }
0x37: {  	[smem:$0x3FB8] =	sst s10  }
0x38: {  	s10 =	sld [smem:$0x3FB9]  }
0x39: {  	_ = 	snop;
	(pc) =	sbr.ind lr, $3  }
0x3a: {  	_ = 	snop  }
0x3b: {  	_ = 	snop  }
0x3c: {  	p2 =	seq.s32 s10, $0x1;
	s10 =	sld [smem:$0x3FB8]  }
0x3d: {  	_ =	shalt  }
0x3e: {  	_ =	shalt  }
0x3f: {  	_ =	shalt  }
0x40: {  	_ =	shalt  }
0x41: {  	_ =	shalt  }
0x42: {  	_ =	shalt  }
0x43: {  	_ =	shalt  }
0x44: {  	_ =	shalt  }
0x45: {  	_ =	shalt  }
0x46: {  	_ =	shalt  }
0x47: {  	_ =	shalt  }
0x48: {  	_ =	shalt  }
0x49: {  	_ =	shalt  }
0x4a: {  	_ =	shalt  }
0x4b: {  	_ =	shalt  }
0x4c: {  	_ =	shalt  }
0x4d: {  	_ =	shalt  }
0x4e: {  	_ =	shalt  }
0x4f: {  	_ =	shalt  }
0x50: {  	_ =	shalt  }
0x51: {  	_ =	shalt  }
0x52: {  	_ =	shalt  }
0x53: {  	_ =	shalt  }
0x54: {  	_ =	shalt  }
0x55: {  	_ =	shalt  }
0x56: {  	_ =	shalt  }
0x57: {  	_ =	shalt  }
0x58: {  	_ =	shalt  }
0x59: {  	_ =	shalt  }
0x5a: {  	_ =	shalt  }
0x5b: {  	_ =	shalt  }
0x5c: {  	_ =	shalt  }
0x5d: {  	_ =	shalt  }
0x5e: {  	_ =	shalt  }
0x5f: {  	_ =	shalt  }
0x60: {  	_ =	shalt  }
0x61: {  	_ =	shalt  }
0x62: {  	_ =	shalt  }
0x63: {  	_ =	shalt  }
0x64: {  	_ =	shalt  }
0x65: {  	_ =	shalt  }
0x66: {  	_ =	shalt  }
0x67: {  	_ =	shalt  }
0x68: {  	_ =	shalt  }
0x69: {  	_ =	shalt  }
0x6a: {  	_ =	shalt  }
0x6b: {  	_ =	shalt  }
0x6c: {  	_ =	shalt  }
0x6d: {  	_ =	shalt  }
0x6e: {  	_ =	shalt  }
0x6f: {  	_ =	shalt  }
0x70: {  	_ =	shalt  }
0x71: {  	_ =	shalt  }
0x72: {  	_ =	shalt  }
0x73: {  	_ =	shalt  }
0x74: {  	_ =	shalt  }
0x75: {  	_ =	shalt  }
0x76: {  	_ =	shalt  }
0x77: {  	_ =	shalt  }
0x78: {  	_ =	shalt  }
0x79: {  	_ =	shalt  }
0x7a: {  	_ =	shalt  }
0x7b: {  	_ =	shalt  }
0x7c: {  	_ =	shalt  }
0x7d: {  	_ =	shalt  }
0x7e: {  	_ =	shalt  }
0x7f: {  	_ =	shalt  }
0x80: {  	_ =	shalt  }
0x81: {  	_ =	shalt  }
0x82: {  	_ =	shalt  }
0x83: {  	_ =	shalt  }
0x84: {  	_ =	shalt  }
0x85: {  	_ =	shalt  }
0x86: {  	_ =	shalt  }
0x87: {  	_ =	shalt  }
.Lfunc_end0:
.L_simem_size_0:
called_computation_lowered:
.L_overlay_start_0:
0x88: {  	s2 =	sld [smem:$0x3FD9]  }
0x89: {  	s3 =	sld [smem:$0x3FFE];
	_ =	sdelay $0x1  }
0x8a: {  	s1 =	srdreg.scid  }
0x8b: {  	s0 =	sand.u32 $0x1, s1  }
0x8c: {  	s17 =	sshll.u32 s0, $0xA;
	s2 =	sadd.s32 s3, s2  }
0x8d: {  	s2 =	sadd.s32 s2, s17  }
0x8e: {  	[smem:$0x3FC4] =	sst s2  }
0x8f: {  	_ = 	snop  }
0x90: {  	s2 =	sld [smem:$0x3FD0];
	(tm) =	ssettm $0x1  }
0x91: {  	s18 =	sld [smem:$0x3FFB];
	_ =	sdelay $0x3  }
0x92: {  	_ =	strace s18  }
0x93: {  	s3 =	sld [smem:$0x3FFC];
	_ =	sdelay $0x3  }
0x94: {  	_ =	strace s3  }
0x95: {  	s3 =	sld [smem:$0x3FFD];
	_ =	sdelay $0x3  }
0x96: {  	_ =	strace s3  }
0x97: {  	_ =	strace $0x8FFFFFFF  }
0x98: {  	s19 =	sld [smem:$0x3FDB];
	_ =	sdelay $0x1  }
0x99: {  	s4 =	simm.s32 $_scs_section_size  }
0x9a: {  	s5 =	simm.s32 $_size__tile_overlayer_lowered;
	s6 =	simm.s32 $_tile_overlayer_lowered  }
0x9b: {  	s22 =	simm.s32 $0x1BFF;
	s21 =	sshll.u32 s6, $0x1;
	s3 =	sadd.s32 s4, s19  }
0x9c: {  	s7 =	simm.s32 $0x0;
	s20 =	sshll.u32 s5, $0x1;
	s5 =	sadd.s32 s21, s3  }
0x9d: {  	[timem:s7], [sflag:s22] =	dma.local [hbm:s5], s20  }
0x9e: {  	_ =	swait.ge [sflag:s22], s20  }
0x9f: {  	s4 =	ssub.s32 $0x0, s20;
	[sflag:s22] =	ssyncset.done $0x0  }
0xa0: {  	[sflag:s22] =	ssyncadd.s32 s4;
	_ =	sdelay $0x1  }
0xa1: {  	s23 =	simm.s32 $0x1B8B  }
0xa2: {  	_ =	swait.ge [sflag:s23], $0x1  }
0xa3: {  	[sflag:s23] =	ssyncset.done $0x0  }
0xa4: {  	s25 =	simm.s32 $0x1B8E;
	s24 =	sld [smem:$0x3FFE];
	[sflag:s23] =	ssyncadd.s32 $0xFFFFFFFF  }
0xa5: {  	s26 =	simm.s32 $execute0_lowered;
	[smem:$0x3FD2] =	sst s25  }
0xa6: {  	s5 =	sshll.u32 s26, $0x1;
	_ =	strace $0x80000046;
	[dreg:$0x1] =	wrdreg $0xFFFFFFFF  }
0xa7: {  	s28 =	simm.s32 $_size_execute0_lowered;
	s3 =	sadd.s32 s3, s5;
	[dreg:$0x0] =	wrdreg $0x0  }
0xa8: {  	s5 =	sshll.u32 s28, $0x1;
	[dreg:$0x2] =	wrdreg s3  }
0xa9: {  	[dreg:$0x3] =	wrdreg s5  }
0xaa: {  	[dreg:$0x4] =	wrdreg $0xC0  }
0xab: {  	_ =	task [dreg:s7], $0x5FFFF  }
0xac: {  	[dreg:$0x1] =	wrdreg $0xFFFFFFFF  }
0xad: {  	[dreg:$0x0] =	wrdreg $0x60  }
0xae: {  	[dreg:$0x2] =	wrdreg s24  }
0xaf: {  	[dreg:$0x3] =	wrdreg s2  }
0xb0: {  	[dreg:$0x4] =	wrdreg $0x9  }
0xb1: {  	_ =	task.clear_ibuf [dreg:s7], $0x5FFFF;
	_ =	strace $0x90000046  }
0xb2: {  	s29 =	simm.s32 $0x9;
	_ =	strace $0x80000048  }
0xb3: {  	_ =	swait.ge [sflag:s29], $0x1  }
0xb4: {  	[sflag:s29] =	ssyncadd.s32 $0xFFFFFFFF  }
0xb5: {  	_ =	strace $0x90000048  }
0xb6: {  	_ =	sfence  }
0xb7: {  	s30 =	sld [smem:$0x0];
	_ =	sdelay $0x2  }
0xb8: {  	s31 =	sshll.u32 s1, $0xD;
	s1 =	sshrl.u32 s1, $0x2  }
0xb9: {  	s3 =	sand.u32 $0x4000, s31;
	s1 =	sadd.s32 s1, s30  }
0xba: {  	s0 =	sor.u32 s3, s0;
	s1 =	sshll.u32 s1, $0x11  }
0xbb: {  	s0 =	sor.u32 s1, s0  }
0xbc: {  	s0 =	sadd.s32 $0x8F2B, s0  }
0xbd: {  	[sflag:s0] =	ssyncadd.remote.s32 $0x1  }
0xbe: {  	_ =	sfence.sel $0xFFFF  }
0xbf: {  	[dreg:$0x0] =	wrdreg $0xFFFFFFFF;
	(pc) =	sbr.abs _section_cstart, $3  }
0xc0: {  	[dreg:$0x1] =	wrdreg $0xFFFFFFFF  }
0xc1: {  	_ =	task.clear_ibuf [dreg:s7], $0x2FFFF;
	_ =	strace $0x9FFFFFFF  }
0xc2: {  	(tm) =	ssettm $0x7FFFFFFF  }
0xc3: {  	_ =	shalt  }
tec
execute0_lowered:
.L_overlay_start_1:
0x0: {  	(tag) =	ssettag $0x1  }
0x1: {  	v0 =	vlaneseq.u32  }
0x2: {  	v0 =	vmul.u32 $0x88, v0  }
0x3: {  	s0 =	rddreg [dreg:$0x0];
	s3 =	simm.s32 $0x0  }
0x4: {  	[smem:$0x7FF] =	sst s3;
	v1 =	vadd.s32 $0x880, v0  }
0x5: {  	s2 =	rddreg [dreg:$0x1];
	_ =	strace $0x80000047;
	v6 =	vor.u32 $0x1, v0;
	[tilespmem:$0x1FC10] =	vst v1  }
0x6: {  	v7 =	vadd.s32 $0x881, v0;
	[tilespmem:$0x1FC30] =	vst v6  }
0x7: {  	v8 =	vor.u32 $0x2, v0;
	[tilespmem:$0x1FC40] =	vst v7  }
0x8: {  	v9 =	vadd.s32 $0x882, v0;
	[tilespmem:$0x1FC50] =	vst v8  }
0x9: {  	v10 =	vor.u32 $0x3, v0;
	[tilespmem:$0x1FC60] =	vst v9  }
0xa: {  	v11 =	vadd.s32 $0x883, v0;
	[tilespmem:$0x1FC70] =	vst v10  }
0xb: {  	v12 =	vor.u32 $0x4, v0;
	[tilespmem:$0x1FC80] =	vst v11  }
0xc: {  	v13 =	vadd.s32 $0x884, v0;
	[tilespmem:$0x1FC90] =	vst v12  }
0xd: {  	v14 =	vor.u32 $0x5, v0;
	[tilespmem:$0x1FCA0] =	vst v13  }
0xe: {  	v15 =	vadd.s32 $0x885, v0;
	[tilespmem:$0x1FCB0] =	vst v14  }
0xf: {  	v16 =	vor.u32 $0x6, v0;
	[tilespmem:$0x1FCC0] =	vst v15  }
0x10: {  	v17 =	vadd.s32 $0x886, v0;
	[tilespmem:$0x1FCD0] =	vst v16  }
0x11: {  	v18 =	vor.u32 $0x7, v0;
	[tilespmem:$0x1FCE0] =	vst v17  }
0x12: {  	v19 =	vadd.s32 $0x887, v0;
	[tilespmem:$0x1FCF0] =	vst v18  }
0x13: {  	v20 =	vadd.s32 $0x8, v0;
	[tilespmem:$0x1FD00] =	vst v19  }
0x14: {  	v21 =	vadd.s32 $0x888, v0;
	[tilespmem:$0x1FD10] =	vst v20  }
0x15: {  	v22 =	vadd.s32 $0x9, v0;
	[tilespmem:$0x1FD20] =	vst v21  }
0x16: {  	v23 =	vadd.s32 $0x889, v0;
	[tilespmem:$0x1FD30] =	vst v22  }
0x17: {  	v24 =	vadd.s32 $0xA, v0;
	[tilespmem:$0x1FD40] =	vst v23  }
0x18: {  	v25 =	vadd.s32 $0x88A, v0;
	[tilespmem:$0x1FD50] =	vst v24  }
0x19: {  	v26 =	vadd.s32 $0xB, v0;
	[tilespmem:$0x1FD60] =	vst v25  }
0x1a: {  	v27 =	vadd.s32 $0x88B, v0;
	[tilespmem:$0x1FD70] =	vst v26  }
0x1b: {  	v28 =	vadd.s32 $0xC, v0;
	[tilespmem:$0x1FD80] =	vst v27  }
0x1c: {  	v29 =	vadd.s32 $0x88C, v0;
	[tilespmem:$0x1FD90] =	vst v28  }
0x1d: {  	v30 =	vadd.s32 $0xD, v0;
	[tilespmem:$0x1FDA0] =	vst v29  }
0x1e: {  	v31 =	vadd.s32 $0x88D, v0;
	[tilespmem:$0x1FDB0] =	vst v30  }
0x1f: {  	v32 =	vadd.s32 $0xE, v0;
	[tilespmem:$0x1FDC0] =	vst v31  }
0x20: {  	v33 =	vadd.s32 $0x88E, v0;
	[tilespmem:$0x1FDD0] =	vst v32  }
0x21: {  	v34 =	vadd.s32 $0xF, v0;
	[tilespmem:$0x1FDE0] =	vst v33  }
0x22: {  	v35 =	vadd.s32 $0x88F, v0;
	[tilespmem:$0x1FDF0] =	vst v34  }
0x23: {  	v36 =	vadd.s32 $0x10, v0;
	[tilespmem:$0x1FE00] =	vst v35  }
0x24: {  	v37 =	vadd.s32 $0x890, v0;
	[tilespmem:$0x1FE10] =	vst v36  }
0x25: {  	v38 =	vadd.s32 $0x11, v0;
	[tilespmem:$0x1FE20] =	vst v37  }
0x26: {  	v39 =	vadd.s32 $0x891, v0;
	[tilespmem:$0x1FE30] =	vst v38  }
0x27: {  	v40 =	vadd.s32 $0x12, v0;
	[tilespmem:$0x1FE40] =	vst v39  }
0x28: {  	v41 =	vadd.s32 $0x892, v0;
	[tilespmem:$0x1FE50] =	vst v40  }
0x29: {  	v42 =	vadd.s32 $0x13, v0;
	[tilespmem:$0x1FE60] =	vst v41  }
0x2a: {  	v43 =	vadd.s32 $0x893, v0;
	[tilespmem:$0x1FE70] =	vst v42  }
0x2b: {  	v44 =	vadd.s32 $0x14, v0;
	[tilespmem:$0x1FE80] =	vst v43  }
0x2c: {  	v45 =	vadd.s32 $0x894, v0;
	[tilespmem:$0x1FE90] =	vst v44  }
0x2d: {  	v46 =	vadd.s32 $0x15, v0;
	[tilespmem:$0x1FEA0] =	vst v45  }
0x2e: {  	v47 =	vadd.s32 $0x895, v0;
	[tilespmem:$0x1FEB0] =	vst v46  }
0x2f: {  	v48 =	vadd.s32 $0x16, v0;
	[tilespmem:$0x1FEC0] =	vst v47  }
0x30: {  	v49 =	vadd.s32 $0x896, v0;
	[tilespmem:$0x1FED0] =	vst v48  }
0x31: {  	v50 =	vadd.s32 $0x17, v0;
	[tilespmem:$0x1FEE0] =	vst v49  }
0x32: {  	v51 =	vadd.s32 $0x897, v0;
	[tilespmem:$0x1FEF0] =	vst v50  }
0x33: {  	v52 =	vadd.s32 $0x18, v0;
	[tilespmem:$0x1FF00] =	vst v51  }
0x34: {  	s1 =	srdreg.scid;
	v53 =	vadd.s32 $0x898, v0;
	[tilespmem:$0x1FF10] =	vst v52  }
0x35: {  	s7 =	stileid.u32;
	s13 =	simm.s32 $0x80;
	s16 =	simm.s32 $0x1;
	v54 =	vadd.s32 $0x19, v0;
	[tilespmem:$0x1FF20] =	vst v53  }
0x36: {  	s17 =	simm.s32 $0x6B00;
	s28 =	simm.s32 $0x2;
	s29 =	simm.s32 $0x4;
	v55 =	vadd.s32 $0x899, v0;
	[tilespmem:$0x1FF30] =	vst v54  }
0x37: {  	s30 =	simm.s32 $0x7C00;
	s11 =	simm.s32 $0x89D0;
	s12 =	simm.s32 $0x8A58;
	v56 =	vadd.s32 $0x1A, v0;
	[tilespmem:$0x1FF40] =	vst v55  }
0x38: {  	s14 =	simm.s32 $0x8AE0;
	s15 =	simm.s32 $0x8B68;
	s18 =	simm.s32 $0x8BF0;
	v57 =	vadd.s32 $0x89A, v0;
	[tilespmem:$0x1FF50] =	vst v56  }
0x39: {  	s19 =	simm.s32 $0x8C78;
	s21 =	simm.s32 $0x0;
	s9 =	smul.u32 $0x4B0, s7;
	v58 =	vadd.s32 $0x1B, v0;
	[tilespmem:$0x1FF60] =	vst v57  }
0x3a: {  	s1 =	sand.u32 $0x1, s1;
	s4 =	sshll.u32 s7, $0x1;
	s10 =	smul.u32 $0x12C, s7;
	v59 =	vadd.s32 $0x89B, v0;
	[tilespmem:$0x1FF70] =	vst v58  }
0x3b: {  	s7 =	sadd.s32 $0x2000, s2;
	s8 =	sadd.s32 $0x3000, s2;
	s26 =	smul.u32 $0x96, s1;
	v60 =	vadd.s32 $0x1C, v0;
	[tilespmem:$0x1FF80] =	vst v59  }
0x3c: {  	s4 =	sor.u32 s1, s4;
	s6 =	ssub.s32 $0x2, s1;
	s1 =	smul.u32 $0x258, s1;
	v61 =	vadd.s32 $0x89C, v0;
	[tilespmem:$0x1FF90] =	vst v60  }
0x3d: {  	s4 =	smul.u32 $0x960, s4;
	s25 =	sshrl.u32 s6, $0x1;
	v62 =	vadd.s32 $0x1D, v0;
	s31 =	sadd.s32 s26, s10;
	[tilespmem:$0x1FFA0] =	vst v61  }
0x3e: {  	v63 =	vadd.s32 $0x89D, v0;
	s1 =	sadd.s32 s1, s9;
	s9 =	simm.s32 $0x88C0;
	s10 =	simm.s32 $0x8948;
	[tilespmem:$0x1FFB0] =	vst v62  }
.Ltmp0:
0x3f: {  	v2 =	vadd.s32 $0x1E, v0;
	[tilespmem:$0x1FFC0] =	vst v63;
	s5 =	sadd.s32 s4, s0;
	s4 =	sadd.s32 $0x13000, s0;
	(pc) =	sbr.rel .LBB2_1-.Ltmp0, $4  }
0x40: {  	v3 =	vadd.s32 $0x89E, v0;
	[tilespmem:$0x1FFD0] =	vst v2;
	s0 =	ssub.s32 s6, s25;
	[dreg:$0x5] =	wrdreg s1;
	s5 =	sadd.s32 $0x400, s5  }
0x41: {  	v4 =	vadd.s32 $0x1F, v0;
	[tilespmem:$0x1FFE0] =	vst v3;
	s6 =	sadd.s32 $0x1000, s2;
	s0 =	smax.u32 s0, $0x1;
	[dreg:$0x3] =	wrdreg s5  }
0x42: {  	v1 =	vadd.s32 $0x89F, v0;
	[tilespmem:$0x1FFF0] =	vst v4;
	s1 =	simm.s32 $0x8728;
	[dreg:$0x4] =	wrdreg s0;
	s0 =	sor.u32 $0x1, s31  }
0x43: {  	[tilespmem:$0x1FC20] =	vst v1;
	s5 =	simm.s32 $0x8838;
	[dreg:$0x6] =	wrdreg s0;
	s0 =	simm.s32 $0x87B0  }
.LBB2_7:
0x44: {  	s20 =	simm.s32 $0x3  }
0x45: {  	_ =	swait.ge [sflag:s20], $0x400  }
0x46: {  	[sflag:s20] =	ssyncset.done $0x0  }
0x47: {  	[sflag:s20] =	ssyncadd.s32 $0xFFFFFC00  }
0x48: {  	_ =	swait.ge [sflag:s20], $0x400  }
0x49: {  	[sflag:s20] =	ssyncset.done $0x0  }
0x4a: {  	[sflag:s20] =	ssyncadd.s32 $0xFFFFFC00  }
0x4b: {  	_ =	swait.ge [sflag:s20], $0x400  }
0x4c: {  	[sflag:s20] =	ssyncset.done $0x0  }
0x4d: {  	[sflag:s20] =	ssyncadd.s32 $0xFFFFFC00  }
0x4e: {  	_ =	swait.ge [sflag:s20], $0x400  }
0x4f: {  	[sflag:s20] =	ssyncset.done $0x0  }
0x50: {  	[sflag:s20] =	ssyncadd.s32 $0xFFFFFC00  }
0x51: {  	_ =	swait.ge [sflag:s29], $0x400  }
0x52: {  	[sflag:s29] =	ssyncset.done $0x0  }
0x53: {  	[sflag:s29] =	ssyncadd.s32 $0xFFFFFC00  }
0x54: {  	_ =	swait.ge [sflag:s29], $0x400  }
0x55: {  	[sflag:s29] =	ssyncset.done $0x0  }
0x56: {  	[sflag:s29] =	ssyncadd.s32 $0xFFFFFC00  }
0x57: {  	_ =	swait.ge [sflag:s29], $0x400  }
0x58: {  	[sflag:s29] =	ssyncset.done $0x0  }
0x59: {  	[sflag:s29] =	ssyncadd.s32 $0xFFFFFC00  }
0x5a: {  	_ =	swait.ge [sflag:s29], $0x400  }
0x5b: {  	s21 =	rddreg [dreg:$0x7]  }
0x5c: {  	s31 =	rddreg [dreg:$0x4];
	s21 =	sadd.s32 $0x1, s21  }
0x5d: {  	p0 =	sne.s32 s21, s31  }
.Ltmp1:
0x5e: {  	_ = 	snop;
	(pc) =	sbr.rel @!p0 .LBB2_8-.Ltmp1, $3  }
0x5f: {  	_ =	sdelay $0x1  }
0x60: {  	[sflag:s29] =	ssyncset.done $0x0  }
0x61: {  	[sflag:s29] =	ssyncadd.s32 $0xFFFFFC00  }
.LBB2_1:
0x62: {  	s20 =	rddreg [dreg:$0x3]  }
0x63: {  	[tilespmem:s3], [sflag:$0x5] =	stream.linear.gather [hbm4b:s20+s3], $0x4B00, $0x38;
	[tilespmem:$0x8D00] =	vst v63  }
.Ltmp2:
0x64: {  	[dreg:$0x7] =	wrdreg s21;
	s26 =	simm.s32 $0x5;
	(pc) =	sbr.rel .LBB2_2-.Ltmp2, $4  }
0x65: {  	_ =	swait.ge [sflag:s26], $0x4B00  }
0x66: {  	s31 =	simm.s32 $0x4B00;
	[sflag:s26] =	ssyncset.done $0x0;
	s20 =	rddreg [dreg:$0x6]  }
0x67: {  	s22 =	simm.s32 $0x0;
	s21 =	rddreg [dreg:$0x5];
	v4 =	vld [tilespmem:$0x1FC20];
	[sflag:s26] =	ssyncadd.s32 $0xFFFFB500  }
0x68: {  	v5 =	vld [tilespmem:$0x1FC10];
	[tilespmem:s31], [sflag:$0x1] =	stream.indirect.gather [hbm4b:s4+s13], $0x20, s3, s13, $0xb8  }
.LBB2_3:
0x69: {  	_ =	swait.ge [sflag:s28], $0x1000  }
0x6a: {  	[sflag:s28] =	ssyncset.done $0x0  }
0x6b: {  	[sflag:s28] =	ssyncadd.s32 $0xFFFFF000  }
.LBB2_5:
0x6c: {  	_ =	swait.ge [sflag:s29], $0x400  }
0x6d: {  	[sflag:s29] =	ssyncset.done $0x0  }
0x6e: {  	[sflag:s29] =	ssyncadd.s32 $0xFFFFFC00  }
0x6f: {  	_ =	swait.ge [sflag:s29], $0x400  }
0x70: {  	[sflag:s29] =	ssyncset.done $0x0  }
0x71: {  	[sflag:s29] =	ssyncadd.s32 $0xFFFFFC00  }
0x72: {  	_ =	swait.ge [sflag:s29], $0x400  }
0x73: {  	[sflag:s29] =	ssyncset.done $0x0  }
0x74: {  	[sflag:s29] =	ssyncadd.s32 $0xFFFFFC00  }
0x75: {  	_ =	swait.ge [sflag:s29], $0x400  }
0x76: {  	[sflag:s29] =	ssyncset.done $0x0  }
0x77: {  	[sflag:s29] =	ssyncadd.s32 $0xFFFFFC00  }
.LBB2_6:
0x78: {  	v4 =	vld [tilespmem:$0x5B00];
	_ =	sdelay $0x2  }
0x79: {  	v1 =	vld [tilespmem:$0x1FC10];
	_ =	sdelay $0x1  }
0x7a: {  	[tilespmem:v0+s30+$0x0] =	vst.idx.msk $0xffff, v4  }
0x7b: {  	v4 =	vld [tilespmem:$0x5B10];
	_ =	sdelay $0x4  }
0x7c: {  	[tilespmem:v1+s30+$0x0] =	vst.idx.msk $0xffff, v4;
	v1 =	vld [tilespmem:$0x1FC30];
	_ =	sdelay $0x2  }
0x7d: {  	v4 =	vld [tilespmem:$0x5B20];
	_ =	sdelay $0x2  }
0x7e: {  	v7 =	vld [tilespmem:$0x1FC40];
	_ =	sdelay $0x1  }
0x7f: {  	[tilespmem:v1+s30+$0x0] =	vst.idx.msk $0xffff, v4  }
0x80: {  	v4 =	vld [tilespmem:$0x5B30];
	_ =	sdelay $0x2  }
0x81: {  	v8 =	vld [tilespmem:$0x1FC50];
	_ =	sdelay $0x1  }
0x82: {  	[tilespmem:v7+s30+$0x0] =	vst.idx.msk $0xffff, v4  }
0x83: {  	v4 =	vld [tilespmem:$0x5B40];
	_ =	sdelay $0x2  }
0x84: {  	v9 =	vld [tilespmem:$0x1FC60];
	_ =	sdelay $0x1  }
0x85: {  	[tilespmem:v8+s30+$0x0] =	vst.idx.msk $0xffff, v4  }
0x86: {  	v4 =	vld [tilespmem:$0x5B50];
	_ =	sdelay $0x2  }
0x87: {  	v10 =	vld [tilespmem:$0x1FC70];
	_ =	sdelay $0x1  }
0x88: {  	[tilespmem:v9+s30+$0x0] =	vst.idx.msk $0xffff, v4  }
0x89: {  	v4 =	vld [tilespmem:$0x5B60];
	_ =	sdelay $0x2  }
0x8a: {  	v6 =	vld [tilespmem:$0x1FC80];
	_ =	sdelay $0x1  }
0x8b: {  	[tilespmem:v10+s30+$0x0] =	vst.idx.msk $0xffff, v4  }
0x8c: {  	v4 =	vld [tilespmem:$0x5B70];
	_ =	sdelay $0x2  }
0x8d: {  	v12 =	vld [tilespmem:$0x1FC90];
	_ =	sdelay $0x1  }
0x8e: {  	[tilespmem:v6+s30+$0x0] =	vst.idx.msk $0xffff, v4  }
0x8f: {  	v4 =	vld [tilespmem:$0x5B80];
	_ =	sdelay $0x2  }
0x90: {  	v13 =	vld [tilespmem:$0x1FCA0];
	_ =	sdelay $0x1  }
0x91: {  	[tilespmem:v12+s30+$0x0] =	vst.idx.msk $0xffff, v4  }
0x92: {  	v4 =	vld [tilespmem:$0x5B90];
	_ =	sdelay $0x2  }
0x93: {  	v14 =	vld [tilespmem:$0x1FCB0];
	_ =	sdelay $0x1  }
0x94: {  	[tilespmem:v13+s30+$0x0] =	vst.idx.msk $0xffff, v4  }
0x95: {  	v4 =	vld [tilespmem:$0x5BA0];
	_ =	sdelay $0x2  }
0x96: {  	v15 =	vld [tilespmem:$0x1FCC0];
	_ =	sdelay $0x1  }
0x97: {  	[tilespmem:v14+s30+$0x0] =	vst.idx.msk $0xffff, v4  }
0x98: {  	v4 =	vld [tilespmem:$0x5BB0];
	_ =	sdelay $0x2  }
0x99: {  	v16 =	vld [tilespmem:$0x1FCD0];
	_ =	sdelay $0x1  }
0x9a: {  	[tilespmem:v15+s30+$0x0] =	vst.idx.msk $0xffff, v4  }
0x9b: {  	v4 =	vld [tilespmem:$0x5BC0];
	_ =	sdelay $0x2  }
0x9c: {  	v11 =	vld [tilespmem:$0x1FCE0];
	_ =	sdelay $0x1  }
0x9d: {  	[tilespmem:v16+s30+$0x0] =	vst.idx.msk $0xffff, v4  }
0x9e: {  	v4 =	vld [tilespmem:$0x5BD0];
	_ =	sdelay $0x2  }
0x9f: {  	v18 =	vld [tilespmem:$0x1FCF0];
	_ =	sdelay $0x1  }
0xa0: {  	[tilespmem:v11+s30+$0x0] =	vst.idx.msk $0xffff, v4  }
0xa1: {  	v4 =	vld [tilespmem:$0x5BE0];
	_ =	sdelay $0x2  }
0xa2: {  	v19 =	vld [tilespmem:$0x1FD00];
	_ =	sdelay $0x1  }
0xa3: {  	[tilespmem:v18+s30+$0x0] =	vst.idx.msk $0xffff, v4  }
0xa4: {  	v4 =	vld [tilespmem:$0x5BF0];
	_ =	sdelay $0x2  }
0xa5: {  	v20 =	vld [tilespmem:$0x1FD10];
	_ =	sdelay $0x1  }
0xa6: {  	[tilespmem:v19+s30+$0x0] =	vst.idx.msk $0xffff, v4  }
0xa7: {  	v4 =	vld [tilespmem:$0x5C00];
	_ =	sdelay $0x2  }
0xa8: {  	v21 =	vld [tilespmem:$0x1FD20];
	_ =	sdelay $0x1  }
0xa9: {  	[tilespmem:v20+s30+$0x0] =	vst.idx.msk $0xffff, v4  }
0xaa: {  	v4 =	vld [tilespmem:$0x5C10];
	_ =	sdelay $0x2  }
0xab: {  	v22 =	vld [tilespmem:$0x1FD30];
	_ =	sdelay $0x1  }
0xac: {  	[tilespmem:v21+s30+$0x0] =	vst.idx.msk $0xffff, v4  }
0xad: {  	v4 =	vld [tilespmem:$0x5C20];
	_ =	sdelay $0x2  }
0xae: {  	v17 =	vld [tilespmem:$0x1FD40];
	_ =	sdelay $0x1  }
0xaf: {  	[tilespmem:v22+s30+$0x0] =	vst.idx.msk $0xffff, v4  }
0xb0: {  	v4 =	vld [tilespmem:$0x5C30];
	_ =	sdelay $0x2  }
0xb1: {  	v24 =	vld [tilespmem:$0x1FD50];
	_ =	sdelay $0x1  }
0xb2: {  	[tilespmem:v17+s30+$0x0] =	vst.idx.msk $0xffff, v4  }
0xb3: {  	v4 =	vld [tilespmem:$0x5C40];
	_ =	sdelay $0x2  }
0xb4: {  	v25 =	vld [tilespmem:$0x1FD60];
	_ =	sdelay $0x1  }
0xb5: {  	[tilespmem:v24+s30+$0x0] =	vst.idx.msk $0xffff, v4  }
0xb6: {  	v4 =	vld [tilespmem:$0x5C50];
	_ =	sdelay $0x2  }
0xb7: {  	v26 =	vld [tilespmem:$0x1FD70];
	_ =	sdelay $0x1  }
0xb8: {  	[tilespmem:v25+s30+$0x0] =	vst.idx.msk $0xffff, v4  }
0xb9: {  	v4 =	vld [tilespmem:$0x5C60];
	_ =	sdelay $0x2  }
0xba: {  	v27 =	vld [tilespmem:$0x1FD80];
	_ =	sdelay $0x1  }
0xbb: {  	[tilespmem:v26+s30+$0x0] =	vst.idx.msk $0xffff, v4  }
0xbc: {  	v4 =	vld [tilespmem:$0x5C70];
	_ =	sdelay $0x2  }
0xbd: {  	v28 =	vld [tilespmem:$0x1FD90];
	_ =	sdelay $0x1  }
0xbe: {  	[tilespmem:v27+s30+$0x0] =	vst.idx.msk $0xffff, v4  }
0xbf: {  	v4 =	vld [tilespmem:$0x5C80];
	_ =	sdelay $0x2  }
0xc0: {  	v23 =	vld [tilespmem:$0x1FDA0];
	_ =	sdelay $0x1  }
0xc1: {  	[tilespmem:v28+s30+$0x0] =	vst.idx.msk $0xffff, v4  }
0xc2: {  	v4 =	vld [tilespmem:$0x5C90];
	_ =	sdelay $0x2  }
0xc3: {  	v30 =	vld [tilespmem:$0x1FDB0];
	_ =	sdelay $0x1  }
0xc4: {  	[tilespmem:v23+s30+$0x0] =	vst.idx.msk $0xffff, v4  }
0xc5: {  	v4 =	vld [tilespmem:$0x5CA0];
	_ =	sdelay $0x2  }
0xc6: {  	v31 =	vld [tilespmem:$0x1FDC0];
	_ =	sdelay $0x1  }
0xc7: {  	[tilespmem:v30+s30+$0x0] =	vst.idx.msk $0xffff, v4  }
0xc8: {  	v4 =	vld [tilespmem:$0x5CB0];
	_ =	sdelay $0x2  }
0xc9: {  	v32 =	vld [tilespmem:$0x1FDD0];
	_ =	sdelay $0x1  }
0xca: {  	[tilespmem:v31+s30+$0x0] =	vst.idx.msk $0xffff, v4  }
0xcb: {  	v4 =	vld [tilespmem:$0x5CC0];
	_ =	sdelay $0x2  }
0xcc: {  	v33 =	vld [tilespmem:$0x1FDE0];
	_ =	sdelay $0x1  }
0xcd: {  	[tilespmem:v32+s30+$0x0] =	vst.idx.msk $0xffff, v4  }
0xce: {  	v4 =	vld [tilespmem:$0x5CD0];
	_ =	sdelay $0x2  }
0xcf: {  	v34 =	vld [tilespmem:$0x1FDF0];
	_ =	sdelay $0x1  }
0xd0: {  	[tilespmem:v33+s30+$0x0] =	vst.idx.msk $0xffff, v4  }
0xd1: {  	v4 =	vld [tilespmem:$0x5CE0];
	_ =	sdelay $0x2  }
0xd2: {  	v29 =	vld [tilespmem:$0x1FE00];
	_ =	sdelay $0x1  }
0xd3: {  	[tilespmem:v34+s30+$0x0] =	vst.idx.msk $0xffff, v4  }
0xd4: {  	v4 =	vld [tilespmem:$0x5CF0];
	_ =	sdelay $0x2  }
0xd5: {  	v36 =	vld [tilespmem:$0x1FE10];
	_ =	sdelay $0x1  }
0xd6: {  	[tilespmem:v29+s30+$0x0] =	vst.idx.msk $0xffff, v4  }
0xd7: {  	v4 =	vld [tilespmem:$0x5D00];
	_ =	sdelay $0x2  }
0xd8: {  	v37 =	vld [tilespmem:$0x1FE20];
	_ =	sdelay $0x1  }
0xd9: {  	[tilespmem:v36+s30+$0x0] =	vst.idx.msk $0xffff, v4  }
0xda: {  	v4 =	vld [tilespmem:$0x5D10];
	_ =	sdelay $0x2  }
0xdb: {  	v38 =	vld [tilespmem:$0x1FE30];
	_ =	sdelay $0x1  }
0xdc: {  	[tilespmem:v37+s30+$0x0] =	vst.idx.msk $0xffff, v4  }
0xdd: {  	v4 =	vld [tilespmem:$0x5D20];
	_ =	sdelay $0x2  }
0xde: {  	v39 =	vld [tilespmem:$0x1FE40];
	_ =	sdelay $0x1  }
0xdf: {  	[tilespmem:v38+s30+$0x0] =	vst.idx.msk $0xffff, v4  }
0xe0: {  	v4 =	vld [tilespmem:$0x5D30];
	_ =	sdelay $0x2  }
0xe1: {  	v40 =	vld [tilespmem:$0x1FE50];
	_ =	sdelay $0x1  }
0xe2: {  	[tilespmem:v39+s30+$0x0] =	vst.idx.msk $0xffff, v4  }
0xe3: {  	v4 =	vld [tilespmem:$0x5D40];
	_ =	sdelay $0x2  }
0xe4: {  	v35 =	vld [tilespmem:$0x1FE60];
	_ =	sdelay $0x1  }
0xe5: {  	[tilespmem:v40+s30+$0x0] =	vst.idx.msk $0xffff, v4  }
0xe6: {  	v4 =	vld [tilespmem:$0x5D50];
	_ =	sdelay $0x2  }
0xe7: {  	v42 =	vld [tilespmem:$0x1FE70];
	_ =	sdelay $0x1  }
0xe8: {  	[tilespmem:v35+s30+$0x0] =	vst.idx.msk $0xffff, v4  }
0xe9: {  	v4 =	vld [tilespmem:$0x5D60];
	_ =	sdelay $0x2  }
0xea: {  	v43 =	vld [tilespmem:$0x1FE80];
	_ =	sdelay $0x1  }
0xeb: {  	[tilespmem:v42+s30+$0x0] =	vst.idx.msk $0xffff, v4  }
0xec: {  	v4 =	vld [tilespmem:$0x5D70];
	_ =	sdelay $0x2  }
0xed: {  	v44 =	vld [tilespmem:$0x1FE90];
	_ =	sdelay $0x1  }
0xee: {  	[tilespmem:v43+s30+$0x0] =	vst.idx.msk $0xffff, v4  }
0xef: {  	v4 =	vld [tilespmem:$0x5D80];
	_ =	sdelay $0x2  }
0xf0: {  	v45 =	vld [tilespmem:$0x1FEA0];
	_ =	sdelay $0x1  }
0xf1: {  	[tilespmem:v44+s30+$0x0] =	vst.idx.msk $0xffff, v4  }
0xf2: {  	v4 =	vld [tilespmem:$0x5D90];
	_ =	sdelay $0x2  }
0xf3: {  	v46 =	vld [tilespmem:$0x1FEB0];
	_ =	sdelay $0x1  }
0xf4: {  	[tilespmem:v45+s30+$0x0] =	vst.idx.msk $0xffff, v4  }
0xf5: {  	v4 =	vld [tilespmem:$0x5DA0];
	_ =	sdelay $0x2  }
0xf6: {  	v47 =	vld [tilespmem:$0x1FEC0];
	_ =	sdelay $0x1  }
0xf7: {  	[tilespmem:v46+s30+$0x0] =	vst.idx.msk $0xffff, v4  }
0xf8: {  	v4 =	vld [tilespmem:$0x5DB0];
	_ =	sdelay $0x2  }
0xf9: {  	v48 =	vld [tilespmem:$0x1FED0];
	_ =	sdelay $0x1  }
0xfa: {  	[tilespmem:v47+s30+$0x0] =	vst.idx.msk $0xffff, v4  }
0xfb: {  	v4 =	vld [tilespmem:$0x5DC0];
	_ =	sdelay $0x2  }
0xfc: {  	v49 =	vld [tilespmem:$0x1FEE0];
	_ =	sdelay $0x1  }
0xfd: {  	[tilespmem:v48+s30+$0x0] =	vst.idx.msk $0xffff, v4  }
0xfe: {  	v4 =	vld [tilespmem:$0x5DD0];
	_ =	sdelay $0x2  }
0xff: {  	v50 =	vld [tilespmem:$0x1FEF0];
	_ =	sdelay $0x1  }
0x100: {  	[tilespmem:v49+s30+$0x0] =	vst.idx.msk $0xffff, v4  }
0x101: {  	v4 =	vld [tilespmem:$0x5DE0];
	_ =	sdelay $0x2  }
0x102: {  	v51 =	vld [tilespmem:$0x1FF00];
	_ =	sdelay $0x1  }
0x103: {  	[tilespmem:v50+s30+$0x0] =	vst.idx.msk $0xffff, v4  }
0x104: {  	v4 =	vld [tilespmem:$0x5DF0];
	_ =	sdelay $0x2  }
0x105: {  	v52 =	vld [tilespmem:$0x1FF10];
	_ =	sdelay $0x1  }
0x106: {  	[tilespmem:v51+s30+$0x0] =	vst.idx.msk $0xffff, v4  }
0x107: {  	v4 =	vld [tilespmem:$0x5E00];
	_ =	sdelay $0x2  }
0x108: {  	v53 =	vld [tilespmem:$0x1FF20];
	_ =	sdelay $0x1  }
0x109: {  	[tilespmem:v52+s30+$0x0] =	vst.idx.msk $0xffff, v4  }
0x10a: {  	v4 =	vld [tilespmem:$0x5E10];
	_ =	sdelay $0x2  }
0x10b: {  	v54 =	vld [tilespmem:$0x1FF30];
	_ =	sdelay $0x1  }
0x10c: {  	[tilespmem:v53+s30+$0x0] =	vst.idx.msk $0xffff, v4  }
0x10d: {  	v4 =	vld [tilespmem:$0x5E20];
	_ =	sdelay $0x2  }
0x10e: {  	v55 =	vld [tilespmem:$0x1FF40];
	_ =	sdelay $0x1  }
0x10f: {  	[tilespmem:v54+s30+$0x0] =	vst.idx.msk $0xffff, v4  }
0x110: {  	v4 =	vld [tilespmem:$0x5E30];
	_ =	sdelay $0x2  }
0x111: {  	v56 =	vld [tilespmem:$0x1FF50];
	_ =	sdelay $0x1  }
0x112: {  	[tilespmem:v55+s30+$0x0] =	vst.idx.msk $0xffff, v4  }
0x113: {  	v4 =	vld [tilespmem:$0x5E40];
	_ =	sdelay $0x2  }
0x114: {  	v57 =	vld [tilespmem:$0x1FF60];
	_ =	sdelay $0x1  }
0x115: {  	[tilespmem:v56+s30+$0x0] =	vst.idx.msk $0xffff, v4  }
0x116: {  	v4 =	vld [tilespmem:$0x5E50];
	_ =	sdelay $0x2  }
0x117: {  	v58 =	vld [tilespmem:$0x1FF70];
	_ =	sdelay $0x1  }
0x118: {  	[tilespmem:v57+s30+$0x0] =	vst.idx.msk $0xffff, v4  }
0x119: {  	v4 =	vld [tilespmem:$0x5E60];
	_ =	sdelay $0x2  }
0x11a: {  	v59 =	vld [tilespmem:$0x1FF80];
	_ =	sdelay $0x1  }
0x11b: {  	[tilespmem:v58+s30+$0x0] =	vst.idx.msk $0xffff, v4  }
0x11c: {  	v4 =	vld [tilespmem:$0x5E70];
	_ =	sdelay $0x2  }
0x11d: {  	v60 =	vld [tilespmem:$0x1FF90];
	_ =	sdelay $0x1  }
0x11e: {  	[tilespmem:v59+s30+$0x0] =	vst.idx.msk $0xffff, v4  }
0x11f: {  	v4 =	vld [tilespmem:$0x5E80];
	_ =	sdelay $0x2  }
0x120: {  	v61 =	vld [tilespmem:$0x1FFA0];
	_ =	sdelay $0x1  }
0x121: {  	[tilespmem:v60+s30+$0x0] =	vst.idx.msk $0xffff, v4  }
0x122: {  	v4 =	vld [tilespmem:$0x5E90];
	_ =	sdelay $0x2  }
0x123: {  	v62 =	vld [tilespmem:$0x1FFB0];
	_ =	sdelay $0x1  }
0x124: {  	[tilespmem:v61+s30+$0x0] =	vst.idx.msk $0xffff, v4  }
0x125: {  	v4 =	vld [tilespmem:$0x5EA0];
	_ =	sdelay $0x2  }
0x126: {  	v63 =	vld [tilespmem:$0x1FFC0];
	_ =	sdelay $0x1  }
0x127: {  	[tilespmem:v62+s30+$0x0] =	vst.idx.msk $0xffff, v4  }
0x128: {  	v4 =	vld [tilespmem:$0x5EB0];
	_ =	sdelay $0x2  }
0x129: {  	v2 =	vld [tilespmem:$0x1FFD0];
	_ =	sdelay $0x1  }
0x12a: {  	[tilespmem:v63+s30+$0x0] =	vst.idx.msk $0xffff, v4  }
0x12b: {  	v4 =	vld [tilespmem:$0x5EC0];
	_ =	sdelay $0x2  }
0x12c: {  	v1 =	vld [tilespmem:$0x1FFE0];
	_ =	sdelay $0x1  }
0x12d: {  	[tilespmem:v2+s30+$0x0] =	vst.idx.msk $0xffff, v4  }
0x12e: {  	v4 =	vld [tilespmem:$0x5ED0];
	_ =	sdelay $0x4  }
0x12f: {  	[tilespmem:v1+s30+$0x0] =	vst.idx.msk $0xffff, v4;
	v1 =	vld [tilespmem:$0x1FFF0];
	_ =	sdelay $0x2  }
0x130: {  	v4 =	vld [tilespmem:$0x5EE0];
	_ =	sdelay $0x2  }
0x131: {  	v3 =	vld [tilespmem:$0x1FC20];
	_ =	sdelay $0x1  }
0x132: {  	[tilespmem:v1+s30+$0x0] =	vst.idx.msk $0xffff, v4  }
0x133: {  	v4 =	vld [tilespmem:$0x5EF0];
	_ =	sdelay $0x2  }
0x134: {  	v5 =	vld [tilespmem:$0x1F010];
	_ =	sdelay $0x1  }
0x135: {  	[tilespmem:v3+s30+$0x0] =	vst.idx.msk $0xffff, v4  }
0x136: {  	v4 =	vld [tilespmem:$0x5F00];
	_ =	sdelay $0x4  }
0x137: {  	[tilespmem:v5+s30+$0x0] =	vst.idx.msk $0xffff, v4;
	v5 =	vld [tilespmem:$0x1F020];
	_ =	sdelay $0x2  }
0x138: {  	v4 =	vld [tilespmem:$0x5F10];
	_ =	sdelay $0x4  }
0x139: {  	[tilespmem:v5+s30+$0x0] =	vst.idx.msk $0xffff, v4;
	v5 =	vld [tilespmem:$0x1F030];
	_ =	sdelay $0x2  }
0x13a: {  	v4 =	vld [tilespmem:$0x5F20];
	_ =	sdelay $0x4  }
0x13b: {  	[tilespmem:v5+s30+$0x0] =	vst.idx.msk $0xffff, v4;
	v5 =	vld [tilespmem:$0x1F040];
	_ =	sdelay $0x2  }
0x13c: {  	v4 =	vld [tilespmem:$0x5F30];
	_ =	sdelay $0x4  }
0x13d: {  	[tilespmem:v5+s30+$0x0] =	vst.idx.msk $0xffff, v4;
	v5 =	vld [tilespmem:$0x1F050];
	_ =	sdelay $0x2  }
0x13e: {  	v4 =	vld [tilespmem:$0x5F40];
	_ =	sdelay $0x4  }
0x13f: {  	[tilespmem:v5+s30+$0x0] =	vst.idx.msk $0xffff, v4;
	v5 =	vld [tilespmem:$0x1F060];
	_ =	sdelay $0x2  }
0x140: {  	v4 =	vld [tilespmem:$0x5F50];
	_ =	sdelay $0x4  }
0x141: {  	[tilespmem:v5+s30+$0x0] =	vst.idx.msk $0xffff, v4;
	v5 =	vld [tilespmem:$0x1F070];
	_ =	sdelay $0x2  }
0x142: {  	v4 =	vld [tilespmem:$0x5F60];
	_ =	sdelay $0x4  }
0x143: {  	[tilespmem:v5+s30+$0x0] =	vst.idx.msk $0xffff, v4;
	v5 =	vld [tilespmem:$0x1F080];
	_ =	sdelay $0x2  }
0x144: {  	v4 =	vld [tilespmem:$0x5F70];
	_ =	sdelay $0x4  }
0x145: {  	[tilespmem:v5+s30+$0x0] =	vst.idx.msk $0xffff, v4;
	v5 =	vld [tilespmem:$0x1F090];
	_ =	sdelay $0x2  }
0x146: {  	v4 =	vld [tilespmem:$0x5F80];
	_ =	sdelay $0x4  }
0x147: {  	[tilespmem:v5+s30+$0x0] =	vst.idx.msk $0xffff, v4;
	v5 =	vld [tilespmem:$0x1F0A0];
	_ =	sdelay $0x2  }
0x148: {  	v4 =	vld [tilespmem:$0x5F90];
	_ =	sdelay $0x4  }
0x149: {  	[tilespmem:v5+s30+$0x0] =	vst.idx.msk $0xffff, v4;
	v5 =	vld [tilespmem:$0x1F0B0];
	_ =	sdelay $0x2  }
0x14a: {  	v4 =	vld [tilespmem:$0x5FA0];
	_ =	sdelay $0x4  }
0x14b: {  	[tilespmem:v5+s30+$0x0] =	vst.idx.msk $0xffff, v4;
	v5 =	vld [tilespmem:$0x1F0C0];
	_ =	sdelay $0x2  }
0x14c: {  	v4 =	vld [tilespmem:$0x5FB0];
	_ =	sdelay $0x4  }
0x14d: {  	[tilespmem:v5+s30+$0x0] =	vst.idx.msk $0xffff, v4;
	v5 =	vld [tilespmem:$0x1F0D0];
	_ =	sdelay $0x2  }
0x14e: {  	v4 =	vld [tilespmem:$0x5FC0];
	_ =	sdelay $0x4  }
0x14f: {  	[tilespmem:v5+s30+$0x0] =	vst.idx.msk $0xffff, v4;
	v5 =	vld [tilespmem:$0x1F0E0];
	_ =	sdelay $0x2  }
0x150: {  	v4 =	vld [tilespmem:$0x5FD0];
	_ =	sdelay $0x4  }
0x151: {  	[tilespmem:v5+s30+$0x0] =	vst.idx.msk $0xffff, v4;
	v5 =	vld [tilespmem:$0x1F0F0];
	_ =	sdelay $0x2  }
0x152: {  	v4 =	vld [tilespmem:$0x5FE0];
	_ =	sdelay $0x4  }
0x153: {  	[tilespmem:v5+s30+$0x0] =	vst.idx.msk $0xffff, v4;
	v5 =	vld [tilespmem:$0x1F100];
	_ =	sdelay $0x2  }
0x154: {  	v4 =	vld [tilespmem:$0x5FF0];
	_ =	sdelay $0x4  }
0x155: {  	[tilespmem:v5+s30+$0x0] =	vst.idx.msk $0xffff, v4;
	v5 =	vld [tilespmem:$0x1F110];
	_ =	sdelay $0x2  }
0x156: {  	v4 =	vld [tilespmem:$0x6000];
	_ =	sdelay $0x4  }
0x157: {  	[tilespmem:v5+s30+$0x0] =	vst.idx.msk $0xffff, v4;
	v5 =	vld [tilespmem:$0x1F120];
	_ =	sdelay $0x2  }
0x158: {  	v4 =	vld [tilespmem:$0x6010];
	_ =	sdelay $0x4  }
0x159: {  	[tilespmem:v5+s30+$0x0] =	vst.idx.msk $0xffff, v4;
	v5 =	vld [tilespmem:$0x1F130];
	_ =	sdelay $0x2  }
0x15a: {  	v4 =	vld [tilespmem:$0x6020];
	_ =	sdelay $0x4  }
0x15b: {  	[tilespmem:v5+s30+$0x0] =	vst.idx.msk $0xffff, v4;
	v5 =	vld [tilespmem:$0x1F140];
	_ =	sdelay $0x2  }
0x15c: {  	v4 =	vld [tilespmem:$0x6030];
	_ =	sdelay $0x4  }
0x15d: {  	[tilespmem:v5+s30+$0x0] =	vst.idx.msk $0xffff, v4;
	v5 =	vld [tilespmem:$0x1F150];
	_ =	sdelay $0x2  }
0x15e: {  	v4 =	vld [tilespmem:$0x6040];
	_ =	sdelay $0x4  }
0x15f: {  	[tilespmem:v5+s30+$0x0] =	vst.idx.msk $0xffff, v4;
	v5 =	vld [tilespmem:$0x1F160];
	_ =	sdelay $0x2  }
0x160: {  	v4 =	vld [tilespmem:$0x6050];
	_ =	sdelay $0x4  }
0x161: {  	[tilespmem:v5+s30+$0x0] =	vst.idx.msk $0xffff, v4;
	v5 =	vld [tilespmem:$0x1F170];
	_ =	sdelay $0x2  }
0x162: {  	v4 =	vld [tilespmem:$0x6060];
	_ =	sdelay $0x4  }
0x163: {  	[tilespmem:v5+s30+$0x0] =	vst.idx.msk $0xffff, v4;
	v5 =	vld [tilespmem:$0x1F180];
	_ =	sdelay $0x2  }
0x164: {  	v4 =	vld [tilespmem:$0x6070];
	_ =	sdelay $0x4  }
0x165: {  	[tilespmem:v5+s30+$0x0] =	vst.idx.msk $0xffff, v4;
	v5 =	vld [tilespmem:$0x1F190];
	_ =	sdelay $0x2  }
0x166: {  	v4 =	vld [tilespmem:$0x6080];
	_ =	sdelay $0x4  }
0x167: {  	[tilespmem:v5+s30+$0x0] =	vst.idx.msk $0xffff, v4;
	v5 =	vld [tilespmem:$0x1F1A0];
	_ =	sdelay $0x2  }
0x168: {  	v4 =	vld [tilespmem:$0x6090];
	_ =	sdelay $0x4  }
0x169: {  	[tilespmem:v5+s30+$0x0] =	vst.idx.msk $0xffff, v4;
	v5 =	vld [tilespmem:$0x1F1B0];
	_ =	sdelay $0x2  }
0x16a: {  	v4 =	vld [tilespmem:$0x60A0];
	_ =	sdelay $0x4  }
0x16b: {  	[tilespmem:v5+s30+$0x0] =	vst.idx.msk $0xffff, v4;
	v5 =	vld [tilespmem:$0x1F1C0];
	_ =	sdelay $0x2  }
0x16c: {  	v4 =	vld [tilespmem:$0x60B0];
	_ =	sdelay $0x4  }
0x16d: {  	[tilespmem:v5+s30+$0x0] =	vst.idx.msk $0xffff, v4;
	v5 =	vld [tilespmem:$0x1F1D0];
	_ =	sdelay $0x2  }
0x16e: {  	v4 =	vld [tilespmem:$0x60C0];
	_ =	sdelay $0x4  }
0x16f: {  	[tilespmem:v5+s30+$0x0] =	vst.idx.msk $0xffff, v4;
	v5 =	vld [tilespmem:$0x1F1E0];
	_ =	sdelay $0x2  }
0x170: {  	v4 =	vld [tilespmem:$0x60D0];
	_ =	sdelay $0x4  }
0x171: {  	[tilespmem:v5+s30+$0x0] =	vst.idx.msk $0xffff, v4;
	v5 =	vld [tilespmem:$0x1F1F0];
	_ =	sdelay $0x2  }
0x172: {  	v4 =	vld [tilespmem:$0x60E0];
	_ =	sdelay $0x4  }
0x173: {  	[tilespmem:v5+s30+$0x0] =	vst.idx.msk $0xffff, v4;
	v5 =	vld [tilespmem:$0x1F200];
	_ =	sdelay $0x2  }
0x174: {  	v4 =	vld [tilespmem:$0x60F0];
	_ =	sdelay $0x4  }
0x175: {  	[tilespmem:v5+s30+$0x0] =	vst.idx.msk $0xffff, v4;
	v5 =	vld [tilespmem:$0x1F210];
	_ =	sdelay $0x2  }
0x176: {  	v4 =	vld [tilespmem:$0x6100];
	_ =	sdelay $0x4  }
0x177: {  	[tilespmem:v5+s30+$0x0] =	vst.idx.msk $0xffff, v4;
	v5 =	vld [tilespmem:$0x1F220];
	_ =	sdelay $0x2  }
0x178: {  	v4 =	vld [tilespmem:$0x6110];
	_ =	sdelay $0x4  }
0x179: {  	[tilespmem:v5+s30+$0x0] =	vst.idx.msk $0xffff, v4;
	v5 =	vld [tilespmem:$0x1F230];
	_ =	sdelay $0x2  }
0x17a: {  	v4 =	vld [tilespmem:$0x6120];
	_ =	sdelay $0x4  }
0x17b: {  	[tilespmem:v5+s30+$0x0] =	vst.idx.msk $0xffff, v4;
	v5 =	vld [tilespmem:$0x1F240];
	_ =	sdelay $0x2  }
0x17c: {  	v4 =	vld [tilespmem:$0x6130];
	_ =	sdelay $0x4  }
0x17d: {  	[tilespmem:v5+s30+$0x0] =	vst.idx.msk $0xffff, v4;
	v5 =	vld [tilespmem:$0x1F250];
	_ =	sdelay $0x2  }
0x17e: {  	v4 =	vld [tilespmem:$0x6140];
	_ =	sdelay $0x4  }
0x17f: {  	[tilespmem:v5+s30+$0x0] =	vst.idx.msk $0xffff, v4  }
0x180: {  	v4 =	vld [tilespmem:$0x6150]  }
0x181: {  	v5 =	vld [tilespmem:$0x1F260];
	_ =	sdelay $0x7  }
0x182: {  	[tilespmem:v5+s30+$0x0] =	vst.idx.msk $0xffff, v4;
	v5 =	vld [tilespmem:$0x1F270];
	_ =	sdelay $0x2  }
0x183: {  	v4 =	vld [tilespmem:$0x6160];
	_ =	sdelay $0x4  }
0x184: {  	[tilespmem:v5+s30+$0x0] =	vst.idx.msk $0xffff, v4;
	v5 =	vld [tilespmem:$0x1F280];
	_ =	sdelay $0x2  }
0x185: {  	v4 =	vld [tilespmem:$0x6170];
	_ =	sdelay $0x4  }
0x186: {  	[tilespmem:v5+s30+$0x0] =	vst.idx.msk $0xffff, v4;
	v5 =	vld [tilespmem:$0x1F290];
	_ =	sdelay $0x2  }
0x187: {  	v4 =	vld [tilespmem:$0x6180];
	_ =	sdelay $0x4  }
0x188: {  	[tilespmem:v5+s30+$0x0] =	vst.idx.msk $0xffff, v4;
	v5 =	vld [tilespmem:$0x1F2A0];
	_ =	sdelay $0x2  }
0x189: {  	v4 =	vld [tilespmem:$0x6190];
	_ =	sdelay $0x4  }
0x18a: {  	[tilespmem:v5+s30+$0x0] =	vst.idx.msk $0xffff, v4;
	v5 =	vld [tilespmem:$0x1F2B0];
	_ =	sdelay $0x2  }
0x18b: {  	v4 =	vld [tilespmem:$0x61A0];
	_ =	sdelay $0x4  }
0x18c: {  	[tilespmem:v5+s30+$0x0] =	vst.idx.msk $0xffff, v4;
	v5 =	vld [tilespmem:$0x1F2C0];
	_ =	sdelay $0x2  }
0x18d: {  	v4 =	vld [tilespmem:$0x61B0];
	_ =	sdelay $0x4  }
0x18e: {  	[tilespmem:v5+s30+$0x0] =	vst.idx.msk $0xffff, v4;
	v5 =	vld [tilespmem:$0x1F2D0];
	_ =	sdelay $0x2  }
0x18f: {  	v4 =	vld [tilespmem:$0x61C0];
	_ =	sdelay $0x4  }
0x190: {  	[tilespmem:v5+s30+$0x0] =	vst.idx.msk $0xffff, v4;
	v5 =	vld [tilespmem:$0x1F2E0];
	_ =	sdelay $0x2  }
0x191: {  	v4 =	vld [tilespmem:$0x61D0];
	_ =	sdelay $0x4  }
0x192: {  	[tilespmem:v5+s30+$0x0] =	vst.idx.msk $0xffff, v4;
	v5 =	vld [tilespmem:$0x1F2F0];
	_ =	sdelay $0x2  }
0x193: {  	v4 =	vld [tilespmem:$0x61E0];
	_ =	sdelay $0x4  }
0x194: {  	[tilespmem:v5+s30+$0x0] =	vst.idx.msk $0xffff, v4;
	v5 =	vld [tilespmem:$0x1F300];
	_ =	sdelay $0x2  }
0x195: {  	v4 =	vld [tilespmem:$0x61F0];
	_ =	sdelay $0x4  }
0x196: {  	[tilespmem:v5+s30+$0x0] =	vst.idx.msk $0xffff, v4;
	v5 =	vld [tilespmem:$0x1F310];
	_ =	sdelay $0x2  }
0x197: {  	v4 =	vld [tilespmem:$0x6200];
	_ =	sdelay $0x4  }
0x198: {  	[tilespmem:v5+s30+$0x0] =	vst.idx.msk $0xffff, v4;
	v5 =	vld [tilespmem:$0x1F320];
	_ =	sdelay $0x2  }
0x199: {  	v4 =	vld [tilespmem:$0x6210];
	_ =	sdelay $0x4  }
0x19a: {  	[tilespmem:v5+s30+$0x0] =	vst.idx.msk $0xffff, v4;
	v5 =	vld [tilespmem:$0x1F330];
	_ =	sdelay $0x2  }
0x19b: {  	v4 =	vld [tilespmem:$0x6220];
	_ =	sdelay $0x4  }
0x19c: {  	[tilespmem:v5+s30+$0x0] =	vst.idx.msk $0xffff, v4;
	v5 =	vld [tilespmem:$0x1F340];
	_ =	sdelay $0x2  }
0x19d: {  	v4 =	vld [tilespmem:$0x6230];
	_ =	sdelay $0x4  }
0x19e: {  	[tilespmem:v5+s30+$0x0] =	vst.idx.msk $0xffff, v4;
	v5 =	vld [tilespmem:$0x1F350];
	_ =	sdelay $0x2  }
0x19f: {  	v4 =	vld [tilespmem:$0x6240];
	_ =	sdelay $0x4  }
0x1a0: {  	[tilespmem:v5+s30+$0x0] =	vst.idx.msk $0xffff, v4;
	v5 =	vld [tilespmem:$0x1F360];
	_ =	sdelay $0x2  }
0x1a1: {  	v4 =	vld [tilespmem:$0x6250];
	_ =	sdelay $0x4  }
0x1a2: {  	[tilespmem:v5+s30+$0x0] =	vst.idx.msk $0xffff, v4;
	v5 =	vld [tilespmem:$0x1F370];
	_ =	sdelay $0x2  }
0x1a3: {  	v4 =	vld [tilespmem:$0x6260];
	_ =	sdelay $0x4  }
0x1a4: {  	[tilespmem:v5+s30+$0x0] =	vst.idx.msk $0xffff, v4;
	v5 =	vld [tilespmem:$0x1F380];
	_ =	sdelay $0x2  }
0x1a5: {  	v4 =	vld [tilespmem:$0x6270];
	_ =	sdelay $0x4  }
0x1a6: {  	[tilespmem:v5+s30+$0x0] =	vst.idx.msk $0xffff, v4;
	v5 =	vld [tilespmem:$0x1F390];
	_ =	sdelay $0x2  }
0x1a7: {  	v4 =	vld [tilespmem:$0x6280];
	_ =	sdelay $0x4  }
0x1a8: {  	[tilespmem:v5+s30+$0x0] =	vst.idx.msk $0xffff, v4;
	v5 =	vld [tilespmem:$0x1F3A0];
	_ =	sdelay $0x2  }
0x1a9: {  	v4 =	vld [tilespmem:$0x6290];
	_ =	sdelay $0x4  }
0x1aa: {  	[tilespmem:v5+s30+$0x0] =	vst.idx.msk $0xffff, v4;
	v5 =	vld [tilespmem:$0x1F3B0];
	_ =	sdelay $0x2  }
0x1ab: {  	v4 =	vld [tilespmem:$0x62A0];
	_ =	sdelay $0x4  }
0x1ac: {  	[tilespmem:v5+s30+$0x0] =	vst.idx.msk $0xffff, v4;
	v5 =	vld [tilespmem:$0x1F3C0];
	_ =	sdelay $0x2  }
0x1ad: {  	v4 =	vld [tilespmem:$0x62B0];
	_ =	sdelay $0x4  }
0x1ae: {  	[tilespmem:v5+s30+$0x0] =	vst.idx.msk $0xffff, v4;
	v5 =	vld [tilespmem:$0x1F3D0];
	_ =	sdelay $0x2  }
0x1af: {  	v4 =	vld [tilespmem:$0x62C0];
	_ =	sdelay $0x4  }
0x1b0: {  	[tilespmem:v5+s30+$0x0] =	vst.idx.msk $0xffff, v4;
	v5 =	vld [tilespmem:$0x1F3E0];
	_ =	sdelay $0x2  }
0x1b1: {  	v4 =	vld [tilespmem:$0x62D0];
	_ =	sdelay $0x4  }
0x1b2: {  	[tilespmem:v5+s30+$0x0] =	vst.idx.msk $0xffff, v4;
	v5 =	vld [tilespmem:$0x1F3F0];
	_ =	sdelay $0x2  }
0x1b3: {  	v4 =	vld [tilespmem:$0x62E0];
	_ =	sdelay $0x4  }
0x1b4: {  	[tilespmem:v5+s30+$0x0] =	vst.idx.msk $0xffff, v4;
	v5 =	vld [tilespmem:$0x1F400];
	_ =	sdelay $0x2  }
0x1b5: {  	v4 =	vld [tilespmem:$0x62F0];
	_ =	sdelay $0x4  }
0x1b6: {  	[tilespmem:v5+s30+$0x0] =	vst.idx.msk $0xffff, v4;
	v5 =	vld [tilespmem:$0x1F410];
	_ =	sdelay $0x2  }
0x1b7: {  	v4 =	vld [tilespmem:$0x6300];
	_ =	sdelay $0x4  }
0x1b8: {  	[tilespmem:v5+s30+$0x0] =	vst.idx.msk $0xffff, v4;
	v5 =	vld [tilespmem:$0x1F420];
	_ =	sdelay $0x2  }
0x1b9: {  	v4 =	vld [tilespmem:$0x6310];
	_ =	sdelay $0x4  }
0x1ba: {  	[tilespmem:v5+s30+$0x0] =	vst.idx.msk $0xffff, v4;
	v5 =	vld [tilespmem:$0x1F430];
	_ =	sdelay $0x2  }
0x1bb: {  	v4 =	vld [tilespmem:$0x6320];
	_ =	sdelay $0x4  }
0x1bc: {  	[tilespmem:v5+s30+$0x0] =	vst.idx.msk $0xffff, v4;
	v5 =	vld [tilespmem:$0x1F440];
	_ =	sdelay $0x2  }
0x1bd: {  	v4 =	vld [tilespmem:$0x6330];
	_ =	sdelay $0x4  }
0x1be: {  	[tilespmem:v5+s30+$0x0] =	vst.idx.msk $0xffff, v4;
	v5 =	vld [tilespmem:$0x1F450];
	_ =	sdelay $0x2  }
0x1bf: {  	v4 =	vld [tilespmem:$0x6340];
	_ =	sdelay $0x4  }
0x1c0: {  	[tilespmem:v5+s30+$0x0] =	vst.idx.msk $0xffff, v4;
	v5 =	vld [tilespmem:$0x1F460];
	_ =	sdelay $0x2  }
0x1c1: {  	v4 =	vld [tilespmem:$0x6350];
	_ =	sdelay $0x4  }
0x1c2: {  	[tilespmem:v5+s30+$0x0] =	vst.idx.msk $0xffff, v4;
	v5 =	vld [tilespmem:$0x1F470];
	_ =	sdelay $0x2  }
0x1c3: {  	v4 =	vld [tilespmem:$0x6360];
	_ =	sdelay $0x4  }
0x1c4: {  	[tilespmem:v5+s30+$0x0] =	vst.idx.msk $0xffff, v4;
	v5 =	vld [tilespmem:$0x1F480];
	_ =	sdelay $0x2  }
0x1c5: {  	v4 =	vld [tilespmem:$0x6370];
	_ =	sdelay $0x4  }
0x1c6: {  	[tilespmem:v5+s30+$0x0] =	vst.idx.msk $0xffff, v4;
	v5 =	vld [tilespmem:$0x1F490];
	_ =	sdelay $0x2  }
0x1c7: {  	v4 =	vld [tilespmem:$0x6380];
	_ =	sdelay $0x4  }
0x1c8: {  	[tilespmem:v5+s30+$0x0] =	vst.idx.msk $0xffff, v4;
	v5 =	vld [tilespmem:$0x1F4A0];
	_ =	sdelay $0x2  }
0x1c9: {  	v4 =	vld [tilespmem:$0x6390];
	_ =	sdelay $0x4  }
0x1ca: {  	[tilespmem:v5+s30+$0x0] =	vst.idx.msk $0xffff, v4;
	v5 =	vld [tilespmem:$0x1F4B0];
	_ =	sdelay $0x2  }
0x1cb: {  	v4 =	vld [tilespmem:$0x63A0];
	_ =	sdelay $0x4  }
0x1cc: {  	[tilespmem:v5+s30+$0x0] =	vst.idx.msk $0xffff, v4;
	v5 =	vld [tilespmem:$0x1F4C0];
	_ =	sdelay $0x2  }
0x1cd: {  	v4 =	vld [tilespmem:$0x63B0];
	_ =	sdelay $0x4  }
0x1ce: {  	[tilespmem:v5+s30+$0x0] =	vst.idx.msk $0xffff, v4;
	v5 =	vld [tilespmem:$0x1F4D0];
	_ =	sdelay $0x2  }
0x1cf: {  	v4 =	vld [tilespmem:$0x63C0];
	_ =	sdelay $0x4  }
0x1d0: {  	[tilespmem:v5+s30+$0x0] =	vst.idx.msk $0xffff, v4;
	v5 =	vld [tilespmem:$0x1F4E0];
	_ =	sdelay $0x2  }
0x1d1: {  	v4 =	vld [tilespmem:$0x63D0];
	_ =	sdelay $0x4  }
0x1d2: {  	[tilespmem:v5+s30+$0x0] =	vst.idx.msk $0xffff, v4;
	v5 =	vld [tilespmem:$0x1F4F0];
	_ =	sdelay $0x2  }
0x1d3: {  	v4 =	vld [tilespmem:$0x63E0];
	_ =	sdelay $0x4  }
0x1d4: {  	[tilespmem:v5+s30+$0x0] =	vst.idx.msk $0xffff, v4;
	v5 =	vld [tilespmem:$0x1F500];
	_ =	sdelay $0x2  }
0x1d5: {  	v4 =	vld [tilespmem:$0x63F0];
	_ =	sdelay $0x4  }
0x1d6: {  	[tilespmem:v5+s30+$0x0] =	vst.idx.msk $0xffff, v4;
	v5 =	vld [tilespmem:$0x1F510];
	_ =	sdelay $0x2  }
0x1d7: {  	v4 =	vld [tilespmem:$0x6400];
	_ =	sdelay $0x4  }
0x1d8: {  	[tilespmem:v5+s30+$0x0] =	vst.idx.msk $0xffff, v4;
	v5 =	vld [tilespmem:$0x1F520];
	_ =	sdelay $0x2  }
0x1d9: {  	v4 =	vld [tilespmem:$0x6410];
	_ =	sdelay $0x4  }
0x1da: {  	[tilespmem:v5+s30+$0x0] =	vst.idx.msk $0xffff, v4;
	v5 =	vld [tilespmem:$0x1F530];
	_ =	sdelay $0x2  }
0x1db: {  	v4 =	vld [tilespmem:$0x6420];
	_ =	sdelay $0x4  }
0x1dc: {  	[tilespmem:v5+s30+$0x0] =	vst.idx.msk $0xffff, v4;
	v5 =	vld [tilespmem:$0x1F540];
	_ =	sdelay $0x2  }
0x1dd: {  	v4 =	vld [tilespmem:$0x6430];
	_ =	sdelay $0x4  }
0x1de: {  	[tilespmem:v5+s30+$0x0] =	vst.idx.msk $0xffff, v4;
	v5 =	vld [tilespmem:$0x1F550];
	_ =	sdelay $0x2  }
0x1df: {  	v4 =	vld [tilespmem:$0x6440];
	_ =	sdelay $0x4  }
0x1e0: {  	[tilespmem:v5+s30+$0x0] =	vst.idx.msk $0xffff, v4;
	v5 =	vld [tilespmem:$0x1F560];
	_ =	sdelay $0x2  }
0x1e1: {  	v4 =	vld [tilespmem:$0x6450];
	_ =	sdelay $0x4  }
0x1e2: {  	[tilespmem:v5+s30+$0x0] =	vst.idx.msk $0xffff, v4;
	v5 =	vld [tilespmem:$0x1F570];
	_ =	sdelay $0x2  }
0x1e3: {  	v4 =	vld [tilespmem:$0x6460];
	_ =	sdelay $0x4  }
0x1e4: {  	[tilespmem:v5+s30+$0x0] =	vst.idx.msk $0xffff, v4;
	v5 =	vld [tilespmem:$0x1F580];
	_ =	sdelay $0x2  }
0x1e5: {  	v4 =	vld [tilespmem:$0x6470];
	_ =	sdelay $0x4  }
0x1e6: {  	[tilespmem:v5+s30+$0x0] =	vst.idx.msk $0xffff, v4;
	v5 =	vld [tilespmem:$0x1F590];
	_ =	sdelay $0x2  }
0x1e7: {  	v4 =	vld [tilespmem:$0x6480];
	_ =	sdelay $0x4  }
0x1e8: {  	[tilespmem:v5+s30+$0x0] =	vst.idx.msk $0xffff, v4;
	v5 =	vld [tilespmem:$0x1F5A0];
	_ =	sdelay $0x2  }
0x1e9: {  	v4 =	vld [tilespmem:$0x6490];
	_ =	sdelay $0x4  }
0x1ea: {  	[tilespmem:v5+s30+$0x0] =	vst.idx.msk $0xffff, v4;
	v5 =	vld [tilespmem:$0x1F5B0];
	_ =	sdelay $0x2  }
0x1eb: {  	v4 =	vld [tilespmem:$0x64A0];
	_ =	sdelay $0x4  }
0x1ec: {  	[tilespmem:v5+s30+$0x0] =	vst.idx.msk $0xffff, v4;
	v5 =	vld [tilespmem:$0x1F5C0];
	_ =	sdelay $0x2  }
0x1ed: {  	v4 =	vld [tilespmem:$0x64B0];
	_ =	sdelay $0x4  }
0x1ee: {  	[tilespmem:v5+s30+$0x0] =	vst.idx.msk $0xffff, v4;
	v5 =	vld [tilespmem:$0x1F5D0];
	_ =	sdelay $0x2  }
0x1ef: {  	v4 =	vld [tilespmem:$0x64C0];
	_ =	sdelay $0x4  }
0x1f0: {  	[tilespmem:v5+s30+$0x0] =	vst.idx.msk $0xffff, v4;
	v5 =	vld [tilespmem:$0x1F5E0];
	_ =	sdelay $0x2  }
0x1f1: {  	v4 =	vld [tilespmem:$0x64D0];
	_ =	sdelay $0x4  }
0x1f2: {  	[tilespmem:v5+s30+$0x0] =	vst.idx.msk $0xffff, v4;
	v5 =	vld [tilespmem:$0x1F5F0];
	_ =	sdelay $0x2  }
0x1f3: {  	v4 =	vld [tilespmem:$0x64E0];
	_ =	sdelay $0x4  }
0x1f4: {  	[tilespmem:v5+s30+$0x0] =	vst.idx.msk $0xffff, v4;
	v5 =	vld [tilespmem:$0x1F600];
	_ =	sdelay $0x2  }
0x1f5: {  	v4 =	vld [tilespmem:$0x64F0];
	_ =	sdelay $0x4  }
0x1f6: {  	[tilespmem:v5+s30+$0x0] =	vst.idx.msk $0xffff, v4;
	v5 =	vld [tilespmem:$0x1F610];
	_ =	sdelay $0x2  }
0x1f7: {  	v4 =	vld [tilespmem:$0x6500];
	_ =	sdelay $0x4  }
0x1f8: {  	[tilespmem:v5+s30+$0x0] =	vst.idx.msk $0xffff, v4;
	v5 =	vld [tilespmem:$0x1F620];
	_ =	sdelay $0x2  }
0x1f9: {  	v4 =	vld [tilespmem:$0x6510];
	_ =	sdelay $0x4  }
0x1fa: {  	[tilespmem:v5+s30+$0x0] =	vst.idx.msk $0xffff, v4;
	v5 =	vld [tilespmem:$0x1F630];
	_ =	sdelay $0x2  }
0x1fb: {  	v4 =	vld [tilespmem:$0x6520];
	_ =	sdelay $0x4  }
0x1fc: {  	[tilespmem:v5+s30+$0x0] =	vst.idx.msk $0xffff, v4;
	v5 =	vld [tilespmem:$0x1F640];
	_ =	sdelay $0x2  }
0x1fd: {  	v4 =	vld [tilespmem:$0x6530];
	_ =	sdelay $0x4  }
0x1fe: {  	[tilespmem:v5+s30+$0x0] =	vst.idx.msk $0xffff, v4;
	v5 =	vld [tilespmem:$0x1F650];
	_ =	sdelay $0x2  }
0x1ff: {  	v4 =	vld [tilespmem:$0x6540];
	_ =	sdelay $0x4  }
0x200: {  	[tilespmem:v5+s30+$0x0] =	vst.idx.msk $0xffff, v4;
	v5 =	vld [tilespmem:$0x1F660];
	_ =	sdelay $0x2  }
0x201: {  	v4 =	vld [tilespmem:$0x6550];
	_ =	sdelay $0x4  }
0x202: {  	[tilespmem:v5+s30+$0x0] =	vst.idx.msk $0xffff, v4;
	v5 =	vld [tilespmem:$0x1F670];
	_ =	sdelay $0x2  }
0x203: {  	v4 =	vld [tilespmem:$0x6560];
	_ =	sdelay $0x4  }
0x204: {  	[tilespmem:v5+s30+$0x0] =	vst.idx.msk $0xffff, v4;
	v5 =	vld [tilespmem:$0x1F680];
	_ =	sdelay $0x2  }
0x205: {  	v4 =	vld [tilespmem:$0x6570];
	_ =	sdelay $0x4  }
0x206: {  	[tilespmem:v5+s30+$0x0] =	vst.idx.msk $0xffff, v4;
	v5 =	vld [tilespmem:$0x1F690];
	_ =	sdelay $0x2  }
0x207: {  	v4 =	vld [tilespmem:$0x6580];
	_ =	sdelay $0x4  }
0x208: {  	[tilespmem:v5+s30+$0x0] =	vst.idx.msk $0xffff, v4;
	v5 =	vld [tilespmem:$0x1F6A0];
	_ =	sdelay $0x2  }
0x209: {  	v4 =	vld [tilespmem:$0x6590];
	_ =	sdelay $0x4  }
0x20a: {  	[tilespmem:v5+s30+$0x0] =	vst.idx.msk $0xffff, v4;
	v5 =	vld [tilespmem:$0x1F6B0];
	_ =	sdelay $0x2  }
0x20b: {  	v4 =	vld [tilespmem:$0x65A0];
	_ =	sdelay $0x4  }
0x20c: {  	[tilespmem:v5+s30+$0x0] =	vst.idx.msk $0xffff, v4;
	v5 =	vld [tilespmem:$0x1F6C0];
	_ =	sdelay $0x2  }
0x20d: {  	v4 =	vld [tilespmem:$0x65B0];
	_ =	sdelay $0x4  }
0x20e: {  	[tilespmem:v5+s30+$0x0] =	vst.idx.msk $0xffff, v4;
	v5 =	vld [tilespmem:$0x1F6D0];
	_ =	sdelay $0x2  }
0x20f: {  	v4 =	vld [tilespmem:$0x65C0];
	_ =	sdelay $0x4  }
0x210: {  	[tilespmem:v5+s30+$0x0] =	vst.idx.msk $0xffff, v4;
	v5 =	vld [tilespmem:$0x1F6E0];
	_ =	sdelay $0x2  }
0x211: {  	v4 =	vld [tilespmem:$0x65D0];
	_ =	sdelay $0x4  }
0x212: {  	[tilespmem:v5+s30+$0x0] =	vst.idx.msk $0xffff, v4;
	v5 =	vld [tilespmem:$0x1F6F0];
	_ =	sdelay $0x2  }
0x213: {  	v4 =	vld [tilespmem:$0x65E0];
	_ =	sdelay $0x4  }
0x214: {  	[tilespmem:v5+s30+$0x0] =	vst.idx.msk $0xffff, v4;
	v5 =	vld [tilespmem:$0x1F700];
	_ =	sdelay $0x2  }
0x215: {  	v4 =	vld [tilespmem:$0x65F0];
	_ =	sdelay $0x4  }
0x216: {  	[tilespmem:v5+s30+$0x0] =	vst.idx.msk $0xffff, v4;
	v5 =	vld [tilespmem:$0x1F710];
	_ =	sdelay $0x2  }
0x217: {  	v4 =	vld [tilespmem:$0x6600];
	_ =	sdelay $0x4  }
0x218: {  	[tilespmem:v5+s30+$0x0] =	vst.idx.msk $0xffff, v4;
	v5 =	vld [tilespmem:$0x1F720];
	_ =	sdelay $0x2  }
0x219: {  	v4 =	vld [tilespmem:$0x6610];
	_ =	sdelay $0x4  }
0x21a: {  	[tilespmem:v5+s30+$0x0] =	vst.idx.msk $0xffff, v4;
	v5 =	vld [tilespmem:$0x1F730];
	_ =	sdelay $0x2  }
0x21b: {  	v4 =	vld [tilespmem:$0x6620];
	_ =	sdelay $0x4  }
0x21c: {  	[tilespmem:v5+s30+$0x0] =	vst.idx.msk $0xffff, v4;
	v5 =	vld [tilespmem:$0x1F740];
	_ =	sdelay $0x2  }
0x21d: {  	v4 =	vld [tilespmem:$0x6630];
	_ =	sdelay $0x4  }
0x21e: {  	[tilespmem:v5+s30+$0x0] =	vst.idx.msk $0xffff, v4;
	v5 =	vld [tilespmem:$0x1F750];
	_ =	sdelay $0x2  }
0x21f: {  	v4 =	vld [tilespmem:$0x6640];
	_ =	sdelay $0x4  }
0x220: {  	[tilespmem:v5+s30+$0x0] =	vst.idx.msk $0xffff, v4;
	v5 =	vld [tilespmem:$0x1F760];
	_ =	sdelay $0x2  }
0x221: {  	v4 =	vld [tilespmem:$0x6650];
	_ =	sdelay $0x4  }
0x222: {  	[tilespmem:v5+s30+$0x0] =	vst.idx.msk $0xffff, v4;
	v5 =	vld [tilespmem:$0x1F770];
	_ =	sdelay $0x2  }
0x223: {  	v4 =	vld [tilespmem:$0x6660];
	_ =	sdelay $0x4  }
0x224: {  	[tilespmem:v5+s30+$0x0] =	vst.idx.msk $0xffff, v4;
	v5 =	vld [tilespmem:$0x1F780];
	_ =	sdelay $0x2  }
0x225: {  	v4 =	vld [tilespmem:$0x6670];
	_ =	sdelay $0x4  }
0x226: {  	[tilespmem:v5+s30+$0x0] =	vst.idx.msk $0xffff, v4;
	v5 =	vld [tilespmem:$0x1F790];
	_ =	sdelay $0x2  }
0x227: {  	v4 =	vld [tilespmem:$0x6680];
	_ =	sdelay $0x4  }
0x228: {  	[tilespmem:v5+s30+$0x0] =	vst.idx.msk $0xffff, v4;
	v5 =	vld [tilespmem:$0x1F7A0];
	_ =	sdelay $0x2  }
0x229: {  	v4 =	vld [tilespmem:$0x6690];
	_ =	sdelay $0x4  }
0x22a: {  	[tilespmem:v5+s30+$0x0] =	vst.idx.msk $0xffff, v4;
	v5 =	vld [tilespmem:$0x1F7B0];
	_ =	sdelay $0x2  }
0x22b: {  	v4 =	vld [tilespmem:$0x66A0];
	_ =	sdelay $0x4  }
0x22c: {  	[tilespmem:v5+s30+$0x0] =	vst.idx.msk $0xffff, v4;
	v5 =	vld [tilespmem:$0x1F7C0];
	_ =	sdelay $0x2  }
0x22d: {  	v4 =	vld [tilespmem:$0x66B0];
	_ =	sdelay $0x4  }
0x22e: {  	[tilespmem:v5+s30+$0x0] =	vst.idx.msk $0xffff, v4;
	v5 =	vld [tilespmem:$0x1F7D0];
	_ =	sdelay $0x2  }
0x22f: {  	v4 =	vld [tilespmem:$0x66C0];
	_ =	sdelay $0x4  }
0x230: {  	[tilespmem:v5+s30+$0x0] =	vst.idx.msk $0xffff, v4;
	v5 =	vld [tilespmem:$0x1F7E0];
	_ =	sdelay $0x2  }
0x231: {  	v4 =	vld [tilespmem:$0x66D0];
	_ =	sdelay $0x4  }
0x232: {  	[tilespmem:v5+s30+$0x0] =	vst.idx.msk $0xffff, v4;
	v5 =	vld [tilespmem:$0x1F7F0];
	_ =	sdelay $0x2  }
0x233: {  	v4 =	vld [tilespmem:$0x66E0];
	_ =	sdelay $0x4  }
0x234: {  	[tilespmem:v5+s30+$0x0] =	vst.idx.msk $0xffff, v4;
	v5 =	vld [tilespmem:$0x1F800];
	_ =	sdelay $0x2  }
0x235: {  	v4 =	vld [tilespmem:$0x66F0];
	_ =	sdelay $0x4  }
0x236: {  	[tilespmem:v5+s30+$0x0] =	vst.idx.msk $0xffff, v4;
	v5 =	vld [tilespmem:$0x1F810];
	_ =	sdelay $0x2  }
0x237: {  	v4 =	vld [tilespmem:$0x6700];
	_ =	sdelay $0x4  }
0x238: {  	[tilespmem:v5+s30+$0x0] =	vst.idx.msk $0xffff, v4;
	v5 =	vld [tilespmem:$0x1F820];
	_ =	sdelay $0x2  }
0x239: {  	v4 =	vld [tilespmem:$0x6710];
	_ =	sdelay $0x4  }
0x23a: {  	[tilespmem:v5+s30+$0x0] =	vst.idx.msk $0xffff, v4;
	v5 =	vld [tilespmem:$0x1F830];
	_ =	sdelay $0x2  }
0x23b: {  	v4 =	vld [tilespmem:$0x6720];
	_ =	sdelay $0x4  }
0x23c: {  	[tilespmem:v5+s30+$0x0] =	vst.idx.msk $0xffff, v4;
	v5 =	vld [tilespmem:$0x1F840];
	_ =	sdelay $0x2  }
0x23d: {  	v4 =	vld [tilespmem:$0x6730];
	_ =	sdelay $0x4  }
0x23e: {  	[tilespmem:v5+s30+$0x0] =	vst.idx.msk $0xffff, v4;
	v5 =	vld [tilespmem:$0x1F850];
	_ =	sdelay $0x2  }
0x23f: {  	v4 =	vld [tilespmem:$0x6740];
	_ =	sdelay $0x4  }
0x240: {  	[tilespmem:v5+s30+$0x0] =	vst.idx.msk $0xffff, v4;
	v5 =	vld [tilespmem:$0x1F860];
	_ =	sdelay $0x2  }
0x241: {  	v4 =	vld [tilespmem:$0x6750];
	_ =	sdelay $0x4  }
0x242: {  	[tilespmem:v5+s30+$0x0] =	vst.idx.msk $0xffff, v4;
	v5 =	vld [tilespmem:$0x1F870];
	_ =	sdelay $0x2  }
0x243: {  	v4 =	vld [tilespmem:$0x6760];
	_ =	sdelay $0x4  }
0x244: {  	[tilespmem:v5+s30+$0x0] =	vst.idx.msk $0xffff, v4;
	v5 =	vld [tilespmem:$0x1F880];
	_ =	sdelay $0x2  }
0x245: {  	v4 =	vld [tilespmem:$0x6770];
	_ =	sdelay $0x4  }
0x246: {  	[tilespmem:v5+s30+$0x0] =	vst.idx.msk $0xffff, v4;
	v5 =	vld [tilespmem:$0x1F890];
	_ =	sdelay $0x2  }
0x247: {  	v4 =	vld [tilespmem:$0x6780];
	_ =	sdelay $0x4  }
0x248: {  	[tilespmem:v5+s30+$0x0] =	vst.idx.msk $0xffff, v4;
	v5 =	vld [tilespmem:$0x1F8A0];
	_ =	sdelay $0x2  }
0x249: {  	v4 =	vld [tilespmem:$0x6790];
	_ =	sdelay $0x4  }
0x24a: {  	[tilespmem:v5+s30+$0x0] =	vst.idx.msk $0xffff, v4;
	v5 =	vld [tilespmem:$0x1F8B0];
	_ =	sdelay $0x2  }
0x24b: {  	v4 =	vld [tilespmem:$0x67A0];
	_ =	sdelay $0x4  }
0x24c: {  	[tilespmem:v5+s30+$0x0] =	vst.idx.msk $0xffff, v4;
	v5 =	vld [tilespmem:$0x1F8C0];
	_ =	sdelay $0x2  }
0x24d: {  	v4 =	vld [tilespmem:$0x67B0];
	_ =	sdelay $0x4  }
0x24e: {  	[tilespmem:v5+s30+$0x0] =	vst.idx.msk $0xffff, v4;
	v5 =	vld [tilespmem:$0x1F8D0];
	_ =	sdelay $0x2  }
0x24f: {  	v4 =	vld [tilespmem:$0x67C0];
	_ =	sdelay $0x4  }
0x250: {  	[tilespmem:v5+s30+$0x0] =	vst.idx.msk $0xffff, v4;
	v5 =	vld [tilespmem:$0x1F8E0];
	_ =	sdelay $0x2  }
0x251: {  	v4 =	vld [tilespmem:$0x67D0];
	_ =	sdelay $0x4  }
0x252: {  	[tilespmem:v5+s30+$0x0] =	vst.idx.msk $0xffff, v4;
	v5 =	vld [tilespmem:$0x1F8F0];
	_ =	sdelay $0x2  }
0x253: {  	v4 =	vld [tilespmem:$0x67E0];
	_ =	sdelay $0x4  }
0x254: {  	[tilespmem:v5+s30+$0x0] =	vst.idx.msk $0xffff, v4;
	v5 =	vld [tilespmem:$0x1F900];
	_ =	sdelay $0x2  }
0x255: {  	v4 =	vld [tilespmem:$0x67F0];
	_ =	sdelay $0x4  }
0x256: {  	[tilespmem:v5+s30+$0x0] =	vst.idx.msk $0xffff, v4;
	v5 =	vld [tilespmem:$0x1F910];
	_ =	sdelay $0x2  }
0x257: {  	v4 =	vld [tilespmem:$0x6800];
	_ =	sdelay $0x4  }
0x258: {  	[tilespmem:v5+s30+$0x0] =	vst.idx.msk $0xffff, v4;
	v5 =	vld [tilespmem:$0x1F920];
	_ =	sdelay $0x2  }
0x259: {  	v4 =	vld [tilespmem:$0x6810];
	_ =	sdelay $0x4  }
0x25a: {  	[tilespmem:v5+s30+$0x0] =	vst.idx.msk $0xffff, v4;
	v5 =	vld [tilespmem:$0x1F930];
	_ =	sdelay $0x2  }
0x25b: {  	v4 =	vld [tilespmem:$0x6820];
	_ =	sdelay $0x4  }
0x25c: {  	[tilespmem:v5+s30+$0x0] =	vst.idx.msk $0xffff, v4;
	v5 =	vld [tilespmem:$0x1F940];
	_ =	sdelay $0x2  }
0x25d: {  	v4 =	vld [tilespmem:$0x6830];
	_ =	sdelay $0x4  }
0x25e: {  	[tilespmem:v5+s30+$0x0] =	vst.idx.msk $0xffff, v4;
	v5 =	vld [tilespmem:$0x1F950];
	_ =	sdelay $0x2  }
0x25f: {  	v4 =	vld [tilespmem:$0x6840];
	_ =	sdelay $0x4  }
0x260: {  	[tilespmem:v5+s30+$0x0] =	vst.idx.msk $0xffff, v4;
	v5 =	vld [tilespmem:$0x1F960];
	_ =	sdelay $0x2  }
0x261: {  	v4 =	vld [tilespmem:$0x6850];
	_ =	sdelay $0x4  }
0x262: {  	[tilespmem:v5+s30+$0x0] =	vst.idx.msk $0xffff, v4;
	v5 =	vld [tilespmem:$0x1F970];
	_ =	sdelay $0x2  }
0x263: {  	v4 =	vld [tilespmem:$0x6860];
	_ =	sdelay $0x4  }
0x264: {  	[tilespmem:v5+s30+$0x0] =	vst.idx.msk $0xffff, v4;
	v5 =	vld [tilespmem:$0x1F980];
	_ =	sdelay $0x2  }
0x265: {  	v4 =	vld [tilespmem:$0x6870];
	_ =	sdelay $0x4  }
0x266: {  	[tilespmem:v5+s30+$0x0] =	vst.idx.msk $0xffff, v4;
	v5 =	vld [tilespmem:$0x1F990];
	_ =	sdelay $0x2  }
0x267: {  	v4 =	vld [tilespmem:$0x6880];
	_ =	sdelay $0x4  }
0x268: {  	[tilespmem:v5+s30+$0x0] =	vst.idx.msk $0xffff, v4;
	v5 =	vld [tilespmem:$0x1F9A0];
	_ =	sdelay $0x2  }
0x269: {  	v4 =	vld [tilespmem:$0x6890];
	_ =	sdelay $0x4  }
0x26a: {  	[tilespmem:v5+s30+$0x0] =	vst.idx.msk $0xffff, v4;
	v5 =	vld [tilespmem:$0x1F9B0];
	_ =	sdelay $0x2  }
0x26b: {  	v4 =	vld [tilespmem:$0x68A0];
	_ =	sdelay $0x4  }
0x26c: {  	[tilespmem:v5+s30+$0x0] =	vst.idx.msk $0xffff, v4;
	v5 =	vld [tilespmem:$0x1F9C0];
	_ =	sdelay $0x2  }
0x26d: {  	v4 =	vld [tilespmem:$0x68B0];
	_ =	sdelay $0x4  }
0x26e: {  	[tilespmem:v5+s30+$0x0] =	vst.idx.msk $0xffff, v4;
	v5 =	vld [tilespmem:$0x1F9D0];
	_ =	sdelay $0x2  }
0x26f: {  	v4 =	vld [tilespmem:$0x68C0];
	_ =	sdelay $0x4  }
0x270: {  	[tilespmem:v5+s30+$0x0] =	vst.idx.msk $0xffff, v4;
	v5 =	vld [tilespmem:$0x1F9E0];
	_ =	sdelay $0x2  }
0x271: {  	v4 =	vld [tilespmem:$0x68D0];
	_ =	sdelay $0x4  }
0x272: {  	[tilespmem:v5+s30+$0x0] =	vst.idx.msk $0xffff, v4;
	v5 =	vld [tilespmem:$0x1F9F0];
	_ =	sdelay $0x2  }
0x273: {  	v4 =	vld [tilespmem:$0x68E0];
	_ =	sdelay $0x4  }
0x274: {  	[tilespmem:v5+s30+$0x0] =	vst.idx.msk $0xffff, v4;
	v5 =	vld [tilespmem:$0x1FA00];
	_ =	sdelay $0x2  }
0x275: {  	v4 =	vld [tilespmem:$0x68F0];
	_ =	sdelay $0x4  }
0x276: {  	[tilespmem:v5+s30+$0x0] =	vst.idx.msk $0xffff, v4;
	v5 =	vld [tilespmem:$0x1FA10];
	_ =	sdelay $0x2  }
0x277: {  	v4 =	vld [tilespmem:$0x6900];
	_ =	sdelay $0x4  }
0x278: {  	[tilespmem:v5+s30+$0x0] =	vst.idx.msk $0xffff, v4;
	v5 =	vld [tilespmem:$0x1FA20];
	_ =	sdelay $0x2  }
0x279: {  	v4 =	vld [tilespmem:$0x6910];
	_ =	sdelay $0x2  }
0x27a: {  	v3 =	vld [tilespmem:$0x1FA30];
	_ =	sdelay $0x1  }
0x27b: {  	[tilespmem:v5+s30+$0x0] =	vst.idx.msk $0xffff, v4  }
0x27c: {  	v4 =	vld [tilespmem:$0x6920];
	_ =	sdelay $0x4  }
0x27d: {  	[tilespmem:v3+s30+$0x0] =	vst.idx.msk $0xffff, v4;
	v3 =	vld [tilespmem:$0x1FA40];
	_ =	sdelay $0x2  }
0x27e: {  	v4 =	vld [tilespmem:$0x6930];
	_ =	sdelay $0x4  }
0x27f: {  	[tilespmem:v3+s30+$0x0] =	vst.idx.msk $0xffff, v4;
	v3 =	vld [tilespmem:$0x1FA50];
	_ =	sdelay $0x2  }
0x280: {  	v4 =	vld [tilespmem:$0x6940];
	_ =	sdelay $0x4  }
0x281: {  	[tilespmem:v3+s30+$0x0] =	vst.idx.msk $0xffff, v4;
	v3 =	vld [tilespmem:$0x1FA60];
	_ =	sdelay $0x2  }
0x282: {  	v4 =	vld [tilespmem:$0x6950];
	_ =	sdelay $0x4  }
0x283: {  	[tilespmem:v3+s30+$0x0] =	vst.idx.msk $0xffff, v4;
	v3 =	vld [tilespmem:$0x1FA70];
	_ =	sdelay $0x2  }
0x284: {  	v4 =	vld [tilespmem:$0x6960];
	_ =	sdelay $0x4  }
0x285: {  	[tilespmem:v3+s30+$0x0] =	vst.idx.msk $0xffff, v4;
	v3 =	vld [tilespmem:$0x1FA80];
	_ =	sdelay $0x2  }
0x286: {  	v4 =	vld [tilespmem:$0x6970];
	_ =	sdelay $0x4  }
0x287: {  	[tilespmem:v3+s30+$0x0] =	vst.idx.msk $0xffff, v4;
	v3 =	vld [tilespmem:$0x1FA90];
	_ =	sdelay $0x2  }
0x288: {  	v4 =	vld [tilespmem:$0x6980];
	_ =	sdelay $0x4  }
0x289: {  	[tilespmem:v3+s30+$0x0] =	vst.idx.msk $0xffff, v4;
	v3 =	vld [tilespmem:$0x1FAA0];
	_ =	sdelay $0x2  }
0x28a: {  	v4 =	vld [tilespmem:$0x6990];
	_ =	sdelay $0x4  }
0x28b: {  	[tilespmem:v3+s30+$0x0] =	vst.idx.msk $0xffff, v4;
	v3 =	vld [tilespmem:$0x1FAB0];
	_ =	sdelay $0x2  }
0x28c: {  	v4 =	vld [tilespmem:$0x69A0];
	_ =	sdelay $0x4  }
0x28d: {  	[tilespmem:v3+s30+$0x0] =	vst.idx.msk $0xffff, v4;
	v3 =	vld [tilespmem:$0x1FAC0];
	_ =	sdelay $0x2  }
0x28e: {  	v4 =	vld [tilespmem:$0x69B0];
	_ =	sdelay $0x4  }
0x28f: {  	[tilespmem:v3+s30+$0x0] =	vst.idx.msk $0xffff, v4;
	v3 =	vld [tilespmem:$0x1FAD0];
	_ =	sdelay $0x2  }
0x290: {  	v4 =	vld [tilespmem:$0x69C0];
	_ =	sdelay $0x4  }
0x291: {  	[tilespmem:v3+s30+$0x0] =	vst.idx.msk $0xffff, v4;
	v3 =	vld [tilespmem:$0x1FAE0];
	_ =	sdelay $0x2  }
0x292: {  	v4 =	vld [tilespmem:$0x69D0];
	_ =	sdelay $0x4  }
0x293: {  	[tilespmem:v3+s30+$0x0] =	vst.idx.msk $0xffff, v4;
	v3 =	vld [tilespmem:$0x1FAF0];
	_ =	sdelay $0x2  }
0x294: {  	v4 =	vld [tilespmem:$0x69E0];
	_ =	sdelay $0x4  }
0x295: {  	[tilespmem:v3+s30+$0x0] =	vst.idx.msk $0xffff, v4;
	v3 =	vld [tilespmem:$0x1FB00];
	_ =	sdelay $0x2  }
0x296: {  	v4 =	vld [tilespmem:$0x69F0];
	_ =	sdelay $0x4  }
0x297: {  	[tilespmem:v3+s30+$0x0] =	vst.idx.msk $0xffff, v4;
	v3 =	vld [tilespmem:$0x1FB10];
	_ =	sdelay $0x2  }
0x298: {  	v4 =	vld [tilespmem:$0x6A00];
	_ =	sdelay $0x4  }
0x299: {  	[tilespmem:v3+s30+$0x0] =	vst.idx.msk $0xffff, v4;
	v3 =	vld [tilespmem:$0x1FB20];
	_ =	sdelay $0x2  }
0x29a: {  	v4 =	vld [tilespmem:$0x6A10];
	_ =	sdelay $0x4  }
0x29b: {  	[tilespmem:v3+s30+$0x0] =	vst.idx.msk $0xffff, v4;
	v3 =	vld [tilespmem:$0x1FB30];
	_ =	sdelay $0x2  }
0x29c: {  	v4 =	vld [tilespmem:$0x6A20];
	_ =	sdelay $0x4  }
0x29d: {  	[tilespmem:v3+s30+$0x0] =	vst.idx.msk $0xffff, v4;
	v3 =	vld [tilespmem:$0x1FB40];
	_ =	sdelay $0x2  }
0x29e: {  	v4 =	vld [tilespmem:$0x6A30];
	_ =	sdelay $0x4  }
0x29f: {  	[tilespmem:v3+s30+$0x0] =	vst.idx.msk $0xffff, v4;
	v3 =	vld [tilespmem:$0x1FB50];
	_ =	sdelay $0x2  }
0x2a0: {  	v4 =	vld [tilespmem:$0x6A40];
	_ =	sdelay $0x4  }
0x2a1: {  	[tilespmem:v3+s30+$0x0] =	vst.idx.msk $0xffff, v4;
	v3 =	vld [tilespmem:$0x1FB60];
	_ =	sdelay $0x2  }
0x2a2: {  	v4 =	vld [tilespmem:$0x6A50];
	_ =	sdelay $0x4  }
0x2a3: {  	[tilespmem:v3+s30+$0x0] =	vst.idx.msk $0xffff, v4;
	v3 =	vld [tilespmem:$0x1FB70];
	_ =	sdelay $0x2  }
0x2a4: {  	v4 =	vld [tilespmem:$0x6A60];
	_ =	sdelay $0x4  }
0x2a5: {  	[tilespmem:v3+s30+$0x0] =	vst.idx.msk $0xffff, v4;
	v3 =	vld [tilespmem:$0x1FB80];
	_ =	sdelay $0x2  }
0x2a6: {  	v4 =	vld [tilespmem:$0x6A70];
	_ =	sdelay $0x4  }
0x2a7: {  	[tilespmem:v3+s30+$0x0] =	vst.idx.msk $0xffff, v4;
	v3 =	vld [tilespmem:$0x1FB90];
	_ =	sdelay $0x2  }
0x2a8: {  	v4 =	vld [tilespmem:$0x6A80];
	_ =	sdelay $0x4  }
0x2a9: {  	[tilespmem:v3+s30+$0x0] =	vst.idx.msk $0xffff, v4;
	v3 =	vld [tilespmem:$0x1FBA0];
	_ =	sdelay $0x2  }
0x2aa: {  	v4 =	vld [tilespmem:$0x6A90];
	_ =	sdelay $0x4  }
0x2ab: {  	[tilespmem:v3+s30+$0x0] =	vst.idx.msk $0xffff, v4;
	v3 =	vld [tilespmem:$0x1FBB0];
	_ =	sdelay $0x2  }
0x2ac: {  	v4 =	vld [tilespmem:$0x6AA0];
	_ =	sdelay $0x4  }
0x2ad: {  	[tilespmem:v3+s30+$0x0] =	vst.idx.msk $0xffff, v4;
	v3 =	vld [tilespmem:$0x1FBC0];
	_ =	sdelay $0x2  }
0x2ae: {  	v4 =	vld [tilespmem:$0x6AB0];
	_ =	sdelay $0x4  }
0x2af: {  	[tilespmem:v3+s30+$0x0] =	vst.idx.msk $0xffff, v4;
	v3 =	vld [tilespmem:$0x1FBD0];
	_ =	sdelay $0x2  }
0x2b0: {  	v4 =	vld [tilespmem:$0x6AC0];
	_ =	sdelay $0x4  }
0x2b1: {  	[tilespmem:v3+s30+$0x0] =	vst.idx.msk $0xffff, v4;
	v3 =	vld [tilespmem:$0x1FBE0];
	_ =	sdelay $0x2  }
0x2b2: {  	v1 =	vld [tilespmem:$0x6AD0];
	_ =	sdelay $0x4  }
0x2b3: {  	[tilespmem:v3+s30+$0x0] =	vst.idx.msk $0xffff, v1;
	v3 =	vld [tilespmem:$0x1FBF0];
	_ =	sdelay $0x2  }
0x2b4: {  	v1 =	vld [tilespmem:$0x6AE0];
	_ =	sdelay $0x2  }
0x2b5: {  	v4 =	vld [tilespmem:$0x1FC00];
	_ =	sdelay $0x1  }
0x2b6: {  	[tilespmem:v3+s30+$0x0] =	vst.idx.msk $0xffff, v1  }
0x2b7: {  	v1 =	vld [tilespmem:$0x6AF0]  }
0x2b8: {  	s23 =	sadd.s32 $0x4, s21  }
0x2b9: {  	s24 =	sand.u32 $0x1F, s20;
	s23 =	sand.u32 $0x3FFF80, s23  }
0x2ba: {  	s23 =	sor.u32 s24, s23  }
0x2bb: {  	s23 =	sshll.u32 s23, $0x7  }
0x2bc: {  	s24 =	sadd.s32 s2, s23;
	[tilespmem:v4+s30+$0x0] =	vst.idx.msk $0xffff, v1  }
0x2bd: {  	[hbm4b:s24+s3] =	stream.linear.scatter [tilespmem:s30], [sflag:$0x4], $0x80, $0x38;
	[tilespmem:$0x8D00] =	vst v63  }
0x2be: {  	s26 =	simm.s32 $0x7C88;
	s25 =	sadd.s32 $0x10, s24  }
0x2bf: {  	[hbm4b:s25+s3] =	stream.linear.scatter [tilespmem:s26], [sflag:$0x4], $0x80, $0x38;
	[tilespmem:$0x8D00] =	vst v63  }
0x2c0: {  	s31 =	simm.s32 $0x7D10;
	s26 =	sadd.s32 $0x20, s24  }
0x2c1: {  	[hbm4b:s26+s3] =	stream.linear.scatter [tilespmem:s31], [sflag:$0x4], $0x80, $0x38;
	[tilespmem:$0x8D00] =	vst v63  }
0x2c2: {  	s26 =	sadd.s32 $0x30, s24;
	s31 =	simm.s32 $0x7D98  }
0x2c3: {  	[hbm4b:s26+s3] =	stream.linear.scatter [tilespmem:s31], [sflag:$0x4], $0x80, $0x38;
	[tilespmem:$0x8D00] =	vst v63  }
0x2c4: {  	s26 =	sadd.s32 $0x40, s24;
	s31 =	simm.s32 $0x7E20  }
0x2c5: {  	[hbm4b:s26+s3] =	stream.linear.scatter [tilespmem:s31], [sflag:$0x4], $0x80, $0x38;
	[tilespmem:$0x8D00] =	vst v63  }
0x2c6: {  	s26 =	sadd.s32 $0x50, s24;
	s31 =	simm.s32 $0x7EA8  }
0x2c7: {  	[hbm4b:s26+s3] =	stream.linear.scatter [tilespmem:s31], [sflag:$0x4], $0x80, $0x38;
	[tilespmem:$0x8D00] =	vst v63  }
0x2c8: {  	s26 =	sadd.s32 $0x60, s24;
	s31 =	simm.s32 $0x7F30  }
0x2c9: {  	[hbm4b:s26+s3] =	stream.linear.scatter [tilespmem:s31], [sflag:$0x4], $0x80, $0x38;
	[tilespmem:$0x8D00] =	vst v63  }
0x2ca: {  	s24 =	sadd.s32 $0x70, s24;
	s26 =	simm.s32 $0x7FB8  }
0x2cb: {  	[hbm4b:s24+s3] =	stream.linear.scatter [tilespmem:s26], [sflag:$0x4], $0x80, $0x38;
	[tilespmem:$0x8D00] =	vst v63  }
0x2cc: {  	s31 =	simm.s32 $0x8040;
	s24 =	sadd.s32 s23, s6  }
0x2cd: {  	[hbm4b:s24+s3] =	stream.linear.scatter [tilespmem:s31], [sflag:$0x4], $0x80, $0x38;
	[tilespmem:$0x8D00] =	vst v63  }
0x2ce: {  	s26 =	sadd.s32 $0x10, s24;
	s31 =	simm.s32 $0x80C8  }
0x2cf: {  	[hbm4b:s26+s3] =	stream.linear.scatter [tilespmem:s31], [sflag:$0x4], $0x80, $0x38;
	[tilespmem:$0x8D00] =	vst v63  }
0x2d0: {  	s26 =	sadd.s32 $0x20, s24;
	s31 =	simm.s32 $0x8150  }
0x2d1: {  	[hbm4b:s26+s3] =	stream.linear.scatter [tilespmem:s31], [sflag:$0x4], $0x80, $0x38;
	[tilespmem:$0x8D00] =	vst v63  }
0x2d2: {  	s26 =	sadd.s32 $0x30, s24;
	s31 =	simm.s32 $0x81D8  }
0x2d3: {  	[hbm4b:s26+s3] =	stream.linear.scatter [tilespmem:s31], [sflag:$0x4], $0x80, $0x38;
	[tilespmem:$0x8D00] =	vst v63  }
0x2d4: {  	s26 =	sadd.s32 $0x40, s24;
	s31 =	simm.s32 $0x8260  }
0x2d5: {  	[hbm4b:s26+s3] =	stream.linear.scatter [tilespmem:s31], [sflag:$0x4], $0x80, $0x38;
	[tilespmem:$0x8D00] =	vst v63  }
0x2d6: {  	s26 =	sadd.s32 $0x50, s24;
	s31 =	simm.s32 $0x82E8  }
0x2d7: {  	[hbm4b:s26+s3] =	stream.linear.scatter [tilespmem:s31], [sflag:$0x4], $0x80, $0x38;
	[tilespmem:$0x8D00] =	vst v63  }
0x2d8: {  	s26 =	sadd.s32 $0x60, s24;
	s31 =	simm.s32 $0x8370  }
0x2d9: {  	[hbm4b:s26+s3] =	stream.linear.scatter [tilespmem:s31], [sflag:$0x4], $0x80, $0x38;
	[tilespmem:$0x8D00] =	vst v63  }
0x2da: {  	s24 =	sadd.s32 $0x70, s24;
	s26 =	simm.s32 $0x83F8  }
0x2db: {  	[hbm4b:s24+s3] =	stream.linear.scatter [tilespmem:s26], [sflag:$0x4], $0x80, $0x38;
	[tilespmem:$0x8D00] =	vst v63  }
0x2dc: {  	s31 =	simm.s32 $0x8480;
	s24 =	sadd.s32 s23, s7  }
0x2dd: {  	[hbm4b:s24+s3] =	stream.linear.scatter [tilespmem:s31], [sflag:$0x4], $0x80, $0x38;
	[tilespmem:$0x8D00] =	vst v63  }
0x2de: {  	s26 =	sadd.s32 $0x10, s24;
	s31 =	simm.s32 $0x8508  }
0x2df: {  	[hbm4b:s26+s3] =	stream.linear.scatter [tilespmem:s31], [sflag:$0x4], $0x80, $0x38;
	[tilespmem:$0x8D00] =	vst v63  }
0x2e0: {  	s26 =	sadd.s32 $0x20, s24;
	s31 =	simm.s32 $0x8590  }
0x2e1: {  	[hbm4b:s26+s3] =	stream.linear.scatter [tilespmem:s31], [sflag:$0x4], $0x80, $0x38;
	[tilespmem:$0x8D00] =	vst v63  }
0x2e2: {  	s26 =	sadd.s32 $0x30, s24;
	s31 =	simm.s32 $0x8618  }
0x2e3: {  	[hbm4b:s26+s3] =	stream.linear.scatter [tilespmem:s31], [sflag:$0x4], $0x80, $0x38;
	[tilespmem:$0x8D00] =	vst v63  }
0x2e4: {  	s26 =	sadd.s32 $0x40, s24;
	s31 =	simm.s32 $0x86A0  }
0x2e5: {  	[hbm4b:s26+s3] =	stream.linear.scatter [tilespmem:s31], [sflag:$0x4], $0x80, $0x38;
	[tilespmem:$0x8D00] =	vst v63  }
0x2e6: {  	s26 =	sadd.s32 $0x50, s24  }
0x2e7: {  	[hbm4b:s26+s3] =	stream.linear.scatter [tilespmem:s1], [sflag:$0x4], $0x80, $0x38;
	[tilespmem:$0x8D00] =	vst v63  }
0x2e8: {  	s31 =	sadd.s32 $0x60, s24  }
0x2e9: {  	[hbm4b:s31+s3] =	stream.linear.scatter [tilespmem:s0], [sflag:$0x4], $0x80, $0x38;
	[tilespmem:$0x8D00] =	vst v63  }
0x2ea: {  	s24 =	sadd.s32 $0x70, s24  }
0x2eb: {  	[hbm4b:s24+s3] =	stream.linear.scatter [tilespmem:s5], [sflag:$0x4], $0x80, $0x38;
	[tilespmem:$0x8D00] =	vst v63  }
0x2ec: {  	s23 =	sadd.s32 s23, s8  }
0x2ed: {  	[hbm4b:s23+s3] =	stream.linear.scatter [tilespmem:s9], [sflag:$0x4], $0x80, $0x38;
	[tilespmem:$0x8D00] =	vst v63  }
0x2ee: {  	s25 =	sadd.s32 $0x10, s23  }
0x2ef: {  	[hbm4b:s25+s3] =	stream.linear.scatter [tilespmem:s10], [sflag:$0x4], $0x80, $0x38;
	[tilespmem:$0x8D00] =	vst v63  }
0x2f0: {  	s26 =	sadd.s32 $0x20, s23  }
0x2f1: {  	[hbm4b:s26+s3] =	stream.linear.scatter [tilespmem:s11], [sflag:$0x4], $0x80, $0x38;
	[tilespmem:$0x8D00] =	vst v63  }
0x2f2: {  	s31 =	sadd.s32 $0x30, s23  }
0x2f3: {  	[hbm4b:s31+s3] =	stream.linear.scatter [tilespmem:s12], [sflag:$0x4], $0x80, $0x38;
	[tilespmem:$0x8D00] =	vst v63  }
0x2f4: {  	s22 =	sadd.s32 $0x400, s22;
	s25 =	sadd.s32 $0x40, s23  }
0x2f5: {  	[hbm4b:s25+s3] =	stream.linear.scatter [tilespmem:s14], [sflag:$0x4], $0x80, $0x38;
	[tilespmem:$0x8D00] =	vst v63  }
0x2f6: {  	p0 =	sne.s32 s22, $0x12C00;
	s26 =	sadd.s32 $0x50, s23  }
0x2f7: {  	[hbm4b:s26+s3] =	stream.linear.scatter [tilespmem:s15], [sflag:$0x4], $0x80, $0x38;
	[tilespmem:$0x8D00] =	vst v63  }
.Ltmp3:
0x2f8: {  	v41 =	vmov v35;
	(pc) =	sbr.rel @!p0 .LBB2_7-.Ltmp3, $4  }
0x2f9: {  	v35 =	vmovc v29;
	v29 =	vmovc v23;
	v23 =	vmov v17;
	v17 =	vmov v11;
	v11 =	vmov v6;
	v6 =	vld [tilespmem:$0x1FC30];
	s31 =	sadd.s32 $0x60, s23  }
0x2fa: {  	v5 =	vld [tilespmem:$0x1FC10];
	[hbm4b:s31+s3] =	stream.linear.scatter [tilespmem:s18], [sflag:$0x4], $0x80, $0x38  }
0x2fb: {  	s21 =	sadd.s32 $0x8, s21;
	s20 =	sadd.s32 $0x2, s20;
	v3 =	vld [tilespmem:$0x1FFE0];
	s23 =	sadd.s32 $0x70, s23  }
0x2fc: {  	v4 =	vld [tilespmem:$0x1FC20];
	[hbm4b:s23+s3] =	stream.linear.scatter [tilespmem:s19], [sflag:$0x4], $0x80, $0x38  }
.LBB2_2:
0x2fd: {  	s23 =	sshra.s32 s22, $0x2  }
0x2fe: {  	s25 =	simm.s32 $0x5B00;
	s24 =	sadd.s32 $0x80, s23  }
0x2ff: {  	[tilespmem:s25], [sflag:$0x2] =	stream.indirect.gather [hbm4b:s4+s13], $0x20, s24, s13, $0xb8;
	[tilespmem:$0x8D00] =	vst v63  }
0x300: {  	_ =	swait.ge [sflag:s16], $0x1000  }
0x301: {  	p0 =	seq.s32 s22, $0x0;
	[sflag:s16] =	ssyncset.done $0x0  }
0x302: {  	s24 =	simm.s32 @!p0 $0x3;
	[sflag:s16] =	ssyncadd.s32 $0xFFFFF000  }
0x303: {  	_ =	swait.ge @!p0 [sflag:s24], $0x400  }
0x304: {  	[sflag:s24] =	ssyncset.done @!p0 $0x0  }
0x305: {  	[sflag:s24] =	ssyncadd.s32 @!p0 $0xFFFFFC00  }
0x306: {  	_ =	swait.ge @!p0 [sflag:s24], $0x400  }
0x307: {  	[sflag:s24] =	ssyncset.done @!p0 $0x0  }
0x308: {  	[sflag:s24] =	ssyncadd.s32 @!p0 $0xFFFFFC00  }
0x309: {  	_ =	swait.ge @!p0 [sflag:s24], $0x400  }
0x30a: {  	[sflag:s24] =	ssyncset.done @!p0 $0x0  }
0x30b: {  	[sflag:s24] =	ssyncadd.s32 @!p0 $0xFFFFFC00  }
0x30c: {  	_ =	swait.ge @!p0 [sflag:s24], $0x400  }
0x30d: {  	[sflag:s24] =	ssyncset.done @!p0 $0x0  }
0x30e: {  	[sflag:s24] =	ssyncadd.s32 @!p0 $0xFFFFFC00  }
0x30f: {  	v1 =	vld [tilespmem:$0x4B00];
	_ =	sdelay $0x4  }
0x310: {  	[tilespmem:v0+s17+$0x0] =	vst.idx.msk $0xffff, v1  }
0x311: {  	v1 =	vld [tilespmem:$0x4B10];
	_ =	sdelay $0x4  }
0x312: {  	[tilespmem:v5+s17+$0x0] =	vst.idx.msk $0xffff, v1  }
0x313: {  	v1 =	vld [tilespmem:$0x4B20];
	_ =	sdelay $0x4  }
0x314: {  	[tilespmem:v6+s17+$0x0] =	vst.idx.msk $0xffff, v1  }
0x315: {  	v1 =	vld [tilespmem:$0x4B30];
	_ =	sdelay $0x4  }
0x316: {  	[tilespmem:v7+s17+$0x0] =	vst.idx.msk $0xffff, v1  }
0x317: {  	v1 =	vld [tilespmem:$0x4B40];
	_ =	sdelay $0x4  }
0x318: {  	[tilespmem:v8+s17+$0x0] =	vst.idx.msk $0xffff, v1  }
0x319: {  	v1 =	vld [tilespmem:$0x4B50];
	_ =	sdelay $0x4  }
0x31a: {  	[tilespmem:v9+s17+$0x0] =	vst.idx.msk $0xffff, v1  }
0x31b: {  	v1 =	vld [tilespmem:$0x4B60];
	_ =	sdelay $0x4  }
0x31c: {  	[tilespmem:v10+s17+$0x0] =	vst.idx.msk $0xffff, v1  }
0x31d: {  	v1 =	vld [tilespmem:$0x4B70];
	_ =	sdelay $0x4  }
0x31e: {  	[tilespmem:v11+s17+$0x0] =	vst.idx.msk $0xffff, v1  }
0x31f: {  	v1 =	vld [tilespmem:$0x4B80];
	_ =	sdelay $0x4  }
0x320: {  	[tilespmem:v12+s17+$0x0] =	vst.idx.msk $0xffff, v1  }
0x321: {  	v1 =	vld [tilespmem:$0x4B90];
	_ =	sdelay $0x4  }
0x322: {  	[tilespmem:v13+s17+$0x0] =	vst.idx.msk $0xffff, v1  }
0x323: {  	v1 =	vld [tilespmem:$0x4BA0];
	_ =	sdelay $0x4  }
0x324: {  	[tilespmem:v14+s17+$0x0] =	vst.idx.msk $0xffff, v1  }
0x325: {  	v1 =	vld [tilespmem:$0x4BB0];
	_ =	sdelay $0x4  }
0x326: {  	[tilespmem:v15+s17+$0x0] =	vst.idx.msk $0xffff, v1  }
0x327: {  	v1 =	vld [tilespmem:$0x4BC0];
	_ =	sdelay $0x4  }
0x328: {  	[tilespmem:v16+s17+$0x0] =	vst.idx.msk $0xffff, v1  }
0x329: {  	v1 =	vld [tilespmem:$0x4BD0];
	_ =	sdelay $0x4  }
0x32a: {  	[tilespmem:v17+s17+$0x0] =	vst.idx.msk $0xffff, v1  }
0x32b: {  	v1 =	vld [tilespmem:$0x4BE0];
	_ =	sdelay $0x4  }
0x32c: {  	[tilespmem:v18+s17+$0x0] =	vst.idx.msk $0xffff, v1  }
0x32d: {  	v1 =	vld [tilespmem:$0x4BF0];
	_ =	sdelay $0x4  }
0x32e: {  	[tilespmem:v19+s17+$0x0] =	vst.idx.msk $0xffff, v1  }
0x32f: {  	v1 =	vld [tilespmem:$0x4C00];
	_ =	sdelay $0x4  }
0x330: {  	[tilespmem:v20+s17+$0x0] =	vst.idx.msk $0xffff, v1  }
0x331: {  	v1 =	vld [tilespmem:$0x4C10];
	_ =	sdelay $0x4  }
0x332: {  	[tilespmem:v21+s17+$0x0] =	vst.idx.msk $0xffff, v1  }
0x333: {  	v1 =	vld [tilespmem:$0x4C20];
	_ =	sdelay $0x4  }
0x334: {  	[tilespmem:v22+s17+$0x0] =	vst.idx.msk $0xffff, v1  }
0x335: {  	v1 =	vld [tilespmem:$0x4C30];
	_ =	sdelay $0x4  }
0x336: {  	[tilespmem:v23+s17+$0x0] =	vst.idx.msk $0xffff, v1  }
0x337: {  	v1 =	vld [tilespmem:$0x4C40];
	_ =	sdelay $0x4  }
0x338: {  	[tilespmem:v24+s17+$0x0] =	vst.idx.msk $0xffff, v1  }
0x339: {  	v1 =	vld [tilespmem:$0x4C50];
	_ =	sdelay $0x4  }
0x33a: {  	[tilespmem:v25+s17+$0x0] =	vst.idx.msk $0xffff, v1  }
0x33b: {  	v1 =	vld [tilespmem:$0x4C60];
	_ =	sdelay $0x4  }
0x33c: {  	[tilespmem:v26+s17+$0x0] =	vst.idx.msk $0xffff, v1  }
0x33d: {  	v1 =	vld [tilespmem:$0x4C70];
	_ =	sdelay $0x4  }
0x33e: {  	[tilespmem:v27+s17+$0x0] =	vst.idx.msk $0xffff, v1  }
0x33f: {  	v1 =	vld [tilespmem:$0x4C80];
	_ =	sdelay $0x4  }
0x340: {  	[tilespmem:v28+s17+$0x0] =	vst.idx.msk $0xffff, v1  }
0x341: {  	v1 =	vld [tilespmem:$0x4C90];
	_ =	sdelay $0x4  }
0x342: {  	[tilespmem:v29+s17+$0x0] =	vst.idx.msk $0xffff, v1  }
0x343: {  	v1 =	vld [tilespmem:$0x4CA0];
	_ =	sdelay $0x4  }
0x344: {  	[tilespmem:v30+s17+$0x0] =	vst.idx.msk $0xffff, v1  }
0x345: {  	v1 =	vld [tilespmem:$0x4CB0];
	_ =	sdelay $0x4  }
0x346: {  	[tilespmem:v31+s17+$0x0] =	vst.idx.msk $0xffff, v1  }
0x347: {  	v1 =	vld [tilespmem:$0x4CC0];
	_ =	sdelay $0x4  }
0x348: {  	[tilespmem:v32+s17+$0x0] =	vst.idx.msk $0xffff, v1  }
0x349: {  	v1 =	vld [tilespmem:$0x4CD0];
	_ =	sdelay $0x4  }
0x34a: {  	[tilespmem:v33+s17+$0x0] =	vst.idx.msk $0xffff, v1  }
0x34b: {  	v1 =	vld [tilespmem:$0x4CE0];
	_ =	sdelay $0x4  }
0x34c: {  	[tilespmem:v34+s17+$0x0] =	vst.idx.msk $0xffff, v1  }
0x34d: {  	v1 =	vld [tilespmem:$0x4CF0];
	_ =	sdelay $0x4  }
0x34e: {  	[tilespmem:v35+s17+$0x0] =	vst.idx.msk $0xffff, v1  }
0x34f: {  	v1 =	vld [tilespmem:$0x4D00];
	_ =	sdelay $0x4  }
0x350: {  	[tilespmem:v36+s17+$0x0] =	vst.idx.msk $0xffff, v1  }
0x351: {  	v1 =	vld [tilespmem:$0x4D10];
	_ =	sdelay $0x4  }
0x352: {  	[tilespmem:v37+s17+$0x0] =	vst.idx.msk $0xffff, v1  }
0x353: {  	v1 =	vld [tilespmem:$0x4D20];
	_ =	sdelay $0x4  }
0x354: {  	[tilespmem:v38+s17+$0x0] =	vst.idx.msk $0xffff, v1  }
0x355: {  	v1 =	vld [tilespmem:$0x4D30];
	_ =	sdelay $0x4  }
0x356: {  	[tilespmem:v39+s17+$0x0] =	vst.idx.msk $0xffff, v1  }
0x357: {  	v1 =	vld [tilespmem:$0x4D40];
	_ =	sdelay $0x4  }
0x358: {  	[tilespmem:v40+s17+$0x0] =	vst.idx.msk $0xffff, v1  }
0x359: {  	v1 =	vld [tilespmem:$0x4D50];
	_ =	sdelay $0x4  }
0x35a: {  	[tilespmem:v41+s17+$0x0] =	vst.idx.msk $0xffff, v1  }
0x35b: {  	v1 =	vld [tilespmem:$0x4D60];
	_ =	sdelay $0x4  }
0x35c: {  	[tilespmem:v42+s17+$0x0] =	vst.idx.msk $0xffff, v1  }
0x35d: {  	v1 =	vld [tilespmem:$0x4D70];
	_ =	sdelay $0x4  }
0x35e: {  	[tilespmem:v43+s17+$0x0] =	vst.idx.msk $0xffff, v1  }
0x35f: {  	v1 =	vld [tilespmem:$0x4D80];
	_ =	sdelay $0x4  }
0x360: {  	[tilespmem:v44+s17+$0x0] =	vst.idx.msk $0xffff, v1  }
0x361: {  	v1 =	vld [tilespmem:$0x4D90];
	_ =	sdelay $0x4  }
0x362: {  	[tilespmem:v45+s17+$0x0] =	vst.idx.msk $0xffff, v1  }
0x363: {  	v1 =	vld [tilespmem:$0x4DA0];
	_ =	sdelay $0x4  }
0x364: {  	[tilespmem:v46+s17+$0x0] =	vst.idx.msk $0xffff, v1  }
0x365: {  	v1 =	vld [tilespmem:$0x4DB0];
	_ =	sdelay $0x4  }
0x366: {  	[tilespmem:v47+s17+$0x0] =	vst.idx.msk $0xffff, v1  }
0x367: {  	v1 =	vld [tilespmem:$0x4DC0];
	_ =	sdelay $0x4  }
0x368: {  	[tilespmem:v48+s17+$0x0] =	vst.idx.msk $0xffff, v1  }
0x369: {  	v1 =	vld [tilespmem:$0x4DD0];
	_ =	sdelay $0x4  }
0x36a: {  	[tilespmem:v49+s17+$0x0] =	vst.idx.msk $0xffff, v1  }
0x36b: {  	v1 =	vld [tilespmem:$0x4DE0];
	_ =	sdelay $0x4  }
0x36c: {  	[tilespmem:v50+s17+$0x0] =	vst.idx.msk $0xffff, v1  }
0x36d: {  	v1 =	vld [tilespmem:$0x4DF0];
	_ =	sdelay $0x4  }
0x36e: {  	[tilespmem:v51+s17+$0x0] =	vst.idx.msk $0xffff, v1  }
0x36f: {  	v1 =	vld [tilespmem:$0x4E00];
	_ =	sdelay $0x4  }
0x370: {  	[tilespmem:v52+s17+$0x0] =	vst.idx.msk $0xffff, v1  }
0x371: {  	v1 =	vld [tilespmem:$0x4E10];
	_ =	sdelay $0x4  }
0x372: {  	[tilespmem:v53+s17+$0x0] =	vst.idx.msk $0xffff, v1  }
0x373: {  	v1 =	vld [tilespmem:$0x4E20];
	_ =	sdelay $0x4  }
0x374: {  	[tilespmem:v54+s17+$0x0] =	vst.idx.msk $0xffff, v1  }
0x375: {  	v1 =	vld [tilespmem:$0x4E30];
	_ =	sdelay $0x4  }
0x376: {  	[tilespmem:v55+s17+$0x0] =	vst.idx.msk $0xffff, v1  }
0x377: {  	v1 =	vld [tilespmem:$0x4E40];
	_ =	sdelay $0x4  }
0x378: {  	[tilespmem:v56+s17+$0x0] =	vst.idx.msk $0xffff, v1  }
0x379: {  	v1 =	vld [tilespmem:$0x4E50];
	_ =	sdelay $0x4  }
0x37a: {  	[tilespmem:v57+s17+$0x0] =	vst.idx.msk $0xffff, v1  }
0x37b: {  	v1 =	vld [tilespmem:$0x4E60];
	_ =	sdelay $0x4  }
0x37c: {  	[tilespmem:v58+s17+$0x0] =	vst.idx.msk $0xffff, v1  }
0x37d: {  	v1 =	vld [tilespmem:$0x4E70];
	_ =	sdelay $0x4  }
0x37e: {  	[tilespmem:v59+s17+$0x0] =	vst.idx.msk $0xffff, v1  }
0x37f: {  	v1 =	vld [tilespmem:$0x4E80];
	_ =	sdelay $0x4  }
0x380: {  	[tilespmem:v60+s17+$0x0] =	vst.idx.msk $0xffff, v1  }
0x381: {  	v1 =	vld [tilespmem:$0x4E90];
	_ =	sdelay $0x4  }
0x382: {  	[tilespmem:v61+s17+$0x0] =	vst.idx.msk $0xffff, v1  }
0x383: {  	v1 =	vld [tilespmem:$0x4EA0];
	_ =	sdelay $0x4  }
0x384: {  	[tilespmem:v62+s17+$0x0] =	vst.idx.msk $0xffff, v1  }
0x385: {  	v1 =	vld [tilespmem:$0x4EB0];
	_ =	sdelay $0x4  }
0x386: {  	[tilespmem:v63+s17+$0x0] =	vst.idx.msk $0xffff, v1  }
0x387: {  	v1 =	vld [tilespmem:$0x4EC0];
	_ =	sdelay $0x4  }
0x388: {  	[tilespmem:v2+s17+$0x0] =	vst.idx.msk $0xffff, v1  }
0x389: {  	v1 =	vld [tilespmem:$0x4ED0];
	_ =	sdelay $0x2  }
0x38a: {  	v2 =	vld [tilespmem:$0x1FFF0];
	_ =	sdelay $0x1  }
0x38b: {  	[tilespmem:v3+s17+$0x0] =	vst.idx.msk $0xffff, v1  }
0x38c: {  	v1 =	vld [tilespmem:$0x4EE0];
	_ =	sdelay $0x4  }
0x38d: {  	[tilespmem:v2+s17+$0x0] =	vst.idx.msk $0xffff, v1  }
0x38e: {  	v1 =	vld [tilespmem:$0x4EF0];
	_ =	sdelay $0x4  }
0x38f: {  	[tilespmem:v4+s17+$0x0] =	vst.idx.msk $0xffff, v1  }
0x390: {  	v2 =	vadd.s32 $0x20, v0;
	v1 =	vld [tilespmem:$0x4F00];
	_ =	sdelay $0x4  }
0x391: {  	[tilespmem:v2+s17+$0x0] =	vst.idx.msk $0xffff, v1  }
0x392: {  	[tilespmem:$0x1F010] =	vst v2;
	v2 =	vadd.s32 $0x8A0, v0;
	v1 =	vld [tilespmem:$0x4F10];
	_ =	sdelay $0x4  }
0x393: {  	[tilespmem:v2+s17+$0x0] =	vst.idx.msk $0xffff, v1  }
0x394: {  	[tilespmem:$0x1F020] =	vst v2;
	v2 =	vadd.s32 $0x21, v0;
	v1 =	vld [tilespmem:$0x4F20];
	_ =	sdelay $0x4  }
0x395: {  	[tilespmem:v2+s17+$0x0] =	vst.idx.msk $0xffff, v1  }
0x396: {  	[tilespmem:$0x1F030] =	vst v2;
	v2 =	vadd.s32 $0x8A1, v0;
	v1 =	vld [tilespmem:$0x4F30];
	_ =	sdelay $0x4  }
0x397: {  	[tilespmem:v2+s17+$0x0] =	vst.idx.msk $0xffff, v1  }
0x398: {  	[tilespmem:$0x1F040] =	vst v2;
	v2 =	vadd.s32 $0x22, v0;
	v1 =	vld [tilespmem:$0x4F40];
	_ =	sdelay $0x4  }
0x399: {  	[tilespmem:v2+s17+$0x0] =	vst.idx.msk $0xffff, v1  }
0x39a: {  	[tilespmem:$0x1F050] =	vst v2;
	v2 =	vadd.s32 $0x8A2, v0;
	v1 =	vld [tilespmem:$0x4F50];
	_ =	sdelay $0x4  }
0x39b: {  	[tilespmem:v2+s17+$0x0] =	vst.idx.msk $0xffff, v1  }
0x39c: {  	[tilespmem:$0x1F060] =	vst v2;
	v2 =	vadd.s32 $0x23, v0;
	v1 =	vld [tilespmem:$0x4F60];
	_ =	sdelay $0x4  }
0x39d: {  	[tilespmem:v2+s17+$0x0] =	vst.idx.msk $0xffff, v1  }
0x39e: {  	[tilespmem:$0x1F070] =	vst v2;
	v2 =	vadd.s32 $0x8A3, v0;
	v1 =	vld [tilespmem:$0x4F70];
	_ =	sdelay $0x4  }
0x39f: {  	[tilespmem:v2+s17+$0x0] =	vst.idx.msk $0xffff, v1  }
0x3a0: {  	[tilespmem:$0x1F080] =	vst v2;
	v2 =	vadd.s32 $0x24, v0;
	v1 =	vld [tilespmem:$0x4F80];
	_ =	sdelay $0x4  }
0x3a1: {  	[tilespmem:v2+s17+$0x0] =	vst.idx.msk $0xffff, v1  }
0x3a2: {  	[tilespmem:$0x1F090] =	vst v2;
	v2 =	vadd.s32 $0x8A4, v0;
	v1 =	vld [tilespmem:$0x4F90];
	_ =	sdelay $0x4  }
0x3a3: {  	[tilespmem:v2+s17+$0x0] =	vst.idx.msk $0xffff, v1  }
0x3a4: {  	[tilespmem:$0x1F0A0] =	vst v2;
	v2 =	vadd.s32 $0x25, v0;
	v1 =	vld [tilespmem:$0x4FA0];
	_ =	sdelay $0x4  }
0x3a5: {  	[tilespmem:v2+s17+$0x0] =	vst.idx.msk $0xffff, v1  }
0x3a6: {  	[tilespmem:$0x1F0B0] =	vst v2;
	v2 =	vadd.s32 $0x8A5, v0;
	v1 =	vld [tilespmem:$0x4FB0];
	_ =	sdelay $0x4  }
0x3a7: {  	[tilespmem:v2+s17+$0x0] =	vst.idx.msk $0xffff, v1  }
0x3a8: {  	[tilespmem:$0x1F0C0] =	vst v2;
	v2 =	vadd.s32 $0x26, v0;
	v1 =	vld [tilespmem:$0x4FC0];
	_ =	sdelay $0x4  }
0x3a9: {  	[tilespmem:v2+s17+$0x0] =	vst.idx.msk $0xffff, v1  }
0x3aa: {  	[tilespmem:$0x1F0D0] =	vst v2;
	v2 =	vadd.s32 $0x8A6, v0;
	v1 =	vld [tilespmem:$0x4FD0];
	_ =	sdelay $0x4  }
0x3ab: {  	[tilespmem:v2+s17+$0x0] =	vst.idx.msk $0xffff, v1  }
0x3ac: {  	[tilespmem:$0x1F0E0] =	vst v2;
	v2 =	vadd.s32 $0x27, v0;
	v1 =	vld [tilespmem:$0x4FE0];
	_ =	sdelay $0x4  }
0x3ad: {  	[tilespmem:v2+s17+$0x0] =	vst.idx.msk $0xffff, v1  }
0x3ae: {  	[tilespmem:$0x1F0F0] =	vst v2;
	v2 =	vadd.s32 $0x8A7, v0;
	v1 =	vld [tilespmem:$0x4FF0];
	_ =	sdelay $0x4  }
0x3af: {  	[tilespmem:v2+s17+$0x0] =	vst.idx.msk $0xffff, v1  }
0x3b0: {  	[tilespmem:$0x1F100] =	vst v2;
	v2 =	vadd.s32 $0x28, v0;
	v1 =	vld [tilespmem:$0x5000];
	_ =	sdelay $0x4  }
0x3b1: {  	[tilespmem:v2+s17+$0x0] =	vst.idx.msk $0xffff, v1  }
0x3b2: {  	[tilespmem:$0x1F110] =	vst v2;
	v2 =	vadd.s32 $0x8A8, v0;
	v1 =	vld [tilespmem:$0x5010];
	_ =	sdelay $0x4  }
0x3b3: {  	[tilespmem:v2+s17+$0x0] =	vst.idx.msk $0xffff, v1  }
0x3b4: {  	[tilespmem:$0x1F120] =	vst v2;
	v2 =	vadd.s32 $0x29, v0;
	v1 =	vld [tilespmem:$0x5020];
	_ =	sdelay $0x4  }
0x3b5: {  	[tilespmem:v2+s17+$0x0] =	vst.idx.msk $0xffff, v1  }
0x3b6: {  	[tilespmem:$0x1F130] =	vst v2;
	v2 =	vadd.s32 $0x8A9, v0;
	v1 =	vld [tilespmem:$0x5030];
	_ =	sdelay $0x4  }
0x3b7: {  	[tilespmem:v2+s17+$0x0] =	vst.idx.msk $0xffff, v1  }
0x3b8: {  	[tilespmem:$0x1F140] =	vst v2;
	v2 =	vadd.s32 $0x2A, v0;
	v1 =	vld [tilespmem:$0x5040];
	_ =	sdelay $0x4  }
0x3b9: {  	[tilespmem:v2+s17+$0x0] =	vst.idx.msk $0xffff, v1  }
0x3ba: {  	[tilespmem:$0x1F150] =	vst v2;
	v2 =	vadd.s32 $0x8AA, v0;
	v1 =	vld [tilespmem:$0x5050];
	_ =	sdelay $0x4  }
0x3bb: {  	[tilespmem:v2+s17+$0x0] =	vst.idx.msk $0xffff, v1  }
0x3bc: {  	[tilespmem:$0x1F160] =	vst v2;
	v2 =	vadd.s32 $0x2B, v0;
	v1 =	vld [tilespmem:$0x5060];
	_ =	sdelay $0x4  }
0x3bd: {  	[tilespmem:v2+s17+$0x0] =	vst.idx.msk $0xffff, v1  }
0x3be: {  	[tilespmem:$0x1F170] =	vst v2;
	v2 =	vadd.s32 $0x8AB, v0;
	v1 =	vld [tilespmem:$0x5070];
	_ =	sdelay $0x4  }
0x3bf: {  	[tilespmem:v2+s17+$0x0] =	vst.idx.msk $0xffff, v1  }
0x3c0: {  	[tilespmem:$0x1F180] =	vst v2;
	v2 =	vadd.s32 $0x2C, v0;
	v1 =	vld [tilespmem:$0x5080];
	_ =	sdelay $0x4  }
0x3c1: {  	[tilespmem:v2+s17+$0x0] =	vst.idx.msk $0xffff, v1  }
0x3c2: {  	[tilespmem:$0x1F190] =	vst v2;
	v2 =	vadd.s32 $0x8AC, v0;
	v1 =	vld [tilespmem:$0x5090];
	_ =	sdelay $0x4  }
0x3c3: {  	[tilespmem:v2+s17+$0x0] =	vst.idx.msk $0xffff, v1  }
0x3c4: {  	[tilespmem:$0x1F1A0] =	vst v2;
	v2 =	vadd.s32 $0x2D, v0;
	v1 =	vld [tilespmem:$0x50A0];
	_ =	sdelay $0x4  }
0x3c5: {  	[tilespmem:v2+s17+$0x0] =	vst.idx.msk $0xffff, v1  }
0x3c6: {  	[tilespmem:$0x1F1B0] =	vst v2;
	v2 =	vadd.s32 $0x8AD, v0;
	v1 =	vld [tilespmem:$0x50B0];
	_ =	sdelay $0x4  }
0x3c7: {  	[tilespmem:v2+s17+$0x0] =	vst.idx.msk $0xffff, v1  }
0x3c8: {  	[tilespmem:$0x1F1C0] =	vst v2;
	v2 =	vadd.s32 $0x2E, v0;
	v1 =	vld [tilespmem:$0x50C0];
	_ =	sdelay $0x4  }
0x3c9: {  	[tilespmem:v2+s17+$0x0] =	vst.idx.msk $0xffff, v1  }
0x3ca: {  	[tilespmem:$0x1F1D0] =	vst v2;
	v2 =	vadd.s32 $0x8AE, v0;
	v1 =	vld [tilespmem:$0x50D0];
	_ =	sdelay $0x4  }
0x3cb: {  	[tilespmem:v2+s17+$0x0] =	vst.idx.msk $0xffff, v1  }
0x3cc: {  	[tilespmem:$0x1F1E0] =	vst v2;
	v2 =	vadd.s32 $0x2F, v0;
	v1 =	vld [tilespmem:$0x50E0];
	_ =	sdelay $0x4  }
0x3cd: {  	[tilespmem:v2+s17+$0x0] =	vst.idx.msk $0xffff, v1  }
0x3ce: {  	[tilespmem:$0x1F1F0] =	vst v2;
	v2 =	vadd.s32 $0x8AF, v0;
	v1 =	vld [tilespmem:$0x50F0];
	_ =	sdelay $0x4  }
0x3cf: {  	[tilespmem:v2+s17+$0x0] =	vst.idx.msk $0xffff, v1  }
0x3d0: {  	[tilespmem:$0x1F200] =	vst v2;
	v2 =	vadd.s32 $0x30, v0;
	v1 =	vld [tilespmem:$0x5100];
	_ =	sdelay $0x4  }
0x3d1: {  	[tilespmem:v2+s17+$0x0] =	vst.idx.msk $0xffff, v1  }
0x3d2: {  	[tilespmem:$0x1F210] =	vst v2;
	v2 =	vadd.s32 $0x8B0, v0;
	v1 =	vld [tilespmem:$0x5110];
	_ =	sdelay $0x4  }
0x3d3: {  	[tilespmem:v2+s17+$0x0] =	vst.idx.msk $0xffff, v1  }
0x3d4: {  	[tilespmem:$0x1F220] =	vst v2;
	v2 =	vadd.s32 $0x31, v0;
	v1 =	vld [tilespmem:$0x5120];
	_ =	sdelay $0x4  }
0x3d5: {  	[tilespmem:v2+s17+$0x0] =	vst.idx.msk $0xffff, v1  }
0x3d6: {  	[tilespmem:$0x1F230] =	vst v2;
	v2 =	vadd.s32 $0x8B1, v0;
	v1 =	vld [tilespmem:$0x5130];
	_ =	sdelay $0x3  }
0x3d7: {  	[tilespmem:$0x1F240] =	vst v2  }
0x3d8: {  	[tilespmem:v2+s17+$0x0] =	vst.idx.msk $0xffff, v1  }
0x3d9: {  	v2 =	vadd.s32 $0x32, v0;
	v1 =	vld [tilespmem:$0x5140];
	_ =	sdelay $0x4  }
0x3da: {  	[tilespmem:v2+s17+$0x0] =	vst.idx.msk $0xffff, v1  }
0x3db: {  	[tilespmem:$0x1F250] =	vst v2;
	v2 =	vadd.s32 $0x8B2, v0;
	v1 =	vld [tilespmem:$0x5150];
	_ =	sdelay $0x4  }
0x3dc: {  	[tilespmem:v2+s17+$0x0] =	vst.idx.msk $0xffff, v1  }
0x3dd: {  	[tilespmem:$0x1F260] =	vst v2;
	v2 =	vadd.s32 $0x33, v0;
	v1 =	vld [tilespmem:$0x5160];
	_ =	sdelay $0x4  }
0x3de: {  	[tilespmem:v2+s17+$0x0] =	vst.idx.msk $0xffff, v1  }
0x3df: {  	[tilespmem:$0x1F270] =	vst v2;
	v2 =	vadd.s32 $0x8B3, v0;
	v1 =	vld [tilespmem:$0x5170];
	_ =	sdelay $0x4  }
0x3e0: {  	[tilespmem:v2+s17+$0x0] =	vst.idx.msk $0xffff, v1  }
0x3e1: {  	[tilespmem:$0x1F280] =	vst v2;
	v2 =	vadd.s32 $0x34, v0;
	v1 =	vld [tilespmem:$0x5180];
	_ =	sdelay $0x4  }
0x3e2: {  	[tilespmem:v2+s17+$0x0] =	vst.idx.msk $0xffff, v1  }
0x3e3: {  	[tilespmem:$0x1F290] =	vst v2;
	v2 =	vadd.s32 $0x8B4, v0;
	v1 =	vld [tilespmem:$0x5190];
	_ =	sdelay $0x4  }
0x3e4: {  	[tilespmem:v2+s17+$0x0] =	vst.idx.msk $0xffff, v1  }
0x3e5: {  	[tilespmem:$0x1F2A0] =	vst v2;
	v2 =	vadd.s32 $0x35, v0;
	v1 =	vld [tilespmem:$0x51A0];
	_ =	sdelay $0x4  }
0x3e6: {  	[tilespmem:v2+s17+$0x0] =	vst.idx.msk $0xffff, v1  }
0x3e7: {  	[tilespmem:$0x1F2B0] =	vst v2;
	v2 =	vadd.s32 $0x8B5, v0;
	v1 =	vld [tilespmem:$0x51B0];
	_ =	sdelay $0x4  }
0x3e8: {  	[tilespmem:v2+s17+$0x0] =	vst.idx.msk $0xffff, v1  }
0x3e9: {  	[tilespmem:$0x1F2C0] =	vst v2;
	v2 =	vadd.s32 $0x36, v0;
	v1 =	vld [tilespmem:$0x51C0];
	_ =	sdelay $0x4  }
0x3ea: {  	[tilespmem:v2+s17+$0x0] =	vst.idx.msk $0xffff, v1  }
0x3eb: {  	[tilespmem:$0x1F2D0] =	vst v2;
	v2 =	vadd.s32 $0x8B6, v0;
	v1 =	vld [tilespmem:$0x51D0];
	_ =	sdelay $0x4  }
0x3ec: {  	[tilespmem:v2+s17+$0x0] =	vst.idx.msk $0xffff, v1  }
0x3ed: {  	[tilespmem:$0x1F2E0] =	vst v2;
	v2 =	vadd.s32 $0x37, v0;
	v1 =	vld [tilespmem:$0x51E0];
	_ =	sdelay $0x4  }
0x3ee: {  	[tilespmem:v2+s17+$0x0] =	vst.idx.msk $0xffff, v1  }
0x3ef: {  	[tilespmem:$0x1F2F0] =	vst v2;
	v2 =	vadd.s32 $0x8B7, v0;
	v1 =	vld [tilespmem:$0x51F0];
	_ =	sdelay $0x4  }
0x3f0: {  	[tilespmem:v2+s17+$0x0] =	vst.idx.msk $0xffff, v1  }
0x3f1: {  	[tilespmem:$0x1F300] =	vst v2;
	v2 =	vadd.s32 $0x38, v0;
	v1 =	vld [tilespmem:$0x5200];
	_ =	sdelay $0x4  }
0x3f2: {  	[tilespmem:v2+s17+$0x0] =	vst.idx.msk $0xffff, v1  }
0x3f3: {  	[tilespmem:$0x1F310] =	vst v2;
	v2 =	vadd.s32 $0x8B8, v0;
	v1 =	vld [tilespmem:$0x5210];
	_ =	sdelay $0x4  }
0x3f4: {  	[tilespmem:v2+s17+$0x0] =	vst.idx.msk $0xffff, v1  }
0x3f5: {  	[tilespmem:$0x1F320] =	vst v2;
	v2 =	vadd.s32 $0x39, v0;
	v1 =	vld [tilespmem:$0x5220];
	_ =	sdelay $0x4  }
0x3f6: {  	[tilespmem:v2+s17+$0x0] =	vst.idx.msk $0xffff, v1  }
0x3f7: {  	[tilespmem:$0x1F330] =	vst v2;
	v2 =	vadd.s32 $0x8B9, v0;
	v1 =	vld [tilespmem:$0x5230];
	_ =	sdelay $0x4  }
0x3f8: {  	[tilespmem:v2+s17+$0x0] =	vst.idx.msk $0xffff, v1  }
0x3f9: {  	[tilespmem:$0x1F340] =	vst v2;
	v2 =	vadd.s32 $0x3A, v0;
	v1 =	vld [tilespmem:$0x5240];
	_ =	sdelay $0x4  }
0x3fa: {  	[tilespmem:v2+s17+$0x0] =	vst.idx.msk $0xffff, v1  }
0x3fb: {  	[tilespmem:$0x1F350] =	vst v2;
	v2 =	vadd.s32 $0x8BA, v0;
	v1 =	vld [tilespmem:$0x5250];
	_ =	sdelay $0x4  }
0x3fc: {  	[tilespmem:v2+s17+$0x0] =	vst.idx.msk $0xffff, v1  }
0x3fd: {  	[tilespmem:$0x1F360] =	vst v2;
	v2 =	vadd.s32 $0x3B, v0;
	v1 =	vld [tilespmem:$0x5260];
	_ =	sdelay $0x4  }
0x3fe: {  	[tilespmem:v2+s17+$0x0] =	vst.idx.msk $0xffff, v1  }
0x3ff: {  	[tilespmem:$0x1F370] =	vst v2;
	v2 =	vadd.s32 $0x8BB, v0;
	v1 =	vld [tilespmem:$0x5270];
	_ =	sdelay $0x4  }
0x400: {  	[tilespmem:v2+s17+$0x0] =	vst.idx.msk $0xffff, v1  }
0x401: {  	[tilespmem:$0x1F380] =	vst v2;
	v2 =	vadd.s32 $0x3C, v0;
	v1 =	vld [tilespmem:$0x5280];
	_ =	sdelay $0x4  }
0x402: {  	[tilespmem:v2+s17+$0x0] =	vst.idx.msk $0xffff, v1  }
0x403: {  	[tilespmem:$0x1F390] =	vst v2;
	v2 =	vadd.s32 $0x8BC, v0;
	v1 =	vld [tilespmem:$0x5290];
	_ =	sdelay $0x4  }
0x404: {  	[tilespmem:v2+s17+$0x0] =	vst.idx.msk $0xffff, v1  }
0x405: {  	[tilespmem:$0x1F3A0] =	vst v2;
	v2 =	vadd.s32 $0x3D, v0;
	v1 =	vld [tilespmem:$0x52A0];
	_ =	sdelay $0x4  }
0x406: {  	[tilespmem:v2+s17+$0x0] =	vst.idx.msk $0xffff, v1  }
0x407: {  	[tilespmem:$0x1F3B0] =	vst v2;
	v2 =	vadd.s32 $0x8BD, v0;
	v1 =	vld [tilespmem:$0x52B0];
	_ =	sdelay $0x4  }
0x408: {  	[tilespmem:v2+s17+$0x0] =	vst.idx.msk $0xffff, v1  }
0x409: {  	[tilespmem:$0x1F3C0] =	vst v2;
	v2 =	vadd.s32 $0x3E, v0;
	v1 =	vld [tilespmem:$0x52C0];
	_ =	sdelay $0x4  }
0x40a: {  	[tilespmem:v2+s17+$0x0] =	vst.idx.msk $0xffff, v1  }
0x40b: {  	[tilespmem:$0x1F3D0] =	vst v2;
	v2 =	vadd.s32 $0x8BE, v0;
	v1 =	vld [tilespmem:$0x52D0];
	_ =	sdelay $0x4  }
0x40c: {  	[tilespmem:v2+s17+$0x0] =	vst.idx.msk $0xffff, v1  }
0x40d: {  	[tilespmem:$0x1F3E0] =	vst v2;
	v2 =	vadd.s32 $0x3F, v0;
	v1 =	vld [tilespmem:$0x52E0];
	_ =	sdelay $0x4  }
0x40e: {  	[tilespmem:v2+s17+$0x0] =	vst.idx.msk $0xffff, v1  }
0x40f: {  	[tilespmem:$0x1F3F0] =	vst v2;
	v2 =	vadd.s32 $0x8BF, v0;
	v1 =	vld [tilespmem:$0x52F0];
	_ =	sdelay $0x4  }
0x410: {  	[tilespmem:v2+s17+$0x0] =	vst.idx.msk $0xffff, v1  }
0x411: {  	[tilespmem:$0x1F400] =	vst v2;
	v2 =	vadd.s32 $0x40, v0;
	v1 =	vld [tilespmem:$0x5300];
	_ =	sdelay $0x4  }
0x412: {  	[tilespmem:v2+s17+$0x0] =	vst.idx.msk $0xffff, v1  }
0x413: {  	[tilespmem:$0x1F410] =	vst v2;
	v2 =	vadd.s32 $0x8C0, v0;
	v1 =	vld [tilespmem:$0x5310];
	_ =	sdelay $0x4  }
0x414: {  	[tilespmem:v2+s17+$0x0] =	vst.idx.msk $0xffff, v1  }
0x415: {  	[tilespmem:$0x1F420] =	vst v2;
	v2 =	vadd.s32 $0x41, v0;
	v1 =	vld [tilespmem:$0x5320];
	_ =	sdelay $0x4  }
0x416: {  	[tilespmem:v2+s17+$0x0] =	vst.idx.msk $0xffff, v1  }
0x417: {  	[tilespmem:$0x1F430] =	vst v2;
	v2 =	vadd.s32 $0x8C1, v0;
	v1 =	vld [tilespmem:$0x5330];
	_ =	sdelay $0x4  }
0x418: {  	[tilespmem:v2+s17+$0x0] =	vst.idx.msk $0xffff, v1  }
0x419: {  	[tilespmem:$0x1F440] =	vst v2;
	v2 =	vadd.s32 $0x42, v0;
	v1 =	vld [tilespmem:$0x5340];
	_ =	sdelay $0x4  }
0x41a: {  	[tilespmem:v2+s17+$0x0] =	vst.idx.msk $0xffff, v1  }
0x41b: {  	[tilespmem:$0x1F450] =	vst v2;
	v2 =	vadd.s32 $0x8C2, v0;
	v1 =	vld [tilespmem:$0x5350];
	_ =	sdelay $0x4  }
0x41c: {  	[tilespmem:v2+s17+$0x0] =	vst.idx.msk $0xffff, v1  }
0x41d: {  	[tilespmem:$0x1F460] =	vst v2;
	v2 =	vadd.s32 $0x43, v0;
	v1 =	vld [tilespmem:$0x5360];
	_ =	sdelay $0x4  }
0x41e: {  	[tilespmem:v2+s17+$0x0] =	vst.idx.msk $0xffff, v1  }
0x41f: {  	[tilespmem:$0x1F470] =	vst v2;
	v2 =	vadd.s32 $0x8C3, v0;
	v1 =	vld [tilespmem:$0x5370];
	_ =	sdelay $0x4  }
0x420: {  	[tilespmem:v2+s17+$0x0] =	vst.idx.msk $0xffff, v1  }
0x421: {  	[tilespmem:$0x1F480] =	vst v2;
	v2 =	vadd.s32 $0x44, v0;
	v1 =	vld [tilespmem:$0x5380];
	_ =	sdelay $0x4  }
0x422: {  	[tilespmem:v2+s17+$0x0] =	vst.idx.msk $0xffff, v1  }
0x423: {  	[tilespmem:$0x1F490] =	vst v2;
	v2 =	vadd.s32 $0x8C4, v0;
	v1 =	vld [tilespmem:$0x5390];
	_ =	sdelay $0x4  }
0x424: {  	[tilespmem:v2+s17+$0x0] =	vst.idx.msk $0xffff, v1  }
0x425: {  	[tilespmem:$0x1F4A0] =	vst v2;
	v2 =	vadd.s32 $0x45, v0;
	v1 =	vld [tilespmem:$0x53A0];
	_ =	sdelay $0x4  }
0x426: {  	[tilespmem:v2+s17+$0x0] =	vst.idx.msk $0xffff, v1  }
0x427: {  	[tilespmem:$0x1F4B0] =	vst v2;
	v2 =	vadd.s32 $0x8C5, v0;
	v1 =	vld [tilespmem:$0x53B0];
	_ =	sdelay $0x4  }
0x428: {  	[tilespmem:v2+s17+$0x0] =	vst.idx.msk $0xffff, v1  }
0x429: {  	[tilespmem:$0x1F4C0] =	vst v2;
	v2 =	vadd.s32 $0x46, v0;
	v1 =	vld [tilespmem:$0x53C0];
	_ =	sdelay $0x4  }
0x42a: {  	[tilespmem:v2+s17+$0x0] =	vst.idx.msk $0xffff, v1  }
0x42b: {  	[tilespmem:$0x1F4D0] =	vst v2;
	v2 =	vadd.s32 $0x8C6, v0;
	v1 =	vld [tilespmem:$0x53D0];
	_ =	sdelay $0x4  }
0x42c: {  	[tilespmem:v2+s17+$0x0] =	vst.idx.msk $0xffff, v1  }
0x42d: {  	[tilespmem:$0x1F4E0] =	vst v2;
	v2 =	vadd.s32 $0x47, v0;
	v1 =	vld [tilespmem:$0x53E0];
	_ =	sdelay $0x4  }
0x42e: {  	[tilespmem:v2+s17+$0x0] =	vst.idx.msk $0xffff, v1  }
0x42f: {  	[tilespmem:$0x1F4F0] =	vst v2;
	v2 =	vadd.s32 $0x8C7, v0;
	v1 =	vld [tilespmem:$0x53F0];
	_ =	sdelay $0x4  }
0x430: {  	[tilespmem:v2+s17+$0x0] =	vst.idx.msk $0xffff, v1  }
0x431: {  	[tilespmem:$0x1F500] =	vst v2;
	v2 =	vadd.s32 $0x48, v0;
	v1 =	vld [tilespmem:$0x5400];
	_ =	sdelay $0x4  }
0x432: {  	[tilespmem:v2+s17+$0x0] =	vst.idx.msk $0xffff, v1  }
0x433: {  	[tilespmem:$0x1F510] =	vst v2;
	v2 =	vadd.s32 $0x8C8, v0;
	v1 =	vld [tilespmem:$0x5410];
	_ =	sdelay $0x4  }
0x434: {  	[tilespmem:v2+s17+$0x0] =	vst.idx.msk $0xffff, v1  }
0x435: {  	[tilespmem:$0x1F520] =	vst v2;
	v2 =	vadd.s32 $0x49, v0;
	v1 =	vld [tilespmem:$0x5420];
	_ =	sdelay $0x4  }
0x436: {  	[tilespmem:v2+s17+$0x0] =	vst.idx.msk $0xffff, v1  }
0x437: {  	[tilespmem:$0x1F530] =	vst v2;
	v2 =	vadd.s32 $0x8C9, v0;
	v1 =	vld [tilespmem:$0x5430];
	_ =	sdelay $0x4  }
0x438: {  	[tilespmem:v2+s17+$0x0] =	vst.idx.msk $0xffff, v1  }
0x439: {  	[tilespmem:$0x1F540] =	vst v2;
	v2 =	vadd.s32 $0x4A, v0;
	v1 =	vld [tilespmem:$0x5440];
	_ =	sdelay $0x4  }
0x43a: {  	[tilespmem:v2+s17+$0x0] =	vst.idx.msk $0xffff, v1  }
0x43b: {  	[tilespmem:$0x1F550] =	vst v2;
	v2 =	vadd.s32 $0x8CA, v0;
	v1 =	vld [tilespmem:$0x5450];
	_ =	sdelay $0x4  }
0x43c: {  	[tilespmem:v2+s17+$0x0] =	vst.idx.msk $0xffff, v1  }
0x43d: {  	[tilespmem:$0x1F560] =	vst v2;
	v2 =	vadd.s32 $0x4B, v0;
	v1 =	vld [tilespmem:$0x5460];
	_ =	sdelay $0x4  }
0x43e: {  	[tilespmem:v2+s17+$0x0] =	vst.idx.msk $0xffff, v1  }
0x43f: {  	[tilespmem:$0x1F570] =	vst v2;
	v2 =	vadd.s32 $0x8CB, v0;
	v1 =	vld [tilespmem:$0x5470];
	_ =	sdelay $0x4  }
0x440: {  	[tilespmem:v2+s17+$0x0] =	vst.idx.msk $0xffff, v1  }
0x441: {  	[tilespmem:$0x1F580] =	vst v2;
	v2 =	vadd.s32 $0x4C, v0;
	v1 =	vld [tilespmem:$0x5480];
	_ =	sdelay $0x4  }
0x442: {  	[tilespmem:v2+s17+$0x0] =	vst.idx.msk $0xffff, v1  }
0x443: {  	[tilespmem:$0x1F590] =	vst v2;
	v2 =	vadd.s32 $0x8CC, v0;
	v1 =	vld [tilespmem:$0x5490];
	_ =	sdelay $0x4  }
0x444: {  	[tilespmem:v2+s17+$0x0] =	vst.idx.msk $0xffff, v1  }
0x445: {  	[tilespmem:$0x1F5A0] =	vst v2;
	v2 =	vadd.s32 $0x4D, v0;
	v1 =	vld [tilespmem:$0x54A0];
	_ =	sdelay $0x4  }
0x446: {  	[tilespmem:v2+s17+$0x0] =	vst.idx.msk $0xffff, v1  }
0x447: {  	[tilespmem:$0x1F5B0] =	vst v2;
	v2 =	vadd.s32 $0x8CD, v0;
	v1 =	vld [tilespmem:$0x54B0];
	_ =	sdelay $0x4  }
0x448: {  	[tilespmem:v2+s17+$0x0] =	vst.idx.msk $0xffff, v1  }
0x449: {  	[tilespmem:$0x1F5C0] =	vst v2;
	v2 =	vadd.s32 $0x4E, v0;
	v1 =	vld [tilespmem:$0x54C0];
	_ =	sdelay $0x4  }
0x44a: {  	[tilespmem:v2+s17+$0x0] =	vst.idx.msk $0xffff, v1  }
0x44b: {  	[tilespmem:$0x1F5D0] =	vst v2;
	v2 =	vadd.s32 $0x8CE, v0;
	v1 =	vld [tilespmem:$0x54D0];
	_ =	sdelay $0x4  }
0x44c: {  	[tilespmem:v2+s17+$0x0] =	vst.idx.msk $0xffff, v1  }
0x44d: {  	[tilespmem:$0x1F5E0] =	vst v2;
	v2 =	vadd.s32 $0x4F, v0;
	v1 =	vld [tilespmem:$0x54E0];
	_ =	sdelay $0x4  }
0x44e: {  	[tilespmem:v2+s17+$0x0] =	vst.idx.msk $0xffff, v1  }
0x44f: {  	[tilespmem:$0x1F5F0] =	vst v2;
	v2 =	vadd.s32 $0x8CF, v0;
	v1 =	vld [tilespmem:$0x54F0];
	_ =	sdelay $0x4  }
0x450: {  	[tilespmem:v2+s17+$0x0] =	vst.idx.msk $0xffff, v1  }
0x451: {  	[tilespmem:$0x1F600] =	vst v2;
	v2 =	vadd.s32 $0x50, v0;
	v1 =	vld [tilespmem:$0x5500];
	_ =	sdelay $0x4  }
0x452: {  	[tilespmem:v2+s17+$0x0] =	vst.idx.msk $0xffff, v1  }
0x453: {  	[tilespmem:$0x1F610] =	vst v2;
	v2 =	vadd.s32 $0x8D0, v0;
	v1 =	vld [tilespmem:$0x5510];
	_ =	sdelay $0x4  }
0x454: {  	[tilespmem:v2+s17+$0x0] =	vst.idx.msk $0xffff, v1  }
0x455: {  	[tilespmem:$0x1F620] =	vst v2;
	v2 =	vadd.s32 $0x51, v0;
	v1 =	vld [tilespmem:$0x5520];
	_ =	sdelay $0x4  }
0x456: {  	[tilespmem:v2+s17+$0x0] =	vst.idx.msk $0xffff, v1  }
0x457: {  	[tilespmem:$0x1F630] =	vst v2;
	v2 =	vadd.s32 $0x8D1, v0;
	v1 =	vld [tilespmem:$0x5530];
	_ =	sdelay $0x4  }
0x458: {  	[tilespmem:v2+s17+$0x0] =	vst.idx.msk $0xffff, v1  }
0x459: {  	[tilespmem:$0x1F640] =	vst v2;
	v2 =	vadd.s32 $0x52, v0;
	v1 =	vld [tilespmem:$0x5540];
	_ =	sdelay $0x4  }
0x45a: {  	[tilespmem:v2+s17+$0x0] =	vst.idx.msk $0xffff, v1  }
0x45b: {  	[tilespmem:$0x1F650] =	vst v2;
	v2 =	vadd.s32 $0x8D2, v0;
	v1 =	vld [tilespmem:$0x5550];
	_ =	sdelay $0x4  }
0x45c: {  	[tilespmem:v2+s17+$0x0] =	vst.idx.msk $0xffff, v1  }
0x45d: {  	[tilespmem:$0x1F660] =	vst v2;
	v2 =	vadd.s32 $0x53, v0;
	v1 =	vld [tilespmem:$0x5560];
	_ =	sdelay $0x4  }
0x45e: {  	[tilespmem:v2+s17+$0x0] =	vst.idx.msk $0xffff, v1  }
0x45f: {  	[tilespmem:$0x1F670] =	vst v2;
	v2 =	vadd.s32 $0x8D3, v0;
	v1 =	vld [tilespmem:$0x5570];
	_ =	sdelay $0x4  }
0x460: {  	[tilespmem:v2+s17+$0x0] =	vst.idx.msk $0xffff, v1  }
0x461: {  	[tilespmem:$0x1F680] =	vst v2;
	v2 =	vadd.s32 $0x54, v0;
	v1 =	vld [tilespmem:$0x5580];
	_ =	sdelay $0x4  }
0x462: {  	[tilespmem:v2+s17+$0x0] =	vst.idx.msk $0xffff, v1  }
0x463: {  	[tilespmem:$0x1F690] =	vst v2;
	v2 =	vadd.s32 $0x8D4, v0;
	v1 =	vld [tilespmem:$0x5590];
	_ =	sdelay $0x4  }
0x464: {  	[tilespmem:v2+s17+$0x0] =	vst.idx.msk $0xffff, v1  }
0x465: {  	[tilespmem:$0x1F6A0] =	vst v2;
	v2 =	vadd.s32 $0x55, v0;
	v1 =	vld [tilespmem:$0x55A0];
	_ =	sdelay $0x4  }
0x466: {  	[tilespmem:v2+s17+$0x0] =	vst.idx.msk $0xffff, v1  }
0x467: {  	[tilespmem:$0x1F6B0] =	vst v2;
	v2 =	vadd.s32 $0x8D5, v0;
	v1 =	vld [tilespmem:$0x55B0];
	_ =	sdelay $0x4  }
0x468: {  	[tilespmem:v2+s17+$0x0] =	vst.idx.msk $0xffff, v1  }
0x469: {  	[tilespmem:$0x1F6C0] =	vst v2;
	v2 =	vadd.s32 $0x56, v0;
	v1 =	vld [tilespmem:$0x55C0];
	_ =	sdelay $0x4  }
0x46a: {  	[tilespmem:v2+s17+$0x0] =	vst.idx.msk $0xffff, v1  }
0x46b: {  	[tilespmem:$0x1F6D0] =	vst v2;
	v2 =	vadd.s32 $0x8D6, v0;
	v1 =	vld [tilespmem:$0x55D0];
	_ =	sdelay $0x4  }
0x46c: {  	[tilespmem:v2+s17+$0x0] =	vst.idx.msk $0xffff, v1  }
0x46d: {  	[tilespmem:$0x1F6E0] =	vst v2;
	v2 =	vadd.s32 $0x57, v0;
	v1 =	vld [tilespmem:$0x55E0];
	_ =	sdelay $0x4  }
0x46e: {  	[tilespmem:v2+s17+$0x0] =	vst.idx.msk $0xffff, v1  }
0x46f: {  	[tilespmem:$0x1F6F0] =	vst v2;
	v2 =	vadd.s32 $0x8D7, v0;
	v1 =	vld [tilespmem:$0x55F0];
	_ =	sdelay $0x4  }
0x470: {  	[tilespmem:v2+s17+$0x0] =	vst.idx.msk $0xffff, v1  }
0x471: {  	[tilespmem:$0x1F700] =	vst v2;
	v2 =	vadd.s32 $0x58, v0;
	v1 =	vld [tilespmem:$0x5600];
	_ =	sdelay $0x4  }
0x472: {  	[tilespmem:v2+s17+$0x0] =	vst.idx.msk $0xffff, v1  }
0x473: {  	[tilespmem:$0x1F710] =	vst v2;
	v2 =	vadd.s32 $0x8D8, v0;
	v1 =	vld [tilespmem:$0x5610];
	_ =	sdelay $0x4  }
0x474: {  	[tilespmem:v2+s17+$0x0] =	vst.idx.msk $0xffff, v1  }
0x475: {  	[tilespmem:$0x1F720] =	vst v2;
	v2 =	vadd.s32 $0x59, v0;
	v1 =	vld [tilespmem:$0x5620];
	_ =	sdelay $0x4  }
0x476: {  	[tilespmem:v2+s17+$0x0] =	vst.idx.msk $0xffff, v1  }
0x477: {  	[tilespmem:$0x1F730] =	vst v2;
	v2 =	vadd.s32 $0x8D9, v0;
	v1 =	vld [tilespmem:$0x5630];
	_ =	sdelay $0x4  }
0x478: {  	[tilespmem:v2+s17+$0x0] =	vst.idx.msk $0xffff, v1  }
0x479: {  	[tilespmem:$0x1F740] =	vst v2;
	v2 =	vadd.s32 $0x5A, v0;
	v1 =	vld [tilespmem:$0x5640];
	_ =	sdelay $0x4  }
0x47a: {  	[tilespmem:v2+s17+$0x0] =	vst.idx.msk $0xffff, v1  }
0x47b: {  	[tilespmem:$0x1F750] =	vst v2;
	v2 =	vadd.s32 $0x8DA, v0;
	v1 =	vld [tilespmem:$0x5650];
	_ =	sdelay $0x4  }
0x47c: {  	[tilespmem:v2+s17+$0x0] =	vst.idx.msk $0xffff, v1  }
0x47d: {  	[tilespmem:$0x1F760] =	vst v2;
	v2 =	vadd.s32 $0x5B, v0;
	v1 =	vld [tilespmem:$0x5660];
	_ =	sdelay $0x4  }
0x47e: {  	[tilespmem:v2+s17+$0x0] =	vst.idx.msk $0xffff, v1  }
0x47f: {  	[tilespmem:$0x1F770] =	vst v2;
	v2 =	vadd.s32 $0x8DB, v0;
	v1 =	vld [tilespmem:$0x5670];
	_ =	sdelay $0x4  }
0x480: {  	[tilespmem:v2+s17+$0x0] =	vst.idx.msk $0xffff, v1  }
0x481: {  	[tilespmem:$0x1F780] =	vst v2;
	v2 =	vadd.s32 $0x5C, v0;
	v1 =	vld [tilespmem:$0x5680];
	_ =	sdelay $0x4  }
0x482: {  	[tilespmem:v2+s17+$0x0] =	vst.idx.msk $0xffff, v1  }
0x483: {  	[tilespmem:$0x1F790] =	vst v2;
	v2 =	vadd.s32 $0x8DC, v0;
	v1 =	vld [tilespmem:$0x5690];
	_ =	sdelay $0x4  }
0x484: {  	[tilespmem:v2+s17+$0x0] =	vst.idx.msk $0xffff, v1  }
0x485: {  	[tilespmem:$0x1F7A0] =	vst v2;
	v2 =	vadd.s32 $0x5D, v0;
	v1 =	vld [tilespmem:$0x56A0];
	_ =	sdelay $0x4  }
0x486: {  	[tilespmem:v2+s17+$0x0] =	vst.idx.msk $0xffff, v1  }
0x487: {  	[tilespmem:$0x1F7B0] =	vst v2;
	v2 =	vadd.s32 $0x8DD, v0;
	v1 =	vld [tilespmem:$0x56B0];
	_ =	sdelay $0x4  }
0x488: {  	[tilespmem:v2+s17+$0x0] =	vst.idx.msk $0xffff, v1  }
0x489: {  	[tilespmem:$0x1F7C0] =	vst v2;
	v2 =	vadd.s32 $0x5E, v0;
	v1 =	vld [tilespmem:$0x56C0];
	_ =	sdelay $0x4  }
0x48a: {  	[tilespmem:v2+s17+$0x0] =	vst.idx.msk $0xffff, v1  }
0x48b: {  	[tilespmem:$0x1F7D0] =	vst v2;
	v2 =	vadd.s32 $0x8DE, v0;
	v1 =	vld [tilespmem:$0x56D0];
	_ =	sdelay $0x4  }
0x48c: {  	[tilespmem:v2+s17+$0x0] =	vst.idx.msk $0xffff, v1  }
0x48d: {  	[tilespmem:$0x1F7E0] =	vst v2;
	v2 =	vadd.s32 $0x5F, v0;
	v1 =	vld [tilespmem:$0x56E0];
	_ =	sdelay $0x4  }
0x48e: {  	[tilespmem:v2+s17+$0x0] =	vst.idx.msk $0xffff, v1  }
0x48f: {  	[tilespmem:$0x1F7F0] =	vst v2;
	v2 =	vadd.s32 $0x8DF, v0;
	v1 =	vld [tilespmem:$0x56F0];
	_ =	sdelay $0x4  }
0x490: {  	[tilespmem:v2+s17+$0x0] =	vst.idx.msk $0xffff, v1  }
0x491: {  	[tilespmem:$0x1F800] =	vst v2;
	v2 =	vadd.s32 $0x60, v0;
	v1 =	vld [tilespmem:$0x5700];
	_ =	sdelay $0x4  }
0x492: {  	[tilespmem:v2+s17+$0x0] =	vst.idx.msk $0xffff, v1  }
0x493: {  	[tilespmem:$0x1F810] =	vst v2;
	v2 =	vadd.s32 $0x8E0, v0;
	v1 =	vld [tilespmem:$0x5710];
	_ =	sdelay $0x4  }
0x494: {  	[tilespmem:v2+s17+$0x0] =	vst.idx.msk $0xffff, v1  }
0x495: {  	[tilespmem:$0x1F820] =	vst v2;
	v2 =	vadd.s32 $0x61, v0;
	v1 =	vld [tilespmem:$0x5720];
	_ =	sdelay $0x4  }
0x496: {  	[tilespmem:v2+s17+$0x0] =	vst.idx.msk $0xffff, v1  }
0x497: {  	[tilespmem:$0x1F830] =	vst v2;
	v2 =	vadd.s32 $0x8E1, v0;
	v1 =	vld [tilespmem:$0x5730];
	_ =	sdelay $0x4  }
0x498: {  	[tilespmem:v2+s17+$0x0] =	vst.idx.msk $0xffff, v1  }
0x499: {  	[tilespmem:$0x1F840] =	vst v2;
	v2 =	vadd.s32 $0x62, v0;
	v1 =	vld [tilespmem:$0x5740];
	_ =	sdelay $0x4  }
0x49a: {  	[tilespmem:v2+s17+$0x0] =	vst.idx.msk $0xffff, v1  }
0x49b: {  	[tilespmem:$0x1F850] =	vst v2;
	v2 =	vadd.s32 $0x8E2, v0;
	v1 =	vld [tilespmem:$0x5750];
	_ =	sdelay $0x4  }
0x49c: {  	[tilespmem:v2+s17+$0x0] =	vst.idx.msk $0xffff, v1  }
0x49d: {  	[tilespmem:$0x1F860] =	vst v2;
	v2 =	vadd.s32 $0x63, v0;
	v1 =	vld [tilespmem:$0x5760];
	_ =	sdelay $0x4  }
0x49e: {  	[tilespmem:v2+s17+$0x0] =	vst.idx.msk $0xffff, v1  }
0x49f: {  	[tilespmem:$0x1F870] =	vst v2;
	v2 =	vadd.s32 $0x8E3, v0;
	v1 =	vld [tilespmem:$0x5770];
	_ =	sdelay $0x4  }
0x4a0: {  	[tilespmem:v2+s17+$0x0] =	vst.idx.msk $0xffff, v1  }
0x4a1: {  	[tilespmem:$0x1F880] =	vst v2;
	v2 =	vadd.s32 $0x64, v0;
	v1 =	vld [tilespmem:$0x5780];
	_ =	sdelay $0x4  }
0x4a2: {  	[tilespmem:v2+s17+$0x0] =	vst.idx.msk $0xffff, v1  }
0x4a3: {  	[tilespmem:$0x1F890] =	vst v2;
	v2 =	vadd.s32 $0x8E4, v0;
	v1 =	vld [tilespmem:$0x5790];
	_ =	sdelay $0x4  }
0x4a4: {  	[tilespmem:v2+s17+$0x0] =	vst.idx.msk $0xffff, v1  }
0x4a5: {  	[tilespmem:$0x1F8A0] =	vst v2;
	v2 =	vadd.s32 $0x65, v0;
	v1 =	vld [tilespmem:$0x57A0];
	_ =	sdelay $0x4  }
0x4a6: {  	[tilespmem:v2+s17+$0x0] =	vst.idx.msk $0xffff, v1  }
0x4a7: {  	[tilespmem:$0x1F8B0] =	vst v2;
	v2 =	vadd.s32 $0x8E5, v0;
	v1 =	vld [tilespmem:$0x57B0];
	_ =	sdelay $0x4  }
0x4a8: {  	[tilespmem:v2+s17+$0x0] =	vst.idx.msk $0xffff, v1  }
0x4a9: {  	[tilespmem:$0x1F8C0] =	vst v2;
	v2 =	vadd.s32 $0x66, v0;
	v1 =	vld [tilespmem:$0x57C0];
	_ =	sdelay $0x4  }
0x4aa: {  	[tilespmem:v2+s17+$0x0] =	vst.idx.msk $0xffff, v1  }
0x4ab: {  	[tilespmem:$0x1F8D0] =	vst v2;
	v2 =	vadd.s32 $0x8E6, v0;
	v1 =	vld [tilespmem:$0x57D0];
	_ =	sdelay $0x4  }
0x4ac: {  	[tilespmem:v2+s17+$0x0] =	vst.idx.msk $0xffff, v1  }
0x4ad: {  	[tilespmem:$0x1F8E0] =	vst v2;
	v2 =	vadd.s32 $0x67, v0;
	v1 =	vld [tilespmem:$0x57E0];
	_ =	sdelay $0x4  }
0x4ae: {  	[tilespmem:v2+s17+$0x0] =	vst.idx.msk $0xffff, v1  }
0x4af: {  	[tilespmem:$0x1F8F0] =	vst v2;
	v2 =	vadd.s32 $0x8E7, v0;
	v1 =	vld [tilespmem:$0x57F0];
	_ =	sdelay $0x4  }
0x4b0: {  	[tilespmem:v2+s17+$0x0] =	vst.idx.msk $0xffff, v1  }
0x4b1: {  	[tilespmem:$0x1F900] =	vst v2;
	v2 =	vadd.s32 $0x68, v0;
	v1 =	vld [tilespmem:$0x5800];
	_ =	sdelay $0x4  }
0x4b2: {  	[tilespmem:v2+s17+$0x0] =	vst.idx.msk $0xffff, v1  }
0x4b3: {  	[tilespmem:$0x1F910] =	vst v2;
	v2 =	vadd.s32 $0x8E8, v0;
	v1 =	vld [tilespmem:$0x5810];
	_ =	sdelay $0x4  }
0x4b4: {  	[tilespmem:v2+s17+$0x0] =	vst.idx.msk $0xffff, v1  }
0x4b5: {  	[tilespmem:$0x1F920] =	vst v2;
	v2 =	vadd.s32 $0x69, v0;
	v1 =	vld [tilespmem:$0x5820];
	_ =	sdelay $0x4  }
0x4b6: {  	[tilespmem:v2+s17+$0x0] =	vst.idx.msk $0xffff, v1  }
0x4b7: {  	[tilespmem:$0x1F930] =	vst v2;
	v2 =	vadd.s32 $0x8E9, v0;
	v1 =	vld [tilespmem:$0x5830];
	_ =	sdelay $0x4  }
0x4b8: {  	[tilespmem:v2+s17+$0x0] =	vst.idx.msk $0xffff, v1  }
0x4b9: {  	[tilespmem:$0x1F940] =	vst v2;
	v2 =	vadd.s32 $0x6A, v0;
	v1 =	vld [tilespmem:$0x5840];
	_ =	sdelay $0x4  }
0x4ba: {  	[tilespmem:v2+s17+$0x0] =	vst.idx.msk $0xffff, v1  }
0x4bb: {  	[tilespmem:$0x1F950] =	vst v2;
	v2 =	vadd.s32 $0x8EA, v0;
	v1 =	vld [tilespmem:$0x5850];
	_ =	sdelay $0x4  }
0x4bc: {  	[tilespmem:v2+s17+$0x0] =	vst.idx.msk $0xffff, v1  }
0x4bd: {  	[tilespmem:$0x1F960] =	vst v2;
	v2 =	vadd.s32 $0x6B, v0;
	v1 =	vld [tilespmem:$0x5860];
	_ =	sdelay $0x4  }
0x4be: {  	[tilespmem:v2+s17+$0x0] =	vst.idx.msk $0xffff, v1  }
0x4bf: {  	[tilespmem:$0x1F970] =	vst v2;
	v2 =	vadd.s32 $0x8EB, v0;
	v1 =	vld [tilespmem:$0x5870];
	_ =	sdelay $0x4  }
0x4c0: {  	[tilespmem:v2+s17+$0x0] =	vst.idx.msk $0xffff, v1  }
0x4c1: {  	[tilespmem:$0x1F980] =	vst v2;
	v2 =	vadd.s32 $0x6C, v0;
	v1 =	vld [tilespmem:$0x5880];
	_ =	sdelay $0x4  }
0x4c2: {  	[tilespmem:v2+s17+$0x0] =	vst.idx.msk $0xffff, v1  }
0x4c3: {  	[tilespmem:$0x1F990] =	vst v2;
	v2 =	vadd.s32 $0x8EC, v0;
	v1 =	vld [tilespmem:$0x5890];
	_ =	sdelay $0x4  }
0x4c4: {  	[tilespmem:v2+s17+$0x0] =	vst.idx.msk $0xffff, v1  }
0x4c5: {  	[tilespmem:$0x1F9A0] =	vst v2;
	v2 =	vadd.s32 $0x6D, v0;
	v1 =	vld [tilespmem:$0x58A0];
	_ =	sdelay $0x4  }
0x4c6: {  	[tilespmem:v2+s17+$0x0] =	vst.idx.msk $0xffff, v1  }
0x4c7: {  	[tilespmem:$0x1F9B0] =	vst v2;
	v2 =	vadd.s32 $0x8ED, v0;
	v1 =	vld [tilespmem:$0x58B0];
	_ =	sdelay $0x4  }
0x4c8: {  	[tilespmem:v2+s17+$0x0] =	vst.idx.msk $0xffff, v1  }
0x4c9: {  	[tilespmem:$0x1F9C0] =	vst v2;
	v2 =	vadd.s32 $0x6E, v0;
	v1 =	vld [tilespmem:$0x58C0];
	_ =	sdelay $0x4  }
0x4ca: {  	[tilespmem:v2+s17+$0x0] =	vst.idx.msk $0xffff, v1  }
0x4cb: {  	[tilespmem:$0x1F9D0] =	vst v2;
	v2 =	vadd.s32 $0x8EE, v0;
	v1 =	vld [tilespmem:$0x58D0];
	_ =	sdelay $0x4  }
0x4cc: {  	[tilespmem:v2+s17+$0x0] =	vst.idx.msk $0xffff, v1  }
0x4cd: {  	[tilespmem:$0x1F9E0] =	vst v2;
	v2 =	vadd.s32 $0x6F, v0;
	v1 =	vld [tilespmem:$0x58E0];
	_ =	sdelay $0x4  }
0x4ce: {  	[tilespmem:v2+s17+$0x0] =	vst.idx.msk $0xffff, v1  }
0x4cf: {  	[tilespmem:$0x1F9F0] =	vst v2;
	v2 =	vadd.s32 $0x8EF, v0;
	v1 =	vld [tilespmem:$0x58F0];
	_ =	sdelay $0x4  }
0x4d0: {  	[tilespmem:v2+s17+$0x0] =	vst.idx.msk $0xffff, v1  }
0x4d1: {  	[tilespmem:$0x1FA00] =	vst v2;
	v2 =	vadd.s32 $0x70, v0;
	v1 =	vld [tilespmem:$0x5900];
	_ =	sdelay $0x4  }
0x4d2: {  	[tilespmem:v2+s17+$0x0] =	vst.idx.msk $0xffff, v1  }
0x4d3: {  	[tilespmem:$0x1FA10] =	vst v2;
	v2 =	vadd.s32 $0x8F0, v0;
	v1 =	vld [tilespmem:$0x5910];
	_ =	sdelay $0x4  }
0x4d4: {  	[tilespmem:v2+s17+$0x0] =	vst.idx.msk $0xffff, v1  }
0x4d5: {  	[tilespmem:$0x1FA20] =	vst v2;
	v2 =	vadd.s32 $0x71, v0;
	v1 =	vld [tilespmem:$0x5920];
	_ =	sdelay $0x4  }
0x4d6: {  	[tilespmem:v2+s17+$0x0] =	vst.idx.msk $0xffff, v1  }
0x4d7: {  	[tilespmem:$0x1FA30] =	vst v2;
	v2 =	vadd.s32 $0x8F1, v0;
	v1 =	vld [tilespmem:$0x5930];
	_ =	sdelay $0x4  }
0x4d8: {  	[tilespmem:v2+s17+$0x0] =	vst.idx.msk $0xffff, v1  }
0x4d9: {  	[tilespmem:$0x1FA40] =	vst v2;
	v2 =	vadd.s32 $0x72, v0;
	v1 =	vld [tilespmem:$0x5940];
	_ =	sdelay $0x4  }
0x4da: {  	[tilespmem:v2+s17+$0x0] =	vst.idx.msk $0xffff, v1  }
0x4db: {  	[tilespmem:$0x1FA50] =	vst v2;
	v2 =	vadd.s32 $0x8F2, v0;
	v1 =	vld [tilespmem:$0x5950];
	_ =	sdelay $0x4  }
0x4dc: {  	[tilespmem:v2+s17+$0x0] =	vst.idx.msk $0xffff, v1  }
0x4dd: {  	[tilespmem:$0x1FA60] =	vst v2;
	v2 =	vadd.s32 $0x73, v0;
	v1 =	vld [tilespmem:$0x5960];
	_ =	sdelay $0x4  }
0x4de: {  	[tilespmem:v2+s17+$0x0] =	vst.idx.msk $0xffff, v1  }
0x4df: {  	[tilespmem:$0x1FA70] =	vst v2;
	v2 =	vadd.s32 $0x8F3, v0;
	v1 =	vld [tilespmem:$0x5970];
	_ =	sdelay $0x4  }
0x4e0: {  	[tilespmem:v2+s17+$0x0] =	vst.idx.msk $0xffff, v1  }
0x4e1: {  	[tilespmem:$0x1FA80] =	vst v2;
	v2 =	vadd.s32 $0x74, v0;
	v1 =	vld [tilespmem:$0x5980];
	_ =	sdelay $0x4  }
0x4e2: {  	[tilespmem:v2+s17+$0x0] =	vst.idx.msk $0xffff, v1  }
0x4e3: {  	[tilespmem:$0x1FA90] =	vst v2;
	v2 =	vadd.s32 $0x8F4, v0;
	v1 =	vld [tilespmem:$0x5990];
	_ =	sdelay $0x4  }
0x4e4: {  	[tilespmem:v2+s17+$0x0] =	vst.idx.msk $0xffff, v1  }
0x4e5: {  	[tilespmem:$0x1FAA0] =	vst v2;
	v2 =	vadd.s32 $0x75, v0;
	v1 =	vld [tilespmem:$0x59A0];
	_ =	sdelay $0x4  }
0x4e6: {  	[tilespmem:v2+s17+$0x0] =	vst.idx.msk $0xffff, v1  }
0x4e7: {  	[tilespmem:$0x1FAB0] =	vst v2;
	v2 =	vadd.s32 $0x8F5, v0;
	v1 =	vld [tilespmem:$0x59B0];
	_ =	sdelay $0x4  }
0x4e8: {  	[tilespmem:v2+s17+$0x0] =	vst.idx.msk $0xffff, v1  }
0x4e9: {  	[tilespmem:$0x1FAC0] =	vst v2;
	v2 =	vadd.s32 $0x76, v0;
	v1 =	vld [tilespmem:$0x59C0];
	_ =	sdelay $0x4  }
0x4ea: {  	[tilespmem:v2+s17+$0x0] =	vst.idx.msk $0xffff, v1  }
0x4eb: {  	[tilespmem:$0x1FAD0] =	vst v2;
	v2 =	vadd.s32 $0x8F6, v0;
	v1 =	vld [tilespmem:$0x59D0];
	_ =	sdelay $0x4  }
0x4ec: {  	[tilespmem:v2+s17+$0x0] =	vst.idx.msk $0xffff, v1  }
0x4ed: {  	[tilespmem:$0x1FAE0] =	vst v2;
	v2 =	vadd.s32 $0x77, v0;
	v1 =	vld [tilespmem:$0x59E0];
	_ =	sdelay $0x4  }
0x4ee: {  	[tilespmem:v2+s17+$0x0] =	vst.idx.msk $0xffff, v1  }
0x4ef: {  	[tilespmem:$0x1FAF0] =	vst v2;
	v2 =	vadd.s32 $0x8F7, v0;
	v1 =	vld [tilespmem:$0x59F0];
	_ =	sdelay $0x4  }
0x4f0: {  	[tilespmem:v2+s17+$0x0] =	vst.idx.msk $0xffff, v1  }
0x4f1: {  	[tilespmem:$0x1FB00] =	vst v2;
	v2 =	vadd.s32 $0x78, v0;
	v1 =	vld [tilespmem:$0x5A00];
	_ =	sdelay $0x4  }
0x4f2: {  	[tilespmem:v2+s17+$0x0] =	vst.idx.msk $0xffff, v1  }
0x4f3: {  	[tilespmem:$0x1FB10] =	vst v2;
	v2 =	vadd.s32 $0x8F8, v0;
	v1 =	vld [tilespmem:$0x5A10];
	_ =	sdelay $0x4  }
0x4f4: {  	[tilespmem:v2+s17+$0x0] =	vst.idx.msk $0xffff, v1  }
0x4f5: {  	[tilespmem:$0x1FB20] =	vst v2;
	v2 =	vadd.s32 $0x79, v0;
	v1 =	vld [tilespmem:$0x5A20];
	_ =	sdelay $0x4  }
0x4f6: {  	[tilespmem:v2+s17+$0x0] =	vst.idx.msk $0xffff, v1  }
0x4f7: {  	[tilespmem:$0x1FB30] =	vst v2;
	v2 =	vadd.s32 $0x8F9, v0;
	v1 =	vld [tilespmem:$0x5A30];
	_ =	sdelay $0x4  }
0x4f8: {  	[tilespmem:v2+s17+$0x0] =	vst.idx.msk $0xffff, v1  }
0x4f9: {  	[tilespmem:$0x1FB40] =	vst v2;
	v2 =	vadd.s32 $0x7A, v0;
	v1 =	vld [tilespmem:$0x5A40];
	_ =	sdelay $0x4  }
0x4fa: {  	[tilespmem:v2+s17+$0x0] =	vst.idx.msk $0xffff, v1  }
0x4fb: {  	[tilespmem:$0x1FB50] =	vst v2;
	v2 =	vadd.s32 $0x8FA, v0;
	v1 =	vld [tilespmem:$0x5A50];
	_ =	sdelay $0x4  }
0x4fc: {  	[tilespmem:v2+s17+$0x0] =	vst.idx.msk $0xffff, v1  }
0x4fd: {  	[tilespmem:$0x1FB60] =	vst v2;
	v2 =	vadd.s32 $0x7B, v0;
	v1 =	vld [tilespmem:$0x5A60];
	_ =	sdelay $0x4  }
0x4fe: {  	[tilespmem:v2+s17+$0x0] =	vst.idx.msk $0xffff, v1  }
0x4ff: {  	[tilespmem:$0x1FB70] =	vst v2;
	v2 =	vadd.s32 $0x8FB, v0;
	v1 =	vld [tilespmem:$0x5A70];
	_ =	sdelay $0x4  }
0x500: {  	[tilespmem:v2+s17+$0x0] =	vst.idx.msk $0xffff, v1  }
0x501: {  	[tilespmem:$0x1FB80] =	vst v2;
	v2 =	vadd.s32 $0x7C, v0;
	v1 =	vld [tilespmem:$0x5A80];
	_ =	sdelay $0x4  }
0x502: {  	[tilespmem:v2+s17+$0x0] =	vst.idx.msk $0xffff, v1  }
0x503: {  	[tilespmem:$0x1FB90] =	vst v2;
	v2 =	vadd.s32 $0x8FC, v0;
	v1 =	vld [tilespmem:$0x5A90];
	_ =	sdelay $0x4  }
0x504: {  	[tilespmem:v2+s17+$0x0] =	vst.idx.msk $0xffff, v1  }
0x505: {  	[tilespmem:$0x1FBA0] =	vst v2;
	v2 =	vadd.s32 $0x7D, v0;
	v1 =	vld [tilespmem:$0x5AA0];
	_ =	sdelay $0x4  }
0x506: {  	[tilespmem:v2+s17+$0x0] =	vst.idx.msk $0xffff, v1  }
0x507: {  	[tilespmem:$0x1FBB0] =	vst v2;
	v2 =	vadd.s32 $0x8FD, v0;
	v1 =	vld [tilespmem:$0x5AB0];
	_ =	sdelay $0x4  }
0x508: {  	[tilespmem:v2+s17+$0x0] =	vst.idx.msk $0xffff, v1  }
0x509: {  	[tilespmem:$0x1FBC0] =	vst v2;
	v1 =	vadd.s32 $0x7E, v0;
	v2 =	vld [tilespmem:$0x5AC0];
	_ =	sdelay $0x4  }
0x50a: {  	[tilespmem:v1+s17+$0x0] =	vst.idx.msk $0xffff, v2  }
0x50b: {  	[tilespmem:$0x1FBD0] =	vst v1;
	v1 =	vadd.s32 $0x8FE, v0;
	v3 =	vld [tilespmem:$0x5AD0];
	_ =	sdelay $0x4  }
0x50c: {  	[tilespmem:v1+s17+$0x0] =	vst.idx.msk $0xffff, v3  }
0x50d: {  	[tilespmem:$0x1FBE0] =	vst v1;
	v1 =	vadd.s32 $0x7F, v0;
	v59 =	vld [tilespmem:$0x5AE0];
	_ =	sdelay $0x4  }
0x50e: {  	[tilespmem:v1+s17+$0x0] =	vst.idx.msk $0xffff, v59  }
0x50f: {  	[tilespmem:$0x1FBF0] =	vst v1;
	v1 =	vadd.s32 $0x8FF, v0;
	v63 =	vld [tilespmem:$0x5AF0]  }
0x510: {  	s25 =	sadd.s32 $0xFFFFFFFF, s20  }
0x511: {  	s26 =	sand.u32 $0x3FFF80, s21;
	s24 =	sand.u32 $0x1E, s25  }
0x512: {  	s24 =	sor.u32 s24, s26  }
0x513: {  	s24 =	sshll.u32 s24, $0x7  }
0x514: {  	s25 =	sadd.s32 s2, s24;
	[tilespmem:v1+s17+$0x0] =	vst.idx.msk $0xffff, v63  }
0x515: {  	[hbm4b:s25+s3] =	stream.linear.scatter [tilespmem:s17], [sflag:$0x3], $0x80, $0x38;
	[tilespmem:$0x8D00] =	vst v63  }
0x516: {  	s31 =	simm.s32 $0x6B88;
	s26 =	sadd.s32 $0x10, s25  }
0x517: {  	[hbm4b:s26+s3] =	stream.linear.scatter [tilespmem:s31], [sflag:$0x3], $0x80, $0x38;
	[tilespmem:$0x8D00] =	vst v63  }
0x518: {  	s26 =	sadd.s32 $0x20, s25;
	s31 =	simm.s32 $0x6C10  }
0x519: {  	[hbm4b:s26+s3] =	stream.linear.scatter [tilespmem:s31], [sflag:$0x3], $0x80, $0x38;
	[tilespmem:$0x8D00] =	vst v63  }
0x51a: {  	s26 =	sadd.s32 $0x30, s25;
	s31 =	simm.s32 $0x6C98  }
0x51b: {  	[hbm4b:s26+s3] =	stream.linear.scatter [tilespmem:s31], [sflag:$0x3], $0x80, $0x38;
	[tilespmem:$0x8D00] =	vst v63  }
0x51c: {  	s26 =	sadd.s32 $0x40, s25;
	s31 =	simm.s32 $0x6D20  }
0x51d: {  	[hbm4b:s26+s3] =	stream.linear.scatter [tilespmem:s31], [sflag:$0x3], $0x80, $0x38;
	[tilespmem:$0x8D00] =	vst v63  }
0x51e: {  	s26 =	sadd.s32 $0x50, s25;
	s31 =	simm.s32 $0x6DA8  }
0x51f: {  	[hbm4b:s26+s3] =	stream.linear.scatter [tilespmem:s31], [sflag:$0x3], $0x80, $0x38;
	[tilespmem:$0x8D00] =	vst v63  }
0x520: {  	s26 =	sadd.s32 $0x60, s25;
	s31 =	simm.s32 $0x6E30  }
0x521: {  	[hbm4b:s26+s3] =	stream.linear.scatter [tilespmem:s31], [sflag:$0x3], $0x80, $0x38;
	[tilespmem:$0x8D00] =	vst v63  }
0x522: {  	s25 =	sadd.s32 $0x70, s25;
	s31 =	simm.s32 $0x6EB8  }
0x523: {  	[hbm4b:s25+s3] =	stream.linear.scatter [tilespmem:s31], [sflag:$0x3], $0x80, $0x38;
	[tilespmem:$0x8D00] =	vst v63  }
0x524: {  	s25 =	sadd.s32 s24, s6;
	s31 =	simm.s32 $0x6F40  }
0x525: {  	[hbm4b:s25+s3] =	stream.linear.scatter [tilespmem:s31], [sflag:$0x3], $0x80, $0x38;
	[tilespmem:$0x8D00] =	vst v63  }
0x526: {  	s26 =	sadd.s32 $0x10, s25;
	s31 =	simm.s32 $0x6FC8  }
0x527: {  	[hbm4b:s26+s3] =	stream.linear.scatter [tilespmem:s31], [sflag:$0x3], $0x80, $0x38;
	[tilespmem:$0x8D00] =	vst v63  }
0x528: {  	s26 =	sadd.s32 $0x20, s25;
	s31 =	simm.s32 $0x7050  }
0x529: {  	[hbm4b:s26+s3] =	stream.linear.scatter [tilespmem:s31], [sflag:$0x3], $0x80, $0x38;
	[tilespmem:$0x8D00] =	vst v63  }
0x52a: {  	s26 =	sadd.s32 $0x30, s25;
	s31 =	simm.s32 $0x70D8  }
0x52b: {  	[hbm4b:s26+s3] =	stream.linear.scatter [tilespmem:s31], [sflag:$0x3], $0x80, $0x38;
	[tilespmem:$0x8D00] =	vst v63  }
0x52c: {  	s26 =	sadd.s32 $0x40, s25;
	s31 =	simm.s32 $0x7160  }
0x52d: {  	[hbm4b:s26+s3] =	stream.linear.scatter [tilespmem:s31], [sflag:$0x3], $0x80, $0x38;
	[tilespmem:$0x8D00] =	vst v63  }
0x52e: {  	s26 =	sadd.s32 $0x50, s25;
	s31 =	simm.s32 $0x71E8  }
0x52f: {  	[hbm4b:s26+s3] =	stream.linear.scatter [tilespmem:s31], [sflag:$0x3], $0x80, $0x38;
	[tilespmem:$0x8D00] =	vst v63  }
0x530: {  	s26 =	sadd.s32 $0x60, s25;
	s31 =	simm.s32 $0x7270  }
0x531: {  	[hbm4b:s26+s3] =	stream.linear.scatter [tilespmem:s31], [sflag:$0x3], $0x80, $0x38;
	[tilespmem:$0x8D00] =	vst v63  }
0x532: {  	s25 =	sadd.s32 $0x70, s25;
	s31 =	simm.s32 $0x72F8  }
0x533: {  	[hbm4b:s25+s3] =	stream.linear.scatter [tilespmem:s31], [sflag:$0x3], $0x80, $0x38;
	[tilespmem:$0x8D00] =	vst v63  }
0x534: {  	s25 =	sadd.s32 s24, s7;
	s31 =	simm.s32 $0x7380  }
0x535: {  	[hbm4b:s25+s3] =	stream.linear.scatter [tilespmem:s31], [sflag:$0x3], $0x80, $0x38;
	[tilespmem:$0x8D00] =	vst v63  }
0x536: {  	s26 =	sadd.s32 $0x10, s25;
	s31 =	simm.s32 $0x7408  }
0x537: {  	[hbm4b:s26+s3] =	stream.linear.scatter [tilespmem:s31], [sflag:$0x3], $0x80, $0x38;
	[tilespmem:$0x8D00] =	vst v63  }
0x538: {  	s26 =	sadd.s32 $0x20, s25;
	s31 =	simm.s32 $0x7490  }
0x539: {  	[hbm4b:s26+s3] =	stream.linear.scatter [tilespmem:s31], [sflag:$0x3], $0x80, $0x38;
	[tilespmem:$0x8D00] =	vst v63  }
0x53a: {  	s26 =	sadd.s32 $0x30, s25;
	s31 =	simm.s32 $0x7518  }
0x53b: {  	[hbm4b:s26+s3] =	stream.linear.scatter [tilespmem:s31], [sflag:$0x3], $0x80, $0x38;
	[tilespmem:$0x8D00] =	vst v63  }
0x53c: {  	s26 =	sadd.s32 $0x40, s25;
	s31 =	simm.s32 $0x75A0  }
0x53d: {  	[hbm4b:s26+s3] =	stream.linear.scatter [tilespmem:s31], [sflag:$0x3], $0x80, $0x38;
	[tilespmem:$0x8D00] =	vst v63  }
0x53e: {  	s26 =	sadd.s32 $0x50, s25;
	s31 =	simm.s32 $0x7628  }
0x53f: {  	[hbm4b:s26+s3] =	stream.linear.scatter [tilespmem:s31], [sflag:$0x3], $0x80, $0x38;
	[tilespmem:$0x8D00] =	vst v63  }
0x540: {  	s26 =	sadd.s32 $0x60, s25;
	s31 =	simm.s32 $0x76B0  }
0x541: {  	[hbm4b:s26+s3] =	stream.linear.scatter [tilespmem:s31], [sflag:$0x3], $0x80, $0x38;
	[tilespmem:$0x8D00] =	vst v63  }
0x542: {  	s25 =	sadd.s32 $0x70, s25;
	s31 =	simm.s32 $0x7738  }
0x543: {  	[hbm4b:s25+s3] =	stream.linear.scatter [tilespmem:s31], [sflag:$0x3], $0x80, $0x38;
	[tilespmem:$0x8D00] =	vst v63  }
0x544: {  	s24 =	sadd.s32 s24, s8;
	s31 =	simm.s32 $0x77C0  }
0x545: {  	[hbm4b:s24+s3] =	stream.linear.scatter [tilespmem:s31], [sflag:$0x3], $0x80, $0x38;
	[tilespmem:$0x8D00] =	vst v63  }
0x546: {  	s26 =	sadd.s32 $0x10, s24;
	s31 =	simm.s32 $0x7848  }
0x547: {  	[hbm4b:s26+s3] =	stream.linear.scatter [tilespmem:s31], [sflag:$0x3], $0x80, $0x38;
	[tilespmem:$0x8D00] =	vst v63  }
0x548: {  	s26 =	sadd.s32 $0x20, s24;
	s31 =	simm.s32 $0x78D0  }
0x549: {  	[hbm4b:s26+s3] =	stream.linear.scatter [tilespmem:s31], [sflag:$0x3], $0x80, $0x38;
	[tilespmem:$0x8D00] =	vst v63  }
0x54a: {  	s26 =	sadd.s32 $0x30, s24;
	s31 =	simm.s32 $0x7958  }
0x54b: {  	[hbm4b:s26+s3] =	stream.linear.scatter [tilespmem:s31], [sflag:$0x3], $0x80, $0x38;
	[tilespmem:$0x8D00] =	vst v63  }
0x54c: {  	s26 =	sadd.s32 $0x40, s24;
	s31 =	simm.s32 $0x79E0  }
0x54d: {  	[hbm4b:s26+s3] =	stream.linear.scatter [tilespmem:s31], [sflag:$0x3], $0x80, $0x38;
	[tilespmem:$0x8D00] =	vst v63  }
0x54e: {  	p1 =	sne.s32 s22, $0x12800;
	s26 =	sadd.s32 $0x50, s24;
	s31 =	simm.s32 $0x7A68  }
0x54f: {  	[hbm4b:s26+s3] =	stream.linear.scatter [tilespmem:s31], [sflag:$0x3], $0x80, $0x38;
	[tilespmem:$0x8D00] =	vst v63  }
.Ltmp4:
0x550: {  	_ = 	snop;
	(pc) =	sbr.rel @!p1 .LBB2_3-.Ltmp4, $4  }
0x551: {  	s26 =	sadd.s32 $0x60, s24;
	s31 =	simm.s32 $0x7AF0  }
0x552: {  	[hbm4b:s26+s3] =	stream.linear.scatter [tilespmem:s31], [sflag:$0x3], $0x80, $0x38;
	[tilespmem:$0x8D00] =	vst v63  }
0x553: {  	[tilespmem:$0x1FC00] =	vst v1;
	s24 =	sadd.s32 $0x70, s24;
	s31 =	simm.s32 $0x7B78  }
0x554: {  	[hbm4b:s24+s3] =	stream.linear.scatter [tilespmem:s31], [sflag:$0x3], $0x80, $0x38;
	[tilespmem:$0x8D00] =	vst v63  }
0x555: {  	s23 =	sadd.s32 $0x100, s23;
	s24 =	simm.s32 $0x4B00  }
0x556: {  	[tilespmem:s24], [sflag:$0x1] =	stream.indirect.gather [hbm4b:s4+s13], $0x20, s23, s13, $0xb8;
	[tilespmem:$0x8D00] =	vst v63  }
.Ltmp5:
0x557: {  	_ = 	snop;
	(pc) =	sbr.rel @!p0 .LBB2_5-.Ltmp5, $4  }
.Ltmp6:
0x558: {  	_ = 	snop;
	(pc) =	sbr.rel @p0 .LBB2_6-.Ltmp6, $4  }
0x559: {  	_ =	swait.ge [sflag:s28], $0x1000  }
0x55a: {  	[sflag:s28] =	ssyncset.done $0x0  }
0x55b: {  	[sflag:s28] =	ssyncadd.s32 $0xFFFFF000  }
0x55c: {  	_ = 	snop  }
.LBB2_8:
0x55d: {  	_ =	sfence.sel $0x180000  }
0x55e: {  	[bflag:$0x0] =	sbarrier.arrive $0xFFFF  }
0x55f: {  	_ =	strace $0x90000047  }
0x560: {  	s0 =	stileid.u32;
	[bflag:$0x2] =	sbarrier.arrive $0xFFFF  }
0x561: {  	p0 =	sne.s32 s0, $0x0;
	s0 =	rddreg [dreg:$0x2]  }
0x562: {  	s0 =	sadd.s32 @!p0 $0x100000, s0  }
0x563: {  	[sflag:s0] =	ssyncadd.tile.s32 @!p0 $0x1;
	_ =	shalt  }
.Lfunc_end2:
_tile_overlayer_lowered:
.L_overlay_start_2:
0x564: {  	(tag) =	ssettag $0x2  }
0x565: {  	s0 =	rddreg [dreg:$0x0];
	s2 =	stileid.u32  }
0x566: {  	s1 =	rddreg [dreg:$0x1];
	p0 =	sne.s32 s2, $0x0  }
0x567: {  	s3 =	rddreg [dreg:$0x2];
	[bflag:$0x3] =	sbarrier.arrive $0xFFFF;
	s2 =	simm.s32 @!p0 $0x1C05  }
0x568: {  	[timem:s3], [sflag:s2] =	dma.local @!p0 [hbm:s0], s1  }
0x569: {  	s0 =	simm.s32 @!p0 $0x5  }
0x56a: {  	_ =	swait.ge @!p0 [sflag:s0], s1  }
0x56b: {  	s1 =	ssub.s32 @!p0 $0x0, s1;
	[sflag:s0] =	ssyncset.done @!p0 $0x0  }
0x56c: {  	[sflag:s0] =	ssyncadd.s32 @!p0 s1  }
0x56d: {  	[bflag:$0x3] =	sbarrier.arrive $0xFFFF  }
0x56e: {  	_ =	shalt  }

</sc_bundles>
